<compile_context>
chip_gen: v7x
topology: tpu7x:2x2x1
jax: 0.10.2.dev20260603
libtpu: 0.0.44.dev20260713+nightly
codegen_flags: <defaults>
</compile_context>

<pallas_src>
import functools

import jax
import jax.numpy as jnp
from jax import lax
from jax.experimental import pallas as pl
from jax.experimental.pallas import tpu as pltpu
from jax.experimental.pallas import tpu_sc as plsc

NC = 2
NS = 16
NW = NC * NS
L = 16

C = 128
CR = C // L

CE = 4096
GR = 64
W = 192
WG = W // GR


def _sc_mesh():
    return plsc.VectorSubcoreMesh(core_axis_name="c", subcore_axis_name="s")


def _make_sc_deg(nchunk, npad):
    ndc = -(-nchunk // NW)

    @functools.partial(
        pl.kernel,
        mesh=_sc_mesh(),
        out_type=jax.ShapeDtypeStruct((NW, npad), jnp.float32),
        scratch_types=[
            pltpu.VMEM((npad,), jnp.float32),
            pltpu.VMEM((2 * CE,), jnp.int32),
        ],
        compiler_params=pltpu.CompilerParams(needs_layout_passes=False),
    )
    def deg_kernel(ed_hbm, parts_hbm, degloc, dbuf):
        wid = lax.axis_index("c") * NS + lax.axis_index("s")
        zf = jnp.zeros((L,), jnp.float32)

        def zero_body(i, _):
            degloc[pl.ds(i * L, L)] = zf
            return 0

        lax.fori_loop(0, npad // L, zero_body, 0)

        for k in range(ndc):
            c = wid + k * NW

            @pl.when(c < nchunk)
            def _():
                pltpu.sync_copy(ed_hbm.at[pl.ds(c * 3 * CE + CE, 2 * CE)],
                                dbuf)

                def acc_body(i, _):
                    d16 = dbuf[pl.ds(i * L, L)]
                    w16 = plsc.bitcast(dbuf[pl.ds(CE + i * L, L)],
                                       jnp.float32)
                    plsc.addupdate_scatter(degloc, [d16], w16)
                    return 0

                lax.fori_loop(0, CE // L, acc_body, 0, unroll=4)

        pltpu.sync_copy(degloc, parts_hbm.at[wid])

    return deg_kernel


def _make_tc_deg(npad):
    blk = 2048

    def body(p_ref, o_ref):
        o_ref[...] = 1.0 + jnp.sum(p_ref[...], axis=0, keepdims=True)

    return pl.pallas_call(
        body,
        grid=(npad // blk,),
        in_specs=[pl.BlockSpec((NW, blk), lambda i: (0, i))],
        out_specs=pl.BlockSpec((1, blk), lambda i: (0, i)),
        out_shape=jax.ShapeDtypeStruct((1, npad), jnp.float32),
    )


def _make_tc_mm(npad):
    bm = 2048

    def body(x_ref, w_ref, deg_ref, o_ref):
        h = lax.dot_general(
            x_ref[...], w_ref[...], (((1,), (0,)), ((), ())),
            precision=lax.Precision.HIGHEST,
            preferred_element_type=jnp.float32,
        )
        o_ref[...] = h * lax.rsqrt(deg_ref[...])

    return pl.pallas_call(
        body,
        grid=(npad // bm,),
        in_specs=[
            pl.BlockSpec((bm, C), lambda i: (i, 0)),
            pl.BlockSpec((C, C), lambda i: (0, 0)),
            pl.BlockSpec((bm, C), lambda i: (i, 0)),
        ],
        out_specs=pl.BlockSpec((bm, C), lambda i: (i, 0)),
        out_shape=jax.ShapeDtypeStruct((npad, C), jnp.float32),
    )


def _make_sc_msgpass(nchunk, npad):
    rpt = npad // NW
    assert nchunk % 2 == 0

    @functools.partial(
        pl.kernel,
        mesh=_sc_mesh(),
        out_type=jax.ShapeDtypeStruct((npad, C), jnp.float32),
        scratch_types=[
            pltpu.VMEM((rpt, C), jnp.float32),
            [pltpu.VMEM((3 * CE,), jnp.int32)] * 2,
            pltpu.VMEM((CE,), jnp.int32),
            [pltpu.VMEM((W,), jnp.int32)] * 2,
            [pltpu.VMEM((W + L,), jnp.int32)] * 2,
            [pltpu.VMEM((W + L,), jnp.float32)] * 2,
            pltpu.VMEM((L,), jnp.int32),
            [pltpu.VMEM((W, C), jnp.float32)] * 2,
            [pltpu.SemaphoreType.DMA] * 2,
            [pltpu.SemaphoreType.DMA] * 2,
        ],
        compiler_params=pltpu.CompilerParams(needs_layout_passes=False),
    )
    def mp_kernel(ed_hbm, hp_hbm, out_hbm,
                  slab, ebuf, mpos, msrc, mrow, mw, movf, rows, esem, gsem):
        wid = lax.axis_index("c") * NS + lax.axis_index("s")
        lo = wid * rpt
        zf = jnp.zeros((L,), jnp.float32)
        zi = jnp.zeros((L,), jnp.int32)
        ibase = lax.iota(jnp.int32, L)
        urpt = jnp.uint32(rpt)

        def zslab(i, _):
            for r in range(CR):
                slab[i, pl.ds(r * L, L)] = zf
            return 0

        lax.fori_loop(0, rpt, zslab, 0)

        def zmatch(i, _):
            mpos[pl.ds(i * L, L)] = zi
            return 0

        lax.fori_loop(0, CE // L, zmatch, 0)
        for s in range(2):
            def zsrc(i, _, s=s):
                msrc[s][pl.ds(i * L, L)] = zi
                mrow[s][pl.ds(i * L, L)] = zi
                mw[s][pl.ds(i * L, L)] = zf
                return 0

            lax.fori_loop(0, W // L, zsrc, 0)

        def stream_chunk(cc, s):
            pltpu.async_copy(ed_hbm.at[pl.ds(cc * 3 * CE, 3 * CE)],
                             ebuf[s], esem[s])

        def wait_chunk(cc, s):
            pltpu.make_async_copy(ed_hbm.at[pl.ds(cc * 3 * CE, 3 * CE)],
                                  ebuf[s], esem[s]).wait()

        def issue_gathers(s, ng):
            for g in range(WG):
                @pl.when(g < ng)
                def _(g=g):
                    pltpu.async_copy(
                        hp_hbm.at[msrc[s].at[pl.ds(g * GR, GR)]],
                        rows[s].at[pl.ds(g * GR, GR)], gsem[s])

        def accumulate_prev(s, ng):
            for g in range(WG):
                @pl.when(g < ng)
                def _(g=g):
                    pltpu.make_async_copy(
                        hp_hbm.at[msrc[s].at[pl.ds(g * GR, GR)]],
                        rows[s].at[pl.ds(g * GR, GR)], gsem[s]).wait()

            @plsc.parallel_loop(0, W, 1, unroll=4)
            def _(e):
                row = mrow[s][pl.ds(e, L)][0]
                w = mw[s][pl.ds(e, L)][0]
                for r in range(CR):
                    seg = rows[s][e, pl.ds(r * L, L)]
                    plsc.addupdate(slab.at[row, pl.ds(r * L, L)], seg * w)

        def step(c, s, ngprev):
            @pl.when(c + 1 < nchunk)
            def _():
                stream_chunk(c + 1, 1 - s)

            wait_chunk(c, s)

            @plsc.parallel_loop(0, CE // L, 1, unroll=8, carry=jnp.int32(0))
            def cnt(i, cnt):
                d16 = ebuf[s][pl.ds(CE + i * L, L)]
                m = plsc.bitcast(d16 - lo, jnp.uint32) < urpt
                pos16 = ibase + i * L
                plsc.store_compressed(mpos.at[pl.ds(cnt, L)], pos16, mask=m)
                pc = plsc.all_reduce_population_count(m)
                return cnt + pc[0]

            ktot = (cnt + L - 1) // L

            @plsc.parallel_loop(0, W // L, 1, unroll=2)
            def _(q):
                base = q * L
                p16 = mpos[pl.ds(base, L)]
                valid = (ibase + base) < cnt
                s16 = plsc.load_gather(ebuf[s], [p16])
                msrc[s][pl.ds(base, L)] = s16
                r16 = plsc.load_gather(ebuf[s], [p16 + CE]) - lo
                mrow[s][pl.ds(base, L)] = jnp.where(valid, r16, 0)
                w16 = plsc.bitcast(
                    plsc.load_gather(ebuf[s], [p16 + 2 * CE]),
                    jnp.float32)
                mw[s][pl.ds(base, L)] = jnp.where(valid, w16, 0.0)

            ng = jnp.minimum((cnt + GR - 1) // GR, WG)
            issue_gathers(s, ng)

            accumulate_prev(1 - s, ngprev)

            def ovf_body(jj, _):
                p16 = mpos[pl.ds(jj * L, L)]
                valid = (ibase + jj * L) < cnt
                s16 = plsc.load_gather(ebuf[s], [p16])
                movf[pl.ds(0, L)] = s16
                r16 = plsc.load_gather(ebuf[s], [p16 + CE]) - lo
                mrow[1 - s][pl.ds(0, L)] = jnp.where(valid, r16, 0)
                w16 = plsc.bitcast(
                    plsc.load_gather(ebuf[s], [p16 + 2 * CE]), jnp.float32)
                mw[1 - s][pl.ds(0, L)] = jnp.where(valid, w16, 0.0)
                pltpu.async_copy(hp_hbm.at[movf],
                                 rows[1 - s].at[pl.ds(0, L)],
                                 gsem[1 - s]).wait()

                def ovf_acc(j, _):
                    row = mrow[1 - s][pl.ds(j, L)][0]
                    w = mw[1 - s][pl.ds(j, L)][0]
                    for r in range(CR):
                        seg = rows[1 - s][j, pl.ds(r * L, L)]
                        plsc.addupdate(
                            slab.at[row, pl.ds(r * L, L)], seg * w)
                    return 0

                lax.fori_loop(0, L, ovf_acc, 0)
                return 0

            lax.fori_loop(W // L, ktot, ovf_body, 0)
            return ng

        stream_chunk(0, 0)

        def pair_body(cp, ngprev):
            ngprev = step(cp * 2, 0, ngprev)
            ngprev = step(cp * 2 + 1, 1, ngprev)
            return ngprev

        nglast = lax.fori_loop(0, nchunk // 2, pair_body, jnp.int32(0))
        accumulate_prev(1, nglast)

        pltpu.sync_copy(slab, out_hbm.at[pl.ds(lo, rpt)])

    return mp_kernel


def _make_tc_fin(npad):
    bm = 2048

    def body(acc_ref, hp_ref, deg_ref, b_ref, o_ref):
        r = lax.rsqrt(deg_ref[...])
        o_ref[...] = jnp.maximum(
            r * (acc_ref[...] + hp_ref[...]) + b_ref[...], 0.0)

    return pl.pallas_call(
        body,
        grid=(npad // bm,),
        in_specs=[
            pl.BlockSpec((bm, C), lambda i: (i, 0)),
            pl.BlockSpec((bm, C), lambda i: (i, 0)),
            pl.BlockSpec((bm, C), lambda i: (i, 0)),
            pl.BlockSpec((1, C), lambda i: (0, 0)),
        ],
        out_specs=pl.BlockSpec((bm, C), lambda i: (i, 0)),
        out_shape=jax.ShapeDtypeStruct((npad, C), jnp.float32),
    )


def kernel(x, edge_index, edge_weight, W_mat, b):
    n = x.shape[0]
    e = edge_index.shape[1]

    npad = -(-n // NW) * NW
    npad = -(-npad // 2048) * 2048
    nchunk = -(-e // CE)
    nchunk += nchunk % 2
    epad = nchunk * CE

    src = edge_index[0].astype(jnp.int32)
    dst = edge_index[1].astype(jnp.int32)
    ep = epad - e
    srcp = jnp.concatenate([src, jnp.zeros((ep,), jnp.int32)])
    dstp = jnp.concatenate([dst, jnp.zeros((ep,), jnp.int32)])
    ewp = jnp.concatenate([edge_weight.astype(jnp.float32),
                           jnp.zeros((ep,), jnp.float32)])
    ew_bits = lax.bitcast_convert_type(ewp, jnp.int32)
    edata = jnp.stack([srcp, dstp, ew_bits], axis=0)
    edata = edata.reshape(3, nchunk, CE).transpose(1, 0, 2).reshape(-1)
    xp = jnp.concatenate(
        [x, jnp.zeros((npad - n, C), jnp.float32)]) if npad > n else x

    parts = _make_sc_deg(nchunk, npad)(edata)
    deg_row = _make_tc_deg(npad)(parts)
    deg_b = jnp.broadcast_to(deg_row.reshape(npad, 1), (npad, C))
    hp = _make_tc_mm(npad)(xp, W_mat, deg_b)
    acc = _make_sc_msgpass(nchunk, npad)(edata, hp)
    out = _make_tc_fin(npad)(acc, hp, deg_b, b.reshape(1, C))
    return out[:n]

# --- scband reference (transcript-rebuilt; emitter-appended) ---
"""Pipeline reference for scband-gcnlayer-31920196943930 (READ-ONLY COPY).

The authoritative reference and input builder live on the scoring server;
editing this copy changes nothing except your own understanding.
"""

import jax, jax.numpy as jnp
import numpy as np

N = 10000
E = 320000
IN_C = 128
OUT_C = 128

def setup_inputs(seed: int = 0) -> dict:
    key = jax.random.key(seed)
    k1, k2, k3, k4, k5 = jax.random.split(key, 5)
    x = jax.random.normal(k1, (N, IN_C), dtype=jnp.float32)
    edge_index = jax.random.randint(k2, (2, E), 0, N)
    edge_weight = jax.random.uniform(k3, (E,), dtype=jnp.float32)
    # GCNConv params: Linear(in, out, bias=False) weight + separate bias
    W = jax.random.normal(k4, (IN_C, OUT_C), dtype=jnp.float32) * (1.0 / np.sqrt(IN_C))
    b = jax.random.normal(k5, (OUT_C,), dtype=jnp.float32) * 0.01
    return {"x": x, "edge_index": edge_index, "edge_weight": edge_weight, "W": W, "b": b}

def reference(x, edge_index, edge_weight, W, b):
    n = x.shape[0]
    src = edge_index[0]
    dst = edge_index[1]
    # gcn_norm with add_self_loops=True, fill_value=1.0 (PyG default)
    loop = jnp.arange(n)
    src_full = jnp.concatenate([src, loop])
    dst_full = jnp.concatenate([dst, loop])
    ew_full = jnp.concatenate([edge_weight, jnp.ones((n,), dtype=x.dtype)])
    # degree computed at destination (flow = source_to_target)
    deg = jnp.zeros((n,), dtype=x.dtype).at[dst_full].add(ew_full)
    deg_inv_sqrt = jnp.where(deg > 0, 1.0 / jnp.sqrt(deg), 0.0)
    norm = deg_inv_sqrt[src_full] * ew_full * deg_inv_sqrt[dst_full]
    # linear transform then message passing (scatter-add at dst)
    h = x @ W
    msgs = h[src_full] * norm[:, None]
    out = jnp.zeros((n, h.shape[1]), dtype=x.dtype).at[dst_full].add(msgs)
    out = out + b
    # normalization_layer=None -> Identity; activation_function=ReLU
    return jax.nn.relu(out)

if __name__ == "__main__":
    import jax
    _d = setup_inputs()
    print(jax.jit(kernel)(*tuple(_d.values())))

</pallas_src>

<mosaic_0001>
#map = affine_map<(d0, d1) -> (0)>
#map1 = affine_map<(d0, d1) -> (0, 0)>
module attributes {stable_mosaic.version = 14 : i64} {
  func.func @deg_kernel(%arg0: i32, %arg1: i32, %arg2: memref<983040xi32, #tpu.memory_space<hbm>>, %arg3: memref<32x10240xf32, #tpu.memory_space<hbm>>, %arg4: memref<10240xf32, #tpu.memory_space<vmem>>, %arg5: memref<8192xi32, #tpu.memory_space<vmem>>) attributes {dimension_semantics = [#tpu.dimension_semantics<core_parallel>, #tpu.dimension_semantics<subcore_parallel>], iteration_bounds = array<i64: 2, 16>, scalar_prefetch = 0 : i64, scratch_operands = 2 : i64, tpu.core_type = #tpu.core_type<sc_vector_subcore>, window_params = [{transform_indices = #map}, {transform_indices = #map1}]} {
    %mul3A = arith.constant 16 : i32
    %mul3A_0 = arith.muli %arg0, %mul3A : i32
    %add3A = arith.addi %mul3A_0, %arg1 : i32
    %broadcast_in_dim3A = arith.constant 0.000000e+00 : f32
    %broadcast_in_dim3A_1 = vector.broadcast %broadcast_in_dim3A : f32 to vector<16xf32>
    %scan3A = arith.constant 0 : i32
    %scan3A_2 = arith.constant 0 : i32
    %scan3A_3 = arith.constant 640 : i32
    %scan3A_4 = arith.addi %scan3A_2, %scan3A_3 : i32
    %scan3A_5 = arith.constant 1 : i32
    %scan3A_6 = scf.for %scan3A_26 = %scan3A_2 to %scan3A_4 step %scan3A_5 iter_args(%scan3A_27 = %scan3A) -> (i32)  : i32 {
      %mul3A_28 = arith.constant 16 : i32
      %mul3A_29 = arith.muli %scan3A_26, %mul3A_28 : i32
      %swap3A = arith.index_cast %mul3A_29 : i32 to index
      %swap3A_30 = tpu.vector_load %arg4[%swap3A] {strides = array<i32>} : memref<10240xf32, #tpu.memory_space<vmem>>, vector<16xf32>,
      tpu.vector_store %arg4[%swap3A], %broadcast_in_dim3A_1 {strides = array<i32>} : memref<10240xf32, #tpu.memory_space<vmem>>, vector<16xf32>,
      %scan3A_31 = arith.constant 0 : i32
      scf.yield %scan3A_31 : i32
    }
    %scan3A_7 = arith.constant 640 : i32
    %add3A_8 = arith.constant 0 : i32
    %add3A_9 = arith.addi %add3A, %add3A_8 : i32
    %lt3A = arith.constant 80 : i32
    %lt3A_10 = arith.cmpi slt, %add3A_9, %lt3A : i32
    %convert_element_type3A = arith.extui %lt3A_10 : i1 to i32
    %cond3A = arith.constant 0 : i32
    %cond3A_11 = arith.cmpi ne, %convert_element_type3A, %cond3A : i32
    scf.if %cond3A_11 {
      %mul3A_26 = arith.constant 3 : i32
      %mul3A_27 = arith.muli %add3A_9, %mul3A_26 : i32
      %mul3A_28 = arith.constant 4096 : i32
      %mul3A_29 = arith.muli %mul3A_27, %mul3A_28 : i32
      %add3A_30 = arith.constant 4096 : i32
      %add3A_31 = arith.addi %mul3A_29, %add3A_30 : i32
      "tpu.region"() ({
        %run_scoped3A = tpu.sem_alloc : memref<!tpu.dma_semaphore, #tpu.memory_space<semaphore_mem>>
        %dma_start3A = tpu.memref_slice %arg2[%add3A_31] : memref<983040xi32, #tpu.memory_space<hbm>> -> memref<8192xi32, #tpu.memory_space<hbm>>
        %dma_start3A_39 = tpu.memref_slice %arg2[%add3A_31] : memref<983040xi32, #tpu.memory_space<hbm>> -> memref<8192xi32, #tpu.memory_space<hbm>>
        tpu.enqueue_dma source(%dma_start3A_39 : memref<8192xi32, #tpu.memory_space<hbm>>) target(%arg5 : memref<8192xi32, #tpu.memory_space<vmem>>) target_semaphore(%run_scoped3A : memref<!tpu.dma_semaphore, #tpu.memory_space<semaphore_mem>>)
        %dma_wait3A = tpu.memref_slice %arg2[%add3A_31] : memref<983040xi32, #tpu.memory_space<hbm>> -> memref<8192xi32, #tpu.memory_space<hbm>>
        %dma_wait3A_40 = tpu.memref_slice %arg2[%add3A_31] : memref<983040xi32, #tpu.memory_space<hbm>> -> memref<8192xi32, #tpu.memory_space<hbm>>
        tpu.wait_dma2 semaphore(%run_scoped3A : memref<!tpu.dma_semaphore, #tpu.memory_space<semaphore_mem>>) src(%dma_wait3A_40 : memref<8192xi32, #tpu.memory_space<hbm>>) dst(%arg5 : memref<8192xi32, #tpu.memory_space<vmem>>)
        tpu.yield
      }) : () -> ()
      %scan3A_32 = arith.constant 0 : i32
      %scan3A_33 = arith.constant 0 : i32
      %scan3A_34 = arith.constant 256 : i32
      %scan3A_35 = arith.addi %scan3A_33, %scan3A_34 : i32
      %scan3A_36 = arith.constant 4 : i32
      %scan3A_37 = scf.for %scan3A_39 = %scan3A_33 to %scan3A_35 step %scan3A_36 iter_args(%scan3A_40 = %scan3A_32) -> (i32)  : i32 {
        %mul3A_41 = arith.constant 16 : i32
        %mul3A_42 = arith.muli %scan3A_39, %mul3A_41 : i32
        %get3A = arith.index_cast %mul3A_42 : i32 to index
        %get3A_43 = tpu.vector_load %arg5[%get3A] {strides = array<i32>} : memref<8192xi32, #tpu.memory_space<vmem>>, vector<16xi32>,
        %mul3A_44 = arith.constant 16 : i32
        %mul3A_45 = arith.muli %scan3A_39, %mul3A_44 : i32
        %add3A_46 = arith.constant 4096 : i32
        %add3A_47 = arith.addi %add3A_46, %mul3A_45 : i32
        %get3A_48 = arith.index_cast %add3A_47 : i32 to index
        %get3A_49 = tpu.vector_load %arg5[%get3A_48] {strides = array<i32>} : memref<8192xi32, #tpu.memory_space<vmem>>, vector<16xi32>,
        %bitcast3A = vector.bitcast %get3A_49 : vector<16xi32> to vector<16xf32>
        tpu.vector_store_idx %arg4[%get3A_43], %bitcast3A {add = true} : memref<10240xf32, #tpu.memory_space<vmem>>[vector<16xi32>], vector<16xf32>,
        %scan3A_50 = arith.constant 0 : i32
        %scan3A_51 = arith.constant 1 : i32
        %scan3A_52 = arith.addi %scan3A_39, %scan3A_51 : i32
        %mul3A_53 = arith.constant 16 : i32
        %mul3A_54 = arith.muli %scan3A_52, %mul3A_53 : i32
        %get3A_55 = arith.index_cast %mul3A_54 : i32 to index
        %get3A_56 = tpu.vector_load %arg5[%get3A_55] {strides = array<i32>} : memref<8192xi32, #tpu.memory_space<vmem>>, vector<16xi32>,
        %mul3A_57 = arith.constant 16 : i32
        %mul3A_58 = arith.muli %scan3A_52, %mul3A_57 : i32
        %add3A_59 = arith.constant 4096 : i32
        %add3A_60 = arith.addi %add3A_59, %mul3A_58 : i32
        %get3A_61 = arith.index_cast %add3A_60 : i32 to index
        %get3A_62 = tpu.vector_load %arg5[%get3A_61] {strides = array<i32>} : memref<8192xi32, #tpu.memory_space<vmem>>, vector<16xi32>,
        %bitcast3A_63 = vector.bitcast %get3A_62 : vector<16xi32> to vector<16xf32>
        tpu.vector_store_idx %arg4[%get3A_56], %bitcast3A_63 {add = true} : memref<10240xf32, #tpu.memory_space<vmem>>[vector<16xi32>], vector<16xf32>,
        %scan3A_64 = arith.constant 0 : i32
        %scan3A_65 = arith.constant 2 : i32
        %scan3A_66 = arith.addi %scan3A_39, %scan3A_65 : i32
        %mul3A_67 = arith.constant 16 : i32
        %mul3A_68 = arith.muli %scan3A_66, %mul3A_67 : i32
        %get3A_69 = arith.index_cast %mul3A_68 : i32 to index
        %get3A_70 = tpu.vector_load %arg5[%get3A_69] {strides = array<i32>} : memref<8192xi32, #tpu.memory_space<vmem>>, vector<16xi32>,
        %mul3A_71 = arith.constant 16 : i32
        %mul3A_72 = arith.muli %scan3A_66, %mul3A_71 : i32
        %add3A_73 = arith.constant 4096 : i32
        %add3A_74 = arith.addi %add3A_73, %mul3A_72 : i32
        %get3A_75 = arith.index_cast %add3A_74 : i32 to index
        %get3A_76 = tpu.vector_load %arg5[%get3A_75] {strides = array<i32>} : memref<8192xi32, #tpu.memory_space<vmem>>, vector<16xi32>,
        %bitcast3A_77 = vector.bitcast %get3A_76 : vector<16xi32> to vector<16xf32>
        tpu.vector_store_idx %arg4[%get3A_70], %bitcast3A_77 {add = true} : memref<10240xf32, #tpu.memory_space<vmem>>[vector<16xi32>], vector<16xf32>,
        %scan3A_78 = arith.constant 0 : i32
        %scan3A_79 = arith.constant 3 : i32
        %scan3A_80 = arith.addi %scan3A_39, %scan3A_79 : i32
        %mul3A_81 = arith.constant 16 : i32
        %mul3A_82 = arith.muli %scan3A_80, %mul3A_81 : i32
        %get3A_83 = arith.index_cast %mul3A_82 : i32 to index
        %get3A_84 = tpu.vector_load %arg5[%get3A_83] {strides = array<i32>} : memref<8192xi32, #tpu.memory_space<vmem>>, vector<16xi32>,
        %mul3A_85 = arith.constant 16 : i32
        %mul3A_86 = arith.muli %scan3A_80, %mul3A_85 : i32
        %add3A_87 = arith.constant 4096 : i32
        %add3A_88 = arith.addi %add3A_87, %mul3A_86 : i32
        %get3A_89 = arith.index_cast %add3A_88 : i32 to index
        %get3A_90 = tpu.vector_load %arg5[%get3A_89] {strides = array<i32>} : memref<8192xi32, #tpu.memory_space<vmem>>, vector<16xi32>,
        %bitcast3A_91 = vector.bitcast %get3A_90 : vector<16xi32> to vector<16xf32>
        tpu.vector_store_idx %arg4[%get3A_84], %bitcast3A_91 {add = true} : memref<10240xf32, #tpu.memory_space<vmem>>[vector<16xi32>], vector<16xf32>,
        %scan3A_92 = arith.constant 0 : i32
        scf.yield %scan3A_92 : i32
      }
      %scan3A_38 = arith.constant 256 : i32
    } else {
    }
    %add3A_12 = arith.constant 32 : i32
    %add3A_13 = arith.addi %add3A, %add3A_12 : i32
    %lt3A_14 = arith.constant 80 : i32
    %lt3A_15 = arith.cmpi slt, %add3A_13, %lt3A_14 : i32
    %convert_element_type3A_16 = arith.extui %lt3A_15 : i1 to i32
    %cond3A_17 = arith.constant 0 : i32
    %cond3A_18 = arith.cmpi ne, %convert_element_type3A_16, %cond3A_17 : i32
    scf.if %cond3A_18 {
      %mul3A_26 = arith.constant 3 : i32
      %mul3A_27 = arith.muli %add3A_13, %mul3A_26 : i32
      %mul3A_28 = arith.constant 4096 : i32
      %mul3A_29 = arith.muli %mul3A_27, %mul3A_28 : i32
      %add3A_30 = arith.constant 4096 : i32
      %add3A_31 = arith.addi %mul3A_29, %add3A_30 : i32
      "tpu.region"() ({
        %run_scoped3A = tpu.sem_alloc : memref<!tpu.dma_semaphore, #tpu.memory_space<semaphore_mem>>
        %dma_start3A = tpu.memref_slice %arg2[%add3A_31] : memref<983040xi32, #tpu.memory_space<hbm>> -> memref<8192xi32, #tpu.memory_space<hbm>>
        %dma_start3A_39 = tpu.memref_slice %arg2[%add3A_31] : memref<983040xi32, #tpu.memory_space<hbm>> -> memref<8192xi32, #tpu.memory_space<hbm>>
        tpu.enqueue_dma source(%dma_start3A_39 : memref<8192xi32, #tpu.memory_space<hbm>>) target(%arg5 : memref<8192xi32, #tpu.memory_space<vmem>>) target_semaphore(%run_scoped3A : memref<!tpu.dma_semaphore, #tpu.memory_space<semaphore_mem>>)
        %dma_wait3A = tpu.memref_slice %arg2[%add3A_31] : memref<983040xi32, #tpu.memory_space<hbm>> -> memref<8192xi32, #tpu.memory_space<hbm>>
        %dma_wait3A_40 = tpu.memref_slice %arg2[%add3A_31] : memref<983040xi32, #tpu.memory_space<hbm>> -> memref<8192xi32, #tpu.memory_space<hbm>>
        tpu.wait_dma2 semaphore(%run_scoped3A : memref<!tpu.dma_semaphore, #tpu.memory_space<semaphore_mem>>) src(%dma_wait3A_40 : memref<8192xi32, #tpu.memory_space<hbm>>) dst(%arg5 : memref<8192xi32, #tpu.memory_space<vmem>>)
        tpu.yield
      }) : () -> ()
      %scan3A_32 = arith.constant 0 : i32
      %scan3A_33 = arith.constant 0 : i32
      %scan3A_34 = arith.constant 256 : i32
      %scan3A_35 = arith.addi %scan3A_33, %scan3A_34 : i32
      %scan3A_36 = arith.constant 4 : i32
      %scan3A_37 = scf.for %scan3A_39 = %scan3A_33 to %scan3A_35 step %scan3A_36 iter_args(%scan3A_40 = %scan3A_32) -> (i32)  : i32 {
        %mul3A_41 = arith.constant 16 : i32
        %mul3A_42 = arith.muli %scan3A_39, %mul3A_41 : i32
        %get3A = arith.index_cast %mul3A_42 : i32 to index
        %get3A_43 = tpu.vector_load %arg5[%get3A] {strides = array<i32>} : memref<8192xi32, #tpu.memory_space<vmem>>, vector<16xi32>,
        %mul3A_44 = arith.constant 16 : i32
        %mul3A_45 = arith.muli %scan3A_39, %mul3A_44 : i32
        %add3A_46 = arith.constant 4096 : i32
        %add3A_47 = arith.addi %add3A_46, %mul3A_45 : i32
        %get3A_48 = arith.index_cast %add3A_47 : i32 to index
        %get3A_49 = tpu.vector_load %arg5[%get3A_48] {strides = array<i32>} : memref<8192xi32, #tpu.memory_space<vmem>>, vector<16xi32>,
        %bitcast3A = vector.bitcast %get3A_49 : vector<16xi32> to vector<16xf32>
        tpu.vector_store_idx %arg4[%get3A_43], %bitcast3A {add = true} : memref<10240xf32, #tpu.memory_space<vmem>>[vector<16xi32>], vector<16xf32>,
        %scan3A_50 = arith.constant 0 : i32
        %scan3A_51 = arith.constant 1 : i32
        %scan3A_52 = arith.addi %scan3A_39, %scan3A_51 : i32
        %mul3A_53 = arith.constant 16 : i32
        %mul3A_54 = arith.muli %scan3A_52, %mul3A_53 : i32
        %get3A_55 = arith.index_cast %mul3A_54 : i32 to index
        %get3A_56 = tpu.vector_load %arg5[%get3A_55] {strides = array<i32>} : memref<8192xi32, #tpu.memory_space<vmem>>, vector<16xi32>,
        %mul3A_57 = arith.constant 16 : i32
        %mul3A_58 = arith.muli %scan3A_52, %mul3A_57 : i32
        %add3A_59 = arith.constant 4096 : i32
        %add3A_60 = arith.addi %add3A_59, %mul3A_58 : i32
        %get3A_61 = arith.index_cast %add3A_60 : i32 to index
        %get3A_62 = tpu.vector_load %arg5[%get3A_61] {strides = array<i32>} : memref<8192xi32, #tpu.memory_space<vmem>>, vector<16xi32>,
        %bitcast3A_63 = vector.bitcast %get3A_62 : vector<16xi32> to vector<16xf32>
        tpu.vector_store_idx %arg4[%get3A_56], %bitcast3A_63 {add = true} : memref<10240xf32, #tpu.memory_space<vmem>>[vector<16xi32>], vector<16xf32>,
        %scan3A_64 = arith.constant 0 : i32
        %scan3A_65 = arith.constant 2 : i32
        %scan3A_66 = arith.addi %scan3A_39, %scan3A_65 : i32
        %mul3A_67 = arith.constant 16 : i32
        %mul3A_68 = arith.muli %scan3A_66, %mul3A_67 : i32
        %get3A_69 = arith.index_cast %mul3A_68 : i32 to index
        %get3A_70 = tpu.vector_load %arg5[%get3A_69] {strides = array<i32>} : memref<8192xi32, #tpu.memory_space<vmem>>, vector<16xi32>,
        %mul3A_71 = arith.constant 16 : i32
        %mul3A_72 = arith.muli %scan3A_66, %mul3A_71 : i32
        %add3A_73 = arith.constant 4096 : i32
        %add3A_74 = arith.addi %add3A_73, %mul3A_72 : i32
        %get3A_75 = arith.index_cast %add3A_74 : i32 to index
        %get3A_76 = tpu.vector_load %arg5[%get3A_75] {strides = array<i32>} : memref<8192xi32, #tpu.memory_space<vmem>>, vector<16xi32>,
        %bitcast3A_77 = vector.bitcast %get3A_76 : vector<16xi32> to vector<16xf32>
        tpu.vector_store_idx %arg4[%get3A_70], %bitcast3A_77 {add = true} : memref<10240xf32, #tpu.memory_space<vmem>>[vector<16xi32>], vector<16xf32>,
        %scan3A_78 = arith.constant 0 : i32
        %scan3A_79 = arith.constant 3 : i32
        %scan3A_80 = arith.addi %scan3A_39, %scan3A_79 : i32
        %mul3A_81 = arith.constant 16 : i32
        %mul3A_82 = arith.muli %scan3A_80, %mul3A_81 : i32
        %get3A_83 = arith.index_cast %mul3A_82 : i32 to index
        %get3A_84 = tpu.vector_load %arg5[%get3A_83] {strides = array<i32>} : memref<8192xi32, #tpu.memory_space<vmem>>, vector<16xi32>,
        %mul3A_85 = arith.constant 16 : i32
        %mul3A_86 = arith.muli %scan3A_80, %mul3A_85 : i32
        %add3A_87 = arith.constant 4096 : i32
        %add3A_88 = arith.addi %add3A_87, %mul3A_86 : i32
        %get3A_89 = arith.index_cast %add3A_88 : i32 to index
        %get3A_90 = tpu.vector_load %arg5[%get3A_89] {strides = array<i32>} : memref<8192xi32, #tpu.memory_space<vmem>>, vector<16xi32>,
        %bitcast3A_91 = vector.bitcast %get3A_90 : vector<16xi32> to vector<16xf32>
        tpu.vector_store_idx %arg4[%get3A_84], %bitcast3A_91 {add = true} : memref<10240xf32, #tpu.memory_space<vmem>>[vector<16xi32>], vector<16xf32>,
        %scan3A_92 = arith.constant 0 : i32
        scf.yield %scan3A_92 : i32
      }
      %scan3A_38 = arith.constant 256 : i32
    } else {
    }
    %add3A_19 = arith.constant 64 : i32
    %add3A_20 = arith.addi %add3A, %add3A_19 : i32
    %lt3A_21 = arith.constant 80 : i32
    %lt3A_22 = arith.cmpi slt, %add3A_20, %lt3A_21 : i32
    %convert_element_type3A_23 = arith.extui %lt3A_22 : i1 to i32
    %cond3A_24 = arith.constant 0 : i32
    %cond3A_25 = arith.cmpi ne, %convert_element_type3A_23, %cond3A_24 : i32
    scf.if %cond3A_25 {
      %mul3A_26 = arith.constant 3 : i32
      %mul3A_27 = arith.muli %add3A_20, %mul3A_26 : i32
      %mul3A_28 = arith.constant 4096 : i32
      %mul3A_29 = arith.muli %mul3A_27, %mul3A_28 : i32
      %add3A_30 = arith.constant 4096 : i32
      %add3A_31 = arith.addi %mul3A_29, %add3A_30 : i32
      "tpu.region"() ({
        %run_scoped3A = tpu.sem_alloc : memref<!tpu.dma_semaphore, #tpu.memory_space<semaphore_mem>>
        %dma_start3A = tpu.memref_slice %arg2[%add3A_31] : memref<983040xi32, #tpu.memory_space<hbm>> -> memref<8192xi32, #tpu.memory_space<hbm>>
        %dma_start3A_39 = tpu.memref_slice %arg2[%add3A_31] : memref<983040xi32, #tpu.memory_space<hbm>> -> memref<8192xi32, #tpu.memory_space<hbm>>
        tpu.enqueue_dma source(%dma_start3A_39 : memref<8192xi32, #tpu.memory_space<hbm>>) target(%arg5 : memref<8192xi32, #tpu.memory_space<vmem>>) target_semaphore(%run_scoped3A : memref<!tpu.dma_semaphore, #tpu.memory_space<semaphore_mem>>)
        %dma_wait3A = tpu.memref_slice %arg2[%add3A_31] : memref<983040xi32, #tpu.memory_space<hbm>> -> memref<8192xi32, #tpu.memory_space<hbm>>
        %dma_wait3A_40 = tpu.memref_slice %arg2[%add3A_31] : memref<983040xi32, #tpu.memory_space<hbm>> -> memref<8192xi32, #tpu.memory_space<hbm>>
        tpu.wait_dma2 semaphore(%run_scoped3A : memref<!tpu.dma_semaphore, #tpu.memory_space<semaphore_mem>>) src(%dma_wait3A_40 : memref<8192xi32, #tpu.memory_space<hbm>>) dst(%arg5 : memref<8192xi32, #tpu.memory_space<vmem>>)
        tpu.yield
      }) : () -> ()
      %scan3A_32 = arith.constant 0 : i32
      %scan3A_33 = arith.constant 0 : i32
      %scan3A_34 = arith.constant 256 : i32
      %scan3A_35 = arith.addi %scan3A_33, %scan3A_34 : i32
      %scan3A_36 = arith.constant 4 : i32
      %scan3A_37 = scf.for %scan3A_39 = %scan3A_33 to %scan3A_35 step %scan3A_36 iter_args(%scan3A_40 = %scan3A_32) -> (i32)  : i32 {
        %mul3A_41 = arith.constant 16 : i32
        %mul3A_42 = arith.muli %scan3A_39, %mul3A_41 : i32
        %get3A = arith.index_cast %mul3A_42 : i32 to index
        %get3A_43 = tpu.vector_load %arg5[%get3A] {strides = array<i32>} : memref<8192xi32, #tpu.memory_space<vmem>>, vector<16xi32>,
        %mul3A_44 = arith.constant 16 : i32
        %mul3A_45 = arith.muli %scan3A_39, %mul3A_44 : i32
        %add3A_46 = arith.constant 4096 : i32
        %add3A_47 = arith.addi %add3A_46, %mul3A_45 : i32
        %get3A_48 = arith.index_cast %add3A_47 : i32 to index
        %get3A_49 = tpu.vector_load %arg5[%get3A_48] {strides = array<i32>} : memref<8192xi32, #tpu.memory_space<vmem>>, vector<16xi32>,
        %bitcast3A = vector.bitcast %get3A_49 : vector<16xi32> to vector<16xf32>
        tpu.vector_store_idx %arg4[%get3A_43], %bitcast3A {add = true} : memref<10240xf32, #tpu.memory_space<vmem>>[vector<16xi32>], vector<16xf32>,
        %scan3A_50 = arith.constant 0 : i32
        %scan3A_51 = arith.constant 1 : i32
        %scan3A_52 = arith.addi %scan3A_39, %scan3A_51 : i32
        %mul3A_53 = arith.constant 16 : i32
        %mul3A_54 = arith.muli %scan3A_52, %mul3A_53 : i32
        %get3A_55 = arith.index_cast %mul3A_54 : i32 to index
        %get3A_56 = tpu.vector_load %arg5[%get3A_55] {strides = array<i32>} : memref<8192xi32, #tpu.memory_space<vmem>>, vector<16xi32>,
        %mul3A_57 = arith.constant 16 : i32
        %mul3A_58 = arith.muli %scan3A_52, %mul3A_57 : i32
        %add3A_59 = arith.constant 4096 : i32
        %add3A_60 = arith.addi %add3A_59, %mul3A_58 : i32
        %get3A_61 = arith.index_cast %add3A_60 : i32 to index
        %get3A_62 = tpu.vector_load %arg5[%get3A_61] {strides = array<i32>} : memref<8192xi32, #tpu.memory_space<vmem>>, vector<16xi32>,
        %bitcast3A_63 = vector.bitcast %get3A_62 : vector<16xi32> to vector<16xf32>
        tpu.vector_store_idx %arg4[%get3A_56], %bitcast3A_63 {add = true} : memref<10240xf32, #tpu.memory_space<vmem>>[vector<16xi32>], vector<16xf32>,
        %scan3A_64 = arith.constant 0 : i32
        %scan3A_65 = arith.constant 2 : i32
        %scan3A_66 = arith.addi %scan3A_39, %scan3A_65 : i32
        %mul3A_67 = arith.constant 16 : i32
        %mul3A_68 = arith.muli %scan3A_66, %mul3A_67 : i32
        %get3A_69 = arith.index_cast %mul3A_68 : i32 to index
        %get3A_70 = tpu.vector_load %arg5[%get3A_69] {strides = array<i32>} : memref<8192xi32, #tpu.memory_space<vmem>>, vector<16xi32>,
        %mul3A_71 = arith.constant 16 : i32
        %mul3A_72 = arith.muli %scan3A_66, %mul3A_71 : i32
        %add3A_73 = arith.constant 4096 : i32
        %add3A_74 = arith.addi %add3A_73, %mul3A_72 : i32
        %get3A_75 = arith.index_cast %add3A_74 : i32 to index
        %get3A_76 = tpu.vector_load %arg5[%get3A_75] {strides = array<i32>} : memref<8192xi32, #tpu.memory_space<vmem>>, vector<16xi32>,
        %bitcast3A_77 = vector.bitcast %get3A_76 : vector<16xi32> to vector<16xf32>
        tpu.vector_store_idx %arg4[%get3A_70], %bitcast3A_77 {add = true} : memref<10240xf32, #tpu.memory_space<vmem>>[vector<16xi32>], vector<16xf32>,
        %scan3A_78 = arith.constant 0 : i32
        %scan3A_79 = arith.constant 3 : i32
        %scan3A_80 = arith.addi %scan3A_39, %scan3A_79 : i32
        %mul3A_81 = arith.constant 16 : i32
        %mul3A_82 = arith.muli %scan3A_80, %mul3A_81 : i32
        %get3A_83 = arith.index_cast %mul3A_82 : i32 to index
        %get3A_84 = tpu.vector_load %arg5[%get3A_83] {strides = array<i32>} : memref<8192xi32, #tpu.memory_space<vmem>>, vector<16xi32>,
        %mul3A_85 = arith.constant 16 : i32
        %mul3A_86 = arith.muli %scan3A_80, %mul3A_85 : i32
        %add3A_87 = arith.constant 4096 : i32
        %add3A_88 = arith.addi %add3A_87, %mul3A_86 : i32
        %get3A_89 = arith.index_cast %add3A_88 : i32 to index
        %get3A_90 = tpu.vector_load %arg5[%get3A_89] {strides = array<i32>} : memref<8192xi32, #tpu.memory_space<vmem>>, vector<16xi32>,
        %bitcast3A_91 = vector.bitcast %get3A_90 : vector<16xi32> to vector<16xf32>
        tpu.vector_store_idx %arg4[%get3A_84], %bitcast3A_91 {add = true} : memref<10240xf32, #tpu.memory_space<vmem>>[vector<16xi32>], vector<16xf32>,
        %scan3A_92 = arith.constant 0 : i32
        scf.yield %scan3A_92 : i32
      }
      %scan3A_38 = arith.constant 256 : i32
    } else {
    }
    "tpu.region"() ({
      %run_scoped3A = tpu.sem_alloc : memref<!tpu.dma_semaphore, #tpu.memory_space<semaphore_mem>>
      %dma_start3A = arith.constant 0 : i32
      %dma_start3A_26 = tpu.memref_slice %arg3[%add3A, %dma_start3A] : memref<32x10240xf32, #tpu.memory_space<hbm>> -> memref<1x10240xf32, #tpu.memory_space<hbm>>
      %dma_start3A_27 = tpu.memref_squeeze %dma_start3A_26 : memref<1x10240xf32, #tpu.memory_space<hbm>> -> memref<10240xf32, #tpu.memory_space<hbm>>
      %dma_start3A_28 = arith.constant 0 : i32
      %dma_start3A_29 = tpu.memref_slice %arg3[%add3A, %dma_start3A_28] : memref<32x10240xf32, #tpu.memory_space<hbm>> -> memref<1x10240xf32, #tpu.memory_space<hbm>>
      %dma_start3A_30 = tpu.memref_squeeze %dma_start3A_29 : memref<1x10240xf32, #tpu.memory_space<hbm>> -> memref<10240xf32, #tpu.memory_space<hbm>>
      tpu.enqueue_dma source(%arg4 : memref<10240xf32, #tpu.memory_space<vmem>>) target(%dma_start3A_30 : memref<10240xf32, #tpu.memory_space<hbm>>) target_semaphore(%run_scoped3A : memref<!tpu.dma_semaphore, #tpu.memory_space<semaphore_mem>>)
      %dma_wait3A = arith.constant 0 : i32
      %dma_wait3A_31 = tpu.memref_slice %arg3[%add3A, %dma_wait3A] : memref<32x10240xf32, #tpu.memory_space<hbm>> -> memref<1x10240xf32, #tpu.memory_space<hbm>>
      %dma_wait3A_32 = tpu.memref_squeeze %dma_wait3A_31 : memref<1x10240xf32, #tpu.memory_space<hbm>> -> memref<10240xf32, #tpu.memory_space<hbm>>
      %dma_wait3A_33 = arith.constant 0 : i32
      %dma_wait3A_34 = tpu.memref_slice %arg3[%add3A, %dma_wait3A_33] : memref<32x10240xf32, #tpu.memory_space<hbm>> -> memref<1x10240xf32, #tpu.memory_space<hbm>>
      %dma_wait3A_35 = tpu.memref_squeeze %dma_wait3A_34 : memref<1x10240xf32, #tpu.memory_space<hbm>> -> memref<10240xf32, #tpu.memory_space<hbm>>
      tpu.wait_dma2 semaphore(%run_scoped3A : memref<!tpu.dma_semaphore, #tpu.memory_space<semaphore_mem>>) src(%arg4 : memref<10240xf32, #tpu.memory_space<vmem>>) dst(%dma_wait3A_35 : memref<10240xf32, #tpu.memory_space<hbm>>)
      tpu.yield
    }) : () -> ()
    return
  }
}

#map = affine_map<(d0, d1) -> (0)>
#map1 = affine_map<(d0, d1) -> (0, 0)>
module attributes {stable_mosaic.version = 14 : i64} {
  func.func @mp_kernel(%arg0: i32, %arg1: i32, %arg2: memref<983040xi32, #tpu.memory_space<hbm>>, %arg3: memref<10240x128xf32, #tpu.memory_space<hbm>>, %arg4: memref<10240x128xf32, #tpu.memory_space<hbm>>, %arg5: memref<320x128xf32, #tpu.memory_space<vmem>>, %arg6: memref<12288xi32, #tpu.memory_space<vmem>>, %arg7: memref<12288xi32, #tpu.memory_space<vmem>>, %arg8: memref<4096xi32, #tpu.memory_space<vmem>>, %arg9: memref<192xi32, #tpu.memory_space<vmem>>, %arg10: memref<192xi32, #tpu.memory_space<vmem>>, %arg11: memref<208xi32, #tpu.memory_space<vmem>>, %arg12: memref<208xi32, #tpu.memory_space<vmem>>, %arg13: memref<208xf32, #tpu.memory_space<vmem>>, %arg14: memref<208xf32, #tpu.memory_space<vmem>>, %arg15: memref<16xi32, #tpu.memory_space<vmem>>, %arg16: memref<192x128xf32, #tpu.memory_space<vmem>>, %arg17: memref<192x128xf32, #tpu.memory_space<vmem>>, %arg18: memref<!tpu.dma_semaphore, #tpu.memory_space<semaphore_mem>>, %arg19: memref<!tpu.dma_semaphore, #tpu.memory_space<semaphore_mem>>, %arg20: memref<!tpu.dma_semaphore, #tpu.memory_space<semaphore_mem>>, %arg21: memref<!tpu.dma_semaphore, #tpu.memory_space<semaphore_mem>>) attributes {dimension_semantics = [#tpu.dimension_semantics<core_parallel>, #tpu.dimension_semantics<subcore_parallel>], iteration_bounds = array<i64: 2, 16>, scalar_prefetch = 0 : i64, scratch_operands = 17 : i64, tpu.core_type = #tpu.core_type<sc_vector_subcore>, window_params = [{transform_indices = #map}, {transform_indices = #map1}, {transform_indices = #map1}]} {
    %mul3A = arith.constant 16 : i32
    %mul3A_0 = arith.muli %arg0, %mul3A : i32
    %add3A = arith.addi %mul3A_0, %arg1 : i32
    %mul3A_1 = arith.constant 320 : i32
    %mul3A_2 = arith.muli %add3A, %mul3A_1 : i32
    %broadcast_in_dim3A = arith.constant 0.000000e+00 : f32
    %broadcast_in_dim3A_3 = vector.broadcast %broadcast_in_dim3A : f32 to vector<16xf32>
    %broadcast_in_dim3A_4 = arith.constant 0 : i32
    %broadcast_in_dim3A_5 = vector.broadcast %broadcast_in_dim3A_4 : i32 to vector<16xi32>
    %iota3A = tpu.iota {dimensions = array<i32: 0>} : vector<16xi32>
    %scan3A = arith.constant 0 : i32
    %scan3A_6 = arith.constant 0 : i32
    %scan3A_7 = arith.constant 320 : i32
    %scan3A_8 = arith.addi %scan3A_6, %scan3A_7 : i32
    %scan3A_9 = arith.constant 1 : i32
    %scan3A_10 = scf.for %scan3A_58 = %scan3A_6 to %scan3A_8 step %scan3A_9 iter_args(%scan3A_59 = %scan3A) -> (i32)  : i32 {
      %swap3A = arith.index_cast %scan3A_58 : i32 to index
      %swap3A_60 = arith.constant 0 : index
      %swap3A_61 = tpu.vector_load %arg5[%swap3A, %swap3A_60] {strides = array<i32>} : memref<320x128xf32, #tpu.memory_space<vmem>>, vector<16xf32>,
      tpu.vector_store %arg5[%swap3A, %swap3A_60], %broadcast_in_dim3A_3 {strides = array<i32>} : memref<320x128xf32, #tpu.memory_space<vmem>>, vector<16xf32>,
      %swap3A_62 = arith.index_cast %scan3A_58 : i32 to index
      %swap3A_63 = arith.constant 16 : index
      %swap3A_64 = tpu.vector_load %arg5[%swap3A_62, %swap3A_63] {strides = array<i32>} : memref<320x128xf32, #tpu.memory_space<vmem>>, vector<16xf32>,
      tpu.vector_store %arg5[%swap3A_62, %swap3A_63], %broadcast_in_dim3A_3 {strides = array<i32>} : memref<320x128xf32, #tpu.memory_space<vmem>>, vector<16xf32>,
      %swap3A_65 = arith.index_cast %scan3A_58 : i32 to index
      %swap3A_66 = arith.constant 32 : index
      %swap3A_67 = tpu.vector_load %arg5[%swap3A_65, %swap3A_66] {strides = array<i32>} : memref<320x128xf32, #tpu.memory_space<vmem>>, vector<16xf32>,
      tpu.vector_store %arg5[%swap3A_65, %swap3A_66], %broadcast_in_dim3A_3 {strides = array<i32>} : memref<320x128xf32, #tpu.memory_space<vmem>>, vector<16xf32>,
      %swap3A_68 = arith.index_cast %scan3A_58 : i32 to index
      %swap3A_69 = arith.constant 48 : index
      %swap3A_70 = tpu.vector_load %arg5[%swap3A_68, %swap3A_69] {strides = array<i32>} : memref<320x128xf32, #tpu.memory_space<vmem>>, vector<16xf32>,
      tpu.vector_store %arg5[%swap3A_68, %swap3A_69], %broadcast_in_dim3A_3 {strides = array<i32>} : memref<320x128xf32, #tpu.memory_space<vmem>>, vector<16xf32>,
      %swap3A_71 = arith.index_cast %scan3A_58 : i32 to index
      %swap3A_72 = arith.constant 64 : index
      %swap3A_73 = tpu.vector_load %arg5[%swap3A_71, %swap3A_72] {strides = array<i32>} : memref<320x128xf32, #tpu.memory_space<vmem>>, vector<16xf32>,
      tpu.vector_store %arg5[%swap3A_71, %swap3A_72], %broadcast_in_dim3A_3 {strides = array<i32>} : memref<320x128xf32, #tpu.memory_space<vmem>>, vector<16xf32>,
      %swap3A_74 = arith.index_cast %scan3A_58 : i32 to index
      %swap3A_75 = arith.constant 80 : index
      %swap3A_76 = tpu.vector_load %arg5[%swap3A_74, %swap3A_75] {strides = array<i32>} : memref<320x128xf32, #tpu.memory_space<vmem>>, vector<16xf32>,
      tpu.vector_store %arg5[%swap3A_74, %swap3A_75], %broadcast_in_dim3A_3 {strides = array<i32>} : memref<320x128xf32, #tpu.memory_space<vmem>>, vector<16xf32>,
      %swap3A_77 = arith.index_cast %scan3A_58 : i32 to index
      %swap3A_78 = arith.constant 96 : index
      %swap3A_79 = tpu.vector_load %arg5[%swap3A_77, %swap3A_78] {strides = array<i32>} : memref<320x128xf32, #tpu.memory_space<vmem>>, vector<16xf32>,
      tpu.vector_store %arg5[%swap3A_77, %swap3A_78], %broadcast_in_dim3A_3 {strides = array<i32>} : memref<320x128xf32, #tpu.memory_space<vmem>>, vector<16xf32>,
      %swap3A_80 = arith.index_cast %scan3A_58 : i32 to index
      %swap3A_81 = arith.constant 112 : index
      %swap3A_82 = tpu.vector_load %arg5[%swap3A_80, %swap3A_81] {strides = array<i32>} : memref<320x128xf32, #tpu.memory_space<vmem>>, vector<16xf32>,
      tpu.vector_store %arg5[%swap3A_80, %swap3A_81], %broadcast_in_dim3A_3 {strides = array<i32>} : memref<320x128xf32, #tpu.memory_space<vmem>>, vector<16xf32>,
      %scan3A_83 = arith.constant 0 : i32
      scf.yield %scan3A_83 : i32
    }
    %scan3A_11 = arith.constant 320 : i32
    %scan3A_12 = arith.constant 0 : i32
    %scan3A_13 = arith.constant 0 : i32
    %scan3A_14 = arith.constant 256 : i32
    %scan3A_15 = arith.addi %scan3A_13, %scan3A_14 : i32
    %scan3A_16 = arith.constant 1 : i32
    %scan3A_17 = scf.for %scan3A_58 = %scan3A_13 to %scan3A_15 step %scan3A_16 iter_args(%scan3A_59 = %scan3A_12) -> (i32)  : i32 {
      %mul3A_60 = arith.constant 16 : i32
      %mul3A_61 = arith.muli %scan3A_58, %mul3A_60 : i32
      %swap3A = arith.index_cast %mul3A_61 : i32 to index
      %swap3A_62 = tpu.vector_load %arg8[%swap3A] {strides = array<i32>} : memref<4096xi32, #tpu.memory_space<vmem>>, vector<16xi32>,
      tpu.vector_store %arg8[%swap3A], %broadcast_in_dim3A_5 {strides = array<i32>} : memref<4096xi32, #tpu.memory_space<vmem>>, vector<16xi32>,
      %scan3A_63 = arith.constant 0 : i32
      scf.yield %scan3A_63 : i32
    }
    %scan3A_18 = arith.constant 256 : i32
    %scan3A_19 = arith.constant 0 : i32
    %scan3A_20 = arith.constant 0 : i32
    %scan3A_21 = arith.constant 12 : i32
    %scan3A_22 = arith.addi %scan3A_20, %scan3A_21 : i32
    %scan3A_23 = arith.constant 1 : i32
    %scan3A_24 = scf.for %scan3A_58 = %scan3A_20 to %scan3A_22 step %scan3A_23 iter_args(%scan3A_59 = %scan3A_19) -> (i32)  : i32 {
      %mul3A_60 = arith.constant 16 : i32
      %mul3A_61 = arith.muli %scan3A_58, %mul3A_60 : i32
      %swap3A = arith.index_cast %mul3A_61 : i32 to index
      %swap3A_62 = tpu.vector_load %arg9[%swap3A] {strides = array<i32>} : memref<192xi32, #tpu.memory_space<vmem>>, vector<16xi32>,
      tpu.vector_store %arg9[%swap3A], %broadcast_in_dim3A_5 {strides = array<i32>} : memref<192xi32, #tpu.memory_space<vmem>>, vector<16xi32>,
      %mul3A_63 = arith.constant 16 : i32
      %mul3A_64 = arith.muli %scan3A_58, %mul3A_63 : i32
      %swap3A_65 = arith.index_cast %mul3A_64 : i32 to index
      %swap3A_66 = tpu.vector_load %arg11[%swap3A_65] {strides = array<i32>} : memref<208xi32, #tpu.memory_space<vmem>>, vector<16xi32>,
      tpu.vector_store %arg11[%swap3A_65], %broadcast_in_dim3A_5 {strides = array<i32>} : memref<208xi32, #tpu.memory_space<vmem>>, vector<16xi32>,
      %mul3A_67 = arith.constant 16 : i32
      %mul3A_68 = arith.muli %scan3A_58, %mul3A_67 : i32
      %swap3A_69 = arith.index_cast %mul3A_68 : i32 to index
      %swap3A_70 = tpu.vector_load %arg13[%swap3A_69] {strides = array<i32>} : memref<208xf32, #tpu.memory_space<vmem>>, vector<16xf32>,
      tpu.vector_store %arg13[%swap3A_69], %broadcast_in_dim3A_3 {strides = array<i32>} : memref<208xf32, #tpu.memory_space<vmem>>, vector<16xf32>,
      %scan3A_71 = arith.constant 0 : i32
      scf.yield %scan3A_71 : i32
    }
    %scan3A_25 = arith.constant 12 : i32
    %scan3A_26 = arith.constant 0 : i32
    %scan3A_27 = arith.constant 0 : i32
    %scan3A_28 = arith.constant 12 : i32
    %scan3A_29 = arith.addi %scan3A_27, %scan3A_28 : i32
    %scan3A_30 = arith.constant 1 : i32
    %scan3A_31 = scf.for %scan3A_58 = %scan3A_27 to %scan3A_29 step %scan3A_30 iter_args(%scan3A_59 = %scan3A_26) -> (i32)  : i32 {
      %mul3A_60 = arith.constant 16 : i32
      %mul3A_61 = arith.muli %scan3A_58, %mul3A_60 : i32
      %swap3A = arith.index_cast %mul3A_61 : i32 to index
      %swap3A_62 = tpu.vector_load %arg10[%swap3A] {strides = array<i32>} : memref<192xi32, #tpu.memory_space<vmem>>, vector<16xi32>,
      tpu.vector_store %arg10[%swap3A], %broadcast_in_dim3A_5 {strides = array<i32>} : memref<192xi32, #tpu.memory_space<vmem>>, vector<16xi32>,
      %mul3A_63 = arith.constant 16 : i32
      %mul3A_64 = arith.muli %scan3A_58, %mul3A_63 : i32
      %swap3A_65 = arith.index_cast %mul3A_64 : i32 to index
      %swap3A_66 = tpu.vector_load %arg12[%swap3A_65] {strides = array<i32>} : memref<208xi32, #tpu.memory_space<vmem>>, vector<16xi32>,
      tpu.vector_store %arg12[%swap3A_65], %broadcast_in_dim3A_5 {strides = array<i32>} : memref<208xi32, #tpu.memory_space<vmem>>, vector<16xi32>,
      %mul3A_67 = arith.constant 16 : i32
      %mul3A_68 = arith.muli %scan3A_58, %mul3A_67 : i32
      %swap3A_69 = arith.index_cast %mul3A_68 : i32 to index
      %swap3A_70 = tpu.vector_load %arg14[%swap3A_69] {strides = array<i32>} : memref<208xf32, #tpu.memory_space<vmem>>, vector<16xf32>,
      tpu.vector_store %arg14[%swap3A_69], %broadcast_in_dim3A_3 {strides = array<i32>} : memref<208xf32, #tpu.memory_space<vmem>>, vector<16xf32>,
      %scan3A_71 = arith.constant 0 : i32
      scf.yield %scan3A_71 : i32
    }
    %scan3A_32 = arith.constant 12 : i32
    %dma_start3A = arith.constant 0 : i32
    %dma_start3A_33 = tpu.memref_slice %arg2[%dma_start3A] : memref<983040xi32, #tpu.memory_space<hbm>> -> memref<12288xi32, #tpu.memory_space<hbm>>
    %dma_start3A_34 = arith.constant 0 : i32
    %dma_start3A_35 = tpu.memref_slice %arg2[%dma_start3A_34] : memref<983040xi32, #tpu.memory_space<hbm>> -> memref<12288xi32, #tpu.memory_space<hbm>>
    tpu.enqueue_dma source(%dma_start3A_35 : memref<12288xi32, #tpu.memory_space<hbm>>) target(%arg6 : memref<12288xi32, #tpu.memory_space<vmem>>) target_semaphore(%arg18 : memref<!tpu.dma_semaphore, #tpu.memory_space<semaphore_mem>>)
    %scan3A_36 = arith.constant 320 : i32
    %scan3A_37 = arith.constant 0 : i32
    %scan3A_38 = arith.constant 0 : i32
    %scan3A_39 = arith.constant 40 : i32
    %scan3A_40 = arith.addi %scan3A_38, %scan3A_39 : i32
    %scan3A_41 = arith.constant 1 : i32
    %scan3A_42 = scf.for %scan3A_58 = %scan3A_38 to %scan3A_40 step %scan3A_41 iter_args(%scan3A_59 = %scan3A_37) -> (i32)  : i32 {
      %mul3A_60 = arith.constant 2 : i32
      %mul3A_61 = arith.muli %scan3A_58, %mul3A_60 : i32
      %add3A_62 = arith.constant 1 : i32
      %add3A_63 = arith.addi %mul3A_61, %add3A_62 : i32
      %lt3A = arith.constant 80 : i32
      %lt3A_64 = arith.cmpi slt, %add3A_63, %lt3A : i32
      %convert_element_type3A_65 = arith.extui %lt3A_64 : i1 to i32
      %cond3A_66 = arith.constant 0 : i32
      %cond3A_67 = arith.cmpi ne, %convert_element_type3A_65, %cond3A_66 : i32
      scf.if %cond3A_67 {
        %add3A_302 = arith.constant 1 : i32
        %add3A_303 = arith.addi %mul3A_61, %add3A_302 : i32
        %mul3A_304 = arith.constant 3 : i32
        %mul3A_305 = arith.muli %add3A_303, %mul3A_304 : i32
        %mul3A_306 = arith.constant 4096 : i32
        %mul3A_307 = arith.muli %mul3A_305, %mul3A_306 : i32
        %dma_start3A_308 = tpu.memref_slice %arg2[%mul3A_307] : memref<983040xi32, #tpu.memory_space<hbm>> -> memref<12288xi32, #tpu.memory_space<hbm>>
        %dma_start3A_309 = tpu.memref_slice %arg2[%mul3A_307] : memref<983040xi32, #tpu.memory_space<hbm>> -> memref<12288xi32, #tpu.memory_space<hbm>>
        tpu.enqueue_dma source(%dma_start3A_309 : memref<12288xi32, #tpu.memory_space<hbm>>) target(%arg7 : memref<12288xi32, #tpu.memory_space<vmem>>) target_semaphore(%arg19 : memref<!tpu.dma_semaphore, #tpu.memory_space<semaphore_mem>>)
      } else {
      }
      %mul3A_68 = arith.constant 3 : i32
      %mul3A_69 = arith.muli %mul3A_61, %mul3A_68 : i32
      %mul3A_70 = arith.constant 4096 : i32
      %mul3A_71 = arith.muli %mul3A_69, %mul3A_70 : i32
      %dma_wait3A = tpu.memref_slice %arg2[%mul3A_71] : memref<983040xi32, #tpu.memory_space<hbm>> -> memref<12288xi32, #tpu.memory_space<hbm>>
      %dma_wait3A_72 = tpu.memref_slice %arg2[%mul3A_71] : memref<983040xi32, #tpu.memory_space<hbm>> -> memref<12288xi32, #tpu.memory_space<hbm>>
      tpu.wait_dma2 semaphore(%arg18 : memref<!tpu.dma_semaphore, #tpu.memory_space<semaphore_mem>>) src(%dma_wait3A_72 : memref<12288xi32, #tpu.memory_space<hbm>>) dst(%arg6 : memref<12288xi32, #tpu.memory_space<vmem>>)
      %parallel_loop3A_73 = arith.constant 0 : i32
      %parallel_loop3A_74 = arith.constant 256 : i32
      %parallel_loop3A_75 = arith.constant 1 : i32
      %parallel_loop3A_76 = arith.constant 0 : i32
      %parallel_loop3A_77 = scf.for %parallel_loop3A_302 = %parallel_loop3A_73 to %parallel_loop3A_74 step %parallel_loop3A_75 iter_args(%parallel_loop3A_303 = %parallel_loop3A_76) -> (i32)  : i32 {
        %parallel_loop3A_304 = arith.constant 16 : i32
        %parallel_loop3A_305 = arith.muli %parallel_loop3A_302, %parallel_loop3A_304 : i32
        %parallel_loop3A_306 = arith.constant 4096 : i32
        %parallel_loop3A_307 = arith.addi %parallel_loop3A_306, %parallel_loop3A_305 : i32
        %parallel_loop3A_308 = arith.index_cast %parallel_loop3A_307 : i32 to index
        %parallel_loop3A_309 = tpu.vector_load %arg6[%parallel_loop3A_308] {strides = array<i32>} : memref<12288xi32, #tpu.memory_space<vmem>>, vector<16xi32>,
        %parallel_loop3A_310 = vector.broadcast %mul3A_2 : i32 to vector<16xi32>
        %parallel_loop3A_311 = arith.subi %parallel_loop3A_309, %parallel_loop3A_310 : vector<16xi32>
        %parallel_loop3A_312 = vector.bitcast %parallel_loop3A_311 : vector<16xi32> to vector<16xi32>
        %parallel_loop3A_313 = vector.broadcast %scan3A_36 : i32 to vector<16xi32>
        %parallel_loop3A_314 = arith.cmpi ult, %parallel_loop3A_312, %parallel_loop3A_313 : vector<16xi32>
        %parallel_loop3A_315 = arith.constant 16 : i32
        %parallel_loop3A_316 = arith.muli %parallel_loop3A_302, %parallel_loop3A_315 : i32
        %parallel_loop3A_317 = vector.broadcast %parallel_loop3A_316 : i32 to vector<16xi32>
        %parallel_loop3A_318 = arith.addi %iota3A, %parallel_loop3A_317 : vector<16xi32>
        %parallel_loop3A_319 = arith.index_cast %parallel_loop3A_303 : i32 to index
        %parallel_loop3A_320 = tpu.vector_load %arg8[%parallel_loop3A_319] masked %parallel_loop3A_314 {strides = array<i32>} : memref<4096xi32, #tpu.memory_space<vmem>>, vector<16xi32>, vector<16xi1>
        tpu.vector_store %arg8[%parallel_loop3A_319], %parallel_loop3A_318 masked %parallel_loop3A_314 {strides = array<i32>} : memref<4096xi32, #tpu.memory_space<vmem>>, vector<16xi32>, vector<16xi1>
        %parallel_loop3A_321 = tpu.all_reduce %parallel_loop3A_314 {dim = 0 : i64, kind = #tpu.reduction_kind<sum>} : vector<16xi1> -> vector<16xi32>
        %parallel_loop3A_322 = vector.extract_strided_slice %parallel_loop3A_321 {offsets = [0], sizes = [1], strides = [1]} : vector<16xi32> to vector<1xi32>
        %parallel_loop3A_323 = vector.extract %parallel_loop3A_322[0] : i32 from vector<1xi32>
        %parallel_loop3A_324 = arith.addi %parallel_loop3A_303, %parallel_loop3A_323 : i32
        scf.yield %parallel_loop3A_324 : i32
      } {sc.loop_unroll_factor = 8 : i64, sc.parallel_access}
      %add3A_78 = arith.constant 16 : i32
      %add3A_79 = arith.addi %parallel_loop3A_77, %add3A_78 : i32
      %sub3A = arith.constant 1 : i32
      %sub3A_80 = arith.subi %add3A_79, %sub3A : i32
      %jit3A = arith.constant 16 : i32
      %div3A = arith.divsi %sub3A_80, %jit3A : i32
      %sign3A = arith.constant 0 : i32
      %sign3A_81 = arith.cmpi sgt, %sub3A_80, %sign3A : i32
      %sign3A_82 = arith.extui %sign3A_81 : i1 to i32
      %sign3A_83 = arith.constant 0 : i32
      %sign3A_84 = arith.cmpi slt, %sub3A_80, %sign3A_83 : i32
      %sign3A_85 = arith.extui %sign3A_84 : i1 to i32
      %sign3A_86 = arith.subi %sign3A_82, %sign3A_85 : i32
      %sign3A_87 = arith.constant 0 : i32
      %sign3A_88 = arith.cmpi sgt, %jit3A, %sign3A_87 : i32
      %sign3A_89 = arith.extui %sign3A_88 : i1 to i32
      %sign3A_90 = arith.constant 0 : i32
      %sign3A_91 = arith.cmpi slt, %jit3A, %sign3A_90 : i32
      %sign3A_92 = arith.extui %sign3A_91 : i1 to i32
      %sign3A_93 = arith.subi %sign3A_89, %sign3A_92 : i32
      %ne3A = arith.cmpi ne, %sign3A_86, %sign3A_93 : i32
      %rem3A = arith.remsi %sub3A_80, %jit3A : i32
      %ne3A_94 = arith.constant 0 : i32
      %ne3A_95 = arith.cmpi ne, %rem3A, %ne3A_94 : i32
      %and3A = arith.andi %ne3A, %ne3A_95 : i1
      %sub3A_96 = arith.constant 1 : i32
      %sub3A_97 = arith.subi %div3A, %sub3A_96 : i32
      %select_n3A = arith.select %and3A, %sub3A_97, %div3A : i32
      %parallel_loop3A_98 = arith.constant 0 : i32
      %parallel_loop3A_99 = arith.constant 12 : i32
      %parallel_loop3A_100 = arith.constant 1 : i32
      scf.for %parallel_loop3A_302 = %parallel_loop3A_98 to %parallel_loop3A_99 step %parallel_loop3A_100  : i32 {
        %parallel_loop3A_303 = arith.constant 16 : i32
        %parallel_loop3A_304 = arith.muli %parallel_loop3A_302, %parallel_loop3A_303 : i32
        %parallel_loop3A_305 = arith.index_cast %parallel_loop3A_304 : i32 to index
        %parallel_loop3A_306 = tpu.vector_load %arg8[%parallel_loop3A_305] {strides = array<i32>} : memref<4096xi32, #tpu.memory_space<vmem>>, vector<16xi32>,
        %parallel_loop3A_307 = vector.broadcast %parallel_loop3A_304 : i32 to vector<16xi32>
        %parallel_loop3A_308 = arith.addi %iota3A, %parallel_loop3A_307 : vector<16xi32>
        %parallel_loop3A_309 = vector.broadcast %parallel_loop3A_77 : i32 to vector<16xi32>
        %parallel_loop3A_310 = arith.cmpi slt, %parallel_loop3A_308, %parallel_loop3A_309 : vector<16xi32>
        %parallel_loop3A_311 = tpu.vector_load_idx %arg6[%parallel_loop3A_306] : memref<12288xi32, #tpu.memory_space<vmem>>[vector<16xi32>], vector<16xi32>,
        %parallel_loop3A_312 = arith.index_cast %parallel_loop3A_304 : i32 to index
        %parallel_loop3A_313 = tpu.vector_load %arg9[%parallel_loop3A_312] {strides = array<i32>} : memref<192xi32, #tpu.memory_space<vmem>>, vector<16xi32>,
        tpu.vector_store %arg9[%parallel_loop3A_312], %parallel_loop3A_311 {strides = array<i32>} : memref<192xi32, #tpu.memory_space<vmem>>, vector<16xi32>,
        %parallel_loop3A_314 = arith.constant 4096 : i32
        %parallel_loop3A_315 = vector.broadcast %parallel_loop3A_314 : i32 to vector<16xi32>
        %parallel_loop3A_316 = arith.addi %parallel_loop3A_306, %parallel_loop3A_315 : vector<16xi32>
        %parallel_loop3A_317 = tpu.vector_load_idx %arg6[%parallel_loop3A_316] : memref<12288xi32, #tpu.memory_space<vmem>>[vector<16xi32>], vector<16xi32>,
        %parallel_loop3A_318 = vector.broadcast %mul3A_2 : i32 to vector<16xi32>
        %parallel_loop3A_319 = arith.subi %parallel_loop3A_317, %parallel_loop3A_318 : vector<16xi32>
        %parallel_loop3A_320 = arith.constant 0 : i32
        %parallel_loop3A_321 = vector.broadcast %parallel_loop3A_320 : i32 to vector<16xi32>
        %parallel_loop3A_322 = arith.select %parallel_loop3A_310, %parallel_loop3A_319, %parallel_loop3A_321 : vector<16xi1>, vector<16xi32>
        %parallel_loop3A_323 = arith.index_cast %parallel_loop3A_304 : i32 to index
        %parallel_loop3A_324 = tpu.vector_load %arg11[%parallel_loop3A_323] {strides = array<i32>} : memref<208xi32, #tpu.memory_space<vmem>>, vector<16xi32>,
        tpu.vector_store %arg11[%parallel_loop3A_323], %parallel_loop3A_322 {strides = array<i32>} : memref<208xi32, #tpu.memory_space<vmem>>, vector<16xi32>,
        %parallel_loop3A_325 = arith.constant 8192 : i32
        %parallel_loop3A_326 = vector.broadcast %parallel_loop3A_325 : i32 to vector<16xi32>
        %parallel_loop3A_327 = arith.addi %parallel_loop3A_306, %parallel_loop3A_326 : vector<16xi32>
        %parallel_loop3A_328 = tpu.vector_load_idx %arg6[%parallel_loop3A_327] : memref<12288xi32, #tpu.memory_space<vmem>>[vector<16xi32>], vector<16xi32>,
        %parallel_loop3A_329 = vector.bitcast %parallel_loop3A_328 : vector<16xi32> to vector<16xf32>
        %parallel_loop3A_330 = arith.constant 0.000000e+00 : f32
        %parallel_loop3A_331 = vector.broadcast %parallel_loop3A_330 : f32 to vector<16xf32>
        %parallel_loop3A_332 = arith.select %parallel_loop3A_310, %parallel_loop3A_329, %parallel_loop3A_331 : vector<16xi1>, vector<16xf32>
        %parallel_loop3A_333 = arith.index_cast %parallel_loop3A_304 : i32 to index
        %parallel_loop3A_334 = tpu.vector_load %arg13[%parallel_loop3A_333] {strides = array<i32>} : memref<208xf32, #tpu.memory_space<vmem>>, vector<16xf32>,
        tpu.vector_store %arg13[%parallel_loop3A_333], %parallel_loop3A_332 {strides = array<i32>} : memref<208xf32, #tpu.memory_space<vmem>>, vector<16xf32>,
      } {sc.loop_unroll_factor = 2 : i64, sc.parallel_access}
      %add3A_101 = arith.constant 64 : i32
      %add3A_102 = arith.addi %parallel_loop3A_77, %add3A_101 : i32
      %sub3A_103 = arith.constant 1 : i32
      %sub3A_104 = arith.subi %add3A_102, %sub3A_103 : i32
      %jit3A_105 = arith.constant 64 : i32
      %div3A_106 = arith.divsi %sub3A_104, %jit3A_105 : i32
      %sign3A_107 = arith.constant 0 : i32
      %sign3A_108 = arith.cmpi sgt, %sub3A_104, %sign3A_107 : i32
      %sign3A_109 = arith.extui %sign3A_108 : i1 to i32
      %sign3A_110 = arith.constant 0 : i32
      %sign3A_111 = arith.cmpi slt, %sub3A_104, %sign3A_110 : i32
      %sign3A_112 = arith.extui %sign3A_111 : i1 to i32
      %sign3A_113 = arith.subi %sign3A_109, %sign3A_112 : i32
      %sign3A_114 = arith.constant 0 : i32
      %sign3A_115 = arith.cmpi sgt, %jit3A_105, %sign3A_114 : i32
      %sign3A_116 = arith.extui %sign3A_115 : i1 to i32
      %sign3A_117 = arith.constant 0 : i32
      %sign3A_118 = arith.cmpi slt, %jit3A_105, %sign3A_117 : i32
      %sign3A_119 = arith.extui %sign3A_118 : i1 to i32
      %sign3A_120 = arith.subi %sign3A_116, %sign3A_119 : i32
      %ne3A_121 = arith.cmpi ne, %sign3A_113, %sign3A_120 : i32
      %rem3A_122 = arith.remsi %sub3A_104, %jit3A_105 : i32
      %ne3A_123 = arith.constant 0 : i32
      %ne3A_124 = arith.cmpi ne, %rem3A_122, %ne3A_123 : i32
      %and3A_125 = arith.andi %ne3A_121, %ne3A_124 : i1
      %sub3A_126 = arith.constant 1 : i32
      %sub3A_127 = arith.subi %div3A_106, %sub3A_126 : i32
      %select_n3A_128 = arith.select %and3A_125, %sub3A_127, %div3A_106 : i32
      %min3A = arith.constant 3 : i32
      %min3A_129 = arith.minsi %select_n3A_128, %min3A : i32
      %gt3A_130 = arith.constant 0 : i32
      %gt3A_131 = arith.cmpi sgt, %min3A_129, %gt3A_130 : i32
      %convert_element_type3A_132 = arith.extui %gt3A_131 : i1 to i32
      %cond3A_133 = arith.constant 0 : i32
      %cond3A_134 = arith.cmpi ne, %convert_element_type3A_132, %cond3A_133 : i32
      scf.if %cond3A_134 {
        %dma_start3A_302 = arith.constant 0 : i32
        %dma_start3A_303 = arith.constant 0 : i32
        %dma_start3A_304 = tpu.memref_slice %arg16[%dma_start3A_302, %dma_start3A_303] : memref<192x128xf32, #tpu.memory_space<vmem>> -> memref<64x128xf32, #tpu.memory_space<vmem>>
        %dma_start3A_305 = arith.constant 0 : i32
        %dma_start3A_306 = tpu.memref_slice %arg9[%dma_start3A_305] : memref<192xi32, #tpu.memory_space<vmem>> -> memref<64xi32, #tpu.memory_space<vmem>>
        %dma_start3A_307 = arith.constant 0 : i32
        %dma_start3A_308 = arith.constant 0 : i32
        %dma_start3A_309 = tpu.memref_slice %arg3[%dma_start3A_307, %dma_start3A_308] : memref<10240x128xf32, #tpu.memory_space<hbm>> -> memref<10240x128xf32, #tpu.memory_space<hbm>>
        tpu.enqueue_indirect_dma source(%dma_start3A_309 : memref<10240x128xf32, #tpu.memory_space<hbm>>) target(%dma_start3A_304 : memref<64x128xf32, #tpu.memory_space<vmem>>) offsets(%dma_start3A_306 : memref<64xi32, #tpu.memory_space<vmem>>) semaphore(%arg20 : memref<!tpu.dma_semaphore, #tpu.memory_space<semaphore_mem>>)
      } else {
      }
      %gt3A_135 = arith.constant 1 : i32
      %gt3A_136 = arith.cmpi sgt, %min3A_129, %gt3A_135 : i32
      %convert_element_type3A_137 = arith.extui %gt3A_136 : i1 to i32
      %cond3A_138 = arith.constant 0 : i32
      %cond3A_139 = arith.cmpi ne, %convert_element_type3A_137, %cond3A_138 : i32
      scf.if %cond3A_139 {
        %dma_start3A_302 = arith.constant 64 : i32
        %dma_start3A_303 = arith.constant 0 : i32
        %dma_start3A_304 = tpu.memref_slice %arg16[%dma_start3A_302, %dma_start3A_303] : memref<192x128xf32, #tpu.memory_space<vmem>> -> memref<64x128xf32, #tpu.memory_space<vmem>>
        %dma_start3A_305 = arith.constant 64 : i32
        %dma_start3A_306 = tpu.memref_slice %arg9[%dma_start3A_305] : memref<192xi32, #tpu.memory_space<vmem>> -> memref<64xi32, #tpu.memory_space<vmem>>
        %dma_start3A_307 = arith.constant 0 : i32
        %dma_start3A_308 = arith.constant 0 : i32
        %dma_start3A_309 = tpu.memref_slice %arg3[%dma_start3A_307, %dma_start3A_308] : memref<10240x128xf32, #tpu.memory_space<hbm>> -> memref<10240x128xf32, #tpu.memory_space<hbm>>
        tpu.enqueue_indirect_dma source(%dma_start3A_309 : memref<10240x128xf32, #tpu.memory_space<hbm>>) target(%dma_start3A_304 : memref<64x128xf32, #tpu.memory_space<vmem>>) offsets(%dma_start3A_306 : memref<64xi32, #tpu.memory_space<vmem>>) semaphore(%arg20 : memref<!tpu.dma_semaphore, #tpu.memory_space<semaphore_mem>>)
      } else {
      }
      %gt3A_140 = arith.constant 2 : i32
      %gt3A_141 = arith.cmpi sgt, %min3A_129, %gt3A_140 : i32
      %convert_element_type3A_142 = arith.extui %gt3A_141 : i1 to i32
      %cond3A_143 = arith.constant 0 : i32
      %cond3A_144 = arith.cmpi ne, %convert_element_type3A_142, %cond3A_143 : i32
      scf.if %cond3A_144 {
        %dma_start3A_302 = arith.constant 128 : i32
        %dma_start3A_303 = arith.constant 0 : i32
        %dma_start3A_304 = tpu.memref_slice %arg16[%dma_start3A_302, %dma_start3A_303] : memref<192x128xf32, #tpu.memory_space<vmem>> -> memref<64x128xf32, #tpu.memory_space<vmem>>
        %dma_start3A_305 = arith.constant 128 : i32
        %dma_start3A_306 = tpu.memref_slice %arg9[%dma_start3A_305] : memref<192xi32, #tpu.memory_space<vmem>> -> memref<64xi32, #tpu.memory_space<vmem>>
        %dma_start3A_307 = arith.constant 0 : i32
        %dma_start3A_308 = arith.constant 0 : i32
        %dma_start3A_309 = tpu.memref_slice %arg3[%dma_start3A_307, %dma_start3A_308] : memref<10240x128xf32, #tpu.memory_space<hbm>> -> memref<10240x128xf32, #tpu.memory_space<hbm>>
        tpu.enqueue_indirect_dma source(%dma_start3A_309 : memref<10240x128xf32, #tpu.memory_space<hbm>>) target(%dma_start3A_304 : memref<64x128xf32, #tpu.memory_space<vmem>>) offsets(%dma_start3A_306 : memref<64xi32, #tpu.memory_space<vmem>>) semaphore(%arg20 : memref<!tpu.dma_semaphore, #tpu.memory_space<semaphore_mem>>)
      } else {
      }
      %gt3A_145 = arith.constant 0 : i32
      %gt3A_146 = arith.cmpi sgt, %scan3A_59, %gt3A_145 : i32
      %convert_element_type3A_147 = arith.extui %gt3A_146 : i1 to i32
      %cond3A_148 = arith.constant 0 : i32
      %cond3A_149 = arith.cmpi ne, %convert_element_type3A_147, %cond3A_148 : i32
      scf.if %cond3A_149 {
        %dma_wait3A_302 = arith.constant 0 : i32
        %dma_wait3A_303 = arith.constant 0 : i32
        %dma_wait3A_304 = tpu.memref_slice %arg17[%dma_wait3A_302, %dma_wait3A_303] : memref<192x128xf32, #tpu.memory_space<vmem>> -> memref<64x128xf32, #tpu.memory_space<vmem>>
        %dma_wait3A_305 = arith.constant 0 : i32
        %dma_wait3A_306 = tpu.memref_slice %arg10[%dma_wait3A_305] : memref<192xi32, #tpu.memory_space<vmem>> -> memref<64xi32, #tpu.memory_space<vmem>>
        %dma_wait3A_307 = arith.constant 0 : i32
        %dma_wait3A_308 = arith.constant 0 : i32
        %dma_wait3A_309 = tpu.memref_slice %arg3[%dma_wait3A_307, %dma_wait3A_308] : memref<10240x128xf32, #tpu.memory_space<hbm>> -> memref<10240x128xf32, #tpu.memory_space<hbm>>
        tpu.wait_indirect_dma semaphore(%arg21 : memref<!tpu.dma_semaphore, #tpu.memory_space<semaphore_mem>>) src(%dma_wait3A_309 : memref<10240x128xf32, #tpu.memory_space<hbm>>) dst(%dma_wait3A_304 : memref<64x128xf32, #tpu.memory_space<vmem>>)
      } else {
      }
      %gt3A_150 = arith.constant 1 : i32
      %gt3A_151 = arith.cmpi sgt, %scan3A_59, %gt3A_150 : i32
      %convert_element_type3A_152 = arith.extui %gt3A_151 : i1 to i32
      %cond3A_153 = arith.constant 0 : i32
      %cond3A_154 = arith.cmpi ne, %convert_element_type3A_152, %cond3A_153 : i32
      scf.if %cond3A_154 {
        %dma_wait3A_302 = arith.constant 64 : i32
        %dma_wait3A_303 = arith.constant 0 : i32
        %dma_wait3A_304 = tpu.memref_slice %arg17[%dma_wait3A_302, %dma_wait3A_303] : memref<192x128xf32, #tpu.memory_space<vmem>> -> memref<64x128xf32, #tpu.memory_space<vmem>>
        %dma_wait3A_305 = arith.constant 64 : i32
        %dma_wait3A_306 = tpu.memref_slice %arg10[%dma_wait3A_305] : memref<192xi32, #tpu.memory_space<vmem>> -> memref<64xi32, #tpu.memory_space<vmem>>
        %dma_wait3A_307 = arith.constant 0 : i32
        %dma_wait3A_308 = arith.constant 0 : i32
        %dma_wait3A_309 = tpu.memref_slice %arg3[%dma_wait3A_307, %dma_wait3A_308] : memref<10240x128xf32, #tpu.memory_space<hbm>> -> memref<10240x128xf32, #tpu.memory_space<hbm>>
        tpu.wait_indirect_dma semaphore(%arg21 : memref<!tpu.dma_semaphore, #tpu.memory_space<semaphore_mem>>) src(%dma_wait3A_309 : memref<10240x128xf32, #tpu.memory_space<hbm>>) dst(%dma_wait3A_304 : memref<64x128xf32, #tpu.memory_space<vmem>>)
      } else {
      }
      %gt3A_155 = arith.constant 2 : i32
      %gt3A_156 = arith.cmpi sgt, %scan3A_59, %gt3A_155 : i32
      %convert_element_type3A_157 = arith.extui %gt3A_156 : i1 to i32
      %cond3A_158 = arith.constant 0 : i32
      %cond3A_159 = arith.cmpi ne, %convert_element_type3A_157, %cond3A_158 : i32
      scf.if %cond3A_159 {
        %dma_wait3A_302 = arith.constant 128 : i32
        %dma_wait3A_303 = arith.constant 0 : i32
        %dma_wait3A_304 = tpu.memref_slice %arg17[%dma_wait3A_302, %dma_wait3A_303] : memref<192x128xf32, #tpu.memory_space<vmem>> -> memref<64x128xf32, #tpu.memory_space<vmem>>
        %dma_wait3A_305 = arith.constant 128 : i32
        %dma_wait3A_306 = tpu.memref_slice %arg10[%dma_wait3A_305] : memref<192xi32, #tpu.memory_space<vmem>> -> memref<64xi32, #tpu.memory_space<vmem>>
        %dma_wait3A_307 = arith.constant 0 : i32
        %dma_wait3A_308 = arith.constant 0 : i32
        %dma_wait3A_309 = tpu.memref_slice %arg3[%dma_wait3A_307, %dma_wait3A_308] : memref<10240x128xf32, #tpu.memory_space<hbm>> -> memref<10240x128xf32, #tpu.memory_space<hbm>>
        tpu.wait_indirect_dma semaphore(%arg21 : memref<!tpu.dma_semaphore, #tpu.memory_space<semaphore_mem>>) src(%dma_wait3A_309 : memref<10240x128xf32, #tpu.memory_space<hbm>>) dst(%dma_wait3A_304 : memref<64x128xf32, #tpu.memory_space<vmem>>)
      } else {
      }
      %parallel_loop3A_160 = arith.constant 0 : i32
      %parallel_loop3A_161 = arith.constant 192 : i32
      %parallel_loop3A_162 = arith.constant 1 : i32
      scf.for %parallel_loop3A_302 = %parallel_loop3A_160 to %parallel_loop3A_161 step %parallel_loop3A_162  : i32 {
        %parallel_loop3A_303 = arith.index_cast %parallel_loop3A_302 : i32 to index
        %parallel_loop3A_304 = tpu.vector_load %arg12[%parallel_loop3A_303] {strides = array<i32>} : memref<208xi32, #tpu.memory_space<vmem>>, vector<16xi32>,
        %parallel_loop3A_305 = vector.extract_strided_slice %parallel_loop3A_304 {offsets = [0], sizes = [1], strides = [1]} : vector<16xi32> to vector<1xi32>
        %parallel_loop3A_306 = vector.extract %parallel_loop3A_305[0] : i32 from vector<1xi32>
        %parallel_loop3A_307 = arith.index_cast %parallel_loop3A_302 : i32 to index
        %parallel_loop3A_308 = tpu.vector_load %arg14[%parallel_loop3A_307] {strides = array<i32>} : memref<208xf32, #tpu.memory_space<vmem>>, vector<16xf32>,
        %parallel_loop3A_309 = vector.extract_strided_slice %parallel_loop3A_308 {offsets = [0], sizes = [1], strides = [1]} : vector<16xf32> to vector<1xf32>
        %parallel_loop3A_310 = vector.extract %parallel_loop3A_309[0] : f32 from vector<1xf32>
        %parallel_loop3A_311 = arith.index_cast %parallel_loop3A_302 : i32 to index
        %parallel_loop3A_312 = arith.constant 0 : index
        %parallel_loop3A_313 = tpu.vector_load %arg17[%parallel_loop3A_311, %parallel_loop3A_312] {strides = array<i32>} : memref<192x128xf32, #tpu.memory_space<vmem>>, vector<16xf32>,
        %parallel_loop3A_314 = vector.broadcast %parallel_loop3A_310 : f32 to vector<16xf32>
        %parallel_loop3A_315 = arith.mulf %parallel_loop3A_313, %parallel_loop3A_314 : vector<16xf32>
        %parallel_loop3A_316 = arith.index_cast %parallel_loop3A_306 : i32 to index
        %parallel_loop3A_317 = arith.constant 0 : index
        %parallel_loop3A_318 = tpu.vector_load %arg5[%parallel_loop3A_316, %parallel_loop3A_317] {strides = array<i32>} : memref<320x128xf32, #tpu.memory_space<vmem>>, vector<16xf32>,
        tpu.vector_store %arg5[%parallel_loop3A_316, %parallel_loop3A_317], %parallel_loop3A_315 {add = true, strides = array<i32>} : memref<320x128xf32, #tpu.memory_space<vmem>>, vector<16xf32>,
        %parallel_loop3A_319 = arith.index_cast %parallel_loop3A_302 : i32 to index
        %parallel_loop3A_320 = arith.constant 16 : index
        %parallel_loop3A_321 = tpu.vector_load %arg17[%parallel_loop3A_319, %parallel_loop3A_320] {strides = array<i32>} : memref<192x128xf32, #tpu.memory_space<vmem>>, vector<16xf32>,
        %parallel_loop3A_322 = vector.broadcast %parallel_loop3A_310 : f32 to vector<16xf32>
        %parallel_loop3A_323 = arith.mulf %parallel_loop3A_321, %parallel_loop3A_322 : vector<16xf32>
        %parallel_loop3A_324 = arith.index_cast %parallel_loop3A_306 : i32 to index
        %parallel_loop3A_325 = arith.constant 16 : index
        %parallel_loop3A_326 = tpu.vector_load %arg5[%parallel_loop3A_324, %parallel_loop3A_325] {strides = array<i32>} : memref<320x128xf32, #tpu.memory_space<vmem>>, vector<16xf32>,
        tpu.vector_store %arg5[%parallel_loop3A_324, %parallel_loop3A_325], %parallel_loop3A_323 {add = true, strides = array<i32>} : memref<320x128xf32, #tpu.memory_space<vmem>>, vector<16xf32>,
        %parallel_loop3A_327 = arith.index_cast %parallel_loop3A_302 : i32 to index
        %parallel_loop3A_328 = arith.constant 32 : index
        %parallel_loop3A_329 = tpu.vector_load %arg17[%parallel_loop3A_327, %parallel_loop3A_328] {strides = array<i32>} : memref<192x128xf32, #tpu.memory_space<vmem>>, vector<16xf32>,
        %parallel_loop3A_330 = vector.broadcast %parallel_loop3A_310 : f32 to vector<16xf32>
        %parallel_loop3A_331 = arith.mulf %parallel_loop3A_329, %parallel_loop3A_330 : vector<16xf32>
        %parallel_loop3A_332 = arith.index_cast %parallel_loop3A_306 : i32 to index
        %parallel_loop3A_333 = arith.constant 32 : index
        %parallel_loop3A_334 = tpu.vector_load %arg5[%parallel_loop3A_332, %parallel_loop3A_333] {strides = array<i32>} : memref<320x128xf32, #tpu.memory_space<vmem>>, vector<16xf32>,
        tpu.vector_store %arg5[%parallel_loop3A_332, %parallel_loop3A_333], %parallel_loop3A_331 {add = true, strides = array<i32>} : memref<320x128xf32, #tpu.memory_space<vmem>>, vector<16xf32>,
        %parallel_loop3A_335 = arith.index_cast %parallel_loop3A_302 : i32 to index
        %parallel_loop3A_336 = arith.constant 48 : index
        %parallel_loop3A_337 = tpu.vector_load %arg17[%parallel_loop3A_335, %parallel_loop3A_336] {strides = array<i32>} : memref<192x128xf32, #tpu.memory_space<vmem>>, vector<16xf32>,
        %parallel_loop3A_338 = vector.broadcast %parallel_loop3A_310 : f32 to vector<16xf32>
        %parallel_loop3A_339 = arith.mulf %parallel_loop3A_337, %parallel_loop3A_338 : vector<16xf32>
        %parallel_loop3A_340 = arith.index_cast %parallel_loop3A_306 : i32 to index
        %parallel_loop3A_341 = arith.constant 48 : index
        %parallel_loop3A_342 = tpu.vector_load %arg5[%parallel_loop3A_340, %parallel_loop3A_341] {strides = array<i32>} : memref<320x128xf32, #tpu.memory_space<vmem>>, vector<16xf32>,
        tpu.vector_store %arg5[%parallel_loop3A_340, %parallel_loop3A_341], %parallel_loop3A_339 {add = true, strides = array<i32>} : memref<320x128xf32, #tpu.memory_space<vmem>>, vector<16xf32>,
        %parallel_loop3A_343 = arith.index_cast %parallel_loop3A_302 : i32 to index
        %parallel_loop3A_344 = arith.constant 64 : index
        %parallel_loop3A_345 = tpu.vector_load %arg17[%parallel_loop3A_343, %parallel_loop3A_344] {strides = array<i32>} : memref<192x128xf32, #tpu.memory_space<vmem>>, vector<16xf32>,
        %parallel_loop3A_346 = vector.broadcast %parallel_loop3A_310 : f32 to vector<16xf32>
        %parallel_loop3A_347 = arith.mulf %parallel_loop3A_345, %parallel_loop3A_346 : vector<16xf32>
        %parallel_loop3A_348 = arith.index_cast %parallel_loop3A_306 : i32 to index
        %parallel_loop3A_349 = arith.constant 64 : index
        %parallel_loop3A_350 = tpu.vector_load %arg5[%parallel_loop3A_348, %parallel_loop3A_349] {strides = array<i32>} : memref<320x128xf32, #tpu.memory_space<vmem>>, vector<16xf32>,
        tpu.vector_store %arg5[%parallel_loop3A_348, %parallel_loop3A_349], %parallel_loop3A_347 {add = true, strides = array<i32>} : memref<320x128xf32, #tpu.memory_space<vmem>>, vector<16xf32>,
        %parallel_loop3A_351 = arith.index_cast %parallel_loop3A_302 : i32 to index
        %parallel_loop3A_352 = arith.constant 80 : index
        %parallel_loop3A_353 = tpu.vector_load %arg17[%parallel_loop3A_351, %parallel_loop3A_352] {strides = array<i32>} : memref<192x128xf32, #tpu.memory_space<vmem>>, vector<16xf32>,
        %parallel_loop3A_354 = vector.broadcast %parallel_loop3A_310 : f32 to vector<16xf32>
        %parallel_loop3A_355 = arith.mulf %parallel_loop3A_353, %parallel_loop3A_354 : vector<16xf32>
        %parallel_loop3A_356 = arith.index_cast %parallel_loop3A_306 : i32 to index
        %parallel_loop3A_357 = arith.constant 80 : index
        %parallel_loop3A_358 = tpu.vector_load %arg5[%parallel_loop3A_356, %parallel_loop3A_357] {strides = array<i32>} : memref<320x128xf32, #tpu.memory_space<vmem>>, vector<16xf32>,
        tpu.vector_store %arg5[%parallel_loop3A_356, %parallel_loop3A_357], %parallel_loop3A_355 {add = true, strides = array<i32>} : memref<320x128xf32, #tpu.memory_space<vmem>>, vector<16xf32>,
        %parallel_loop3A_359 = arith.index_cast %parallel_loop3A_302 : i32 to index
        %parallel_loop3A_360 = arith.constant 96 : index
        %parallel_loop3A_361 = tpu.vector_load %arg17[%parallel_loop3A_359, %parallel_loop3A_360] {strides = array<i32>} : memref<192x128xf32, #tpu.memory_space<vmem>>, vector<16xf32>,
        %parallel_loop3A_362 = vector.broadcast %parallel_loop3A_310 : f32 to vector<16xf32>
        %parallel_loop3A_363 = arith.mulf %parallel_loop3A_361, %parallel_loop3A_362 : vector<16xf32>
        %parallel_loop3A_364 = arith.index_cast %parallel_loop3A_306 : i32 to index
        %parallel_loop3A_365 = arith.constant 96 : index
        %parallel_loop3A_366 = tpu.vector_load %arg5[%parallel_loop3A_364, %parallel_loop3A_365] {strides = array<i32>} : memref<320x128xf32, #tpu.memory_space<vmem>>, vector<16xf32>,
        tpu.vector_store %arg5[%parallel_loop3A_364, %parallel_loop3A_365], %parallel_loop3A_363 {add = true, strides = array<i32>} : memref<320x128xf32, #tpu.memory_space<vmem>>, vector<16xf32>,
        %parallel_loop3A_367 = arith.index_cast %parallel_loop3A_302 : i32 to index
        %parallel_loop3A_368 = arith.constant 112 : index
        %parallel_loop3A_369 = tpu.vector_load %arg17[%parallel_loop3A_367, %parallel_loop3A_368] {strides = array<i32>} : memref<192x128xf32, #tpu.memory_space<vmem>>, vector<16xf32>,
        %parallel_loop3A_370 = vector.broadcast %parallel_loop3A_310 : f32 to vector<16xf32>
        %parallel_loop3A_371 = arith.mulf %parallel_loop3A_369, %parallel_loop3A_370 : vector<16xf32>
        %parallel_loop3A_372 = arith.index_cast %parallel_loop3A_306 : i32 to index
        %parallel_loop3A_373 = arith.constant 112 : index
        %parallel_loop3A_374 = tpu.vector_load %arg5[%parallel_loop3A_372, %parallel_loop3A_373] {strides = array<i32>} : memref<320x128xf32, #tpu.memory_space<vmem>>, vector<16xf32>,
        tpu.vector_store %arg5[%parallel_loop3A_372, %parallel_loop3A_373], %parallel_loop3A_371 {add = true, strides = array<i32>} : memref<320x128xf32, #tpu.memory_space<vmem>>, vector<16xf32>,
      } {sc.loop_unroll_factor = 4 : i64, sc.parallel_access}
      %while3A = arith.constant 12 : i32
      %while3A_163 = arith.constant 0 : i32
      %while3A_164 = arith.subi %select_n3A, %while3A : i32
      %while3A_165 = arith.addi %while3A, %while3A_164 : i32
      %while3A_166 = arith.constant 1 : i32
      %while3A_167 = arith.divsi %while3A_164, %while3A_166 : i32
      %while3A_168 = arith.muli %while3A_167, %while3A_166 : i32
      %while3A_169 = arith.addi %while3A, %while3A_168 : i32
      %while3A_170 = arith.constant 1 : i32
      %while3A_171 = scf.for %while3A_302 = %while3A to %while3A_169 step %while3A_170 iter_args(%while3A_303 = %while3A_163) -> (i32)  : i32 {
        %mul3A_304 = arith.constant 16 : i32
        %mul3A_305 = arith.muli %while3A_302, %mul3A_304 : i32
        %get3A = arith.index_cast %mul3A_305 : i32 to index
        %get3A_306 = tpu.vector_load %arg8[%get3A] {strides = array<i32>} : memref<4096xi32, #tpu.memory_space<vmem>>, vector<16xi32>,
        %mul3A_307 = arith.constant 16 : i32
        %mul3A_308 = arith.muli %while3A_302, %mul3A_307 : i32
        %add3A_309 = vector.broadcast %mul3A_308 : i32 to vector<16xi32>
        %add3A_310 = arith.addi %iota3A, %add3A_309 : vector<16xi32>
        %lt3A_311 = vector.broadcast %parallel_loop3A_77 : i32 to vector<16xi32>
        %lt3A_312 = arith.cmpi slt, %add3A_310, %lt3A_311 : vector<16xi32>
        %gather3A = tpu.vector_load_idx %arg6[%get3A_306] : memref<12288xi32, #tpu.memory_space<vmem>>[vector<16xi32>], vector<16xi32>,
        %swap3A = arith.constant 0 : index
        %swap3A_313 = tpu.vector_load %arg15[%swap3A] {strides = array<i32>} : memref<16xi32, #tpu.memory_space<vmem>>, vector<16xi32>,
        tpu.vector_store %arg15[%swap3A], %gather3A {strides = array<i32>} : memref<16xi32, #tpu.memory_space<vmem>>, vector<16xi32>,
        %add3A_314 = arith.constant 4096 : i32
        %add3A_315 = vector.broadcast %add3A_314 : i32 to vector<16xi32>
        %add3A_316 = arith.addi %get3A_306, %add3A_315 : vector<16xi32>
        %gather3A_317 = tpu.vector_load_idx %arg6[%add3A_316] : memref<12288xi32, #tpu.memory_space<vmem>>[vector<16xi32>], vector<16xi32>,
        %sub3A_318 = vector.broadcast %mul3A_2 : i32 to vector<16xi32>
        %sub3A_319 = arith.subi %gather3A_317, %sub3A_318 : vector<16xi32>
        %jit3A_320 = arith.constant 0 : i32
        %broadcast_in_dim3A_321 = vector.broadcast %jit3A_320 : i32 to vector<16xi32>
        %select_n3A_322 = arith.select %lt3A_312, %sub3A_319, %broadcast_in_dim3A_321 : vector<16xi1>, vector<16xi32>
        %swap3A_323 = arith.constant 0 : index
        %swap3A_324 = tpu.vector_load %arg12[%swap3A_323] {strides = array<i32>} : memref<208xi32, #tpu.memory_space<vmem>>, vector<16xi32>,
        tpu.vector_store %arg12[%swap3A_323], %select_n3A_322 {strides = array<i32>} : memref<208xi32, #tpu.memory_space<vmem>>, vector<16xi32>,
        %add3A_325 = arith.constant 8192 : i32
        %add3A_326 = vector.broadcast %add3A_325 : i32 to vector<16xi32>
        %add3A_327 = arith.addi %get3A_306, %add3A_326 : vector<16xi32>
        %gather3A_328 = tpu.vector_load_idx %arg6[%add3A_327] : memref<12288xi32, #tpu.memory_space<vmem>>[vector<16xi32>], vector<16xi32>,
        %bitcast3A = vector.bitcast %gather3A_328 : vector<16xi32> to vector<16xf32>
        %jit3A_329 = arith.constant 0.000000e+00 : f32
        %broadcast_in_dim3A_330 = vector.broadcast %jit3A_329 : f32 to vector<16xf32>
        %select_n3A_331 = arith.select %lt3A_312, %bitcast3A, %broadcast_in_dim3A_330 : vector<16xi1>, vector<16xf32>
        %swap3A_332 = arith.constant 0 : index
        %swap3A_333 = tpu.vector_load %arg14[%swap3A_332] {strides = array<i32>} : memref<208xf32, #tpu.memory_space<vmem>>, vector<16xf32>,
        tpu.vector_store %arg14[%swap3A_332], %select_n3A_331 {strides = array<i32>} : memref<208xf32, #tpu.memory_space<vmem>>, vector<16xf32>,
        %dma_start3A_334 = arith.constant 0 : i32
        %dma_start3A_335 = arith.constant 0 : i32
        %dma_start3A_336 = tpu.memref_slice %arg17[%dma_start3A_334, %dma_start3A_335] : memref<192x128xf32, #tpu.memory_space<vmem>> -> memref<16x128xf32, #tpu.memory_space<vmem>>
        %dma_start3A_337 = arith.constant 0 : i32
        %dma_start3A_338 = arith.constant 0 : i32
        %dma_start3A_339 = tpu.memref_slice %arg3[%dma_start3A_337, %dma_start3A_338] : memref<10240x128xf32, #tpu.memory_space<hbm>> -> memref<10240x128xf32, #tpu.memory_space<hbm>>
        tpu.enqueue_indirect_dma source(%dma_start3A_339 : memref<10240x128xf32, #tpu.memory_space<hbm>>) target(%dma_start3A_336 : memref<16x128xf32, #tpu.memory_space<vmem>>) offsets(%arg15 : memref<16xi32, #tpu.memory_space<vmem>>) semaphore(%arg21 : memref<!tpu.dma_semaphore, #tpu.memory_space<semaphore_mem>>)
        %dma_wait3A_340 = arith.constant 0 : i32
        %dma_wait3A_341 = arith.constant 0 : i32
        %dma_wait3A_342 = tpu.memref_slice %arg17[%dma_wait3A_340, %dma_wait3A_341] : memref<192x128xf32, #tpu.memory_space<vmem>> -> memref<16x128xf32, #tpu.memory_space<vmem>>
        %dma_wait3A_343 = arith.constant 0 : i32
        %dma_wait3A_344 = arith.constant 0 : i32
        %dma_wait3A_345 = tpu.memref_slice %arg3[%dma_wait3A_343, %dma_wait3A_344] : memref<10240x128xf32, #tpu.memory_space<hbm>> -> memref<10240x128xf32, #tpu.memory_space<hbm>>
        tpu.wait_indirect_dma semaphore(%arg21 : memref<!tpu.dma_semaphore, #tpu.memory_space<semaphore_mem>>) src(%dma_wait3A_345 : memref<10240x128xf32, #tpu.memory_space<hbm>>) dst(%dma_wait3A_342 : memref<16x128xf32, #tpu.memory_space<vmem>>)
        %scan3A_346 = arith.constant 0 : i32
        %scan3A_347 = arith.constant 0 : i32
        %scan3A_348 = arith.constant 16 : i32
        %scan3A_349 = arith.addi %scan3A_347, %scan3A_348 : i32
        %scan3A_350 = arith.constant 1 : i32
        %scan3A_351 = scf.for %scan3A_354 = %scan3A_347 to %scan3A_349 step %scan3A_350 iter_args(%scan3A_355 = %scan3A_346) -> (i32)  : i32 {
          %get3A_356 = arith.index_cast %scan3A_354 : i32 to index
          %get3A_357 = tpu.vector_load %arg12[%get3A_356] {strides = array<i32>} : memref<208xi32, #tpu.memory_space<vmem>>, vector<16xi32>,
          %slice3A = vector.extract_strided_slice %get3A_357 {offsets = [0], sizes = [1], strides = [1]} : vector<16xi32> to vector<1xi32>
          %squeeze3A = vector.extract %slice3A[0] : i32 from vector<1xi32>
          %get3A_358 = arith.index_cast %scan3A_354 : i32 to index
          %get3A_359 = tpu.vector_load %arg14[%get3A_358] {strides = array<i32>} : memref<208xf32, #tpu.memory_space<vmem>>, vector<16xf32>,
          %slice3A_360 = vector.extract_strided_slice %get3A_359 {offsets = [0], sizes = [1], strides = [1]} : vector<16xf32> to vector<1xf32>
          %squeeze3A_361 = vector.extract %slice3A_360[0] : f32 from vector<1xf32>
          %get3A_362 = arith.index_cast %scan3A_354 : i32 to index
          %get3A_363 = arith.constant 0 : index
          %get3A_364 = tpu.vector_load %arg17[%get3A_362, %get3A_363] {strides = array<i32>} : memref<192x128xf32, #tpu.memory_space<vmem>>, vector<16xf32>,
          %mul3A_365 = vector.broadcast %squeeze3A_361 : f32 to vector<16xf32>
          %mul3A_366 = arith.mulf %get3A_364, %mul3A_365 : vector<16xf32>
          %swap3A_367 = arith.index_cast %squeeze3A : i32 to index
          %swap3A_368 = arith.constant 0 : index
          %swap3A_369 = tpu.vector_load %arg5[%swap3A_367, %swap3A_368] {strides = array<i32>} : memref<320x128xf32, #tpu.memory_space<vmem>>, vector<16xf32>,
          tpu.vector_store %arg5[%swap3A_367, %swap3A_368], %mul3A_366 {add = true, strides = array<i32>} : memref<320x128xf32, #tpu.memory_space<vmem>>, vector<16xf32>,
          %get3A_370 = arith.index_cast %scan3A_354 : i32 to index
          %get3A_371 = arith.constant 16 : index
          %get3A_372 = tpu.vector_load %arg17[%get3A_370, %get3A_371] {strides = array<i32>} : memref<192x128xf32, #tpu.memory_space<vmem>>, vector<16xf32>,
          %mul3A_373 = vector.broadcast %squeeze3A_361 : f32 to vector<16xf32>
          %mul3A_374 = arith.mulf %get3A_372, %mul3A_373 : vector<16xf32>
          %swap3A_375 = arith.index_cast %squeeze3A : i32 to index
          %swap3A_376 = arith.constant 16 : index
          %swap3A_377 = tpu.vector_load %arg5[%swap3A_375, %swap3A_376] {strides = array<i32>} : memref<320x128xf32, #tpu.memory_space<vmem>>, vector<16xf32>,
          tpu.vector_store %arg5[%swap3A_375, %swap3A_376], %mul3A_374 {add = true, strides = array<i32>} : memref<320x128xf32, #tpu.memory_space<vmem>>, vector<16xf32>,
          %get3A_378 = arith.index_cast %scan3A_354 : i32 to index
          %get3A_379 = arith.constant 32 : index
          %get3A_380 = tpu.vector_load %arg17[%get3A_378, %get3A_379] {strides = array<i32>} : memref<192x128xf32, #tpu.memory_space<vmem>>, vector<16xf32>,
          %mul3A_381 = vector.broadcast %squeeze3A_361 : f32 to vector<16xf32>
          %mul3A_382 = arith.mulf %get3A_380, %mul3A_381 : vector<16xf32>
          %swap3A_383 = arith.index_cast %squeeze3A : i32 to index
          %swap3A_384 = arith.constant 32 : index
          %swap3A_385 = tpu.vector_load %arg5[%swap3A_383, %swap3A_384] {strides = array<i32>} : memref<320x128xf32, #tpu.memory_space<vmem>>, vector<16xf32>,
          tpu.vector_store %arg5[%swap3A_383, %swap3A_384], %mul3A_382 {add = true, strides = array<i32>} : memref<320x128xf32, #tpu.memory_space<vmem>>, vector<16xf32>,
          %get3A_386 = arith.index_cast %scan3A_354 : i32 to index
          %get3A_387 = arith.constant 48 : index
          %get3A_388 = tpu.vector_load %arg17[%get3A_386, %get3A_387] {strides = array<i32>} : memref<192x128xf32, #tpu.memory_space<vmem>>, vector<16xf32>,
          %mul3A_389 = vector.broadcast %squeeze3A_361 : f32 to vector<16xf32>
          %mul3A_390 = arith.mulf %get3A_388, %mul3A_389 : vector<16xf32>
          %swap3A_391 = arith.index_cast %squeeze3A : i32 to index
          %swap3A_392 = arith.constant 48 : index
          %swap3A_393 = tpu.vector_load %arg5[%swap3A_391, %swap3A_392] {strides = array<i32>} : memref<320x128xf32, #tpu.memory_space<vmem>>, vector<16xf32>,
          tpu.vector_store %arg5[%swap3A_391, %swap3A_392], %mul3A_390 {add = true, strides = array<i32>} : memref<320x128xf32, #tpu.memory_space<vmem>>, vector<16xf32>,
          %get3A_394 = arith.index_cast %scan3A_354 : i32 to index
          %get3A_395 = arith.constant 64 : index
          %get3A_396 = tpu.vector_load %arg17[%get3A_394, %get3A_395] {strides = array<i32>} : memref<192x128xf32, #tpu.memory_space<vmem>>, vector<16xf32>,
          %mul3A_397 = vector.broadcast %squeeze3A_361 : f32 to vector<16xf32>
          %mul3A_398 = arith.mulf %get3A_396, %mul3A_397 : vector<16xf32>
          %swap3A_399 = arith.index_cast %squeeze3A : i32 to index
          %swap3A_400 = arith.constant 64 : index
          %swap3A_401 = tpu.vector_load %arg5[%swap3A_399, %swap3A_400] {strides = array<i32>} : memref<320x128xf32, #tpu.memory_space<vmem>>, vector<16xf32>,
          tpu.vector_store %arg5[%swap3A_399, %swap3A_400], %mul3A_398 {add = true, strides = array<i32>} : memref<320x128xf32, #tpu.memory_space<vmem>>, vector<16xf32>,
          %get3A_402 = arith.index_cast %scan3A_354 : i32 to index
          %get3A_403 = arith.constant 80 : index
          %get3A_404 = tpu.vector_load %arg17[%get3A_402, %get3A_403] {strides = array<i32>} : memref<192x128xf32, #tpu.memory_space<vmem>>, vector<16xf32>,
          %mul3A_405 = vector.broadcast %squeeze3A_361 : f32 to vector<16xf32>
          %mul3A_406 = arith.mulf %get3A_404, %mul3A_405 : vector<16xf32>
          %swap3A_407 = arith.index_cast %squeeze3A : i32 to index
          %swap3A_408 = arith.constant 80 : index
          %swap3A_409 = tpu.vector_load %arg5[%swap3A_407, %swap3A_408] {strides = array<i32>} : memref<320x128xf32, #tpu.memory_space<vmem>>, vector<16xf32>,
          tpu.vector_store %arg5[%swap3A_407, %swap3A_408], %mul3A_406 {add = true, strides = array<i32>} : memref<320x128xf32, #tpu.memory_space<vmem>>, vector<16xf32>,
          %get3A_410 = arith.index_cast %scan3A_354 : i32 to index
          %get3A_411 = arith.constant 96 : index
          %get3A_412 = tpu.vector_load %arg17[%get3A_410, %get3A_411] {strides = array<i32>} : memref<192x128xf32, #tpu.memory_space<vmem>>, vector<16xf32>,
          %mul3A_413 = vector.broadcast %squeeze3A_361 : f32 to vector<16xf32>
          %mul3A_414 = arith.mulf %get3A_412, %mul3A_413 : vector<16xf32>
          %swap3A_415 = arith.index_cast %squeeze3A : i32 to index
          %swap3A_416 = arith.constant 96 : index
          %swap3A_417 = tpu.vector_load %arg5[%swap3A_415, %swap3A_416] {strides = array<i32>} : memref<320x128xf32, #tpu.memory_space<vmem>>, vector<16xf32>,
          tpu.vector_store %arg5[%swap3A_415, %swap3A_416], %mul3A_414 {add = true, strides = array<i32>} : memref<320x128xf32, #tpu.memory_space<vmem>>, vector<16xf32>,
          %get3A_418 = arith.index_cast %scan3A_354 : i32 to index
          %get3A_419 = arith.constant 112 : index
          %get3A_420 = tpu.vector_load %arg17[%get3A_418, %get3A_419] {strides = array<i32>} : memref<192x128xf32, #tpu.memory_space<vmem>>, vector<16xf32>,
          %mul3A_421 = vector.broadcast %squeeze3A_361 : f32 to vector<16xf32>
          %mul3A_422 = arith.mulf %get3A_420, %mul3A_421 : vector<16xf32>
          %swap3A_423 = arith.index_cast %squeeze3A : i32 to index
          %swap3A_424 = arith.constant 112 : index
          %swap3A_425 = tpu.vector_load %arg5[%swap3A_423, %swap3A_424] {strides = array<i32>} : memref<320x128xf32, #tpu.memory_space<vmem>>, vector<16xf32>,
          tpu.vector_store %arg5[%swap3A_423, %swap3A_424], %mul3A_422 {add = true, strides = array<i32>} : memref<320x128xf32, #tpu.memory_space<vmem>>, vector<16xf32>,
          %scan3A_426 = arith.constant 0 : i32
          scf.yield %scan3A_426 : i32
        }
        %scan3A_352 = arith.constant 16 : i32
        %while3A_353 = arith.constant 0 : i32
        scf.yield %while3A_353 : i32
      }
      %while3A_172 = arith.constant 1 : i32
      %while3A_173 = scf.for %while3A_302 = %while3A_169 to %while3A_165 step %while3A_172 iter_args(%while3A_303 = %while3A_171) -> (i32)  : i32 {
        %mul3A_304 = arith.constant 16 : i32
        %mul3A_305 = arith.muli %while3A_302, %mul3A_304 : i32
        %get3A = arith.index_cast %mul3A_305 : i32 to index
        %get3A_306 = tpu.vector_load %arg8[%get3A] {strides = array<i32>} : memref<4096xi32, #tpu.memory_space<vmem>>, vector<16xi32>,
        %mul3A_307 = arith.constant 16 : i32
        %mul3A_308 = arith.muli %while3A_302, %mul3A_307 : i32
        %add3A_309 = vector.broadcast %mul3A_308 : i32 to vector<16xi32>
        %add3A_310 = arith.addi %iota3A, %add3A_309 : vector<16xi32>
        %lt3A_311 = vector.broadcast %parallel_loop3A_77 : i32 to vector<16xi32>
        %lt3A_312 = arith.cmpi slt, %add3A_310, %lt3A_311 : vector<16xi32>
        %gather3A = tpu.vector_load_idx %arg6[%get3A_306] : memref<12288xi32, #tpu.memory_space<vmem>>[vector<16xi32>], vector<16xi32>,
        %swap3A = arith.constant 0 : index
        %swap3A_313 = tpu.vector_load %arg15[%swap3A] {strides = array<i32>} : memref<16xi32, #tpu.memory_space<vmem>>, vector<16xi32>,
        tpu.vector_store %arg15[%swap3A], %gather3A {strides = array<i32>} : memref<16xi32, #tpu.memory_space<vmem>>, vector<16xi32>,
        %add3A_314 = arith.constant 4096 : i32
        %add3A_315 = vector.broadcast %add3A_314 : i32 to vector<16xi32>
        %add3A_316 = arith.addi %get3A_306, %add3A_315 : vector<16xi32>
        %gather3A_317 = tpu.vector_load_idx %arg6[%add3A_316] : memref<12288xi32, #tpu.memory_space<vmem>>[vector<16xi32>], vector<16xi32>,
        %sub3A_318 = vector.broadcast %mul3A_2 : i32 to vector<16xi32>
        %sub3A_319 = arith.subi %gather3A_317, %sub3A_318 : vector<16xi32>
        %jit3A_320 = arith.constant 0 : i32
        %broadcast_in_dim3A_321 = vector.broadcast %jit3A_320 : i32 to vector<16xi32>
        %select_n3A_322 = arith.select %lt3A_312, %sub3A_319, %broadcast_in_dim3A_321 : vector<16xi1>, vector<16xi32>
        %swap3A_323 = arith.constant 0 : index
        %swap3A_324 = tpu.vector_load %arg12[%swap3A_323] {strides = array<i32>} : memref<208xi32, #tpu.memory_space<vmem>>, vector<16xi32>,
        tpu.vector_store %arg12[%swap3A_323], %select_n3A_322 {strides = array<i32>} : memref<208xi32, #tpu.memory_space<vmem>>, vector<16xi32>,
        %add3A_325 = arith.constant 8192 : i32
        %add3A_326 = vector.broadcast %add3A_325 : i32 to vector<16xi32>
        %add3A_327 = arith.addi %get3A_306, %add3A_326 : vector<16xi32>
        %gather3A_328 = tpu.vector_load_idx %arg6[%add3A_327] : memref<12288xi32, #tpu.memory_space<vmem>>[vector<16xi32>], vector<16xi32>,
        %bitcast3A = vector.bitcast %gather3A_328 : vector<16xi32> to vector<16xf32>
        %jit3A_329 = arith.constant 0.000000e+00 : f32
        %broadcast_in_dim3A_330 = vector.broadcast %jit3A_329 : f32 to vector<16xf32>
        %select_n3A_331 = arith.select %lt3A_312, %bitcast3A, %broadcast_in_dim3A_330 : vector<16xi1>, vector<16xf32>
        %swap3A_332 = arith.constant 0 : index
        %swap3A_333 = tpu.vector_load %arg14[%swap3A_332] {strides = array<i32>} : memref<208xf32, #tpu.memory_space<vmem>>, vector<16xf32>,
        tpu.vector_store %arg14[%swap3A_332], %select_n3A_331 {strides = array<i32>} : memref<208xf32, #tpu.memory_space<vmem>>, vector<16xf32>,
        %dma_start3A_334 = arith.constant 0 : i32
        %dma_start3A_335 = arith.constant 0 : i32
        %dma_start3A_336 = tpu.memref_slice %arg17[%dma_start3A_334, %dma_start3A_335] : memref<192x128xf32, #tpu.memory_space<vmem>> -> memref<16x128xf32, #tpu.memory_space<vmem>>
        %dma_start3A_337 = arith.constant 0 : i32
        %dma_start3A_338 = arith.constant 0 : i32
        %dma_start3A_339 = tpu.memref_slice %arg3[%dma_start3A_337, %dma_start3A_338] : memref<10240x128xf32, #tpu.memory_space<hbm>> -> memref<10240x128xf32, #tpu.memory_space<hbm>>
        tpu.enqueue_indirect_dma source(%dma_start3A_339 : memref<10240x128xf32, #tpu.memory_space<hbm>>) target(%dma_start3A_336 : memref<16x128xf32, #tpu.memory_space<vmem>>) offsets(%arg15 : memref<16xi32, #tpu.memory_space<vmem>>) semaphore(%arg21 : memref<!tpu.dma_semaphore, #tpu.memory_space<semaphore_mem>>)
        %dma_wait3A_340 = arith.constant 0 : i32
        %dma_wait3A_341 = arith.constant 0 : i32
        %dma_wait3A_342 = tpu.memref_slice %arg17[%dma_wait3A_340, %dma_wait3A_341] : memref<192x128xf32, #tpu.memory_space<vmem>> -> memref<16x128xf32, #tpu.memory_space<vmem>>
        %dma_wait3A_343 = arith.constant 0 : i32
        %dma_wait3A_344 = arith.constant 0 : i32
        %dma_wait3A_345 = tpu.memref_slice %arg3[%dma_wait3A_343, %dma_wait3A_344] : memref<10240x128xf32, #tpu.memory_space<hbm>> -> memref<10240x128xf32, #tpu.memory_space<hbm>>
        tpu.wait_indirect_dma semaphore(%arg21 : memref<!tpu.dma_semaphore, #tpu.memory_space<semaphore_mem>>) src(%dma_wait3A_345 : memref<10240x128xf32, #tpu.memory_space<hbm>>) dst(%dma_wait3A_342 : memref<16x128xf32, #tpu.memory_space<vmem>>)
        %scan3A_346 = arith.constant 0 : i32
        %scan3A_347 = arith.constant 0 : i32
        %scan3A_348 = arith.constant 16 : i32
        %scan3A_349 = arith.addi %scan3A_347, %scan3A_348 : i32
        %scan3A_350 = arith.constant 1 : i32
        %scan3A_351 = scf.for %scan3A_354 = %scan3A_347 to %scan3A_349 step %scan3A_350 iter_args(%scan3A_355 = %scan3A_346) -> (i32)  : i32 {
          %get3A_356 = arith.index_cast %scan3A_354 : i32 to index
          %get3A_357 = tpu.vector_load %arg12[%get3A_356] {strides = array<i32>} : memref<208xi32, #tpu.memory_space<vmem>>, vector<16xi32>,
          %slice3A = vector.extract_strided_slice %get3A_357 {offsets = [0], sizes = [1], strides = [1]} : vector<16xi32> to vector<1xi32>
          %squeeze3A = vector.extract %slice3A[0] : i32 from vector<1xi32>
          %get3A_358 = arith.index_cast %scan3A_354 : i32 to index
          %get3A_359 = tpu.vector_load %arg14[%get3A_358] {strides = array<i32>} : memref<208xf32, #tpu.memory_space<vmem>>, vector<16xf32>,
          %slice3A_360 = vector.extract_strided_slice %get3A_359 {offsets = [0], sizes = [1], strides = [1]} : vector<16xf32> to vector<1xf32>
          %squeeze3A_361 = vector.extract %slice3A_360[0] : f32 from vector<1xf32>
          %get3A_362 = arith.index_cast %scan3A_354 : i32 to index
          %get3A_363 = arith.constant 0 : index
          %get3A_364 = tpu.vector_load %arg17[%get3A_362, %get3A_363] {strides = array<i32>} : memref<192x128xf32, #tpu.memory_space<vmem>>, vector<16xf32>,
          %mul3A_365 = vector.broadcast %squeeze3A_361 : f32 to vector<16xf32>
          %mul3A_366 = arith.mulf %get3A_364, %mul3A_365 : vector<16xf32>
          %swap3A_367 = arith.index_cast %squeeze3A : i32 to index
          %swap3A_368 = arith.constant 0 : index
          %swap3A_369 = tpu.vector_load %arg5[%swap3A_367, %swap3A_368] {strides = array<i32>} : memref<320x128xf32, #tpu.memory_space<vmem>>, vector<16xf32>,
          tpu.vector_store %arg5[%swap3A_367, %swap3A_368], %mul3A_366 {add = true, strides = array<i32>} : memref<320x128xf32, #tpu.memory_space<vmem>>, vector<16xf32>,
          %get3A_370 = arith.index_cast %scan3A_354 : i32 to index
          %get3A_371 = arith.constant 16 : index
          %get3A_372 = tpu.vector_load %arg17[%get3A_370, %get3A_371] {strides = array<i32>} : memref<192x128xf32, #tpu.memory_space<vmem>>, vector<16xf32>,
          %mul3A_373 = vector.broadcast %squeeze3A_361 : f32 to vector<16xf32>
          %mul3A_374 = arith.mulf %get3A_372, %mul3A_373 : vector<16xf32>
          %swap3A_375 = arith.index_cast %squeeze3A : i32 to index
          %swap3A_376 = arith.constant 16 : index
          %swap3A_377 = tpu.vector_load %arg5[%swap3A_375, %swap3A_376] {strides = array<i32>} : memref<320x128xf32, #tpu.memory_space<vmem>>, vector<16xf32>,
          tpu.vector_store %arg5[%swap3A_375, %swap3A_376], %mul3A_374 {add = true, strides = array<i32>} : memref<320x128xf32, #tpu.memory_space<vmem>>, vector<16xf32>,
          %get3A_378 = arith.index_cast %scan3A_354 : i32 to index
          %get3A_379 = arith.constant 32 : index
          %get3A_380 = tpu.vector_load %arg17[%get3A_378, %get3A_379] {strides = array<i32>} : memref<192x128xf32, #tpu.memory_space<vmem>>, vector<16xf32>,
          %mul3A_381 = vector.broadcast %squeeze3A_361 : f32 to vector<16xf32>
          %mul3A_382 = arith.mulf %get3A_380, %mul3A_381 : vector<16xf32>
          %swap3A_383 = arith.index_cast %squeeze3A : i32 to index
          %swap3A_384 = arith.constant 32 : index
          %swap3A_385 = tpu.vector_load %arg5[%swap3A_383, %swap3A_384] {strides = array<i32>} : memref<320x128xf32, #tpu.memory_space<vmem>>, vector<16xf32>,
          tpu.vector_store %arg5[%swap3A_383, %swap3A_384], %mul3A_382 {add = true, strides = array<i32>} : memref<320x128xf32, #tpu.memory_space<vmem>>, vector<16xf32>,
          %get3A_386 = arith.index_cast %scan3A_354 : i32 to index
          %get3A_387 = arith.constant 48 : index
          %get3A_388 = tpu.vector_load %arg17[%get3A_386, %get3A_387] {strides = array<i32>} : memref<192x128xf32, #tpu.memory_space<vmem>>, vector<16xf32>,
          %mul3A_389 = vector.broadcast %squeeze3A_361 : f32 to vector<16xf32>
          %mul3A_390 = arith.mulf %get3A_388, %mul3A_389 : vector<16xf32>
          %swap3A_391 = arith.index_cast %squeeze3A : i32 to index
          %swap3A_392 = arith.constant 48 : index
          %swap3A_393 = tpu.vector_load %arg5[%swap3A_391, %swap3A_392] {strides = array<i32>} : memref<320x128xf32, #tpu.memory_space<vmem>>, vector<16xf32>,
          tpu.vector_store %arg5[%swap3A_391, %swap3A_392], %mul3A_390 {add = true, strides = array<i32>} : memref<320x128xf32, #tpu.memory_space<vmem>>, vector<16xf32>,
          %get3A_394 = arith.index_cast %scan3A_354 : i32 to index
          %get3A_395 = arith.constant 64 : index
          %get3A_396 = tpu.vector_load %arg17[%get3A_394, %get3A_395] {strides = array<i32>} : memref<192x128xf32, #tpu.memory_space<vmem>>, vector<16xf32>,
          %mul3A_397 = vector.broadcast %squeeze3A_361 : f32 to vector<16xf32>
          %mul3A_398 = arith.mulf %get3A_396, %mul3A_397 : vector<16xf32>
          %swap3A_399 = arith.index_cast %squeeze3A : i32 to index
          %swap3A_400 = arith.constant 64 : index
          %swap3A_401 = tpu.vector_load %arg5[%swap3A_399, %swap3A_400] {strides = array<i32>} : memref<320x128xf32, #tpu.memory_space<vmem>>, vector<16xf32>,
          tpu.vector_store %arg5[%swap3A_399, %swap3A_400], %mul3A_398 {add = true, strides = array<i32>} : memref<320x128xf32, #tpu.memory_space<vmem>>, vector<16xf32>,
          %get3A_402 = arith.index_cast %scan3A_354 : i32 to index
          %get3A_403 = arith.constant 80 : index
          %get3A_404 = tpu.vector_load %arg17[%get3A_402, %get3A_403] {strides = array<i32>} : memref<192x128xf32, #tpu.memory_space<vmem>>, vector<16xf32>,
          %mul3A_405 = vector.broadcast %squeeze3A_361 : f32 to vector<16xf32>
          %mul3A_406 = arith.mulf %get3A_404, %mul3A_405 : vector<16xf32>
          %swap3A_407 = arith.index_cast %squeeze3A : i32 to index
          %swap3A_408 = arith.constant 80 : index
          %swap3A_409 = tpu.vector_load %arg5[%swap3A_407, %swap3A_408] {strides = array<i32>} : memref<320x128xf32, #tpu.memory_space<vmem>>, vector<16xf32>,
          tpu.vector_store %arg5[%swap3A_407, %swap3A_408], %mul3A_406 {add = true, strides = array<i32>} : memref<320x128xf32, #tpu.memory_space<vmem>>, vector<16xf32>,
          %get3A_410 = arith.index_cast %scan3A_354 : i32 to index
          %get3A_411 = arith.constant 96 : index
          %get3A_412 = tpu.vector_load %arg17[%get3A_410, %get3A_411] {strides = array<i32>} : memref<192x128xf32, #tpu.memory_space<vmem>>, vector<16xf32>,
          %mul3A_413 = vector.broadcast %squeeze3A_361 : f32 to vector<16xf32>
          %mul3A_414 = arith.mulf %get3A_412, %mul3A_413 : vector<16xf32>
          %swap3A_415 = arith.index_cast %squeeze3A : i32 to index
          %swap3A_416 = arith.constant 96 : index
          %swap3A_417 = tpu.vector_load %arg5[%swap3A_415, %swap3A_416] {strides = array<i32>} : memref<320x128xf32, #tpu.memory_space<vmem>>, vector<16xf32>,
          tpu.vector_store %arg5[%swap3A_415, %swap3A_416], %mul3A_414 {add = true, strides = array<i32>} : memref<320x128xf32, #tpu.memory_space<vmem>>, vector<16xf32>,
          %get3A_418 = arith.index_cast %scan3A_354 : i32 to index
          %get3A_419 = arith.constant 112 : index
          %get3A_420 = tpu.vector_load %arg17[%get3A_418, %get3A_419] {strides = array<i32>} : memref<192x128xf32, #tpu.memory_space<vmem>>, vector<16xf32>,
          %mul3A_421 = vector.broadcast %squeeze3A_361 : f32 to vector<16xf32>
          %mul3A_422 = arith.mulf %get3A_420, %mul3A_421 : vector<16xf32>
          %swap3A_423 = arith.index_cast %squeeze3A : i32 to index
          %swap3A_424 = arith.constant 112 : index
          %swap3A_425 = tpu.vector_load %arg5[%swap3A_423, %swap3A_424] {strides = array<i32>} : memref<320x128xf32, #tpu.memory_space<vmem>>, vector<16xf32>,
          tpu.vector_store %arg5[%swap3A_423, %swap3A_424], %mul3A_422 {add = true, strides = array<i32>} : memref<320x128xf32, #tpu.memory_space<vmem>>, vector<16xf32>,
          %scan3A_426 = arith.constant 0 : i32
          scf.yield %scan3A_426 : i32
        }
        %scan3A_352 = arith.constant 16 : i32
        %while3A_353 = arith.constant 0 : i32
        scf.yield %while3A_353 : i32
      }
      %mul3A_174 = arith.constant 2 : i32
      %mul3A_175 = arith.muli %scan3A_58, %mul3A_174 : i32
      %add3A_176 = arith.constant 1 : i32
      %add3A_177 = arith.addi %mul3A_175, %add3A_176 : i32
      %add3A_178 = arith.constant 1 : i32
      %add3A_179 = arith.addi %add3A_177, %add3A_178 : i32
      %lt3A_180 = arith.constant 80 : i32
      %lt3A_181 = arith.cmpi slt, %add3A_179, %lt3A_180 : i32
      %convert_element_type3A_182 = arith.extui %lt3A_181 : i1 to i32
      %cond3A_183 = arith.constant 0 : i32
      %cond3A_184 = arith.cmpi ne, %convert_element_type3A_182, %cond3A_183 : i32
      scf.if %cond3A_184 {
        %add3A_302 = arith.constant 1 : i32
        %add3A_303 = arith.addi %add3A_177, %add3A_302 : i32
        %mul3A_304 = arith.constant 3 : i32
        %mul3A_305 = arith.muli %add3A_303, %mul3A_304 : i32
        %mul3A_306 = arith.constant 4096 : i32
        %mul3A_307 = arith.muli %mul3A_305, %mul3A_306 : i32
        %dma_start3A_308 = tpu.memref_slice %arg2[%mul3A_307] : memref<983040xi32, #tpu.memory_space<hbm>> -> memref<12288xi32, #tpu.memory_space<hbm>>
        %dma_start3A_309 = tpu.memref_slice %arg2[%mul3A_307] : memref<983040xi32, #tpu.memory_space<hbm>> -> memref<12288xi32, #tpu.memory_space<hbm>>
        tpu.enqueue_dma source(%dma_start3A_309 : memref<12288xi32, #tpu.memory_space<hbm>>) target(%arg6 : memref<12288xi32, #tpu.memory_space<vmem>>) target_semaphore(%arg18 : memref<!tpu.dma_semaphore, #tpu.memory_space<semaphore_mem>>)
      } else {
      }
      %mul3A_185 = arith.constant 3 : i32
      %mul3A_186 = arith.muli %add3A_177, %mul3A_185 : i32
      %mul3A_187 = arith.constant 4096 : i32
      %mul3A_188 = arith.muli %mul3A_186, %mul3A_187 : i32
      %dma_wait3A_189 = tpu.memref_slice %arg2[%mul3A_188] : memref<983040xi32, #tpu.memory_space<hbm>> -> memref<12288xi32, #tpu.memory_space<hbm>>
      %dma_wait3A_190 = tpu.memref_slice %arg2[%mul3A_188] : memref<983040xi32, #tpu.memory_space<hbm>> -> memref<12288xi32, #tpu.memory_space<hbm>>
      tpu.wait_dma2 semaphore(%arg19 : memref<!tpu.dma_semaphore, #tpu.memory_space<semaphore_mem>>) src(%dma_wait3A_190 : memref<12288xi32, #tpu.memory_space<hbm>>) dst(%arg7 : memref<12288xi32, #tpu.memory_space<vmem>>)
      %parallel_loop3A_191 = arith.constant 0 : i32
      %parallel_loop3A_192 = arith.constant 256 : i32
      %parallel_loop3A_193 = arith.constant 1 : i32
      %parallel_loop3A_194 = arith.constant 0 : i32
      %parallel_loop3A_195 = scf.for %parallel_loop3A_302 = %parallel_loop3A_191 to %parallel_loop3A_192 step %parallel_loop3A_193 iter_args(%parallel_loop3A_303 = %parallel_loop3A_194) -> (i32)  : i32 {
        %parallel_loop3A_304 = arith.constant 16 : i32
        %parallel_loop3A_305 = arith.muli %parallel_loop3A_302, %parallel_loop3A_304 : i32
        %parallel_loop3A_306 = arith.constant 4096 : i32
        %parallel_loop3A_307 = arith.addi %parallel_loop3A_306, %parallel_loop3A_305 : i32
        %parallel_loop3A_308 = arith.index_cast %parallel_loop3A_307 : i32 to index
        %parallel_loop3A_309 = tpu.vector_load %arg7[%parallel_loop3A_308] {strides = array<i32>} : memref<12288xi32, #tpu.memory_space<vmem>>, vector<16xi32>,
        %parallel_loop3A_310 = vector.broadcast %mul3A_2 : i32 to vector<16xi32>
        %parallel_loop3A_311 = arith.subi %parallel_loop3A_309, %parallel_loop3A_310 : vector<16xi32>
        %parallel_loop3A_312 = vector.bitcast %parallel_loop3A_311 : vector<16xi32> to vector<16xi32>
        %parallel_loop3A_313 = vector.broadcast %scan3A_36 : i32 to vector<16xi32>
        %parallel_loop3A_314 = arith.cmpi ult, %parallel_loop3A_312, %parallel_loop3A_313 : vector<16xi32>
        %parallel_loop3A_315 = arith.constant 16 : i32
        %parallel_loop3A_316 = arith.muli %parallel_loop3A_302, %parallel_loop3A_315 : i32
        %parallel_loop3A_317 = vector.broadcast %parallel_loop3A_316 : i32 to vector<16xi32>
        %parallel_loop3A_318 = arith.addi %iota3A, %parallel_loop3A_317 : vector<16xi32>
        %parallel_loop3A_319 = arith.index_cast %parallel_loop3A_303 : i32 to index
        %parallel_loop3A_320 = tpu.vector_load %arg8[%parallel_loop3A_319] masked %parallel_loop3A_314 {strides = array<i32>} : memref<4096xi32, #tpu.memory_space<vmem>>, vector<16xi32>, vector<16xi1>
        tpu.vector_store %arg8[%parallel_loop3A_319], %parallel_loop3A_318 masked %parallel_loop3A_314 {strides = array<i32>} : memref<4096xi32, #tpu.memory_space<vmem>>, vector<16xi32>, vector<16xi1>
        %parallel_loop3A_321 = tpu.all_reduce %parallel_loop3A_314 {dim = 0 : i64, kind = #tpu.reduction_kind<sum>} : vector<16xi1> -> vector<16xi32>
        %parallel_loop3A_322 = vector.extract_strided_slice %parallel_loop3A_321 {offsets = [0], sizes = [1], strides = [1]} : vector<16xi32> to vector<1xi32>
        %parallel_loop3A_323 = vector.extract %parallel_loop3A_322[0] : i32 from vector<1xi32>
        %parallel_loop3A_324 = arith.addi %parallel_loop3A_303, %parallel_loop3A_323 : i32
        scf.yield %parallel_loop3A_324 : i32
      } {sc.loop_unroll_factor = 8 : i64, sc.parallel_access}
      %add3A_196 = arith.constant 16 : i32
      %add3A_197 = arith.addi %parallel_loop3A_195, %add3A_196 : i32
      %sub3A_198 = arith.constant 1 : i32
      %sub3A_199 = arith.subi %add3A_197, %sub3A_198 : i32
      %jit3A_200 = arith.constant 16 : i32
      %div3A_201 = arith.divsi %sub3A_199, %jit3A_200 : i32
      %sign3A_202 = arith.constant 0 : i32
      %sign3A_203 = arith.cmpi sgt, %sub3A_199, %sign3A_202 : i32
      %sign3A_204 = arith.extui %sign3A_203 : i1 to i32
      %sign3A_205 = arith.constant 0 : i32
      %sign3A_206 = arith.cmpi slt, %sub3A_199, %sign3A_205 : i32
      %sign3A_207 = arith.extui %sign3A_206 : i1 to i32
      %sign3A_208 = arith.subi %sign3A_204, %sign3A_207 : i32
      %sign3A_209 = arith.constant 0 : i32
      %sign3A_210 = arith.cmpi sgt, %jit3A_200, %sign3A_209 : i32
      %sign3A_211 = arith.extui %sign3A_210 : i1 to i32
      %sign3A_212 = arith.constant 0 : i32
      %sign3A_213 = arith.cmpi slt, %jit3A_200, %sign3A_212 : i32
      %sign3A_214 = arith.extui %sign3A_213 : i1 to i32
      %sign3A_215 = arith.subi %sign3A_211, %sign3A_214 : i32
      %ne3A_216 = arith.cmpi ne, %sign3A_208, %sign3A_215 : i32
      %rem3A_217 = arith.remsi %sub3A_199, %jit3A_200 : i32
      %ne3A_218 = arith.constant 0 : i32
      %ne3A_219 = arith.cmpi ne, %rem3A_217, %ne3A_218 : i32
      %and3A_220 = arith.andi %ne3A_216, %ne3A_219 : i1
      %sub3A_221 = arith.constant 1 : i32
      %sub3A_222 = arith.subi %div3A_201, %sub3A_221 : i32
      %select_n3A_223 = arith.select %and3A_220, %sub3A_222, %div3A_201 : i32
      %parallel_loop3A_224 = arith.constant 0 : i32
      %parallel_loop3A_225 = arith.constant 12 : i32
      %parallel_loop3A_226 = arith.constant 1 : i32
      scf.for %parallel_loop3A_302 = %parallel_loop3A_224 to %parallel_loop3A_225 step %parallel_loop3A_226  : i32 {
        %parallel_loop3A_303 = arith.constant 16 : i32
        %parallel_loop3A_304 = arith.muli %parallel_loop3A_302, %parallel_loop3A_303 : i32
        %parallel_loop3A_305 = arith.index_cast %parallel_loop3A_304 : i32 to index
        %parallel_loop3A_306 = tpu.vector_load %arg8[%parallel_loop3A_305] {strides = array<i32>} : memref<4096xi32, #tpu.memory_space<vmem>>, vector<16xi32>,
        %parallel_loop3A_307 = vector.broadcast %parallel_loop3A_304 : i32 to vector<16xi32>
        %parallel_loop3A_308 = arith.addi %iota3A, %parallel_loop3A_307 : vector<16xi32>
        %parallel_loop3A_309 = vector.broadcast %parallel_loop3A_195 : i32 to vector<16xi32>
        %parallel_loop3A_310 = arith.cmpi slt, %parallel_loop3A_308, %parallel_loop3A_309 : vector<16xi32>
        %parallel_loop3A_311 = tpu.vector_load_idx %arg7[%parallel_loop3A_306] : memref<12288xi32, #tpu.memory_space<vmem>>[vector<16xi32>], vector<16xi32>,
        %parallel_loop3A_312 = arith.index_cast %parallel_loop3A_304 : i32 to index
        %parallel_loop3A_313 = tpu.vector_load %arg10[%parallel_loop3A_312] {strides = array<i32>} : memref<192xi32, #tpu.memory_space<vmem>>, vector<16xi32>,
        tpu.vector_store %arg10[%parallel_loop3A_312], %parallel_loop3A_311 {strides = array<i32>} : memref<192xi32, #tpu.memory_space<vmem>>, vector<16xi32>,
        %parallel_loop3A_314 = arith.constant 4096 : i32
        %parallel_loop3A_315 = vector.broadcast %parallel_loop3A_314 : i32 to vector<16xi32>
        %parallel_loop3A_316 = arith.addi %parallel_loop3A_306, %parallel_loop3A_315 : vector<16xi32>
        %parallel_loop3A_317 = tpu.vector_load_idx %arg7[%parallel_loop3A_316] : memref<12288xi32, #tpu.memory_space<vmem>>[vector<16xi32>], vector<16xi32>,
        %parallel_loop3A_318 = vector.broadcast %mul3A_2 : i32 to vector<16xi32>
        %parallel_loop3A_319 = arith.subi %parallel_loop3A_317, %parallel_loop3A_318 : vector<16xi32>
        %parallel_loop3A_320 = arith.constant 0 : i32
        %parallel_loop3A_321 = vector.broadcast %parallel_loop3A_320 : i32 to vector<16xi32>
        %parallel_loop3A_322 = arith.select %parallel_loop3A_310, %parallel_loop3A_319, %parallel_loop3A_321 : vector<16xi1>, vector<16xi32>
        %parallel_loop3A_323 = arith.index_cast %parallel_loop3A_304 : i32 to index
        %parallel_loop3A_324 = tpu.vector_load %arg12[%parallel_loop3A_323] {strides = array<i32>} : memref<208xi32, #tpu.memory_space<vmem>>, vector<16xi32>,
        tpu.vector_store %arg12[%parallel_loop3A_323], %parallel_loop3A_322 {strides = array<i32>} : memref<208xi32, #tpu.memory_space<vmem>>, vector<16xi32>,
        %parallel_loop3A_325 = arith.constant 8192 : i32
        %parallel_loop3A_326 = vector.broadcast %parallel_loop3A_325 : i32 to vector<16xi32>
        %parallel_loop3A_327 = arith.addi %parallel_loop3A_306, %parallel_loop3A_326 : vector<16xi32>
        %parallel_loop3A_328 = tpu.vector_load_idx %arg7[%parallel_loop3A_327] : memref<12288xi32, #tpu.memory_space<vmem>>[vector<16xi32>], vector<16xi32>,
        %parallel_loop3A_329 = vector.bitcast %parallel_loop3A_328 : vector<16xi32> to vector<16xf32>
        %parallel_loop3A_330 = arith.constant 0.000000e+00 : f32
        %parallel_loop3A_331 = vector.broadcast %parallel_loop3A_330 : f32 to vector<16xf32>
        %parallel_loop3A_332 = arith.select %parallel_loop3A_310, %parallel_loop3A_329, %parallel_loop3A_331 : vector<16xi1>, vector<16xf32>
        %parallel_loop3A_333 = arith.index_cast %parallel_loop3A_304 : i32 to index
        %parallel_loop3A_334 = tpu.vector_load %arg14[%parallel_loop3A_333] {strides = array<i32>} : memref<208xf32, #tpu.memory_space<vmem>>, vector<16xf32>,
        tpu.vector_store %arg14[%parallel_loop3A_333], %parallel_loop3A_332 {strides = array<i32>} : memref<208xf32, #tpu.memory_space<vmem>>, vector<16xf32>,
      } {sc.loop_unroll_factor = 2 : i64, sc.parallel_access}
      %add3A_227 = arith.constant 64 : i32
      %add3A_228 = arith.addi %parallel_loop3A_195, %add3A_227 : i32
      %sub3A_229 = arith.constant 1 : i32
      %sub3A_230 = arith.subi %add3A_228, %sub3A_229 : i32
      %jit3A_231 = arith.constant 64 : i32
      %div3A_232 = arith.divsi %sub3A_230, %jit3A_231 : i32
      %sign3A_233 = arith.constant 0 : i32
      %sign3A_234 = arith.cmpi sgt, %sub3A_230, %sign3A_233 : i32
      %sign3A_235 = arith.extui %sign3A_234 : i1 to i32
      %sign3A_236 = arith.constant 0 : i32
      %sign3A_237 = arith.cmpi slt, %sub3A_230, %sign3A_236 : i32
      %sign3A_238 = arith.extui %sign3A_237 : i1 to i32
      %sign3A_239 = arith.subi %sign3A_235, %sign3A_238 : i32
      %sign3A_240 = arith.constant 0 : i32
      %sign3A_241 = arith.cmpi sgt, %jit3A_231, %sign3A_240 : i32
      %sign3A_242 = arith.extui %sign3A_241 : i1 to i32
      %sign3A_243 = arith.constant 0 : i32
      %sign3A_244 = arith.cmpi slt, %jit3A_231, %sign3A_243 : i32
      %sign3A_245 = arith.extui %sign3A_244 : i1 to i32
      %sign3A_246 = arith.subi %sign3A_242, %sign3A_245 : i32
      %ne3A_247 = arith.cmpi ne, %sign3A_239, %sign3A_246 : i32
      %rem3A_248 = arith.remsi %sub3A_230, %jit3A_231 : i32
      %ne3A_249 = arith.constant 0 : i32
      %ne3A_250 = arith.cmpi ne, %rem3A_248, %ne3A_249 : i32
      %and3A_251 = arith.andi %ne3A_247, %ne3A_250 : i1
      %sub3A_252 = arith.constant 1 : i32
      %sub3A_253 = arith.subi %div3A_232, %sub3A_252 : i32
      %select_n3A_254 = arith.select %and3A_251, %sub3A_253, %div3A_232 : i32
      %min3A_255 = arith.constant 3 : i32
      %min3A_256 = arith.minsi %select_n3A_254, %min3A_255 : i32
      %gt3A_257 = arith.constant 0 : i32
      %gt3A_258 = arith.cmpi sgt, %min3A_256, %gt3A_257 : i32
      %convert_element_type3A_259 = arith.extui %gt3A_258 : i1 to i32
      %cond3A_260 = arith.constant 0 : i32
      %cond3A_261 = arith.cmpi ne, %convert_element_type3A_259, %cond3A_260 : i32
      scf.if %cond3A_261 {
        %dma_start3A_302 = arith.constant 0 : i32
        %dma_start3A_303 = arith.constant 0 : i32
        %dma_start3A_304 = tpu.memref_slice %arg17[%dma_start3A_302, %dma_start3A_303] : memref<192x128xf32, #tpu.memory_space<vmem>> -> memref<64x128xf32, #tpu.memory_space<vmem>>
        %dma_start3A_305 = arith.constant 0 : i32
        %dma_start3A_306 = tpu.memref_slice %arg10[%dma_start3A_305] : memref<192xi32, #tpu.memory_space<vmem>> -> memref<64xi32, #tpu.memory_space<vmem>>
        %dma_start3A_307 = arith.constant 0 : i32
        %dma_start3A_308 = arith.constant 0 : i32
        %dma_start3A_309 = tpu.memref_slice %arg3[%dma_start3A_307, %dma_start3A_308] : memref<10240x128xf32, #tpu.memory_space<hbm>> -> memref<10240x128xf32, #tpu.memory_space<hbm>>
        tpu.enqueue_indirect_dma source(%dma_start3A_309 : memref<10240x128xf32, #tpu.memory_space<hbm>>) target(%dma_start3A_304 : memref<64x128xf32, #tpu.memory_space<vmem>>) offsets(%dma_start3A_306 : memref<64xi32, #tpu.memory_space<vmem>>) semaphore(%arg21 : memref<!tpu.dma_semaphore, #tpu.memory_space<semaphore_mem>>)
      } else {
      }
      %gt3A_262 = arith.constant 1 : i32
      %gt3A_263 = arith.cmpi sgt, %min3A_256, %gt3A_262 : i32
      %convert_element_type3A_264 = arith.extui %gt3A_263 : i1 to i32
      %cond3A_265 = arith.constant 0 : i32
      %cond3A_266 = arith.cmpi ne, %convert_element_type3A_264, %cond3A_265 : i32
      scf.if %cond3A_266 {
        %dma_start3A_302 = arith.constant 64 : i32
        %dma_start3A_303 = arith.constant 0 : i32
        %dma_start3A_304 = tpu.memref_slice %arg17[%dma_start3A_302, %dma_start3A_303] : memref<192x128xf32, #tpu.memory_space<vmem>> -> memref<64x128xf32, #tpu.memory_space<vmem>>
        %dma_start3A_305 = arith.constant 64 : i32
        %dma_start3A_306 = tpu.memref_slice %arg10[%dma_start3A_305] : memref<192xi32, #tpu.memory_space<vmem>> -> memref<64xi32, #tpu.memory_space<vmem>>
        %dma_start3A_307 = arith.constant 0 : i32
        %dma_start3A_308 = arith.constant 0 : i32
        %dma_start3A_309 = tpu.memref_slice %arg3[%dma_start3A_307, %dma_start3A_308] : memref<10240x128xf32, #tpu.memory_space<hbm>> -> memref<10240x128xf32, #tpu.memory_space<hbm>>
        tpu.enqueue_indirect_dma source(%dma_start3A_309 : memref<10240x128xf32, #tpu.memory_space<hbm>>) target(%dma_start3A_304 : memref<64x128xf32, #tpu.memory_space<vmem>>) offsets(%dma_start3A_306 : memref<64xi32, #tpu.memory_space<vmem>>) semaphore(%arg21 : memref<!tpu.dma_semaphore, #tpu.memory_space<semaphore_mem>>)
      } else {
      }
      %gt3A_267 = arith.constant 2 : i32
      %gt3A_268 = arith.cmpi sgt, %min3A_256, %gt3A_267 : i32
      %convert_element_type3A_269 = arith.extui %gt3A_268 : i1 to i32
      %cond3A_270 = arith.constant 0 : i32
      %cond3A_271 = arith.cmpi ne, %convert_element_type3A_269, %cond3A_270 : i32
      scf.if %cond3A_271 {
        %dma_start3A_302 = arith.constant 128 : i32
        %dma_start3A_303 = arith.constant 0 : i32
        %dma_start3A_304 = tpu.memref_slice %arg17[%dma_start3A_302, %dma_start3A_303] : memref<192x128xf32, #tpu.memory_space<vmem>> -> memref<64x128xf32, #tpu.memory_space<vmem>>
        %dma_start3A_305 = arith.constant 128 : i32
        %dma_start3A_306 = tpu.memref_slice %arg10[%dma_start3A_305] : memref<192xi32, #tpu.memory_space<vmem>> -> memref<64xi32, #tpu.memory_space<vmem>>
        %dma_start3A_307 = arith.constant 0 : i32
        %dma_start3A_308 = arith.constant 0 : i32
        %dma_start3A_309 = tpu.memref_slice %arg3[%dma_start3A_307, %dma_start3A_308] : memref<10240x128xf32, #tpu.memory_space<hbm>> -> memref<10240x128xf32, #tpu.memory_space<hbm>>
        tpu.enqueue_indirect_dma source(%dma_start3A_309 : memref<10240x128xf32, #tpu.memory_space<hbm>>) target(%dma_start3A_304 : memref<64x128xf32, #tpu.memory_space<vmem>>) offsets(%dma_start3A_306 : memref<64xi32, #tpu.memory_space<vmem>>) semaphore(%arg21 : memref<!tpu.dma_semaphore, #tpu.memory_space<semaphore_mem>>)
      } else {
      }
      %gt3A_272 = arith.constant 0 : i32
      %gt3A_273 = arith.cmpi sgt, %min3A_129, %gt3A_272 : i32
      %convert_element_type3A_274 = arith.extui %gt3A_273 : i1 to i32
      %cond3A_275 = arith.constant 0 : i32
      %cond3A_276 = arith.cmpi ne, %convert_element_type3A_274, %cond3A_275 : i32
      scf.if %cond3A_276 {
        %dma_wait3A_302 = arith.constant 0 : i32
        %dma_wait3A_303 = arith.constant 0 : i32
        %dma_wait3A_304 = tpu.memref_slice %arg16[%dma_wait3A_302, %dma_wait3A_303] : memref<192x128xf32, #tpu.memory_space<vmem>> -> memref<64x128xf32, #tpu.memory_space<vmem>>
        %dma_wait3A_305 = arith.constant 0 : i32
        %dma_wait3A_306 = tpu.memref_slice %arg9[%dma_wait3A_305] : memref<192xi32, #tpu.memory_space<vmem>> -> memref<64xi32, #tpu.memory_space<vmem>>
        %dma_wait3A_307 = arith.constant 0 : i32
        %dma_wait3A_308 = arith.constant 0 : i32
        %dma_wait3A_309 = tpu.memref_slice %arg3[%dma_wait3A_307, %dma_wait3A_308] : memref<10240x128xf32, #tpu.memory_space<hbm>> -> memref<10240x128xf32, #tpu.memory_space<hbm>>
        tpu.wait_indirect_dma semaphore(%arg20 : memref<!tpu.dma_semaphore, #tpu.memory_space<semaphore_mem>>) src(%dma_wait3A_309 : memref<10240x128xf32, #tpu.memory_space<hbm>>) dst(%dma_wait3A_304 : memref<64x128xf32, #tpu.memory_space<vmem>>)
      } else {
      }
      %gt3A_277 = arith.constant 1 : i32
      %gt3A_278 = arith.cmpi sgt, %min3A_129, %gt3A_277 : i32
      %convert_element_type3A_279 = arith.extui %gt3A_278 : i1 to i32
      %cond3A_280 = arith.constant 0 : i32
      %cond3A_281 = arith.cmpi ne, %convert_element_type3A_279, %cond3A_280 : i32
      scf.if %cond3A_281 {
        %dma_wait3A_302 = arith.constant 64 : i32
        %dma_wait3A_303 = arith.constant 0 : i32
        %dma_wait3A_304 = tpu.memref_slice %arg16[%dma_wait3A_302, %dma_wait3A_303] : memref<192x128xf32, #tpu.memory_space<vmem>> -> memref<64x128xf32, #tpu.memory_space<vmem>>
        %dma_wait3A_305 = arith.constant 64 : i32
        %dma_wait3A_306 = tpu.memref_slice %arg9[%dma_wait3A_305] : memref<192xi32, #tpu.memory_space<vmem>> -> memref<64xi32, #tpu.memory_space<vmem>>
        %dma_wait3A_307 = arith.constant 0 : i32
        %dma_wait3A_308 = arith.constant 0 : i32
        %dma_wait3A_309 = tpu.memref_slice %arg3[%dma_wait3A_307, %dma_wait3A_308] : memref<10240x128xf32, #tpu.memory_space<hbm>> -> memref<10240x128xf32, #tpu.memory_space<hbm>>
        tpu.wait_indirect_dma semaphore(%arg20 : memref<!tpu.dma_semaphore, #tpu.memory_space<semaphore_mem>>) src(%dma_wait3A_309 : memref<10240x128xf32, #tpu.memory_space<hbm>>) dst(%dma_wait3A_304 : memref<64x128xf32, #tpu.memory_space<vmem>>)
      } else {
      }
      %gt3A_282 = arith.constant 2 : i32
      %gt3A_283 = arith.cmpi sgt, %min3A_129, %gt3A_282 : i32
      %convert_element_type3A_284 = arith.extui %gt3A_283 : i1 to i32
      %cond3A_285 = arith.constant 0 : i32
      %cond3A_286 = arith.cmpi ne, %convert_element_type3A_284, %cond3A_285 : i32
      scf.if %cond3A_286 {
        %dma_wait3A_302 = arith.constant 128 : i32
        %dma_wait3A_303 = arith.constant 0 : i32
        %dma_wait3A_304 = tpu.memref_slice %arg16[%dma_wait3A_302, %dma_wait3A_303] : memref<192x128xf32, #tpu.memory_space<vmem>> -> memref<64x128xf32, #tpu.memory_space<vmem>>
        %dma_wait3A_305 = arith.constant 128 : i32
        %dma_wait3A_306 = tpu.memref_slice %arg9[%dma_wait3A_305] : memref<192xi32, #tpu.memory_space<vmem>> -> memref<64xi32, #tpu.memory_space<vmem>>
        %dma_wait3A_307 = arith.constant 0 : i32
        %dma_wait3A_308 = arith.constant 0 : i32
        %dma_wait3A_309 = tpu.memref_slice %arg3[%dma_wait3A_307, %dma_wait3A_308] : memref<10240x128xf32, #tpu.memory_space<hbm>> -> memref<10240x128xf32, #tpu.memory_space<hbm>>
        tpu.wait_indirect_dma semaphore(%arg20 : memref<!tpu.dma_semaphore, #tpu.memory_space<semaphore_mem>>) src(%dma_wait3A_309 : memref<10240x128xf32, #tpu.memory_space<hbm>>) dst(%dma_wait3A_304 : memref<64x128xf32, #tpu.memory_space<vmem>>)
      } else {
      }
      %parallel_loop3A_287 = arith.constant 0 : i32
      %parallel_loop3A_288 = arith.constant 192 : i32
      %parallel_loop3A_289 = arith.constant 1 : i32
      scf.for %parallel_loop3A_302 = %parallel_loop3A_287 to %parallel_loop3A_288 step %parallel_loop3A_289  : i32 {
        %parallel_loop3A_303 = arith.index_cast %parallel_loop3A_302 : i32 to index
        %parallel_loop3A_304 = tpu.vector_load %arg11[%parallel_loop3A_303] {strides = array<i32>} : memref<208xi32, #tpu.memory_space<vmem>>, vector<16xi32>,
        %parallel_loop3A_305 = vector.extract_strided_slice %parallel_loop3A_304 {offsets = [0], sizes = [1], strides = [1]} : vector<16xi32> to vector<1xi32>
        %parallel_loop3A_306 = vector.extract %parallel_loop3A_305[0] : i32 from vector<1xi32>
        %parallel_loop3A_307 = arith.index_cast %parallel_loop3A_302 : i32 to index
        %parallel_loop3A_308 = tpu.vector_load %arg13[%parallel_loop3A_307] {strides = array<i32>} : memref<208xf32, #tpu.memory_space<vmem>>, vector<16xf32>,
        %parallel_loop3A_309 = vector.extract_strided_slice %parallel_loop3A_308 {offsets = [0], sizes = [1], strides = [1]} : vector<16xf32> to vector<1xf32>
        %parallel_loop3A_310 = vector.extract %parallel_loop3A_309[0] : f32 from vector<1xf32>
        %parallel_loop3A_311 = arith.index_cast %parallel_loop3A_302 : i32 to index
        %parallel_loop3A_312 = arith.constant 0 : index
        %parallel_loop3A_313 = tpu.vector_load %arg16[%parallel_loop3A_311, %parallel_loop3A_312] {strides = array<i32>} : memref<192x128xf32, #tpu.memory_space<vmem>>, vector<16xf32>,
        %parallel_loop3A_314 = vector.broadcast %parallel_loop3A_310 : f32 to vector<16xf32>
        %parallel_loop3A_315 = arith.mulf %parallel_loop3A_313, %parallel_loop3A_314 : vector<16xf32>
        %parallel_loop3A_316 = arith.index_cast %parallel_loop3A_306 : i32 to index
        %parallel_loop3A_317 = arith.constant 0 : index
        %parallel_loop3A_318 = tpu.vector_load %arg5[%parallel_loop3A_316, %parallel_loop3A_317] {strides = array<i32>} : memref<320x128xf32, #tpu.memory_space<vmem>>, vector<16xf32>,
        tpu.vector_store %arg5[%parallel_loop3A_316, %parallel_loop3A_317], %parallel_loop3A_315 {add = true, strides = array<i32>} : memref<320x128xf32, #tpu.memory_space<vmem>>, vector<16xf32>,
        %parallel_loop3A_319 = arith.index_cast %parallel_loop3A_302 : i32 to index
        %parallel_loop3A_320 = arith.constant 16 : index
        %parallel_loop3A_321 = tpu.vector_load %arg16[%parallel_loop3A_319, %parallel_loop3A_320] {strides = array<i32>} : memref<192x128xf32, #tpu.memory_space<vmem>>, vector<16xf32>,
        %parallel_loop3A_322 = vector.broadcast %parallel_loop3A_310 : f32 to vector<16xf32>
        %parallel_loop3A_323 = arith.mulf %parallel_loop3A_321, %parallel_loop3A_322 : vector<16xf32>
        %parallel_loop3A_324 = arith.index_cast %parallel_loop3A_306 : i32 to index
        %parallel_loop3A_325 = arith.constant 16 : index
        %parallel_loop3A_326 = tpu.vector_load %arg5[%parallel_loop3A_324, %parallel_loop3A_325] {strides = array<i32>} : memref<320x128xf32, #tpu.memory_space<vmem>>, vector<16xf32>,
        tpu.vector_store %arg5[%parallel_loop3A_324, %parallel_loop3A_325], %parallel_loop3A_323 {add = true, strides = array<i32>} : memref<320x128xf32, #tpu.memory_space<vmem>>, vector<16xf32>,
        %parallel_loop3A_327 = arith.index_cast %parallel_loop3A_302 : i32 to index
        %parallel_loop3A_328 = arith.constant 32 : index
        %parallel_loop3A_329 = tpu.vector_load %arg16[%parallel_loop3A_327, %parallel_loop3A_328] {strides = array<i32>} : memref<192x128xf32, #tpu.memory_space<vmem>>, vector<16xf32>,
        %parallel_loop3A_330 = vector.broadcast %parallel_loop3A_310 : f32 to vector<16xf32>
        %parallel_loop3A_331 = arith.mulf %parallel_loop3A_329, %parallel_loop3A_330 : vector<16xf32>
        %parallel_loop3A_332 = arith.index_cast %parallel_loop3A_306 : i32 to index
        %parallel_loop3A_333 = arith.constant 32 : index
        %parallel_loop3A_334 = tpu.vector_load %arg5[%parallel_loop3A_332, %parallel_loop3A_333] {strides = array<i32>} : memref<320x128xf32, #tpu.memory_space<vmem>>, vector<16xf32>,
        tpu.vector_store %arg5[%parallel_loop3A_332, %parallel_loop3A_333], %parallel_loop3A_331 {add = true, strides = array<i32>} : memref<320x128xf32, #tpu.memory_space<vmem>>, vector<16xf32>,
        %parallel_loop3A_335 = arith.index_cast %parallel_loop3A_302 : i32 to index
        %parallel_loop3A_336 = arith.constant 48 : index
        %parallel_loop3A_337 = tpu.vector_load %arg16[%parallel_loop3A_335, %parallel_loop3A_336] {strides = array<i32>} : memref<192x128xf32, #tpu.memory_space<vmem>>, vector<16xf32>,
        %parallel_loop3A_338 = vector.broadcast %parallel_loop3A_310 : f32 to vector<16xf32>
        %parallel_loop3A_339 = arith.mulf %parallel_loop3A_337, %parallel_loop3A_338 : vector<16xf32>
        %parallel_loop3A_340 = arith.index_cast %parallel_loop3A_306 : i32 to index
        %parallel_loop3A_341 = arith.constant 48 : index
        %parallel_loop3A_342 = tpu.vector_load %arg5[%parallel_loop3A_340, %parallel_loop3A_341] {strides = array<i32>} : memref<320x128xf32, #tpu.memory_space<vmem>>, vector<16xf32>,
        tpu.vector_store %arg5[%parallel_loop3A_340, %parallel_loop3A_341], %parallel_loop3A_339 {add = true, strides = array<i32>} : memref<320x128xf32, #tpu.memory_space<vmem>>, vector<16xf32>,
        %parallel_loop3A_343 = arith.index_cast %parallel_loop3A_302 : i32 to index
        %parallel_loop3A_344 = arith.constant 64 : index
        %parallel_loop3A_345 = tpu.vector_load %arg16[%parallel_loop3A_343, %parallel_loop3A_344] {strides = array<i32>} : memref<192x128xf32, #tpu.memory_space<vmem>>, vector<16xf32>,
        %parallel_loop3A_346 = vector.broadcast %parallel_loop3A_310 : f32 to vector<16xf32>
        %parallel_loop3A_347 = arith.mulf %parallel_loop3A_345, %parallel_loop3A_346 : vector<16xf32>
        %parallel_loop3A_348 = arith.index_cast %parallel_loop3A_306 : i32 to index
        %parallel_loop3A_349 = arith.constant 64 : index
        %parallel_loop3A_350 = tpu.vector_load %arg5[%parallel_loop3A_348, %parallel_loop3A_349] {strides = array<i32>} : memref<320x128xf32, #tpu.memory_space<vmem>>, vector<16xf32>,
        tpu.vector_store %arg5[%parallel_loop3A_348, %parallel_loop3A_349], %parallel_loop3A_347 {add = true, strides = array<i32>} : memref<320x128xf32, #tpu.memory_space<vmem>>, vector<16xf32>,
        %parallel_loop3A_351 = arith.index_cast %parallel_loop3A_302 : i32 to index
        %parallel_loop3A_352 = arith.constant 80 : index
        %parallel_loop3A_353 = tpu.vector_load %arg16[%parallel_loop3A_351, %parallel_loop3A_352] {strides = array<i32>} : memref<192x128xf32, #tpu.memory_space<vmem>>, vector<16xf32>,
        %parallel_loop3A_354 = vector.broadcast %parallel_loop3A_310 : f32 to vector<16xf32>
        %parallel_loop3A_355 = arith.mulf %parallel_loop3A_353, %parallel_loop3A_354 : vector<16xf32>
        %parallel_loop3A_356 = arith.index_cast %parallel_loop3A_306 : i32 to index
        %parallel_loop3A_357 = arith.constant 80 : index
        %parallel_loop3A_358 = tpu.vector_load %arg5[%parallel_loop3A_356, %parallel_loop3A_357] {strides = array<i32>} : memref<320x128xf32, #tpu.memory_space<vmem>>, vector<16xf32>,
        tpu.vector_store %arg5[%parallel_loop3A_356, %parallel_loop3A_357], %parallel_loop3A_355 {add = true, strides = array<i32>} : memref<320x128xf32, #tpu.memory_space<vmem>>, vector<16xf32>,
        %parallel_loop3A_359 = arith.index_cast %parallel_loop3A_302 : i32 to index
        %parallel_loop3A_360 = arith.constant 96 : index
        %parallel_loop3A_361 = tpu.vector_load %arg16[%parallel_loop3A_359, %parallel_loop3A_360] {strides = array<i32>} : memref<192x128xf32, #tpu.memory_space<vmem>>, vector<16xf32>,
        %parallel_loop3A_362 = vector.broadcast %parallel_loop3A_310 : f32 to vector<16xf32>
        %parallel_loop3A_363 = arith.mulf %parallel_loop3A_361, %parallel_loop3A_362 : vector<16xf32>
        %parallel_loop3A_364 = arith.index_cast %parallel_loop3A_306 : i32 to index
        %parallel_loop3A_365 = arith.constant 96 : index
        %parallel_loop3A_366 = tpu.vector_load %arg5[%parallel_loop3A_364, %parallel_loop3A_365] {strides = array<i32>} : memref<320x128xf32, #tpu.memory_space<vmem>>, vector<16xf32>,
        tpu.vector_store %arg5[%parallel_loop3A_364, %parallel_loop3A_365], %parallel_loop3A_363 {add = true, strides = array<i32>} : memref<320x128xf32, #tpu.memory_space<vmem>>, vector<16xf32>,
        %parallel_loop3A_367 = arith.index_cast %parallel_loop3A_302 : i32 to index
        %parallel_loop3A_368 = arith.constant 112 : index
        %parallel_loop3A_369 = tpu.vector_load %arg16[%parallel_loop3A_367, %parallel_loop3A_368] {strides = array<i32>} : memref<192x128xf32, #tpu.memory_space<vmem>>, vector<16xf32>,
        %parallel_loop3A_370 = vector.broadcast %parallel_loop3A_310 : f32 to vector<16xf32>
        %parallel_loop3A_371 = arith.mulf %parallel_loop3A_369, %parallel_loop3A_370 : vector<16xf32>
        %parallel_loop3A_372 = arith.index_cast %parallel_loop3A_306 : i32 to index
        %parallel_loop3A_373 = arith.constant 112 : index
        %parallel_loop3A_374 = tpu.vector_load %arg5[%parallel_loop3A_372, %parallel_loop3A_373] {strides = array<i32>} : memref<320x128xf32, #tpu.memory_space<vmem>>, vector<16xf32>,
        tpu.vector_store %arg5[%parallel_loop3A_372, %parallel_loop3A_373], %parallel_loop3A_371 {add = true, strides = array<i32>} : memref<320x128xf32, #tpu.memory_space<vmem>>, vector<16xf32>,
      } {sc.loop_unroll_factor = 4 : i64, sc.parallel_access}
      %while3A_290 = arith.constant 12 : i32
      %while3A_291 = arith.constant 0 : i32
      %while3A_292 = arith.subi %select_n3A_223, %while3A_290 : i32
      %while3A_293 = arith.addi %while3A_290, %while3A_292 : i32
      %while3A_294 = arith.constant 1 : i32
      %while3A_295 = arith.divsi %while3A_292, %while3A_294 : i32
      %while3A_296 = arith.muli %while3A_295, %while3A_294 : i32
      %while3A_297 = arith.addi %while3A_290, %while3A_296 : i32
      %while3A_298 = arith.constant 1 : i32
      %while3A_299 = scf.for %while3A_302 = %while3A_290 to %while3A_297 step %while3A_298 iter_args(%while3A_303 = %while3A_291) -> (i32)  : i32 {
        %mul3A_304 = arith.constant 16 : i32
        %mul3A_305 = arith.muli %while3A_302, %mul3A_304 : i32
        %get3A = arith.index_cast %mul3A_305 : i32 to index
        %get3A_306 = tpu.vector_load %arg8[%get3A] {strides = array<i32>} : memref<4096xi32, #tpu.memory_space<vmem>>, vector<16xi32>,
        %mul3A_307 = arith.constant 16 : i32
        %mul3A_308 = arith.muli %while3A_302, %mul3A_307 : i32
        %add3A_309 = vector.broadcast %mul3A_308 : i32 to vector<16xi32>
        %add3A_310 = arith.addi %iota3A, %add3A_309 : vector<16xi32>
        %lt3A_311 = vector.broadcast %parallel_loop3A_195 : i32 to vector<16xi32>
        %lt3A_312 = arith.cmpi slt, %add3A_310, %lt3A_311 : vector<16xi32>
        %gather3A = tpu.vector_load_idx %arg7[%get3A_306] : memref<12288xi32, #tpu.memory_space<vmem>>[vector<16xi32>], vector<16xi32>,
        %swap3A = arith.constant 0 : index
        %swap3A_313 = tpu.vector_load %arg15[%swap3A] {strides = array<i32>} : memref<16xi32, #tpu.memory_space<vmem>>, vector<16xi32>,
        tpu.vector_store %arg15[%swap3A], %gather3A {strides = array<i32>} : memref<16xi32, #tpu.memory_space<vmem>>, vector<16xi32>,
        %add3A_314 = arith.constant 4096 : i32
        %add3A_315 = vector.broadcast %add3A_314 : i32 to vector<16xi32>
        %add3A_316 = arith.addi %get3A_306, %add3A_315 : vector<16xi32>
        %gather3A_317 = tpu.vector_load_idx %arg7[%add3A_316] : memref<12288xi32, #tpu.memory_space<vmem>>[vector<16xi32>], vector<16xi32>,
        %sub3A_318 = vector.broadcast %mul3A_2 : i32 to vector<16xi32>
        %sub3A_319 = arith.subi %gather3A_317, %sub3A_318 : vector<16xi32>
        %jit3A_320 = arith.constant 0 : i32
        %broadcast_in_dim3A_321 = vector.broadcast %jit3A_320 : i32 to vector<16xi32>
        %select_n3A_322 = arith.select %lt3A_312, %sub3A_319, %broadcast_in_dim3A_321 : vector<16xi1>, vector<16xi32>
        %swap3A_323 = arith.constant 0 : index
        %swap3A_324 = tpu.vector_load %arg11[%swap3A_323] {strides = array<i32>} : memref<208xi32, #tpu.memory_space<vmem>>, vector<16xi32>,
        tpu.vector_store %arg11[%swap3A_323], %select_n3A_322 {strides = array<i32>} : memref<208xi32, #tpu.memory_space<vmem>>, vector<16xi32>,
        %add3A_325 = arith.constant 8192 : i32
        %add3A_326 = vector.broadcast %add3A_325 : i32 to vector<16xi32>
        %add3A_327 = arith.addi %get3A_306, %add3A_326 : vector<16xi32>
        %gather3A_328 = tpu.vector_load_idx %arg7[%add3A_327] : memref<12288xi32, #tpu.memory_space<vmem>>[vector<16xi32>], vector<16xi32>,
        %bitcast3A = vector.bitcast %gather3A_328 : vector<16xi32> to vector<16xf32>
        %jit3A_329 = arith.constant 0.000000e+00 : f32
        %broadcast_in_dim3A_330 = vector.broadcast %jit3A_329 : f32 to vector<16xf32>
        %select_n3A_331 = arith.select %lt3A_312, %bitcast3A, %broadcast_in_dim3A_330 : vector<16xi1>, vector<16xf32>
        %swap3A_332 = arith.constant 0 : index
        %swap3A_333 = tpu.vector_load %arg13[%swap3A_332] {strides = array<i32>} : memref<208xf32, #tpu.memory_space<vmem>>, vector<16xf32>,
        tpu.vector_store %arg13[%swap3A_332], %select_n3A_331 {strides = array<i32>} : memref<208xf32, #tpu.memory_space<vmem>>, vector<16xf32>,
        %dma_start3A_334 = arith.constant 0 : i32
        %dma_start3A_335 = arith.constant 0 : i32
        %dma_start3A_336 = tpu.memref_slice %arg16[%dma_start3A_334, %dma_start3A_335] : memref<192x128xf32, #tpu.memory_space<vmem>> -> memref<16x128xf32, #tpu.memory_space<vmem>>
        %dma_start3A_337 = arith.constant 0 : i32
        %dma_start3A_338 = arith.constant 0 : i32
        %dma_start3A_339 = tpu.memref_slice %arg3[%dma_start3A_337, %dma_start3A_338] : memref<10240x128xf32, #tpu.memory_space<hbm>> -> memref<10240x128xf32, #tpu.memory_space<hbm>>
        tpu.enqueue_indirect_dma source(%dma_start3A_339 : memref<10240x128xf32, #tpu.memory_space<hbm>>) target(%dma_start3A_336 : memref<16x128xf32, #tpu.memory_space<vmem>>) offsets(%arg15 : memref<16xi32, #tpu.memory_space<vmem>>) semaphore(%arg20 : memref<!tpu.dma_semaphore, #tpu.memory_space<semaphore_mem>>)
        %dma_wait3A_340 = arith.constant 0 : i32
        %dma_wait3A_341 = arith.constant 0 : i32
        %dma_wait3A_342 = tpu.memref_slice %arg16[%dma_wait3A_340, %dma_wait3A_341] : memref<192x128xf32, #tpu.memory_space<vmem>> -> memref<16x128xf32, #tpu.memory_space<vmem>>
        %dma_wait3A_343 = arith.constant 0 : i32
        %dma_wait3A_344 = arith.constant 0 : i32
        %dma_wait3A_345 = tpu.memref_slice %arg3[%dma_wait3A_343, %dma_wait3A_344] : memref<10240x128xf32, #tpu.memory_space<hbm>> -> memref<10240x128xf32, #tpu.memory_space<hbm>>
        tpu.wait_indirect_dma semaphore(%arg20 : memref<!tpu.dma_semaphore, #tpu.memory_space<semaphore_mem>>) src(%dma_wait3A_345 : memref<10240x128xf32, #tpu.memory_space<hbm>>) dst(%dma_wait3A_342 : memref<16x128xf32, #tpu.memory_space<vmem>>)
        %scan3A_346 = arith.constant 0 : i32
        %scan3A_347 = arith.constant 0 : i32
        %scan3A_348 = arith.constant 16 : i32
        %scan3A_349 = arith.addi %scan3A_347, %scan3A_348 : i32
        %scan3A_350 = arith.constant 1 : i32
        %scan3A_351 = scf.for %scan3A_354 = %scan3A_347 to %scan3A_349 step %scan3A_350 iter_args(%scan3A_355 = %scan3A_346) -> (i32)  : i32 {
          %get3A_356 = arith.index_cast %scan3A_354 : i32 to index
          %get3A_357 = tpu.vector_load %arg11[%get3A_356] {strides = array<i32>} : memref<208xi32, #tpu.memory_space<vmem>>, vector<16xi32>,
          %slice3A = vector.extract_strided_slice %get3A_357 {offsets = [0], sizes = [1], strides = [1]} : vector<16xi32> to vector<1xi32>
          %squeeze3A = vector.extract %slice3A[0] : i32 from vector<1xi32>
          %get3A_358 = arith.index_cast %scan3A_354 : i32 to index
          %get3A_359 = tpu.vector_load %arg13[%get3A_358] {strides = array<i32>} : memref<208xf32, #tpu.memory_space<vmem>>, vector<16xf32>,
          %slice3A_360 = vector.extract_strided_slice %get3A_359 {offsets = [0], sizes = [1], strides = [1]} : vector<16xf32> to vector<1xf32>
          %squeeze3A_361 = vector.extract %slice3A_360[0] : f32 from vector<1xf32>
          %get3A_362 = arith.index_cast %scan3A_354 : i32 to index
          %get3A_363 = arith.constant 0 : index
          %get3A_364 = tpu.vector_load %arg16[%get3A_362, %get3A_363] {strides = array<i32>} : memref<192x128xf32, #tpu.memory_space<vmem>>, vector<16xf32>,
          %mul3A_365 = vector.broadcast %squeeze3A_361 : f32 to vector<16xf32>
          %mul3A_366 = arith.mulf %get3A_364, %mul3A_365 : vector<16xf32>
          %swap3A_367 = arith.index_cast %squeeze3A : i32 to index
          %swap3A_368 = arith.constant 0 : index
          %swap3A_369 = tpu.vector_load %arg5[%swap3A_367, %swap3A_368] {strides = array<i32>} : memref<320x128xf32, #tpu.memory_space<vmem>>, vector<16xf32>,
          tpu.vector_store %arg5[%swap3A_367, %swap3A_368], %mul3A_366 {add = true, strides = array<i32>} : memref<320x128xf32, #tpu.memory_space<vmem>>, vector<16xf32>,
          %get3A_370 = arith.index_cast %scan3A_354 : i32 to index
          %get3A_371 = arith.constant 16 : index
          %get3A_372 = tpu.vector_load %arg16[%get3A_370, %get3A_371] {strides = array<i32>} : memref<192x128xf32, #tpu.memory_space<vmem>>, vector<16xf32>,
          %mul3A_373 = vector.broadcast %squeeze3A_361 : f32 to vector<16xf32>
          %mul3A_374 = arith.mulf %get3A_372, %mul3A_373 : vector<16xf32>
          %swap3A_375 = arith.index_cast %squeeze3A : i32 to index
          %swap3A_376 = arith.constant 16 : index
          %swap3A_377 = tpu.vector_load %arg5[%swap3A_375, %swap3A_376] {strides = array<i32>} : memref<320x128xf32, #tpu.memory_space<vmem>>, vector<16xf32>,
          tpu.vector_store %arg5[%swap3A_375, %swap3A_376], %mul3A_374 {add = true, strides = array<i32>} : memref<320x128xf32, #tpu.memory_space<vmem>>, vector<16xf32>,
          %get3A_378 = arith.index_cast %scan3A_354 : i32 to index
          %get3A_379 = arith.constant 32 : index
          %get3A_380 = tpu.vector_load %arg16[%get3A_378, %get3A_379] {strides = array<i32>} : memref<192x128xf32, #tpu.memory_space<vmem>>, vector<16xf32>,
          %mul3A_381 = vector.broadcast %squeeze3A_361 : f32 to vector<16xf32>
          %mul3A_382 = arith.mulf %get3A_380, %mul3A_381 : vector<16xf32>
          %swap3A_383 = arith.index_cast %squeeze3A : i32 to index
          %swap3A_384 = arith.constant 32 : index
          %swap3A_385 = tpu.vector_load %arg5[%swap3A_383, %swap3A_384] {strides = array<i32>} : memref<320x128xf32, #tpu.memory_space<vmem>>, vector<16xf32>,
          tpu.vector_store %arg5[%swap3A_383, %swap3A_384], %mul3A_382 {add = true, strides = array<i32>} : memref<320x128xf32, #tpu.memory_space<vmem>>, vector<16xf32>,
          %get3A_386 = arith.index_cast %scan3A_354 : i32 to index
          %get3A_387 = arith.constant 48 : index
          %get3A_388 = tpu.vector_load %arg16[%get3A_386, %get3A_387] {strides = array<i32>} : memref<192x128xf32, #tpu.memory_space<vmem>>, vector<16xf32>,
          %mul3A_389 = vector.broadcast %squeeze3A_361 : f32 to vector<16xf32>
          %mul3A_390 = arith.mulf %get3A_388, %mul3A_389 : vector<16xf32>
          %swap3A_391 = arith.index_cast %squeeze3A : i32 to index
          %swap3A_392 = arith.constant 48 : index
          %swap3A_393 = tpu.vector_load %arg5[%swap3A_391, %swap3A_392] {strides = array<i32>} : memref<320x128xf32, #tpu.memory_space<vmem>>, vector<16xf32>,
          tpu.vector_store %arg5[%swap3A_391, %swap3A_392], %mul3A_390 {add = true, strides = array<i32>} : memref<320x128xf32, #tpu.memory_space<vmem>>, vector<16xf32>,
          %get3A_394 = arith.index_cast %scan3A_354 : i32 to index
          %get3A_395 = arith.constant 64 : index
          %get3A_396 = tpu.vector_load %arg16[%get3A_394, %get3A_395] {strides = array<i32>} : memref<192x128xf32, #tpu.memory_space<vmem>>, vector<16xf32>,
          %mul3A_397 = vector.broadcast %squeeze3A_361 : f32 to vector<16xf32>
          %mul3A_398 = arith.mulf %get3A_396, %mul3A_397 : vector<16xf32>
          %swap3A_399 = arith.index_cast %squeeze3A : i32 to index
          %swap3A_400 = arith.constant 64 : index
          %swap3A_401 = tpu.vector_load %arg5[%swap3A_399, %swap3A_400] {strides = array<i32>} : memref<320x128xf32, #tpu.memory_space<vmem>>, vector<16xf32>,
          tpu.vector_store %arg5[%swap3A_399, %swap3A_400], %mul3A_398 {add = true, strides = array<i32>} : memref<320x128xf32, #tpu.memory_space<vmem>>, vector<16xf32>,
          %get3A_402 = arith.index_cast %scan3A_354 : i32 to index
          %get3A_403 = arith.constant 80 : index
          %get3A_404 = tpu.vector_load %arg16[%get3A_402, %get3A_403] {strides = array<i32>} : memref<192x128xf32, #tpu.memory_space<vmem>>, vector<16xf32>,
          %mul3A_405 = vector.broadcast %squeeze3A_361 : f32 to vector<16xf32>
          %mul3A_406 = arith.mulf %get3A_404, %mul3A_405 : vector<16xf32>
          %swap3A_407 = arith.index_cast %squeeze3A : i32 to index
          %swap3A_408 = arith.constant 80 : index
          %swap3A_409 = tpu.vector_load %arg5[%swap3A_407, %swap3A_408] {strides = array<i32>} : memref<320x128xf32, #tpu.memory_space<vmem>>, vector<16xf32>,
          tpu.vector_store %arg5[%swap3A_407, %swap3A_408], %mul3A_406 {add = true, strides = array<i32>} : memref<320x128xf32, #tpu.memory_space<vmem>>, vector<16xf32>,
          %get3A_410 = arith.index_cast %scan3A_354 : i32 to index
          %get3A_411 = arith.constant 96 : index
          %get3A_412 = tpu.vector_load %arg16[%get3A_410, %get3A_411] {strides = array<i32>} : memref<192x128xf32, #tpu.memory_space<vmem>>, vector<16xf32>,
          %mul3A_413 = vector.broadcast %squeeze3A_361 : f32 to vector<16xf32>
          %mul3A_414 = arith.mulf %get3A_412, %mul3A_413 : vector<16xf32>
          %swap3A_415 = arith.index_cast %squeeze3A : i32 to index
          %swap3A_416 = arith.constant 96 : index
          %swap3A_417 = tpu.vector_load %arg5[%swap3A_415, %swap3A_416] {strides = array<i32>} : memref<320x128xf32, #tpu.memory_space<vmem>>, vector<16xf32>,
          tpu.vector_store %arg5[%swap3A_415, %swap3A_416], %mul3A_414 {add = true, strides = array<i32>} : memref<320x128xf32, #tpu.memory_space<vmem>>, vector<16xf32>,
          %get3A_418 = arith.index_cast %scan3A_354 : i32 to index
          %get3A_419 = arith.constant 112 : index
          %get3A_420 = tpu.vector_load %arg16[%get3A_418, %get3A_419] {strides = array<i32>} : memref<192x128xf32, #tpu.memory_space<vmem>>, vector<16xf32>,
          %mul3A_421 = vector.broadcast %squeeze3A_361 : f32 to vector<16xf32>
          %mul3A_422 = arith.mulf %get3A_420, %mul3A_421 : vector<16xf32>
          %swap3A_423 = arith.index_cast %squeeze3A : i32 to index
          %swap3A_424 = arith.constant 112 : index
          %swap3A_425 = tpu.vector_load %arg5[%swap3A_423, %swap3A_424] {strides = array<i32>} : memref<320x128xf32, #tpu.memory_space<vmem>>, vector<16xf32>,
          tpu.vector_store %arg5[%swap3A_423, %swap3A_424], %mul3A_422 {add = true, strides = array<i32>} : memref<320x128xf32, #tpu.memory_space<vmem>>, vector<16xf32>,
          %scan3A_426 = arith.constant 0 : i32
          scf.yield %scan3A_426 : i32
        }
        %scan3A_352 = arith.constant 16 : i32
        %while3A_353 = arith.constant 0 : i32
        scf.yield %while3A_353 : i32
      }
      %while3A_300 = arith.constant 1 : i32
      %while3A_301 = scf.for %while3A_302 = %while3A_297 to %while3A_293 step %while3A_300 iter_args(%while3A_303 = %while3A_299) -> (i32)  : i32 {
        %mul3A_304 = arith.constant 16 : i32
        %mul3A_305 = arith.muli %while3A_302, %mul3A_304 : i32
        %get3A = arith.index_cast %mul3A_305 : i32 to index
        %get3A_306 = tpu.vector_load %arg8[%get3A] {strides = array<i32>} : memref<4096xi32, #tpu.memory_space<vmem>>, vector<16xi32>,
        %mul3A_307 = arith.constant 16 : i32
        %mul3A_308 = arith.muli %while3A_302, %mul3A_307 : i32
        %add3A_309 = vector.broadcast %mul3A_308 : i32 to vector<16xi32>
        %add3A_310 = arith.addi %iota3A, %add3A_309 : vector<16xi32>
        %lt3A_311 = vector.broadcast %parallel_loop3A_195 : i32 to vector<16xi32>
        %lt3A_312 = arith.cmpi slt, %add3A_310, %lt3A_311 : vector<16xi32>
        %gather3A = tpu.vector_load_idx %arg7[%get3A_306] : memref<12288xi32, #tpu.memory_space<vmem>>[vector<16xi32>], vector<16xi32>,
        %swap3A = arith.constant 0 : index
        %swap3A_313 = tpu.vector_load %arg15[%swap3A] {strides = array<i32>} : memref<16xi32, #tpu.memory_space<vmem>>, vector<16xi32>,
        tpu.vector_store %arg15[%swap3A], %gather3A {strides = array<i32>} : memref<16xi32, #tpu.memory_space<vmem>>, vector<16xi32>,
        %add3A_314 = arith.constant 4096 : i32
        %add3A_315 = vector.broadcast %add3A_314 : i32 to vector<16xi32>
        %add3A_316 = arith.addi %get3A_306, %add3A_315 : vector<16xi32>
        %gather3A_317 = tpu.vector_load_idx %arg7[%add3A_316] : memref<12288xi32, #tpu.memory_space<vmem>>[vector<16xi32>], vector<16xi32>,
        %sub3A_318 = vector.broadcast %mul3A_2 : i32 to vector<16xi32>
        %sub3A_319 = arith.subi %gather3A_317, %sub3A_318 : vector<16xi32>
        %jit3A_320 = arith.constant 0 : i32
        %broadcast_in_dim3A_321 = vector.broadcast %jit3A_320 : i32 to vector<16xi32>
        %select_n3A_322 = arith.select %lt3A_312, %sub3A_319, %broadcast_in_dim3A_321 : vector<16xi1>, vector<16xi32>
        %swap3A_323 = arith.constant 0 : index
        %swap3A_324 = tpu.vector_load %arg11[%swap3A_323] {strides = array<i32>} : memref<208xi32, #tpu.memory_space<vmem>>, vector<16xi32>,
        tpu.vector_store %arg11[%swap3A_323], %select_n3A_322 {strides = array<i32>} : memref<208xi32, #tpu.memory_space<vmem>>, vector<16xi32>,
        %add3A_325 = arith.constant 8192 : i32
        %add3A_326 = vector.broadcast %add3A_325 : i32 to vector<16xi32>
        %add3A_327 = arith.addi %get3A_306, %add3A_326 : vector<16xi32>
        %gather3A_328 = tpu.vector_load_idx %arg7[%add3A_327] : memref<12288xi32, #tpu.memory_space<vmem>>[vector<16xi32>], vector<16xi32>,
        %bitcast3A = vector.bitcast %gather3A_328 : vector<16xi32> to vector<16xf32>
        %jit3A_329 = arith.constant 0.000000e+00 : f32
        %broadcast_in_dim3A_330 = vector.broadcast %jit3A_329 : f32 to vector<16xf32>
        %select_n3A_331 = arith.select %lt3A_312, %bitcast3A, %broadcast_in_dim3A_330 : vector<16xi1>, vector<16xf32>
        %swap3A_332 = arith.constant 0 : index
        %swap3A_333 = tpu.vector_load %arg13[%swap3A_332] {strides = array<i32>} : memref<208xf32, #tpu.memory_space<vmem>>, vector<16xf32>,
        tpu.vector_store %arg13[%swap3A_332], %select_n3A_331 {strides = array<i32>} : memref<208xf32, #tpu.memory_space<vmem>>, vector<16xf32>,
        %dma_start3A_334 = arith.constant 0 : i32
        %dma_start3A_335 = arith.constant 0 : i32
        %dma_start3A_336 = tpu.memref_slice %arg16[%dma_start3A_334, %dma_start3A_335] : memref<192x128xf32, #tpu.memory_space<vmem>> -> memref<16x128xf32, #tpu.memory_space<vmem>>
        %dma_start3A_337 = arith.constant 0 : i32
        %dma_start3A_338 = arith.constant 0 : i32
        %dma_start3A_339 = tpu.memref_slice %arg3[%dma_start3A_337, %dma_start3A_338] : memref<10240x128xf32, #tpu.memory_space<hbm>> -> memref<10240x128xf32, #tpu.memory_space<hbm>>
        tpu.enqueue_indirect_dma source(%dma_start3A_339 : memref<10240x128xf32, #tpu.memory_space<hbm>>) target(%dma_start3A_336 : memref<16x128xf32, #tpu.memory_space<vmem>>) offsets(%arg15 : memref<16xi32, #tpu.memory_space<vmem>>) semaphore(%arg20 : memref<!tpu.dma_semaphore, #tpu.memory_space<semaphore_mem>>)
        %dma_wait3A_340 = arith.constant 0 : i32
        %dma_wait3A_341 = arith.constant 0 : i32
        %dma_wait3A_342 = tpu.memref_slice %arg16[%dma_wait3A_340, %dma_wait3A_341] : memref<192x128xf32, #tpu.memory_space<vmem>> -> memref<16x128xf32, #tpu.memory_space<vmem>>
        %dma_wait3A_343 = arith.constant 0 : i32
        %dma_wait3A_344 = arith.constant 0 : i32
        %dma_wait3A_345 = tpu.memref_slice %arg3[%dma_wait3A_343, %dma_wait3A_344] : memref<10240x128xf32, #tpu.memory_space<hbm>> -> memref<10240x128xf32, #tpu.memory_space<hbm>>
        tpu.wait_indirect_dma semaphore(%arg20 : memref<!tpu.dma_semaphore, #tpu.memory_space<semaphore_mem>>) src(%dma_wait3A_345 : memref<10240x128xf32, #tpu.memory_space<hbm>>) dst(%dma_wait3A_342 : memref<16x128xf32, #tpu.memory_space<vmem>>)
        %scan3A_346 = arith.constant 0 : i32
        %scan3A_347 = arith.constant 0 : i32
        %scan3A_348 = arith.constant 16 : i32
        %scan3A_349 = arith.addi %scan3A_347, %scan3A_348 : i32
        %scan3A_350 = arith.constant 1 : i32
        %scan3A_351 = scf.for %scan3A_354 = %scan3A_347 to %scan3A_349 step %scan3A_350 iter_args(%scan3A_355 = %scan3A_346) -> (i32)  : i32 {
          %get3A_356 = arith.index_cast %scan3A_354 : i32 to index
          %get3A_357 = tpu.vector_load %arg11[%get3A_356] {strides = array<i32>} : memref<208xi32, #tpu.memory_space<vmem>>, vector<16xi32>,
          %slice3A = vector.extract_strided_slice %get3A_357 {offsets = [0], sizes = [1], strides = [1]} : vector<16xi32> to vector<1xi32>
          %squeeze3A = vector.extract %slice3A[0] : i32 from vector<1xi32>
          %get3A_358 = arith.index_cast %scan3A_354 : i32 to index
          %get3A_359 = tpu.vector_load %arg13[%get3A_358] {strides = array<i32>} : memref<208xf32, #tpu.memory_space<vmem>>, vector<16xf32>,
          %slice3A_360 = vector.extract_strided_slice %get3A_359 {offsets = [0], sizes = [1], strides = [1]} : vector<16xf32> to vector<1xf32>
          %squeeze3A_361 = vector.extract %slice3A_360[0] : f32 from vector<1xf32>
          %get3A_362 = arith.index_cast %scan3A_354 : i32 to index
          %get3A_363 = arith.constant 0 : index
          %get3A_364 = tpu.vector_load %arg16[%get3A_362, %get3A_363] {strides = array<i32>} : memref<192x128xf32, #tpu.memory_space<vmem>>, vector<16xf32>,
          %mul3A_365 = vector.broadcast %squeeze3A_361 : f32 to vector<16xf32>
          %mul3A_366 = arith.mulf %get3A_364, %mul3A_365 : vector<16xf32>
          %swap3A_367 = arith.index_cast %squeeze3A : i32 to index
          %swap3A_368 = arith.constant 0 : index
          %swap3A_369 = tpu.vector_load %arg5[%swap3A_367, %swap3A_368] {strides = array<i32>} : memref<320x128xf32, #tpu.memory_space<vmem>>, vector<16xf32>,
          tpu.vector_store %arg5[%swap3A_367, %swap3A_368], %mul3A_366 {add = true, strides = array<i32>} : memref<320x128xf32, #tpu.memory_space<vmem>>, vector<16xf32>,
          %get3A_370 = arith.index_cast %scan3A_354 : i32 to index
          %get3A_371 = arith.constant 16 : index
          %get3A_372 = tpu.vector_load %arg16[%get3A_370, %get3A_371] {strides = array<i32>} : memref<192x128xf32, #tpu.memory_space<vmem>>, vector<16xf32>,
          %mul3A_373 = vector.broadcast %squeeze3A_361 : f32 to vector<16xf32>
          %mul3A_374 = arith.mulf %get3A_372, %mul3A_373 : vector<16xf32>
          %swap3A_375 = arith.index_cast %squeeze3A : i32 to index
          %swap3A_376 = arith.constant 16 : index
          %swap3A_377 = tpu.vector_load %arg5[%swap3A_375, %swap3A_376] {strides = array<i32>} : memref<320x128xf32, #tpu.memory_space<vmem>>, vector<16xf32>,
          tpu.vector_store %arg5[%swap3A_375, %swap3A_376], %mul3A_374 {add = true, strides = array<i32>} : memref<320x128xf32, #tpu.memory_space<vmem>>, vector<16xf32>,
          %get3A_378 = arith.index_cast %scan3A_354 : i32 to index
          %get3A_379 = arith.constant 32 : index
          %get3A_380 = tpu.vector_load %arg16[%get3A_378, %get3A_379] {strides = array<i32>} : memref<192x128xf32, #tpu.memory_space<vmem>>, vector<16xf32>,
          %mul3A_381 = vector.broadcast %squeeze3A_361 : f32 to vector<16xf32>
          %mul3A_382 = arith.mulf %get3A_380, %mul3A_381 : vector<16xf32>
          %swap3A_383 = arith.index_cast %squeeze3A : i32 to index
          %swap3A_384 = arith.constant 32 : index
          %swap3A_385 = tpu.vector_load %arg5[%swap3A_383, %swap3A_384] {strides = array<i32>} : memref<320x128xf32, #tpu.memory_space<vmem>>, vector<16xf32>,
          tpu.vector_store %arg5[%swap3A_383, %swap3A_384], %mul3A_382 {add = true, strides = array<i32>} : memref<320x128xf32, #tpu.memory_space<vmem>>, vector<16xf32>,
          %get3A_386 = arith.index_cast %scan3A_354 : i32 to index
          %get3A_387 = arith.constant 48 : index
          %get3A_388 = tpu.vector_load %arg16[%get3A_386, %get3A_387] {strides = array<i32>} : memref<192x128xf32, #tpu.memory_space<vmem>>, vector<16xf32>,
          %mul3A_389 = vector.broadcast %squeeze3A_361 : f32 to vector<16xf32>
          %mul3A_390 = arith.mulf %get3A_388, %mul3A_389 : vector<16xf32>
          %swap3A_391 = arith.index_cast %squeeze3A : i32 to index
          %swap3A_392 = arith.constant 48 : index
          %swap3A_393 = tpu.vector_load %arg5[%swap3A_391, %swap3A_392] {strides = array<i32>} : memref<320x128xf32, #tpu.memory_space<vmem>>, vector<16xf32>,
          tpu.vector_store %arg5[%swap3A_391, %swap3A_392], %mul3A_390 {add = true, strides = array<i32>} : memref<320x128xf32, #tpu.memory_space<vmem>>, vector<16xf32>,
          %get3A_394 = arith.index_cast %scan3A_354 : i32 to index
          %get3A_395 = arith.constant 64 : index
          %get3A_396 = tpu.vector_load %arg16[%get3A_394, %get3A_395] {strides = array<i32>} : memref<192x128xf32, #tpu.memory_space<vmem>>, vector<16xf32>,
          %mul3A_397 = vector.broadcast %squeeze3A_361 : f32 to vector<16xf32>
          %mul3A_398 = arith.mulf %get3A_396, %mul3A_397 : vector<16xf32>
          %swap3A_399 = arith.index_cast %squeeze3A : i32 to index
          %swap3A_400 = arith.constant 64 : index
          %swap3A_401 = tpu.vector_load %arg5[%swap3A_399, %swap3A_400] {strides = array<i32>} : memref<320x128xf32, #tpu.memory_space<vmem>>, vector<16xf32>,
          tpu.vector_store %arg5[%swap3A_399, %swap3A_400], %mul3A_398 {add = true, strides = array<i32>} : memref<320x128xf32, #tpu.memory_space<vmem>>, vector<16xf32>,
          %get3A_402 = arith.index_cast %scan3A_354 : i32 to index
          %get3A_403 = arith.constant 80 : index
          %get3A_404 = tpu.vector_load %arg16[%get3A_402, %get3A_403] {strides = array<i32>} : memref<192x128xf32, #tpu.memory_space<vmem>>, vector<16xf32>,
          %mul3A_405 = vector.broadcast %squeeze3A_361 : f32 to vector<16xf32>
          %mul3A_406 = arith.mulf %get3A_404, %mul3A_405 : vector<16xf32>
          %swap3A_407 = arith.index_cast %squeeze3A : i32 to index
          %swap3A_408 = arith.constant 80 : index
          %swap3A_409 = tpu.vector_load %arg5[%swap3A_407, %swap3A_408] {strides = array<i32>} : memref<320x128xf32, #tpu.memory_space<vmem>>, vector<16xf32>,
          tpu.vector_store %arg5[%swap3A_407, %swap3A_408], %mul3A_406 {add = true, strides = array<i32>} : memref<320x128xf32, #tpu.memory_space<vmem>>, vector<16xf32>,
          %get3A_410 = arith.index_cast %scan3A_354 : i32 to index
          %get3A_411 = arith.constant 96 : index
          %get3A_412 = tpu.vector_load %arg16[%get3A_410, %get3A_411] {strides = array<i32>} : memref<192x128xf32, #tpu.memory_space<vmem>>, vector<16xf32>,
          %mul3A_413 = vector.broadcast %squeeze3A_361 : f32 to vector<16xf32>
          %mul3A_414 = arith.mulf %get3A_412, %mul3A_413 : vector<16xf32>
          %swap3A_415 = arith.index_cast %squeeze3A : i32 to index
          %swap3A_416 = arith.constant 96 : index
          %swap3A_417 = tpu.vector_load %arg5[%swap3A_415, %swap3A_416] {strides = array<i32>} : memref<320x128xf32, #tpu.memory_space<vmem>>, vector<16xf32>,
          tpu.vector_store %arg5[%swap3A_415, %swap3A_416], %mul3A_414 {add = true, strides = array<i32>} : memref<320x128xf32, #tpu.memory_space<vmem>>, vector<16xf32>,
          %get3A_418 = arith.index_cast %scan3A_354 : i32 to index
          %get3A_419 = arith.constant 112 : index
          %get3A_420 = tpu.vector_load %arg16[%get3A_418, %get3A_419] {strides = array<i32>} : memref<192x128xf32, #tpu.memory_space<vmem>>, vector<16xf32>,
          %mul3A_421 = vector.broadcast %squeeze3A_361 : f32 to vector<16xf32>
          %mul3A_422 = arith.mulf %get3A_420, %mul3A_421 : vector<16xf32>
          %swap3A_423 = arith.index_cast %squeeze3A : i32 to index
          %swap3A_424 = arith.constant 112 : index
          %swap3A_425 = tpu.vector_load %arg5[%swap3A_423, %swap3A_424] {strides = array<i32>} : memref<320x128xf32, #tpu.memory_space<vmem>>, vector<16xf32>,
          tpu.vector_store %arg5[%swap3A_423, %swap3A_424], %mul3A_422 {add = true, strides = array<i32>} : memref<320x128xf32, #tpu.memory_space<vmem>>, vector<16xf32>,
          %scan3A_426 = arith.constant 0 : i32
          scf.yield %scan3A_426 : i32
        }
        %scan3A_352 = arith.constant 16 : i32
        %while3A_353 = arith.constant 0 : i32
        scf.yield %while3A_353 : i32
      }
      scf.yield %min3A_256 : i32
    }
    %scan3A_43 = arith.constant 40 : i32
    %gt3A = arith.constant 0 : i32
    %gt3A_44 = arith.cmpi sgt, %scan3A_42, %gt3A : i32
    %convert_element_type3A = arith.extui %gt3A_44 : i1 to i32
    %cond3A = arith.constant 0 : i32
    %cond3A_45 = arith.cmpi ne, %convert_element_type3A, %cond3A : i32
    scf.if %cond3A_45 {
      %dma_wait3A = arith.constant 0 : i32
      %dma_wait3A_58 = arith.constant 0 : i32
      %dma_wait3A_59 = tpu.memref_slice %arg17[%dma_wait3A, %dma_wait3A_58] : memref<192x128xf32, #tpu.memory_space<vmem>> -> memref<64x128xf32, #tpu.memory_space<vmem>>
      %dma_wait3A_60 = arith.constant 0 : i32
      %dma_wait3A_61 = tpu.memref_slice %arg10[%dma_wait3A_60] : memref<192xi32, #tpu.memory_space<vmem>> -> memref<64xi32, #tpu.memory_space<vmem>>
      %dma_wait3A_62 = arith.constant 0 : i32
      %dma_wait3A_63 = arith.constant 0 : i32
      %dma_wait3A_64 = tpu.memref_slice %arg3[%dma_wait3A_62, %dma_wait3A_63] : memref<10240x128xf32, #tpu.memory_space<hbm>> -> memref<10240x128xf32, #tpu.memory_space<hbm>>
      tpu.wait_indirect_dma semaphore(%arg21 : memref<!tpu.dma_semaphore, #tpu.memory_space<semaphore_mem>>) src(%dma_wait3A_64 : memref<10240x128xf32, #tpu.memory_space<hbm>>) dst(%dma_wait3A_59 : memref<64x128xf32, #tpu.memory_space<vmem>>)
    } else {
    }
    %gt3A_46 = arith.constant 1 : i32
    %gt3A_47 = arith.cmpi sgt, %scan3A_42, %gt3A_46 : i32
    %convert_element_type3A_48 = arith.extui %gt3A_47 : i1 to i32
    %cond3A_49 = arith.constant 0 : i32
    %cond3A_50 = arith.cmpi ne, %convert_element_type3A_48, %cond3A_49 : i32
    scf.if %cond3A_50 {
      %dma_wait3A = arith.constant 64 : i32
      %dma_wait3A_58 = arith.constant 0 : i32
      %dma_wait3A_59 = tpu.memref_slice %arg17[%dma_wait3A, %dma_wait3A_58] : memref<192x128xf32, #tpu.memory_space<vmem>> -> memref<64x128xf32, #tpu.memory_space<vmem>>
      %dma_wait3A_60 = arith.constant 64 : i32
      %dma_wait3A_61 = tpu.memref_slice %arg10[%dma_wait3A_60] : memref<192xi32, #tpu.memory_space<vmem>> -> memref<64xi32, #tpu.memory_space<vmem>>
      %dma_wait3A_62 = arith.constant 0 : i32
      %dma_wait3A_63 = arith.constant 0 : i32
      %dma_wait3A_64 = tpu.memref_slice %arg3[%dma_wait3A_62, %dma_wait3A_63] : memref<10240x128xf32, #tpu.memory_space<hbm>> -> memref<10240x128xf32, #tpu.memory_space<hbm>>
      tpu.wait_indirect_dma semaphore(%arg21 : memref<!tpu.dma_semaphore, #tpu.memory_space<semaphore_mem>>) src(%dma_wait3A_64 : memref<10240x128xf32, #tpu.memory_space<hbm>>) dst(%dma_wait3A_59 : memref<64x128xf32, #tpu.memory_space<vmem>>)
    } else {
    }
    %gt3A_51 = arith.constant 2 : i32
    %gt3A_52 = arith.cmpi sgt, %scan3A_42, %gt3A_51 : i32
    %convert_element_type3A_53 = arith.extui %gt3A_52 : i1 to i32
    %cond3A_54 = arith.constant 0 : i32
    %cond3A_55 = arith.cmpi ne, %convert_element_type3A_53, %cond3A_54 : i32
    scf.if %cond3A_55 {
      %dma_wait3A = arith.constant 128 : i32
      %dma_wait3A_58 = arith.constant 0 : i32
      %dma_wait3A_59 = tpu.memref_slice %arg17[%dma_wait3A, %dma_wait3A_58] : memref<192x128xf32, #tpu.memory_space<vmem>> -> memref<64x128xf32, #tpu.memory_space<vmem>>
      %dma_wait3A_60 = arith.constant 128 : i32
      %dma_wait3A_61 = tpu.memref_slice %arg10[%dma_wait3A_60] : memref<192xi32, #tpu.memory_space<vmem>> -> memref<64xi32, #tpu.memory_space<vmem>>
      %dma_wait3A_62 = arith.constant 0 : i32
      %dma_wait3A_63 = arith.constant 0 : i32
      %dma_wait3A_64 = tpu.memref_slice %arg3[%dma_wait3A_62, %dma_wait3A_63] : memref<10240x128xf32, #tpu.memory_space<hbm>> -> memref<10240x128xf32, #tpu.memory_space<hbm>>
      tpu.wait_indirect_dma semaphore(%arg21 : memref<!tpu.dma_semaphore, #tpu.memory_space<semaphore_mem>>) src(%dma_wait3A_64 : memref<10240x128xf32, #tpu.memory_space<hbm>>) dst(%dma_wait3A_59 : memref<64x128xf32, #tpu.memory_space<vmem>>)
    } else {
    }
    %parallel_loop3A = arith.constant 0 : i32
    %parallel_loop3A_56 = arith.constant 192 : i32
    %parallel_loop3A_57 = arith.constant 1 : i32
    scf.for %parallel_loop3A_58 = %parallel_loop3A to %parallel_loop3A_56 step %parallel_loop3A_57  : i32 {
      %parallel_loop3A_59 = arith.index_cast %parallel_loop3A_58 : i32 to index
      %parallel_loop3A_60 = tpu.vector_load %arg12[%parallel_loop3A_59] {strides = array<i32>} : memref<208xi32, #tpu.memory_space<vmem>>, vector<16xi32>,
      %parallel_loop3A_61 = vector.extract_strided_slice %parallel_loop3A_60 {offsets = [0], sizes = [1], strides = [1]} : vector<16xi32> to vector<1xi32>
      %parallel_loop3A_62 = vector.extract %parallel_loop3A_61[0] : i32 from vector<1xi32>
      %parallel_loop3A_63 = arith.index_cast %parallel_loop3A_58 : i32 to index
      %parallel_loop3A_64 = tpu.vector_load %arg14[%parallel_loop3A_63] {strides = array<i32>} : memref<208xf32, #tpu.memory_space<vmem>>, vector<16xf32>,
      %parallel_loop3A_65 = vector.extract_strided_slice %parallel_loop3A_64 {offsets = [0], sizes = [1], strides = [1]} : vector<16xf32> to vector<1xf32>
      %parallel_loop3A_66 = vector.extract %parallel_loop3A_65[0] : f32 from vector<1xf32>
      %parallel_loop3A_67 = arith.index_cast %parallel_loop3A_58 : i32 to index
      %parallel_loop3A_68 = arith.constant 0 : index
      %parallel_loop3A_69 = tpu.vector_load %arg17[%parallel_loop3A_67, %parallel_loop3A_68] {strides = array<i32>} : memref<192x128xf32, #tpu.memory_space<vmem>>, vector<16xf32>,
      %parallel_loop3A_70 = vector.broadcast %parallel_loop3A_66 : f32 to vector<16xf32>
      %parallel_loop3A_71 = arith.mulf %parallel_loop3A_69, %parallel_loop3A_70 : vector<16xf32>
      %parallel_loop3A_72 = arith.index_cast %parallel_loop3A_62 : i32 to index
      %parallel_loop3A_73 = arith.constant 0 : index
      %parallel_loop3A_74 = tpu.vector_load %arg5[%parallel_loop3A_72, %parallel_loop3A_73] {strides = array<i32>} : memref<320x128xf32, #tpu.memory_space<vmem>>, vector<16xf32>,
      tpu.vector_store %arg5[%parallel_loop3A_72, %parallel_loop3A_73], %parallel_loop3A_71 {add = true, strides = array<i32>} : memref<320x128xf32, #tpu.memory_space<vmem>>, vector<16xf32>,
      %parallel_loop3A_75 = arith.index_cast %parallel_loop3A_58 : i32 to index
      %parallel_loop3A_76 = arith.constant 16 : index
      %parallel_loop3A_77 = tpu.vector_load %arg17[%parallel_loop3A_75, %parallel_loop3A_76] {strides = array<i32>} : memref<192x128xf32, #tpu.memory_space<vmem>>, vector<16xf32>,
      %parallel_loop3A_78 = vector.broadcast %parallel_loop3A_66 : f32 to vector<16xf32>
      %parallel_loop3A_79 = arith.mulf %parallel_loop3A_77, %parallel_loop3A_78 : vector<16xf32>
      %parallel_loop3A_80 = arith.index_cast %parallel_loop3A_62 : i32 to index
      %parallel_loop3A_81 = arith.constant 16 : index
      %parallel_loop3A_82 = tpu.vector_load %arg5[%parallel_loop3A_80, %parallel_loop3A_81] {strides = array<i32>} : memref<320x128xf32, #tpu.memory_space<vmem>>, vector<16xf32>,
      tpu.vector_store %arg5[%parallel_loop3A_80, %parallel_loop3A_81], %parallel_loop3A_79 {add = true, strides = array<i32>} : memref<320x128xf32, #tpu.memory_space<vmem>>, vector<16xf32>,
      %parallel_loop3A_83 = arith.index_cast %parallel_loop3A_58 : i32 to index
      %parallel_loop3A_84 = arith.constant 32 : index
      %parallel_loop3A_85 = tpu.vector_load %arg17[%parallel_loop3A_83, %parallel_loop3A_84] {strides = array<i32>} : memref<192x128xf32, #tpu.memory_space<vmem>>, vector<16xf32>,
      %parallel_loop3A_86 = vector.broadcast %parallel_loop3A_66 : f32 to vector<16xf32>
      %parallel_loop3A_87 = arith.mulf %parallel_loop3A_85, %parallel_loop3A_86 : vector<16xf32>
      %parallel_loop3A_88 = arith.index_cast %parallel_loop3A_62 : i32 to index
      %parallel_loop3A_89 = arith.constant 32 : index
      %parallel_loop3A_90 = tpu.vector_load %arg5[%parallel_loop3A_88, %parallel_loop3A_89] {strides = array<i32>} : memref<320x128xf32, #tpu.memory_space<vmem>>, vector<16xf32>,
      tpu.vector_store %arg5[%parallel_loop3A_88, %parallel_loop3A_89], %parallel_loop3A_87 {add = true, strides = array<i32>} : memref<320x128xf32, #tpu.memory_space<vmem>>, vector<16xf32>,
      %parallel_loop3A_91 = arith.index_cast %parallel_loop3A_58 : i32 to index
      %parallel_loop3A_92 = arith.constant 48 : index
      %parallel_loop3A_93 = tpu.vector_load %arg17[%parallel_loop3A_91, %parallel_loop3A_92] {strides = array<i32>} : memref<192x128xf32, #tpu.memory_space<vmem>>, vector<16xf32>,
      %parallel_loop3A_94 = vector.broadcast %parallel_loop3A_66 : f32 to vector<16xf32>
      %parallel_loop3A_95 = arith.mulf %parallel_loop3A_93, %parallel_loop3A_94 : vector<16xf32>
      %parallel_loop3A_96 = arith.index_cast %parallel_loop3A_62 : i32 to index
      %parallel_loop3A_97 = arith.constant 48 : index
      %parallel_loop3A_98 = tpu.vector_load %arg5[%parallel_loop3A_96, %parallel_loop3A_97] {strides = array<i32>} : memref<320x128xf32, #tpu.memory_space<vmem>>, vector<16xf32>,
      tpu.vector_store %arg5[%parallel_loop3A_96, %parallel_loop3A_97], %parallel_loop3A_95 {add = true, strides = array<i32>} : memref<320x128xf32, #tpu.memory_space<vmem>>, vector<16xf32>,
      %parallel_loop3A_99 = arith.index_cast %parallel_loop3A_58 : i32 to index
      %parallel_loop3A_100 = arith.constant 64 : index
      %parallel_loop3A_101 = tpu.vector_load %arg17[%parallel_loop3A_99, %parallel_loop3A_100] {strides = array<i32>} : memref<192x128xf32, #tpu.memory_space<vmem>>, vector<16xf32>,
      %parallel_loop3A_102 = vector.broadcast %parallel_loop3A_66 : f32 to vector<16xf32>
      %parallel_loop3A_103 = arith.mulf %parallel_loop3A_101, %parallel_loop3A_102 : vector<16xf32>
      %parallel_loop3A_104 = arith.index_cast %parallel_loop3A_62 : i32 to index
      %parallel_loop3A_105 = arith.constant 64 : index
      %parallel_loop3A_106 = tpu.vector_load %arg5[%parallel_loop3A_104, %parallel_loop3A_105] {strides = array<i32>} : memref<320x128xf32, #tpu.memory_space<vmem>>, vector<16xf32>,
      tpu.vector_store %arg5[%parallel_loop3A_104, %parallel_loop3A_105], %parallel_loop3A_103 {add = true, strides = array<i32>} : memref<320x128xf32, #tpu.memory_space<vmem>>, vector<16xf32>,
      %parallel_loop3A_107 = arith.index_cast %parallel_loop3A_58 : i32 to index
      %parallel_loop3A_108 = arith.constant 80 : index
      %parallel_loop3A_109 = tpu.vector_load %arg17[%parallel_loop3A_107, %parallel_loop3A_108] {strides = array<i32>} : memref<192x128xf32, #tpu.memory_space<vmem>>, vector<16xf32>,
      %parallel_loop3A_110 = vector.broadcast %parallel_loop3A_66 : f32 to vector<16xf32>
      %parallel_loop3A_111 = arith.mulf %parallel_loop3A_109, %parallel_loop3A_110 : vector<16xf32>
      %parallel_loop3A_112 = arith.index_cast %parallel_loop3A_62 : i32 to index
      %parallel_loop3A_113 = arith.constant 80 : index
      %parallel_loop3A_114 = tpu.vector_load %arg5[%parallel_loop3A_112, %parallel_loop3A_113] {strides = array<i32>} : memref<320x128xf32, #tpu.memory_space<vmem>>, vector<16xf32>,
      tpu.vector_store %arg5[%parallel_loop3A_112, %parallel_loop3A_113], %parallel_loop3A_111 {add = true, strides = array<i32>} : memref<320x128xf32, #tpu.memory_space<vmem>>, vector<16xf32>,
      %parallel_loop3A_115 = arith.index_cast %parallel_loop3A_58 : i32 to index
      %parallel_loop3A_116 = arith.constant 96 : index
      %parallel_loop3A_117 = tpu.vector_load %arg17[%parallel_loop3A_115, %parallel_loop3A_116] {strides = array<i32>} : memref<192x128xf32, #tpu.memory_space<vmem>>, vector<16xf32>,
      %parallel_loop3A_118 = vector.broadcast %parallel_loop3A_66 : f32 to vector<16xf32>
      %parallel_loop3A_119 = arith.mulf %parallel_loop3A_117, %parallel_loop3A_118 : vector<16xf32>
      %parallel_loop3A_120 = arith.index_cast %parallel_loop3A_62 : i32 to index
      %parallel_loop3A_121 = arith.constant 96 : index
      %parallel_loop3A_122 = tpu.vector_load %arg5[%parallel_loop3A_120, %parallel_loop3A_121] {strides = array<i32>} : memref<320x128xf32, #tpu.memory_space<vmem>>, vector<16xf32>,
      tpu.vector_store %arg5[%parallel_loop3A_120, %parallel_loop3A_121], %parallel_loop3A_119 {add = true, strides = array<i32>} : memref<320x128xf32, #tpu.memory_space<vmem>>, vector<16xf32>,
      %parallel_loop3A_123 = arith.index_cast %parallel_loop3A_58 : i32 to index
      %parallel_loop3A_124 = arith.constant 112 : index
      %parallel_loop3A_125 = tpu.vector_load %arg17[%parallel_loop3A_123, %parallel_loop3A_124] {strides = array<i32>} : memref<192x128xf32, #tpu.memory_space<vmem>>, vector<16xf32>,
      %parallel_loop3A_126 = vector.broadcast %parallel_loop3A_66 : f32 to vector<16xf32>
      %parallel_loop3A_127 = arith.mulf %parallel_loop3A_125, %parallel_loop3A_126 : vector<16xf32>
      %parallel_loop3A_128 = arith.index_cast %parallel_loop3A_62 : i32 to index
      %parallel_loop3A_129 = arith.constant 112 : index
      %parallel_loop3A_130 = tpu.vector_load %arg5[%parallel_loop3A_128, %parallel_loop3A_129] {strides = array<i32>} : memref<320x128xf32, #tpu.memory_space<vmem>>, vector<16xf32>,
      tpu.vector_store %arg5[%parallel_loop3A_128, %parallel_loop3A_129], %parallel_loop3A_127 {add = true, strides = array<i32>} : memref<320x128xf32, #tpu.memory_space<vmem>>, vector<16xf32>,
    } {sc.loop_unroll_factor = 4 : i64, sc.parallel_access}
    "tpu.region"() ({
      %run_scoped3A = tpu.sem_alloc : memref<!tpu.dma_semaphore, #tpu.memory_space<semaphore_mem>>
      %dma_start3A_58 = arith.constant 0 : i32
      %dma_start3A_59 = tpu.memref_slice %arg4[%mul3A_2, %dma_start3A_58] : memref<10240x128xf32, #tpu.memory_space<hbm>> -> memref<320x128xf32, #tpu.memory_space<hbm>>
      %dma_start3A_60 = arith.constant 0 : i32
      %dma_start3A_61 = tpu.memref_slice %arg4[%mul3A_2, %dma_start3A_60] : memref<10240x128xf32, #tpu.memory_space<hbm>> -> memref<320x128xf32, #tpu.memory_space<hbm>>
      tpu.enqueue_dma source(%arg5 : memref<320x128xf32, #tpu.memory_space<vmem>>) target(%dma_start3A_61 : memref<320x128xf32, #tpu.memory_space<hbm>>) target_semaphore(%run_scoped3A : memref<!tpu.dma_semaphore, #tpu.memory_space<semaphore_mem>>)
      %dma_wait3A = arith.constant 0 : i32
      %dma_wait3A_62 = tpu.memref_slice %arg4[%mul3A_2, %dma_wait3A] : memref<10240x128xf32, #tpu.memory_space<hbm>> -> memref<320x128xf32, #tpu.memory_space<hbm>>
      %dma_wait3A_63 = arith.constant 0 : i32
      %dma_wait3A_64 = tpu.memref_slice %arg4[%mul3A_2, %dma_wait3A_63] : memref<10240x128xf32, #tpu.memory_space<hbm>> -> memref<320x128xf32, #tpu.memory_space<hbm>>
      tpu.wait_dma2 semaphore(%run_scoped3A : memref<!tpu.dma_semaphore, #tpu.memory_space<semaphore_mem>>) src(%arg5 : memref<320x128xf32, #tpu.memory_space<vmem>>) dst(%dma_wait3A_64 : memref<320x128xf32, #tpu.memory_space<hbm>>)
      tpu.yield
    }) : () -> ()
    return
  }
}

module attributes {stable_mosaic.version = 14 : i64} {
  func.func @body(%arg0: i32, %arg1: memref<32x2048xf32, #tpu.memory_space<vmem>>, %arg2: memref<1x2048xf32, #tpu.memory_space<vmem>>) attributes {dimension_semantics = [#tpu.dimension_semantics<arbitrary>], iteration_bounds = array<i64: 5>, scalar_prefetch = 0 : i64, scratch_operands = 0 : i64, tpu.core_type = #tpu.core_type<tc>, window_params = [{transform_indices = @transform_0, window_bounds = array<i64: 32, 2048>}, {transform_indices = @transform_1, window_bounds = array<i64: 1, 2048>}]} {
    %get3A = arith.constant 0 : index
    %get3A_0 = arith.constant 0 : index
    %get3A_1 = vector.load %arg1[%get3A, %get3A_0] : memref<32x2048xf32, #tpu.memory_space<vmem>>, vector<32x2048xf32>
    %reduce_sum3A = arith.constant dense<0.000000e+00> : vector<2048xf32>
    %reduce_sum3A_2 = vector.multi_reduction <add>, %get3A_1, %reduce_sum3A [0] : vector<32x2048xf32> to vector<2048xf32>
    %broadcast_in_dim3A = vector.shape_cast %reduce_sum3A_2 : vector<2048xf32> to vector<1x2048xf32>
    %add3A = arith.constant 1.000000e+00 : f32
    %add3A_3 = vector.broadcast %add3A : f32 to vector<1x2048xf32>
    %add3A_4 = arith.addf %add3A_3, %broadcast_in_dim3A : vector<1x2048xf32>
    %swap3A = arith.constant 0 : index
    %swap3A_5 = arith.constant 0 : index
    %swap3A_6 = vector.load %arg2[%swap3A, %swap3A_5] : memref<1x2048xf32, #tpu.memory_space<vmem>>, vector<1x2048xf32>
    tpu.vector_store %arg2[%swap3A, %swap3A_5], %add3A_4 {strides = array<i32>} : memref<1x2048xf32, #tpu.memory_space<vmem>>, vector<1x2048xf32>,
    return
  }
  func.func @transform_0(%arg0: i32) -> (i32, i32) {
    %c0_i32 = arith.constant 0 : i32
    %c0_i32_0 = arith.constant 0 : i32
    return %c0_i32, %arg0 : i32, i32
  }
  func.func @transform_1(%arg0: i32) -> (i32, i32) {
    %c0_i32 = arith.constant 0 : i32
    %c0_i32_0 = arith.constant 0 : i32
    return %c0_i32, %arg0 : i32, i32
  }
}

module attributes {stable_mosaic.version = 14 : i64} {
  func.func @body(%arg0: i32, %arg1: memref<2048x128xf32, #tpu.memory_space<vmem>>, %arg2: memref<128x128xf32, #tpu.memory_space<vmem>>, %arg3: memref<2048x128xf32, #tpu.memory_space<vmem>>, %arg4: memref<2048x128xf32, #tpu.memory_space<vmem>>) attributes {dimension_semantics = [#tpu.dimension_semantics<arbitrary>], iteration_bounds = array<i64: 5>, scalar_prefetch = 0 : i64, scratch_operands = 0 : i64, tpu.core_type = #tpu.core_type<tc>, window_params = [{transform_indices = @transform_0, window_bounds = array<i64: 2048, 128>}, {pipeline_mode = #tpu.pipeline_mode<synchronous>, transform_indices = @transform_1, window_bounds = array<i64: 128, 128>}, {transform_indices = @transform_2, window_bounds = array<i64: 2048, 128>}, {transform_indices = @transform_3, window_bounds = array<i64: 2048, 128>}]} {
    %get3A = arith.constant 0 : index
    %get3A_0 = arith.constant 0 : index
    %get3A_1 = vector.load %arg1[%get3A, %get3A_0] : memref<2048x128xf32, #tpu.memory_space<vmem>>, vector<2048x128xf32>
    %get3A_2 = arith.constant 0 : index
    %get3A_3 = arith.constant 0 : index
    %get3A_4 = vector.load %arg2[%get3A_2, %get3A_3] : memref<128x128xf32, #tpu.memory_space<vmem>>, vector<128x128xf32>
    %dot_general3A = arith.constant dense<0.000000e+00> : vector<2048x128xf32>
    %dot_general3A_5 = tpu.matmul %get3A_1, %get3A_4, %dot_general3A {dimension_numbers = #tpu.dot_dimension_numbers<[1], [0], [0], [1], [0, 0, 1, 1], [], []>, precision = #tpu.contract_precision<fp32>, transpose_lhs_hint = false} : vector<2048x128xf32>, vector<128x128xf32>, vector<2048x128xf32> -> vector<2048x128xf32>
    %get3A_6 = arith.constant 0 : index
    %get3A_7 = arith.constant 0 : index
    %get3A_8 = vector.load %arg3[%get3A_6, %get3A_7] : memref<2048x128xf32, #tpu.memory_space<vmem>>, vector<2048x128xf32>
    %rsqrt3A = math.rsqrt %get3A_8 : vector<2048x128xf32>
    %mul3A = arith.mulf %dot_general3A_5, %rsqrt3A : vector<2048x128xf32>
    %swap3A = arith.constant 0 : index
    %swap3A_9 = arith.constant 0 : index
    %swap3A_10 = vector.load %arg4[%swap3A, %swap3A_9] : memref<2048x128xf32, #tpu.memory_space<vmem>>, vector<2048x128xf32>
    tpu.vector_store %arg4[%swap3A, %swap3A_9], %mul3A {strides = array<i32>} : memref<2048x128xf32, #tpu.memory_space<vmem>>, vector<2048x128xf32>,
    return
  }
  func.func @transform_0(%arg0: i32) -> (i32, i32) {
    %c0_i32 = arith.constant 0 : i32
    %c0_i32_0 = arith.constant 0 : i32
    return %arg0, %c0_i32 : i32, i32
  }
  func.func @transform_1(%arg0: i32) -> (i32, i32) {
    %c0_i32 = arith.constant 0 : i32
    %c0_i32_0 = arith.constant 0 : i32
    %c0_i32_1 = arith.constant 0 : i32
    return %c0_i32, %c0_i32_0 : i32, i32
  }
  func.func @transform_2(%arg0: i32) -> (i32, i32) {
    %c0_i32 = arith.constant 0 : i32
    %c0_i32_0 = arith.constant 0 : i32
    return %arg0, %c0_i32 : i32, i32
  }
  func.func @transform_3(%arg0: i32) -> (i32, i32) {
    %c0_i32 = arith.constant 0 : i32
    %c0_i32_0 = arith.constant 0 : i32
    return %arg0, %c0_i32 : i32, i32
  }
}

module attributes {stable_mosaic.version = 14 : i64} {
  func.func @body(%arg0: i32, %arg1: memref<2048x128xf32, #tpu.memory_space<vmem>>, %arg2: memref<2048x128xf32, #tpu.memory_space<vmem>>, %arg3: memref<2048x128xf32, #tpu.memory_space<vmem>>, %arg4: memref<1x128xf32, #tpu.memory_space<vmem>>, %arg5: memref<2048x128xf32, #tpu.memory_space<vmem>>) attributes {dimension_semantics = [#tpu.dimension_semantics<arbitrary>], iteration_bounds = array<i64: 5>, scalar_prefetch = 0 : i64, scratch_operands = 0 : i64, tpu.core_type = #tpu.core_type<tc>, window_params = [{transform_indices = @transform_0, window_bounds = array<i64: 2048, 128>}, {transform_indices = @transform_1, window_bounds = array<i64: 2048, 128>}, {transform_indices = @transform_2, window_bounds = array<i64: 2048, 128>}, {pipeline_mode = #tpu.pipeline_mode<synchronous>, transform_indices = @transform_3, window_bounds = array<i64: 1, 128>}, {transform_indices = @transform_4, window_bounds = array<i64: 2048, 128>}]} {
    %get3A = arith.constant 0 : index
    %get3A_0 = arith.constant 0 : index
    %get3A_1 = vector.load %arg3[%get3A, %get3A_0] : memref<2048x128xf32, #tpu.memory_space<vmem>>, vector<2048x128xf32>
    %rsqrt3A = math.rsqrt %get3A_1 : vector<2048x128xf32>
    %get3A_2 = arith.constant 0 : index
    %get3A_3 = arith.constant 0 : index
    %get3A_4 = vector.load %arg1[%get3A_2, %get3A_3] : memref<2048x128xf32, #tpu.memory_space<vmem>>, vector<2048x128xf32>
    %get3A_5 = arith.constant 0 : index
    %get3A_6 = arith.constant 0 : index
    %get3A_7 = vector.load %arg2[%get3A_5, %get3A_6] : memref<2048x128xf32, #tpu.memory_space<vmem>>, vector<2048x128xf32>
    %add3A = arith.addf %get3A_4, %get3A_7 : vector<2048x128xf32>
    %mul3A = arith.mulf %rsqrt3A, %add3A : vector<2048x128xf32>
    %get3A_8 = arith.constant 0 : index
    %get3A_9 = arith.constant 0 : index
    %get3A_10 = vector.load %arg4[%get3A_8, %get3A_9] : memref<1x128xf32, #tpu.memory_space<vmem>>, vector<1x128xf32>
    %add3A_11 = vector.broadcast %get3A_10 : vector<1x128xf32> to vector<2048x128xf32>
    %add3A_12 = arith.addf %mul3A, %add3A_11 : vector<2048x128xf32>
    %max3A = arith.constant 0.000000e+00 : f32
    %max3A_13 = vector.broadcast %max3A : f32 to vector<2048x128xf32>
    %max3A_14 = arith.maximumf %add3A_12, %max3A_13 : vector<2048x128xf32>
    %swap3A = arith.constant 0 : index
    %swap3A_15 = arith.constant 0 : index
    %swap3A_16 = vector.load %arg5[%swap3A, %swap3A_15] : memref<2048x128xf32, #tpu.memory_space<vmem>>, vector<2048x128xf32>
    tpu.vector_store %arg5[%swap3A, %swap3A_15], %max3A_14 {strides = array<i32>} : memref<2048x128xf32, #tpu.memory_space<vmem>>, vector<2048x128xf32>,
    return
  }
  func.func @transform_0(%arg0: i32) -> (i32, i32) {
    %c0_i32 = arith.constant 0 : i32
    %c0_i32_0 = arith.constant 0 : i32
    return %arg0, %c0_i32 : i32, i32
  }
  func.func @transform_1(%arg0: i32) -> (i32, i32) {
    %c0_i32 = arith.constant 0 : i32
    %c0_i32_0 = arith.constant 0 : i32
    return %arg0, %c0_i32 : i32, i32
  }
  func.func @transform_2(%arg0: i32) -> (i32, i32) {
    %c0_i32 = arith.constant 0 : i32
    %c0_i32_0 = arith.constant 0 : i32
    return %arg0, %c0_i32 : i32, i32
  }
  func.func @transform_3(%arg0: i32) -> (i32, i32) {
    %c0_i32 = arith.constant 0 : i32
    %c0_i32_0 = arith.constant 0 : i32
    %c0_i32_1 = arith.constant 0 : i32
    return %c0_i32, %c0_i32_0 : i32, i32
  }
  func.func @transform_4(%arg0: i32) -> (i32, i32) {
    %c0_i32 = arith.constant 0 : i32
    %c0_i32_0 = arith.constant 0 : i32
    return %arg0, %c0_i32 : i32, i32
  }
}

</mosaic_0001>

<sc_bundles>
// kernel: kernel.10.cloned.1.call-start
scs
__scs_entry_jumppad:
0x0: {  	(pc) =	sbr.rel $0x88, $3  }
0x1: {  	(tag) =	ssettag $0x0;
	lr =	simm.s32 $0x1  }
0x2: {  	[smem:$0x3F9C] =	sst lr;
	_ =	strace $0xD0000000  }
0x3: {  	_ = 	snop  }
0x4: {  	_ = 	snop  }
0x5: {  	_ = 	snop  }
0x6: {  	_ = 	snop  }
0x7: {  	_ = 	snop  }
__scs_overlays_trampoline_lowered:
0x8: {  	[smem:$0x3FAB] =	sst s0  }
0x9: {  	[smem:$0x3FAC] =	sst s1  }
0xa: {  	[smem:$0x3FAD] =	sst s2  }
0xb: {  	[smem:$0x3FAE] =	sst s3  }
0xc: {  	[smem:$0x3FAF] =	sst s4  }
0xd: {  	[smem:$0x3FB0] =	sst s5  }
0xe: {  	[smem:$0x3FB1] =	sst s6  }
0xf: {  	[smem:$0x3FB2] =	sst s7  }
0x10: {  	[smem:$0x3FB3] =	sst s8  }
0x11: {  	[smem:$0x3FB4] =	sst s9;
	s0 =	simm.s32 @!p0 $0x0  }
0x12: {  	s1 =	sld [smem:$0x3F9A];
	s0 =	simm.s32 @p0 $0x1  }
0x13: {  	[smem:$0x3FB5] =	sst s0;
	s0 =	simm.s32 @!p1 $0x0  }
0x14: {  	s2 =	sld [smem:$0x3F99];
	s0 =	simm.s32 @p1 $0x1  }
0x15: {  	[smem:$0x3FB6] =	sst s0;
	s0 =	simm.s32 @!p2 $0x0  }
0x16: {  	s3 =	sld [smem:$0x3FDB];
	s0 =	simm.s32 @p2 $0x1  }
0x17: {  	s4 =	simm.s32 $0x1BF5;
	[smem:$0x3FB8] =	sst s0  }
0x18: {  	s0 =	sld [smem:$0x3F9B];
	_ =	swait.ge [sflag:s4], $0x0  }
0x19: {  	s7 =	sld [smem:$0x3F9C]  }
0x1a: {  	s8 =	sadd.s32 $0xFFFFE003, lr  }
0x1b: {  	s9 =	sadd.s32 $0xFFFFFEF7, lr;
	s5 =	simm.s32 $0xFFFFFFFF;
	p2 =	slt.u32 s8, $0xFFFFF086  }
0x1c: {  	p1 =	slt.u32 s9, $0xF7A;
	s5 =	simm.s32 @!p2 $0x0  }
0x1d: {  	s5 =	simm.s32 @p1 $0x1;
	p0 =	seq.s32 s7, s2  }
0x1e: {  	s7 =	smul.u32 @!p0 $0xF7A, s2;
	p2 =	seq.s32 @!p0 s5, $0x0  }
0x1f: {  	s9 =	smul.u32 $0xF7A, s1;
	s8 =	simm.s32 @!p0 $0x1BF5;
	p2 =	por !p2, p0  }
0x20: {  	[sflag:s8] =	ssyncset.s32 @!p0 $0xFFFFF086;
	s6 =	sadd.s32 @!p0 s3, s7;
	s7 =	simm.s32 @!p0 $0x108  }
0x21: {  	s3 =	sadd.s32 s3, s9;
	s6 =	sadd.s32 @!p0 $0x88, s6;
	s7 =	simm.s32 @p2 $0x1082  }
0x22: {  	[simem:s7], [sflag:s8] =	dma.local @!p0 [hbm:s6], $0xF7A  }
0x23: {  	s9 =	sor.u32 $0xD0000000, s2;
	s6 =	simm.s32 $0x108;
	_ =	swait.ge @!p0 [sflag:s8], $0x0  }
0x24: {  	s3 =	sadd.s32 $0x88, s3;
	s6 =	simm.s32 @!p1 $0x1082;
	[sflag:s4] =	ssyncset.s32 $0xFFFFF086  }
0x25: {  	[simem:s6], [sflag:s4] =	dma.local [hbm:s3], $0xF7A  }
0x26: {  	[smem:$0x3F9C] =	sst s1;
	(tag) =	ssettag s2;
	_ =	strace s9  }
0x27: {  	s1 =	sld [smem:$0x3FAC]  }
0x28: {  	s2 =	sld [smem:$0x3FAD]  }
0x29: {  	s4 =	sld [smem:$0x3FAF]  }
0x2a: {  	p0 =	seq.s32 s5, $0x0;
	s5 =	sld [smem:$0x3FB0]  }
0x2b: {  	s6 =	sld [smem:$0x3FB1]  }
0x2c: {  	s7 =	sld [smem:$0x3FB2]  }
0x2d: {  	s3 =	simm.s32 $0x108;
	s8 =	sld [smem:$0x3FB3]  }
0x2e: {  	s3 =	simm.s32 @!p0 $0x1082;
	s9 =	sld [smem:$0x3FB4]  }
0x2f: {  	lr =	sadd.s32 s0, s3;
	s0 =	sld [smem:$0x3FAB]  }
0x30: {  	s3 =	sld [smem:$0x3FAE]  }
0x31: {  	[smem:$0x3FB7] =	sst s10  }
0x32: {  	s10 =	sld [smem:$0x3FB5];
	_ =	sdelay $0x3  }
0x33: {  	p0 =	seq.s32 s10, $0x1;
	s10 =	sld [smem:$0x3FB7];
	_ =	sdelay $0x3  }
0x34: {  	[smem:$0x3FB7] =	sst s10  }
0x35: {  	s10 =	sld [smem:$0x3FB6];
	_ =	sdelay $0x3  }
0x36: {  	p1 =	seq.s32 s10, $0x1;
	s10 =	sld [smem:$0x3FB7];
	_ =	sdelay $0x3  }
0x37: {  	[smem:$0x3FB7] =	sst s10  }
0x38: {  	s10 =	sld [smem:$0x3FB8]  }
0x39: {  	_ = 	snop;
	(pc) =	sbr.ind lr, $3  }
0x3a: {  	_ = 	snop  }
0x3b: {  	_ = 	snop  }
0x3c: {  	p2 =	seq.s32 s10, $0x1;
	s10 =	sld [smem:$0x3FB7]  }
0x3d: {  	_ =	shalt  }
0x3e: {  	_ =	shalt  }
0x3f: {  	_ =	shalt  }
0x40: {  	_ =	shalt  }
0x41: {  	_ =	shalt  }
0x42: {  	_ =	shalt  }
0x43: {  	_ =	shalt  }
0x44: {  	_ =	shalt  }
0x45: {  	_ =	shalt  }
0x46: {  	_ =	shalt  }
0x47: {  	_ =	shalt  }
0x48: {  	_ =	shalt  }
0x49: {  	_ =	shalt  }
0x4a: {  	_ =	shalt  }
0x4b: {  	_ =	shalt  }
0x4c: {  	_ =	shalt  }
0x4d: {  	_ =	shalt  }
0x4e: {  	_ =	shalt  }
0x4f: {  	_ =	shalt  }
0x50: {  	_ =	shalt  }
0x51: {  	_ =	shalt  }
0x52: {  	_ =	shalt  }
0x53: {  	_ =	shalt  }
0x54: {  	_ =	shalt  }
0x55: {  	_ =	shalt  }
0x56: {  	_ =	shalt  }
0x57: {  	_ =	shalt  }
0x58: {  	_ =	shalt  }
0x59: {  	_ =	shalt  }
0x5a: {  	_ =	shalt  }
0x5b: {  	_ =	shalt  }
0x5c: {  	_ =	shalt  }
0x5d: {  	_ =	shalt  }
0x5e: {  	_ =	shalt  }
0x5f: {  	_ =	shalt  }
0x60: {  	_ =	shalt  }
0x61: {  	_ =	shalt  }
0x62: {  	_ =	shalt  }
0x63: {  	_ =	shalt  }
0x64: {  	_ =	shalt  }
0x65: {  	_ =	shalt  }
0x66: {  	_ =	shalt  }
0x67: {  	_ =	shalt  }
0x68: {  	_ =	shalt  }
0x69: {  	_ =	shalt  }
0x6a: {  	_ =	shalt  }
0x6b: {  	_ =	shalt  }
0x6c: {  	_ =	shalt  }
0x6d: {  	_ =	shalt  }
0x6e: {  	_ =	shalt  }
0x6f: {  	_ =	shalt  }
0x70: {  	_ =	shalt  }
0x71: {  	_ =	shalt  }
0x72: {  	_ =	shalt  }
0x73: {  	_ =	shalt  }
0x74: {  	_ =	shalt  }
0x75: {  	_ =	shalt  }
0x76: {  	_ =	shalt  }
0x77: {  	_ =	shalt  }
0x78: {  	_ =	shalt  }
0x79: {  	_ =	shalt  }
0x7a: {  	_ =	shalt  }
0x7b: {  	_ =	shalt  }
0x7c: {  	_ =	shalt  }
0x7d: {  	_ =	shalt  }
0x7e: {  	_ =	shalt  }
0x7f: {  	_ =	shalt  }
0x80: {  	_ =	shalt  }
0x81: {  	_ =	shalt  }
0x82: {  	_ =	shalt  }
0x83: {  	_ =	shalt  }
0x84: {  	_ =	shalt  }
0x85: {  	_ =	shalt  }
0x86: {  	_ =	shalt  }
0x87: {  	_ =	shalt  }
.Lfunc_end0:
.L_simem_size_0:
called_computation.1_lowered:
.L_overlay_start_0:
0x88: {  	s2 =	sld [smem:$0x3FD9]  }
0x89: {  	s3 =	sld [smem:$0x3FFE];
	_ =	sdelay $0x1  }
0x8a: {  	s1 =	srdreg.scid  }
0x8b: {  	s0 =	sand.u32 $0x1, s1  }
0x8c: {  	s17 =	sshll.u32 s0, $0xA;
	s2 =	sadd.s32 s3, s2  }
0x8d: {  	s2 =	sadd.s32 s2, s17  }
0x8e: {  	[smem:$0x3FC3] =	sst s2  }
0x8f: {  	_ = 	snop  }
0x90: {  	s2 =	sld [smem:$0x3FD0];
	(tm) =	ssettm $0x1  }
0x91: {  	s18 =	sld [smem:$0x3FFB];
	_ =	sdelay $0x3  }
0x92: {  	_ =	strace s18  }
0x93: {  	s3 =	sld [smem:$0x3FFC];
	_ =	sdelay $0x3  }
0x94: {  	_ =	strace s3  }
0x95: {  	s3 =	sld [smem:$0x3FFD];
	_ =	sdelay $0x3  }
0x96: {  	_ =	strace s3  }
0x97: {  	_ =	strace $0x8FFFFFFF  }
0x98: {  	s19 =	sld [smem:$0x3FDB];
	_ =	sdelay $0x1  }
0x99: {  	s4 =	simm.s32 $_scs_section_size  }
0x9a: {  	s5 =	simm.s32 $_size__tile_overlayer_lowered;
	s6 =	simm.s32 $_tile_overlayer_lowered  }
0x9b: {  	s22 =	simm.s32 $0x1BFF;
	s21 =	sshll.u32 s6, $0x1;
	s3 =	sadd.s32 s4, s19  }
0x9c: {  	s7 =	simm.s32 $0x0;
	s20 =	sshll.u32 s5, $0x1;
	s5 =	sadd.s32 s21, s3  }
0x9d: {  	[timem:s7], [sflag:s22] =	dma.local [hbm:s5], s20  }
0x9e: {  	_ =	swait.ge [sflag:s22], s20  }
0x9f: {  	s4 =	ssub.s32 $0x0, s20;
	[sflag:s22] =	ssyncset.done $0x0  }
0xa0: {  	[sflag:s22] =	ssyncadd.s32 s4;
	_ =	sdelay $0x1  }
0xa1: {  	s23 =	simm.s32 $0x1B8B  }
0xa2: {  	_ =	swait.ge [sflag:s23], $0x1  }
0xa3: {  	[sflag:s23] =	ssyncset.done $0x0  }
0xa4: {  	s25 =	simm.s32 $0x1B8E;
	s24 =	sld [smem:$0x3FFE];
	[sflag:s23] =	ssyncadd.s32 $0xFFFFFFFF  }
0xa5: {  	s26 =	simm.s32 $execute0_lowered;
	[smem:$0x3FD2] =	sst s25  }
0xa6: {  	s5 =	sshll.u32 s26, $0x1;
	_ =	strace $0x80000049;
	[dreg:$0x1] =	wrdreg $0xFFFFFFFF  }
0xa7: {  	s28 =	simm.s32 $_size_execute0_lowered;
	s3 =	sadd.s32 s3, s5;
	[dreg:$0x0] =	wrdreg $0x0  }
0xa8: {  	s5 =	sshll.u32 s28, $0x1;
	[dreg:$0x2] =	wrdreg s3  }
0xa9: {  	[dreg:$0x3] =	wrdreg s5  }
0xaa: {  	[dreg:$0x4] =	wrdreg $0xC0  }
0xab: {  	_ =	task [dreg:s7], $0x5FFFF  }
0xac: {  	[dreg:$0x1] =	wrdreg $0xFFFFFFFF  }
0xad: {  	[dreg:$0x0] =	wrdreg $0x60  }
0xae: {  	[dreg:$0x2] =	wrdreg s2  }
0xaf: {  	[dreg:$0x3] =	wrdreg s24  }
0xb0: {  	[dreg:$0x4] =	wrdreg $0x9  }
0xb1: {  	_ =	task.clear_ibuf [dreg:s7], $0x5FFFF;
	_ =	strace $0x90000049  }
0xb2: {  	s29 =	simm.s32 $0x9;
	_ =	strace $0x8000004B  }
0xb3: {  	_ =	swait.ge [sflag:s29], $0x1  }
0xb4: {  	[sflag:s29] =	ssyncadd.s32 $0xFFFFFFFF  }
0xb5: {  	_ =	strace $0x9000004B  }
0xb6: {  	_ =	sfence  }
0xb7: {  	s30 =	sld [smem:$0x0];
	_ =	sdelay $0x2  }
0xb8: {  	s31 =	sshll.u32 s1, $0xD;
	s1 =	sshrl.u32 s1, $0x2  }
0xb9: {  	s3 =	sand.u32 $0x4000, s31;
	s1 =	sadd.s32 s1, s30  }
0xba: {  	s0 =	sor.u32 s3, s0;
	s1 =	sshll.u32 s1, $0x11  }
0xbb: {  	s0 =	sor.u32 s1, s0  }
0xbc: {  	s0 =	sadd.s32 $0x8F2B, s0  }
0xbd: {  	[sflag:s0] =	ssyncadd.remote.s32 $0x1  }
0xbe: {  	_ =	sfence.sel $0xFFFF  }
0xbf: {  	[dreg:$0x0] =	wrdreg $0xFFFFFFFF;
	(pc) =	sbr.abs _section_cstart, $3  }
0xc0: {  	[dreg:$0x1] =	wrdreg $0xFFFFFFFF  }
0xc1: {  	_ =	task.clear_ibuf [dreg:s7], $0x2FFFF;
	_ =	strace $0x9FFFFFFF  }
0xc2: {  	(tm) =	ssettm $0x7FFFFFFF  }
0xc3: {  	_ =	shalt  }
tec
execute0_lowered:
.L_overlay_start_1:
0x0: {  	(tag) =	ssettag $0x1  }
0x1: {  	s0 =	srdreg.scid  }
0x2: {  	s1 =	rddreg [dreg:$0x1];
	s0 =	sand.u32 $0x1, s0  }
0x3: {  	s3 =	stileid.u32;
	s4 =	simm.s32 $0x0;
	s2 =	sshll.u32 s0, $0x4  }
0x4: {  	[smem:$0x7FF] =	sst s4;
	s0 =	ssub.s32 $0x2, s0;
	s2 =	sor.u32 s3, s2  }
0x5: {  	s7 =	sadd.s32 $0x1600, s1;
	s31 =	sshrl.u32 s0, $0x1;
	s3 =	smul.u32 $0x1400, s2  }
0x6: {  	_ =	strace $0x8000004A;
	[dreg:$0x6] =	wrdreg s7;
	s0 =	ssub.s32 s0, s31  }
0x7: {  	s2 =	smul.u32 $0x140, s2;
	s0 =	smax.u32 s0, $0x1;
	s1 =	sadd.s32 s3, s1  }
0x8: {  	s8 =	simm.s32 $0xA000;
	v1 =	vimm.f32 $0.0e+00;
	[dreg:$0x8] =	wrdreg s0;
	s1 =	sadd.s32 $0x29600, s1  }
0x9: {  	s9 =	simm.s32 $0xD000;
	v2 =	vimm.s32 $0x0;
	v3 =	vlaneseq.u32;
	v0 =	vmov s2;
	s2 =	simm.s32 $0x0;
	[dreg:$0x7] =	wrdreg s1  }
.LBB2_1:
0xa: {  	s0 =	simm.s32 $0x0;
	s1 =	simm.s32 $0x200  }
.LBB2_2:
0xb: {  	p0 =	sne.s32 s1, $0x27E00;
	[tilespmem:s0+$0x70] =	vst v1  }
0xc: {  	[tilespmem:s0+$0x0] =	vst v1  }
0xd: {  	[tilespmem:s0+$0x10] =	vst v1  }
.Ltmp0:
0xe: {  	[tilespmem:s0+$0x20] =	vst v1;
	(pc) =	sbr.rel @p0 .LBB2_2-.Ltmp0, $4  }
0xf: {  	[tilespmem:s0+$0x30] =	vst v1  }
0x10: {  	[tilespmem:s0+$0x40] =	vst v1  }
0x11: {  	[tilespmem:s0+$0x50] =	vst v1  }
0x12: {  	[tilespmem:s0+$0x60] =	vst v1;
	s0 =	sshra.s32 s1, $0x2;
	s1 =	sadd.s32 $0x200, s1  }
0x13: {  	[tilespmem:s0+$0x70] =	vst v1  }
0x14: {  	[tilespmem:s0+$0x0] =	vst v1  }
0x15: {  	[tilespmem:s0+$0x10] =	vst v1  }
0x16: {  	[tilespmem:s0+$0x20] =	vst v1  }
0x17: {  	[tilespmem:s0+$0x30] =	vst v1  }
0x18: {  	[tilespmem:s0+$0x40] =	vst v1  }
0x19: {  	[tilespmem:s0+$0x50] =	vst v1  }
0x1a: {  	[tilespmem:s0+$0x60] =	vst v1;
	s0 =	simm.s32 $0x40;
	s1 =	simm.s32 $0x0  }
.LBB2_4:
0x1b: {  	p0 =	sne.s32 s0, $0x3FC0;
	[tilespmem:s1+$0x10000] =	vst v2;
	s1 =	smov.u32 s0;
	s0 =	sadd.s32 $0x40, s0  }
.Ltmp1:
0x1c: {  	(pc) =	sbr.rel @p0 .LBB2_4-.Ltmp1, $2  }
0x1d: {  	_ =	sdelay $0x2  }
0x1e: {  	s1 =	sshra.s32 s1, $0x2  }
0x1f: {  	[tilespmem:s1+$0x10000] =	vst v2  }
0x20: {  	[tilespmem:$0x11000] =	vst v2  }
0x21: {  	[tilespmem:$0x11200] =	vst v2  }
0x22: {  	[tilespmem:$0x11400] =	vst v1  }
0x23: {  	[tilespmem:$0x11010] =	vst v2  }
0x24: {  	[tilespmem:$0x11210] =	vst v2  }
0x25: {  	[tilespmem:$0x11410] =	vst v1  }
0x26: {  	[tilespmem:$0x11020] =	vst v2  }
0x27: {  	[tilespmem:$0x11220] =	vst v2  }
0x28: {  	[tilespmem:$0x11420] =	vst v1  }
0x29: {  	[tilespmem:$0x11030] =	vst v2  }
0x2a: {  	[tilespmem:$0x11230] =	vst v2  }
0x2b: {  	[tilespmem:$0x11430] =	vst v1  }
0x2c: {  	[tilespmem:$0x11040] =	vst v2  }
0x2d: {  	[tilespmem:$0x11240] =	vst v2  }
0x2e: {  	[tilespmem:$0x11440] =	vst v1  }
0x2f: {  	[tilespmem:$0x11050] =	vst v2  }
0x30: {  	[tilespmem:$0x11250] =	vst v2  }
0x31: {  	[tilespmem:$0x11450] =	vst v1  }
0x32: {  	[tilespmem:$0x11060] =	vst v2  }
0x33: {  	[tilespmem:$0x11260] =	vst v2  }
0x34: {  	[tilespmem:$0x11460] =	vst v1  }
0x35: {  	[tilespmem:$0x11070] =	vst v2  }
0x36: {  	[tilespmem:$0x11270] =	vst v2  }
0x37: {  	[tilespmem:$0x11470] =	vst v1  }
0x38: {  	[tilespmem:$0x11080] =	vst v2  }
0x39: {  	[tilespmem:$0x11280] =	vst v2  }
0x3a: {  	[tilespmem:$0x11480] =	vst v1  }
0x3b: {  	[tilespmem:$0x11090] =	vst v2  }
0x3c: {  	[tilespmem:$0x11290] =	vst v2  }
0x3d: {  	[tilespmem:$0x11490] =	vst v1  }
0x3e: {  	[tilespmem:$0x110A0] =	vst v2  }
0x3f: {  	[tilespmem:$0x112A0] =	vst v2  }
0x40: {  	[tilespmem:$0x114A0] =	vst v1  }
0x41: {  	[tilespmem:$0x110B0] =	vst v2  }
0x42: {  	[tilespmem:$0x112B0] =	vst v2  }
0x43: {  	[tilespmem:$0x114B0] =	vst v1  }
0x44: {  	[tilespmem:$0x11100] =	vst v2  }
0x45: {  	[tilespmem:$0x11300] =	vst v2  }
0x46: {  	[tilespmem:$0x11500] =	vst v1  }
0x47: {  	[tilespmem:$0x11110] =	vst v2  }
0x48: {  	[tilespmem:$0x11310] =	vst v2  }
0x49: {  	[tilespmem:$0x11510] =	vst v1  }
0x4a: {  	[tilespmem:$0x11120] =	vst v2  }
0x4b: {  	[tilespmem:$0x11320] =	vst v2  }
0x4c: {  	[tilespmem:$0x11520] =	vst v1  }
0x4d: {  	[tilespmem:$0x11130] =	vst v2  }
0x4e: {  	[tilespmem:$0x11330] =	vst v2  }
0x4f: {  	[tilespmem:$0x11530] =	vst v1  }
0x50: {  	[tilespmem:$0x11140] =	vst v2  }
0x51: {  	[tilespmem:$0x11340] =	vst v2  }
0x52: {  	[tilespmem:$0x11540] =	vst v1  }
0x53: {  	[tilespmem:$0x11150] =	vst v2  }
0x54: {  	[tilespmem:$0x11350] =	vst v2  }
0x55: {  	[tilespmem:$0x11550] =	vst v1  }
0x56: {  	[tilespmem:$0x11160] =	vst v2  }
0x57: {  	[tilespmem:$0x11360] =	vst v2  }
0x58: {  	[tilespmem:$0x11560] =	vst v1  }
0x59: {  	[tilespmem:$0x11170] =	vst v2  }
0x5a: {  	[tilespmem:$0x11370] =	vst v2  }
0x5b: {  	[tilespmem:$0x11570] =	vst v1  }
0x5c: {  	[tilespmem:$0x11180] =	vst v2  }
0x5d: {  	[tilespmem:$0x11380] =	vst v2  }
0x5e: {  	[tilespmem:$0x11580] =	vst v1  }
0x5f: {  	[tilespmem:$0x11190] =	vst v2  }
0x60: {  	[tilespmem:$0x11390] =	vst v2  }
0x61: {  	[tilespmem:$0x11590] =	vst v1  }
0x62: {  	[tilespmem:$0x111A0] =	vst v2  }
0x63: {  	[tilespmem:$0x113A0] =	vst v2  }
0x64: {  	[tilespmem:$0x115A0] =	vst v1  }
.Ltmp2:
0x65: {  	[tilespmem:$0x111B0] =	vst v2;
	(pc) =	sbr.rel .LBB2_6-.Ltmp2, $4  }
0x66: {  	[tilespmem:$0x113B0] =	vst v2  }
0x67: {  	s31 =	simm.s32 $0x0;
	s0 =	rddreg [dreg:$0x0];
	[tilespmem:$0x115B0] =	vst v1  }
0x68: {  	[tilespmem:s8], [sflag:$0x1] =	stream.linear.gather [hbm4b:s0+s31], $0x3000, $0x38;
	[tilespmem:$0x1D680] =	vst v63  }
0x69: {  	[dreg:$0x9] =	wrdreg s2;
	s11 =	simm.s32 $0x0;
	s0 =	simm.s32 $0x0  }
.LBB2_26:
0x6a: {  	s0 =	rddreg [dreg:$0xa]  }
0x6b: {  	s0 =	sadd.s32 $0x1, s0  }
0x6c: {  	p0 =	sne.s32 s0, $0x28  }
.Ltmp3:
0x6d: {  	_ = 	snop;
	(pc) =	sbr.rel @!p0 .LBB2_27-.Ltmp3, $2  }
0x6e: {  	_ =	sdelay $0x2  }
0x6f: {  	s11 =	rddreg [dreg:$0xc]  }
.LBB2_6:
0x70: {  	s22 =	smul.u32 $0x6000, s0  }
0x71: {  	[dreg:$0xa] =	wrdreg s0  }
0x72: {  	s1 =	rddreg [dreg:$0x0];
	s0 =	sshrl.u32 s22, $0x3  }
0x73: {  	s4 =	simm.s32 $0x0;
	s0 =	sadd.s32 s1, s0  }
0x74: {  	s23 =	simm.s32 $0x1;
	[dreg:$0xb] =	wrdreg s22;
	s0 =	sadd.s32 $0x600, s0  }
0x75: {  	[tilespmem:s9], [sflag:$0x2] =	stream.linear.gather [hbm4b:s0+s4], $0x3000, $0x38;
	[tilespmem:$0x1D680] =	vst v63  }
0x76: {  	_ =	swait.ge [sflag:s23], $0x3000  }
0x77: {  	[sflag:s23] =	ssyncset.done $0x0  }
0x78: {  	s24 =	simm.s32 $0xB070;
	[sflag:s23] =	ssyncadd.s32 $0xFFFFD000  }
0x79: {  	v4 =	vld [tilespmem:s24+$0x0]  }
0x7a: {  	v5 =	vld [tilespmem:s24+$0xFFFFFFF0]  }
0x7b: {  	v6 =	vld [tilespmem:s24+$0xFFFFFFE0]  }
0x7c: {  	v8 =	vld [tilespmem:s24+$0xFFFFFF90]  }
0x7d: {  	v9 =	vld [tilespmem:s24+$0xFFFFFFA0]  }
0x7e: {  	v7 =	vld [tilespmem:s24+$0xFFFFFFD0]  }
0x7f: {  	v10 =	vld [tilespmem:s24+$0xFFFFFFB0]  }
0x80: {  	s26 =	simm.s32 $0x0;
	v11 =	vld [tilespmem:s24+$0xFFFFFFC0]  }
0x81: {  	s25 =	simm.s32 $0xB0F0;
	v15 =	vor.u32 s26, v3;
	v4 =	vsub.s32 v4, v0;
	v8 =	vsub.s32 v8, v0  }
0x82: {  	v16 =	vld [tilespmem:s25+$0xFFFFFFC0];
	v6 =	vsub.s32 v6, v0;
	vm11 =	vlt.u32 v8, $0x140;
	v8 =	vsub.s32 v9, v0  }
0x83: {  	v5 =	vsub.s32 v5, v0;
	v9 =	vmpcnt.ones.xlane vm11;
	vm0 =	vlt.u32 v8, $0x140  }
0x84: {  	v7 =	vsub.s32 v7, v0;
	v8 =	vsub.s32 v10, v0;
	v10 =	vmpcnt.ones.xlane vm0  }
0x85: {  	vm6 =	vlt.u32 v8, $0x140;
	v8 =	vsub.s32 v11, v0;
	(v2sf) =	vpush v9, $0x0  }
0x86: {  	v11 =	vmpcnt.ones.xlane vm6;
	vm5 =	vlt.u32 v8, $0x140;
	(v2sf) =	vpush v10, $0x0  }
0x87: {  	v12 =	vld [tilespmem:s25+$0xFFFFFFD0];
	v16 =	vsub.s32 v16, v0;
	vm1 =	vlt.u32 v7, $0x140;
	v8 =	vmpcnt.ones.xlane vm5  }
0x88: {  	v7 =	vld [tilespmem:s25+$0x0];
	vm2 =	vlt.u32 v6, $0x140;
	v9 =	vmpcnt.ones.xlane vm1;
	(v2sf) =	vpush v11, $0x0  }
0x89: {  	vm7 =	vlt.u32 v5, $0x140;
	v6 =	vmpcnt.ones.xlane vm2;
	v10 =	vld [tilespmem:s25+$0xFFFFFFE0];
	(v2sf) =	vpush v8, $0x0  }
0x8a: {  	vm8 =	vlt.u32 v4, $0x140;
	v5 =	vmpcnt.ones.xlane vm7;
	v11 =	vld [tilespmem:s25+$0xFFFFFFF0];
	(v2sf) =	vpush v9, $0x0  }
0x8b: {  	v4 =	vmpcnt.ones.xlane vm8;
	vm3 =	vmmov vm1;
	v9 =	vld [tilespmem:s25+$0xFFFFFF90];
	(v2sf) =	vpush v6, $0x0  }
0x8c: {  	v13 =	vld [tilespmem:s25+$0xFFFFFFA0];
	vm2 =	vmmov vm2;
	vm4 =	vmmov vm0;
	(v2sf) =	vpush v5, $0x0  }
0x8d: {  	v14 =	vld [tilespmem:s25+$0xFFFFFFB0];
	vm0 =	vmmov vm8;
	vm1 =	vmmov vm7;
	(v2sf) =	vpush v4, $0x0  }
0x8e: {  	s28 =	simm.s32 $0x10;
	s2 =	simm.s32 $0x20;
	vm8 =	vmmov vm6;
	vm6 =	vlt.u32 v16, $0x140;
	vm9 =	vmmov vm5  }
0x8f: {  	v8 =	vor.u32 s28, v3;
	v6 =	vor.u32 s2, v3;
	v10 =	vsub.s32 v10, v0  }
0x90: {  	v4 =	vsub.s32 v7, v0;
	v5 =	vsub.s32 v9, v0;
	v9 =	vsub.s32 v11, v0  }
0x91: {  	v11 =	vsub.s32 v13, v0;
	v13 =	vsub.s32 v12, v0;
	vm5 =	vlt.u32 v5, $0x140  }
0x92: {  	s29 =	simm.s32 $0x30;
	v12 =	vsub.s32 v14, v0;
	vm10 =	vlt.u32 v11, $0x140;
	v11 =	vmpcnt.ones.xlane vm5  }
0x93: {  	s30 =	simm.s32 $0x40;
	s3 =	simm.s32 $0xB170;
	v7 =	vor.u32 s29, v3;
	vm7 =	vlt.u32 v12, $0x140;
	v14 =	vmpcnt.ones.xlane vm10  }
0x94: {  	s1 =	simm.s32 $0x70;
	s0 =	simm.s32 $0x70;
	v5 =	vor.u32 s30, v3;
	v12 =	vmpcnt.ones.xlane vm7;
	(v2sf) =	vpush v11, $0x0;
	s31 =	spop (v2sf)  }
0x95: {  	[tilespmem:s4+$0x10000] =	vst.msk vm11, v15;
	s2 =	simm.s32 $0x8;
	vm11 =	vlt.u32 v13, $0x140;
	v11 =	vmpcnt.ones.xlane vm6;
	(v2sf) =	vpush v14, $0x0;
	s4 =	sadd.s32 $0x0, s31;
	s5 =	spop (v2sf)  }
.LBB2_7:
0x96: {  	v14 =	vmpcnt.ones.xlane vm11;
	vm12 =	vlt.u32 v10, $0x140;
	(v2sf) =	vpush v12, $0x0  }
0x97: {  	v13 =	vld [tilespmem:s3+$0x0];
	[tilespmem:s4+$0x10000] =	vst.msk vm4, v8;
	s4 =	sadd.s32 s4, s5;
	s0 =	sadd.s32 $0x80, s0;
	s5 =	spop (v2sf);
	vm4 =	vmmov vm10;
	vm13 =	vmmov vm3;
	vm3 =	vmmov vm11  }
0x98: {  	vm10 =	vlt.u32 v9, $0x140;
	v12 =	vld [tilespmem:s3+$0xFFFFFFF0];
	s6 =	sadd.s32 $0xFFFFFF90, s0;
	v8 =	vmpcnt.ones.xlane vm12;
	(v2sf) =	vpush v11, $0x0;
	[tilespmem:s4+$0x10000] =	vst.msk vm8, v6;
	s4 =	sadd.s32 s4, s5;
	s5 =	spop (v2sf)  }
0x99: {  	v6 =	vmpcnt.ones.xlane vm10;
	vm8 =	vlt.u32 v4, $0x140;
	v9 =	vld [tilespmem:s3+$0xFFFFFFE0];
	(v2sf) =	vpush v14, $0x0;
	[tilespmem:s4+$0x10000] =	vst.msk vm9, v7;
	s4 =	sadd.s32 s4, s5;
	s5 =	sadd.s32 $0xFFFFFFE0, s1;
	s9 =	spop (v2sf)  }
0x9a: {  	v4 =	vmpcnt.ones.xlane vm8;
	v11 =	vld [tilespmem:s3+$0xFFFFFFD0];
	(v2sf) =	vpush v8, $0x0;
	[tilespmem:s4+$0x10000] =	vst.msk vm13, v5;
	s4 =	sadd.s32 s4, s9;
	v5 =	vor.u32 s5, v3;
	s5 =	sadd.s32 $0xFFFFFFF0, s1;
	s9 =	spop (v2sf)  }
0x9b: {  	s2 =	sadd.s32 $0x8, s2;
	v10 =	vld [tilespmem:s3+$0xFFFFFF90];
	(v2sf) =	vpush v6, $0x0;
	[tilespmem:s4+$0x10000] =	vst.msk vm2, v5;
	s4 =	sadd.s32 s4, s9;
	v5 =	vor.u32 s5, v3;
	s5 =	spop (v2sf);
	vm2 =	vmmov vm12  }
0x9c: {  	p0 =	slt.u32 s2, $0xF8;
	v14 =	vld [tilespmem:s3+$0xFFFFFFA0];
	(v2sf) =	vpush v4, $0x0;
	[tilespmem:s4+$0x10000] =	vst.msk vm1, v5;
	s4 =	sadd.s32 s4, s5;
	v4 =	vor.u32 s1, v3;
	s1 =	spop (v2sf);
	vm1 =	vmmov vm10  }
0x9d: {  	v5 =	vor.u32 s6, v3;
	s5 =	sadd.s32 $0xFFFFFFA0, s0;
	s6 =	sadd.s32 $0xFFFFFFB0, s0;
	v15 =	vld [tilespmem:s3+$0xFFFFFFB0];
	[tilespmem:s4+$0x10000] =	vst.msk vm0, v4;
	s4 =	sadd.s32 s4, s1;
	vm0 =	vmmov vm8;
	vm8 =	vmmov vm7  }
0x9e: {  	vm9 =	vmmov vm6;
	v8 =	vor.u32 s5, v3;
	v6 =	vor.u32 s6, v3;
	s5 =	sadd.s32 $0xFFFFFFC0, s0;
	s6 =	sadd.s32 $0xFFFFFFD0, s0;
	s1 =	smov.u32 s0;
	v16 =	vld [tilespmem:s3+$0xFFFFFFC0];
	[tilespmem:s4+$0x10000] =	vst.msk vm5, v5  }
0x9f: {  	v4 =	vsub.s32 v13, v0;
	v7 =	vor.u32 s5, v3;
	v5 =	vor.u32 s6, v3  }
0xa0: {  	v13 =	vsub.s32 v10, v0;
	v10 =	vsub.s32 v9, v0;
	v9 =	vsub.s32 v12, v0  }
.Ltmp4:
0xa1: {  	vm5 =	vlt.u32 v13, $0x140;
	v12 =	vsub.s32 v14, v0;
	v13 =	vsub.s32 v11, v0;
	(pc) =	sbr.rel @p0 .LBB2_7-.Ltmp4, $4  }
0xa2: {  	v11 =	vmpcnt.ones.xlane vm5;
	vm10 =	vlt.u32 v12, $0x140;
	v12 =	vsub.s32 v15, v0  }
0xa3: {  	v14 =	vmpcnt.ones.xlane vm10;
	vm7 =	vlt.u32 v12, $0x140;
	v15 =	vsub.s32 v16, v0  }
0xa4: {  	v12 =	vmpcnt.ones.xlane vm7;
	vm6 =	vlt.u32 v15, $0x140;
	(v2sf) =	vpush v11, $0x0;
	s5 =	spop (v2sf)  }
0xa5: {  	s3 =	sadd.s32 $0x80, s3;
	vm11 =	vlt.u32 v13, $0x140;
	v11 =	vmpcnt.ones.xlane vm6;
	(v2sf) =	vpush v14, $0x0;
	s4 =	sadd.s32 s4, s5;
	s5 =	spop (v2sf)  }
0xa6: {  	v13 =	vmpcnt.ones.xlane vm11;
	vm13 =	vlt.u32 v10, $0x140;
	(v2sf) =	vpush v12, $0x0  }
0xa7: {  	vm12 =	vlt.u32 v9, $0x140;
	v10 =	vmpcnt.ones.xlane vm13;
	(v2sf) =	vpush v11, $0x0  }
0xa8: {  	v9 =	vmpcnt.ones.xlane vm12;
	(v2sf) =	vpush v13, $0x0  }
0xa9: {  	(v2sf) =	vpush v10, $0x0  }
0xaa: {  	(v2sf) =	vpush v9, $0x0;
	_ =	sdelay $0x2  }
0xab: {  	[tilespmem:s4+$0x10000] =	vst.msk vm4, v8;
	s2 =	spop (v2sf);
	s3 =	sadd.s32 s4, s5  }
0xac: {  	s24 =	spop (v2sf);
	[tilespmem:s3+$0x10000] =	vst.msk vm8, v6;
	s2 =	sadd.s32 s3, s2  }
0xad: {  	vm3 =	vmmov vm3;
	s26 =	sadd.s32 $0xFFFFFFE0, s1;
	s25 =	spop (v2sf);
	[tilespmem:s2+$0x10000] =	vst.msk vm9, v7;
	s2 =	sadd.s32 s2, s24  }
0xae: {  	s29 =	sadd.s32 $0xFFFFFFF0, s1;
	s28 =	spop (v2sf);
	[tilespmem:s2+$0x10000] =	vst.msk vm3, v5;
	s2 =	sadd.s32 s2, s25;
	v5 =	vor.u32 s26, v3  }
0xaf: {  	s0 =	sadd.s32 $0x80, s0;
	[tilespmem:s2+$0x10000] =	vst.msk vm2, v5;
	s2 =	sadd.s32 s2, s28;
	v5 =	vor.u32 s29, v3;
	s30 =	spop (v2sf)  }
0xb0: {  	s31 =	sadd.s32 $0xFFFFFF90, s0;
	[tilespmem:s2+$0x10000] =	vst.msk vm1, v5;
	s2 =	sadd.s32 s2, s30;
	v5 =	vor.u32 s1, v3;
	s3 =	spop (v2sf)  }
0xb1: {  	s5 =	sadd.s32 $0xFFFFFFA0, s0;
	v6 =	vor.u32 s31, v3;
	[tilespmem:s2+$0x10000] =	vst.msk vm0, v5;
	s1 =	sadd.s32 s2, s3;
	s6 =	spop (v2sf)  }
0xb2: {  	s9 =	sadd.s32 $0xFFFFFFB0, s0;
	vm0 =	vmmov vm10;
	v5 =	vor.u32 s5, v3;
	[tilespmem:s1+$0x10000] =	vst.msk vm5, v6;
	s1 =	sadd.s32 s1, s6;
	s10 =	spop (v2sf)  }
0xb3: {  	s12 =	sadd.s32 $0xFFFFFFC0, s0;
	vm1 =	vmmov vm7;
	v6 =	vor.u32 s9, v3;
	[tilespmem:s1+$0x10000] =	vst.msk vm0, v5;
	s1 =	sadd.s32 s1, s10;
	s13 =	spop (v2sf)  }
0xb4: {  	s14 =	sadd.s32 $0xFFFFFFD0, s0;
	vm2 =	vmmov vm6;
	vm0 =	vmmov vm11;
	v5 =	vor.u32 s12, v3;
	[tilespmem:s1+$0x10000] =	vst.msk vm1, v6;
	s1 =	sadd.s32 s1, s13;
	s15 =	spop (v2sf)  }
0xb5: {  	s16 =	sadd.s32 $0xFFFFFFE0, s0;
	v6 =	vor.u32 s14, v3;
	vm0 =	vmmov vm0;
	[tilespmem:s1+$0x10000] =	vst.msk vm2, v5;
	s1 =	sadd.s32 s1, s15;
	s17 =	spop (v2sf)  }
0xb6: {  	s18 =	sadd.s32 $0xFFFFFFF0, s0;
	vm1 =	vmmov vm13;
	v5 =	vor.u32 s16, v3;
	[tilespmem:s1+$0x10000] =	vst.msk vm0, v6;
	s1 =	sadd.s32 s1, s17;
	s19 =	spop (v2sf)  }
0xb7: {  	vm2 =	vmmov vm12;
	vm0 =	vlt.u32 v4, $0x140;
	v4 =	vor.u32 s18, v3;
	[tilespmem:s1+$0x10000] =	vst.msk vm1, v5;
	s1 =	sadd.s32 s1, s19;
	s20 =	spop (v2sf)  }
0xb8: {  	vm1 =	vmmov vm0;
	[tilespmem:s1+$0x10000] =	vst.msk vm2, v4;
	s1 =	sadd.s32 s1, s20;
	v4 =	vor.u32 s0, v3  }
0xb9: {  	s21 =	simm.s32 $0x10010;
	[tilespmem:s1+$0x10000] =	vst.msk vm1, v4;
	v4 =	vmpcnt.ones.xlane vm0  }
0xba: {  	v8 =	vld [tilespmem:s21+$0x0]  }
0xbb: {  	(v2sf) =	vpush v4, $0x0  }
0xbc: {  	v9 =	vld [tilespmem:s21+$0xFFFFFFF0]  }
0xbd: {  	s22 =	simm.s32 $0x10030  }
0xbe: {  	v10 =	vld [tilespmem:s22+$0x0]  }
0xbf: {  	v7 =	vld [tilespmem:s22+$0xFFFFFFF0];
	_ =	sdelay $0x2  }
0xc0: {  	v4 =	vld.idx.msk [tilespmem:v8+s8+$0x0], $0xffff  }
0xc1: {  	v5 =	vadd.s32 $0x1000, v8  }
0xc2: {  	s24 =	simm.s32 $0x10050;
	v11 =	vld.idx.msk [tilespmem:v9+s8+$0x0], $0xffff  }
0xc3: {  	v6 =	vld [tilespmem:s24+$0x0];
	v12 =	vadd.s32 $0x1000, v9  }
0xc4: {  	s23 =	simm.s32 $0x11010;
	v15 =	vld.idx.msk [tilespmem:v10+s8+$0x0], $0xffff  }
0xc5: {  	v18 =	vld.idx.msk [tilespmem:v7+s8+$0x0], $0xffff;
	[tilespmem:s23+$0x0] =	vst v4  }
0xc6: {  	v13 =	vld.idx.msk [tilespmem:v5+s8+$0x0], $0xffff  }
0xc7: {  	v16 =	vadd.s32 $0x1000, v10;
	[tilespmem:s23+$0xFFFFFFF0] =	vst v11;
	v5 =	vld [tilespmem:s24+$0xFFFFFFF0]  }
0xc8: {  	s26 =	simm.s32 $0x10070;
	v20 =	vadd.s32 $0x1000, v7;
	v12 =	vld.idx.msk [tilespmem:v12+s8+$0x0], $0xffff;
	s25 =	spop (v2sf)  }
0xc9: {  	s28 =	simm.s32 $0x10;
	v14 =	vld [tilespmem:s26+$0x0];
	v19 =	vadd.s32 $0x2000, v8;
	s0 =	sadd.s32 s1, s25  }
0xca: {  	s29 =	simm.s32 $0x11030;
	v8 =	vld [tilespmem:s26+$0xFFFFFFF0];
	v11 =	vor.u32 s28, v3;
	v4 =	vmov s0  }
0xcb: {  	s30 =	simm.s32 $0x0;
	v9 =	vadd.s32 $0x2000, v9;
	v17 =	vld.idx.msk [tilespmem:v6+s8+$0x0], $0xffff;
	[tilespmem:s29+$0x0] =	vst v15;
	vm0 =	vlt.s32 v11, v4;
	v13 =	vsub.s32 v13, v0  }
0xcc: {  	s31 =	simm.s32 $0x11210;
	v15 =	vor.u32 s30, v3;
	[tilespmem:s29+$0xFFFFFFF0] =	vst v18;
	v11 =	vld.idx.msk [tilespmem:v16+s8+$0x0], $0xffff;
	v13 =	vnsel vm0, $0x0, v13  }
0xcd: {  	vm2 =	vlt.s32 v15, v4;
	v12 =	vsub.s32 v12, v0;
	v15 =	vld.idx.msk [tilespmem:v20+s8+$0x0], $0xffff;
	[tilespmem:s31+$0x0] =	vst v13  }
0xce: {  	s4 =	simm.s32 $0x10090;
	v18 =	vadd.s32 $0x1000, v6;
	v12 =	vnsel vm2, $0x0, v12;
	v16 =	vld.idx.msk [tilespmem:v19+s8+$0x0], $0xffff  }
0xcf: {  	s3 =	simm.s32 $0x20;
	s5 =	simm.s32 $0x11050;
	s2 =	simm.s32 $0x11230;
	[tilespmem:s31+$0xFFFFFFF0] =	vst v12;
	v13 =	vld.idx.msk [tilespmem:v5+s8+$0x0], $0xffff  }
0xd0: {  	s9 =	simm.s32 $0x30;
	s6 =	simm.s32 $0x6;
	s1 =	simm.s32 $0x11410;
	vm1 =	vmmov vm0;
	vm0 =	vmmov vm2;
	v12 =	vadd.s32 $0x2000, v10;
	v10 =	vmovc v14;
	v9 =	vld.idx.msk [tilespmem:v9+s8+$0x0], $0xffff  }
.LBB2_9:
0xd1: {  	v19 =	vld [tilespmem:s4+$0x0];
	s6 =	sadd.s32 $0x2, s6;
	v20 =	vor.u32 s9, v3;
	s10 =	smov.u32 s1;
	s1 =	sadd.s32 $0x20, s1  }
0xd2: {  	v22 =	vadd.s32 $0x1000, v5;
	v21 =	vld [tilespmem:s4+$0xFFFFFFF0];
	p0 =	slt.u32 s6, $0xA;
	[tilespmem:s5+$0x0] =	vst v17;
	vm2 =	vlt.s32 v20, v4;
	v17 =	vsub.s32 v11, v0  }
0xd3: {  	v20 =	vadd.s32 $0x2000, v7;
	v23 =	vnsel vm1, $0x0, v16;
	v7 =	vmovc v5;
	v5 =	vmovc v8;
	v11 =	vld.idx.msk [tilespmem:v18+s8+$0x0], $0xffff;
	v18 =	vnsel vm2, $0x0, v17  }
.Ltmp5:
0xd4: {  	v24 =	vor.u32 s3, v3;
	s3 =	sadd.s32 $0x20, s3;
	vm1 =	vmmov vm2;
	v17 =	vld.idx.msk [tilespmem:v14+s8+$0x0], $0xffff;
	[tilespmem:s2+$0x0] =	vst v18;
	(pc) =	sbr.rel @p0 .LBB2_9-.Ltmp5, $4  }
0xd5: {  	vm2 =	vlt.s32 v24, v4;
	v15 =	vsub.s32 v15, v0;
	v16 =	vld.idx.msk [tilespmem:v12+s8+$0x0], $0xffff;
	[tilespmem:s10+$0x0] =	vst v23  }
0xd6: {  	v18 =	vadd.s32 $0x1000, v10;
	v12 =	vnsel vm2, $0x0, v15;
	v23 =	vnsel vm0, $0x0, v9;
	[tilespmem:s5+$0xFFFFFFF0] =	vst v13;
	v13 =	vld.idx.msk [tilespmem:v8+s8+$0x0], $0xffff;
	v14 =	vmovc v19  }
0xd7: {  	vm0 =	vmmov vm2;
	s5 =	sadd.s32 $0x20, s5;
	v15 =	vld.idx.msk [tilespmem:v22+s8+$0x0], $0xffff;
	[tilespmem:s2+$0xFFFFFFF0] =	vst v12;
	v8 =	vmov v21  }
0xd8: {  	s4 =	sadd.s32 $0x20, s4;
	s9 =	sadd.s32 $0x10, s3;
	v12 =	vadd.s32 $0x2000, v6;
	s2 =	sadd.s32 $0x20, s2;
	v6 =	vmov v10;
	v10 =	vmov v19;
	v9 =	vld.idx.msk [tilespmem:v20+s8+$0x0], $0xffff;
	[tilespmem:s10+$0xFFFFFFF0] =	vst v23  }
0xd9: {  	_ =	sdelay $0x3  }
0xda: {  	v19 =	vadd.s32 $0x1000, v5;
	v14 =	vld.idx.msk [tilespmem:v14+s8+$0x0], $0xffff  }
0xdb: {  	v51 =	vld.idx.msk [tilespmem:v8+s8+$0x0], $0xffff;
	v20 =	vadd.s32 $0x1000, v10;
	v21 =	vor.u32 s9, v3  }
0xdc: {  	[tilespmem:s5+$0x0] =	vst v17;
	v22 =	vadd.s32 $0x1000, v8;
	v11 =	vsub.s32 v11, v0;
	vm2 =	vlt.s32 v21, v4  }
0xdd: {  	v18 =	vld.idx.msk [tilespmem:v18+s8+$0x0], $0xffff;
	[tilespmem:s5+$0xFFFFFFF0] =	vst v13;
	v11 =	vnsel vm2, $0x0, v11  }
0xde: {  	v52 =	vor.u32 s3, v3;
	s4 =	sadd.s32 $0x20, s5;
	v7 =	vadd.s32 $0x2000, v7;
	[tilespmem:s2+$0x0] =	vst v11  }
0xdf: {  	s14 =	sadd.s32 $0x20, s3;
	v6 =	vadd.s32 $0x2000, v6;
	v5 =	vadd.s32 $0x2000, v5;
	v10 =	vadd.s32 $0x2000, v10;
	v19 =	vld.idx.msk [tilespmem:v19+s8+$0x0], $0xffff;
	[tilespmem:s4+$0x0] =	vst v14  }
0xe0: {  	v8 =	vadd.s32 $0x2000, v8;
	vm9 =	vlt.s32 v52, v4;
	s15 =	sadd.s32 $0x10, s14;
	v13 =	vnsel vm1, $0x0, v16;
	[tilespmem:s4+$0xFFFFFFF0] =	vst v51;
	v53 =	vld.idx.msk [tilespmem:v20+s8+$0x0], $0xffff  }
0xe1: {  	s3 =	sadd.s32 $0x20, s14;
	[tilespmem:s1+$0x0] =	vst v13;
	v9 =	vnsel vm0, $0x0, v9;
	v14 =	vsub.s32 v15, v0;
	v15 =	vor.u32 s15, v3;
	v17 =	vld.idx.msk [tilespmem:v22+s8+$0x0], $0xffff  }
0xe2: {  	s16 =	sadd.s32 $0x10, s3;
	[tilespmem:s1+$0xFFFFFFF0] =	vst v9;
	v14 =	vnsel vm9, $0x0, v14;
	vm3 =	vlt.s32 v15, v4;
	v15 =	vsub.s32 v18, v0  }
0xe3: {  	v11 =	vnsel vm3, $0x0, v15;
	v15 =	vor.u32 s14, v3;
	[tilespmem:s2+$0xFFFFFFF0] =	vst v14;
	v14 =	vor.u32 s16, v3  }
0xe4: {  	s17 =	sadd.s32 $0x20, s2;
	s18 =	sadd.s32 $0x3F, s0;
	vm4 =	vlt.s32 v15, v4;
	v7 =	vld.idx.msk [tilespmem:v7+s8+$0x0], $0xffff;
	vm5 =	vlt.s32 v14, v4;
	v13 =	vsub.s32 v19, v0  }
0xe5: {  	s20 =	sand.u32 $0x3F, s18;
	s21 =	sshra.s32 s18, $0x1F;
	v12 =	vld.idx.msk [tilespmem:v12+s8+$0x0], $0xffff;
	[tilespmem:s17+$0x0] =	vst v11;
	v14 =	vor.u32 s3, v3;
	v13 =	vnsel vm4, $0x0, v13;
	v11 =	vsub.s32 v53, v0  }
0xe6: {  	p0 =	slt.s32 s18, $0x1;
	p1 =	sne.s32 s20, $0x0;
	s2 =	sadd.s32 $0x20, s17;
	v6 =	vld.idx.msk [tilespmem:v6+s8+$0x0], $0xffff;
	vm6 =	vlt.s32 v14, v4;
	[tilespmem:s17+$0xFFFFFFF0] =	vst v13;
	v11 =	vnsel vm5, $0x0, v11;
	v13 =	vsub.s32 v17, v0  }
0xe7: {  	s19 =	sadd.s32 $0x20, s1;
	p0 =	por !p0, !p1;
	s1 =	sshrl.u32 s21, $0x1A;
	v5 =	vld.idx.msk [tilespmem:v5+s8+$0x0], $0xffff;
	[tilespmem:s2+$0x0] =	vst v11;
	v11 =	vnsel vm6, $0x0, v13  }
0xe8: {  	vm11 =	vmmov vm9;
	p0 =	por !p0, !p0;
	s1 =	sadd.s32 s1, s18;
	s3 =	simm.s32 $0x1;
	v10 =	vld.idx.msk [tilespmem:v10+s8+$0x0], $0xffff;
	[tilespmem:s2+$0xFFFFFFF0] =	vst v11  }
0xe9: {  	vm10 =	vmmov vm2;
	s1 =	sshra.s32 s1, $0x6;
	s3 =	simm.s32 @!p0 $0x0;
	v7 =	vnsel vm11, $0x0, v7;
	v8 =	vld.idx.msk [tilespmem:v8+s8+$0x0], $0xffff  }
0xea: {  	vm12 =	vmmov vm3;
	s1 =	ssub.s32 s1, s3;
	v11 =	vnsel vm10, $0x0, v12;
	[tilespmem:s19+$0xFFFFFFF0] =	vst v7  }
0xeb: {  	s24 =	sadd.s32 $0xF, s0;
	s22 =	sadd.s32 $0x20, s19;
	vm13 =	vmmov vm4;
	p1 =	slt.s32 s1, $0x1;
	v6 =	vnsel vm12, $0x0, v6;
	[tilespmem:s19+$0x0] =	vst v11  }
0xec: {  	s25 =	sshra.s32 s24, $0x1F;
	vm14 =	vmmov vm5;
	p0 =	slt.s32 s24, $0x1;
	p4 =	seq.s32 @!p1 s1, $0x1;
	[tilespmem:s22+$0x0] =	vst v6;
	v5 =	vnsel vm13, $0x0, v5  }
0xed: {  	s23 =	sadd.s32 $0x20, s22;
	vm15 =	vmmov vm6;
	s0 =	simm.s32 @!p0 $0x0;
	p2 =	por p4, p1;
	[tilespmem:s22+$0xFFFFFFF0] =	vst v5;
	v5 =	vnsel vm14, $0x0, v10  }
0xee: {  	s0 =	simm.s32 @p0 $0x1;
	s3 =	simm.s32 @!p1 $0x11000;
	p5 =	slt.u32 @!p2 s1, $0x3;
	[tilespmem:s23+$0x0] =	vst v5;
	v5 =	vnsel vm15, $0x0, v8  }
0xef: {  	s4 =	simm.s32 @!p1 $0x11680;
	s2 =	simm.s32 @!p1 $0x40;
	p3 =	por @!p1 p5, p4;
	[tilespmem:s23+$0xFFFFFFF0] =	vst v5  }
0xf0: {  	[tilespmem:s4], [sflag:$0x3] =	stream.indirect.gather @!p1 [hbm4b:s7+s2], $0x80, s3, s2, $0xb8;
	[tilespmem:$0x1D680] =	vst v63  }
0xf1: {  	s5 =	simm.s32 @!p2 $0x13680;
	p0 =	por p3, p1;
	s3 =	simm.s32 @!p2 $0x40  }
0xf2: {  	s4 =	simm.s32 @!p2 $0x11040;
	s2 =	sshrl.u32 s25, $0x1C;
	[smem:$0x7FB] =	sst s0  }
0xf3: {  	[tilespmem:s5], [sflag:$0x3] =	stream.indirect.gather @!p2 [hbm4b:s7+s3], $0x80, s4, s3, $0xb8;
	[tilespmem:$0x1D680] =	vst v63  }
0xf4: {  	s0 =	simm.s32 @!p0 $0x40;
	s26 =	sadd.s32 s2, s24;
	s3 =	simm.s32 @!p4 $0x0  }
0xf5: {  	s2 =	simm.s32 @!p0 $0x11080;
	s5 =	sld [smem:$0x7FB];
	s3 =	simm.s32 @p4 $0x1  }
0xf6: {  	s4 =	sand.u32 $0xF, s24;
	[smem:$0x7FD] =	sst s3;
	s3 =	simm.s32 @!p0 $0x15680  }
0xf7: {  	[tilespmem:s3], [sflag:$0x3] =	stream.indirect.gather @!p0 [hbm4b:s7+s0], $0x80, s2, s0, $0xb8;
	[tilespmem:$0x1D680] =	vst v63  }
0xf8: {  	p6 =	sne.s32 s4, $0x0;
	p3 =	seq.s32 s5, $0x1  }
0xf9: {  	p3 =	por !p3, !p6  }
0xfa: {  	s0 =	simm.s32 @!p3 $0x0  }
0xfb: {  	s0 =	simm.s32 @p3 $0x1  }
0xfc: {  	[smem:$0x7FC] =	sst s0  }
0xfd: {  	p0 =	por @!p0 $0x1, $0x1;
	p6 =	por @!p1 !p5, p4;
	s7 =	sld [smem:$0x7FC]  }
0xfe: {  	p4 =	por @!p2 $0x0, $0x0;
	p3 =	por @!p2 $0x1, $0x1;
	p2 =	por !p6, p1  }
0xff: {  	p4 =	por @!p2 p0, p0;
	p3 =	por @!p2 p0, p0;
	p2 =	slt.s32 s11, $0x1  }
0x100: {  	s6 =	sshra.s32 s26, $0x4;
	s1 =	simm.s32 @!p2 $0x4;
	p6 =	seq.s32 s7, $0x1  }
0x101: {  	s2 =	simm.s32 $0x1;
	_ =	swait.ge @!p2 [sflag:s1], $0x2000;
	p0 =	por !p6, !p6  }
0x102: {  	p5 =	seq.s32 @!p2 s11, $0x1;
	[sflag:s1] =	ssyncset.done @!p2 $0x0;
	s2 =	simm.s32 @!p0 $0x0  }
0x103: {  	[sflag:s1] =	ssyncadd.s32 @!p2 $0xFFFFE000;
	p0 =	por p5, p2;
	s0 =	ssub.s32 s6, s2  }
0x104: {  	s1 =	simm.s32 @!p0 $0x4;
	p6 =	sgt.u32 @!p0 s11, $0x2;
	[dreg:$0xd] =	wrdreg s0  }
0x105: {  	p5 =	por @!p2 !p6, p5;
	_ =	swait.ge @!p0 [sflag:s1], $0x2000  }
0x106: {  	p5 =	por p5, p2;
	[sflag:s1] =	ssyncset.done @!p0 $0x0  }
0x107: {  	s0 =	simm.s32 @!p5 $0x4;
	[sflag:s1] =	ssyncadd.s32 @!p0 $0xFFFFE000  }
0x108: {  	s8 =	sld [smem:$0x7FD];
	_ =	swait.ge @!p5 [sflag:s0], $0x2000  }
0x109: {  	[sflag:s0] =	ssyncset.done @!p5 $0x0  }
0x10a: {  	s10 =	simm.s32 $0x11302;
	[sflag:s0] =	ssyncadd.s32 @!p5 $0xFFFFE000  }
0x10b: {  	v5 =	vld [tilespmem:s10+$0x1];
	_ =	sdelay $0x3  }
0x10c: {  	v6 =	vld [tilespmem:s10+$0xFFFFFFFF]  }
0x10d: {  	v7 =	vld [tilespmem:s10+$0x0];
	(v2sf) =	vpush v5, $0x0  }
0x10e: {  	v8 =	vld [tilespmem:s10+$0xFFFFFFFE];
	_ =	sdelay $0x2  }
0x10f: {  	(v2sf) =	vpush v6, $0x0  }
0x110: {  	(v2sf) =	vpush v7, $0x0  }
0x111: {  	(v2sf) =	vpush v8, $0x0;
	_ =	sdelay $0x2  }
0x112: {  	s9 =	simm.s32 $0x11502  }
0x113: {  	s0 =	simm.s32 $0x17780;
	v5 =	vld.msk [tilespmem:s9+$0x1 ss:$0x0], $0xffff  }
0x114: {  	v6 =	vld [tilespmem:s0+$0x80];
	_ =	sdelay $0x2  }
0x115: {  	v11 =	vld.msk [tilespmem:s9+$0xFFFFFFFE ss:$0x0], $0xffff  }
0x116: {  	v9 =	vld.msk [tilespmem:s9+$0xFFFFFFFF ss:$0x0], $0xffff;
	s11 =	spop (v2sf)  }
0x117: {  	v8 =	vld [tilespmem:s0+$0xFFFFFF80];
	v6 =	vmul.f32 v5, v6;
	s2 =	sshll.u32 s11, $0x9  }
0x118: {  	v7 =	vld [tilespmem:s0+$0xFFFFFF00];
	s2 =	sshra.s32 s2, $0x2  }
0x119: {  	[tilespmem:s2+$0x0] =	vst.add.f32.msk $0xffff, v6  }
0x11a: {  	s12 =	spop (v2sf);
	v6 =	vld [tilespmem:s0+$0x90]  }
0x11b: {  	v10 =	vld.msk [tilespmem:s9+$0x0 ss:$0x0], $0xffff;
	s13 =	spop (v2sf)  }
0x11c: {  	v12 =	vld [tilespmem:s0+$0x0];
	v8 =	vmul.f32 v9, v8;
	s3 =	sshll.u32 s12, $0x9;
	s14 =	spop (v2sf)  }
0x11d: {  	v7 =	vmul.f32 v11, v7;
	s3 =	sshra.s32 s3, $0x2;
	s1 =	sshll.u32 s14, $0x9  }
0x11e: {  	[tilespmem:s3+$0x0] =	vst.add.f32.msk $0xffff, v8;
	s1 =	sshra.s32 s1, $0x2  }
0x11f: {  	[tilespmem:s1+$0x0] =	vst.add.f32.msk $0xffff, v7;
	v6 =	vmul.f32 v6, v5  }
0x120: {  	s15 =	sor.u32 $0x10, s2;
	v7 =	vld [tilespmem:s0+$0xFFFFFF10]  }
0x121: {  	s4 =	sshll.u32 s13, $0x9;
	v8 =	vmul.f32 v10, v12;
	[tilespmem:s15+$0x0] =	vst.add.f32.msk $0xffff, v6  }
0x122: {  	s5 =	sshra.s32 s4, $0x2;
	v6 =	vld [tilespmem:s0+$0xA0]  }
0x123: {  	[tilespmem:s5+$0x0] =	vst.add.f32.msk $0xffff, v8  }
0x124: {  	v8 =	vld [tilespmem:s0+$0xFFFFFF90]  }
0x125: {  	v12 =	vld [tilespmem:s0+$0x10];
	v7 =	vmul.f32 v7, v11  }
0x126: {  	s16 =	sor.u32 $0x10, s1  }
0x127: {  	[tilespmem:s16+$0x0] =	vst.add.f32.msk $0xffff, v7;
	v6 =	vmul.f32 v6, v5  }
0x128: {  	s17 =	sor.u32 $0x20, s2;
	v7 =	vld [tilespmem:s0+$0xFFFFFF20]  }
0x129: {  	[tilespmem:s17+$0x0] =	vst.add.f32.msk $0xffff, v6  }
0x12a: {  	v8 =	vmul.f32 v8, v9;
	v6 =	vmul.f32 v12, v10;
	v12 =	vld [tilespmem:s0+$0xB0]  }
0x12b: {  	s18 =	sor.u32 $0x10, s3  }
0x12c: {  	s6 =	sor.u32 $0x10, s5;
	[tilespmem:s18+$0x0] =	vst.add.f32.msk $0xffff, v8  }
0x12d: {  	[tilespmem:s6+$0x0] =	vst.add.f32.msk $0xffff, v6  }
0x12e: {  	v7 =	vmul.f32 v7, v11;
	v8 =	vld [tilespmem:s0+$0x20]  }
0x12f: {  	s19 =	sor.u32 $0x20, s1;
	v6 =	vld [tilespmem:s0+$0xFFFFFFA0];
	v12 =	vmul.f32 v12, v5  }
0x130: {  	s20 =	sor.u32 $0x30, s2;
	[tilespmem:s19+$0x0] =	vst.add.f32.msk $0xffff, v7  }
0x131: {  	[tilespmem:s20+$0x0] =	vst.add.f32.msk $0xffff, v12  }
0x132: {  	v12 =	vld [tilespmem:s0+$0xFFFFFF30]  }
0x133: {  	s10 =	simm.s32 $0x11306;
	v8 =	vmul.f32 v8, v10;
	v7 =	vld [tilespmem:s0+$0xC0]  }
0x134: {  	v13 =	vld [tilespmem:s10+$0x0];
	s22 =	sor.u32 $0x20, s5  }
0x135: {  	v6 =	vmul.f32 v6, v9;
	[tilespmem:s22+$0x0] =	vst.add.f32.msk $0xffff, v8  }
0x136: {  	s21 =	sor.u32 $0x20, s3;
	v8 =	vld [tilespmem:s0+$0x30]  }
0x137: {  	[tilespmem:s21+$0x0] =	vst.add.f32.msk $0xffff, v6;
	v12 =	vmul.f32 v12, v11  }
0x138: {  	s24 =	sor.u32 $0x30, s1;
	v6 =	vld [tilespmem:s0+$0xFFFFFFB0];
	v7 =	vmul.f32 v7, v5  }
0x139: {  	s23 =	sor.u32 $0x40, s2;
	[tilespmem:s24+$0x0] =	vst.add.f32.msk $0xffff, v12  }
0x13a: {  	[tilespmem:s23+$0x0] =	vst.add.f32.msk $0xffff, v7  }
0x13b: {  	v12 =	vld [tilespmem:s0+$0xFFFFFF40];
	v8 =	vmul.f32 v8, v10  }
0x13c: {  	s26 =	sor.u32 $0x30, s5;
	v7 =	vld [tilespmem:s0+$0xD0]  }
0x13d: {  	v6 =	vmul.f32 v6, v9;
	[tilespmem:s26+$0x0] =	vst.add.f32.msk $0xffff, v8  }
0x13e: {  	s25 =	sor.u32 $0x30, s3;
	v8 =	vld [tilespmem:s0+$0x40]  }
0x13f: {  	[tilespmem:s25+$0x0] =	vst.add.f32.msk $0xffff, v6  }
0x140: {  	v6 =	vld [tilespmem:s0+$0xFFFFFFC0]  }
0x141: {  	v14 =	vld [tilespmem:s10+$0xFFFFFFFE];
	s23 =	simm.s32 $0x17980;
	v7 =	vmul.f32 v7, v5  }
0x142: {  	s6 =	sor.u32 $0x50, s2;
	v54 =	vld [tilespmem:s23+$0xFFFFFF00]  }
0x143: {  	[tilespmem:s6+$0x0] =	vst.add.f32.msk $0xffff, v7;
	v8 =	vmul.f32 v8, v10  }
0x144: {  	s9 =	sor.u32 $0x40, s5;
	v7 =	vmul.f32 v12, v11;
	v12 =	vld [tilespmem:s0+$0xE0]  }
0x145: {  	p6 =	por p1, p1;
	v6 =	vmul.f32 v6, v9;
	[tilespmem:s9+$0x0] =	vst.add.f32.msk $0xffff, v8  }
0x146: {  	p2 =	por @!p1 $0x0, $0x0;
	p1 =	seq.s32 s8, $0x1;
	s8 =	sor.u32 $0x40, s3;
	v8 =	vld [tilespmem:s10+$0x1]  }
0x147: {  	s7 =	sor.u32 $0x40, s1;
	[tilespmem:s8+$0x0] =	vst.add.f32.msk $0xffff, v6  }
0x148: {  	[tilespmem:s7+$0x0] =	vst.add.f32.msk $0xffff, v7  }
0x149: {  	v6 =	vmul.f32 v12, v5;
	v12 =	vld [tilespmem:s10+$0xFFFFFFFF]  }
0x14a: {  	v7 =	vld [tilespmem:s0+$0xFFFFFF50]  }
0x14b: {  	v55 =	vld [tilespmem:s23+$0xFFFFFF80];
	(v2sf) =	vpush v8, $0x0  }
0x14c: {  	s11 =	sor.u32 $0x60, s2;
	v56 =	vld [tilespmem:s23+$0x0]  }
0x14d: {  	[tilespmem:s11+$0x0] =	vst.add.f32.msk $0xffff, v6  }
0x14e: {  	v6 =	vld [tilespmem:s0+$0xF0];
	(v2sf) =	vpush v12, $0x0  }
0x14f: {  	v8 =	vld [tilespmem:s0+$0x50];
	v7 =	vmul.f32 v7, v11;
	(v2sf) =	vpush v13, $0x0  }
0x150: {  	s12 =	sor.u32 $0x50, s1;
	v15 =	vld [tilespmem:s0+$0xFFFFFFD0];
	(v2sf) =	vpush v14, $0x0  }
0x151: {  	s24 =	simm.s32 $0x11506;
	[tilespmem:s12+$0x0] =	vst.add.f32.msk $0xffff, v7  }
0x152: {  	v7 =	vld.msk [tilespmem:s24+$0xFFFFFFFE ss:$0x0], $0xffff  }
0x153: {  	v12 =	vld [tilespmem:s0+$0xFFFFFF60];
	v5 =	vmul.f32 v6, v5  }
0x154: {  	s2 =	sor.u32 $0x70, s2;
	v6 =	vmul.f32 v8, v10;
	v8 =	vld.msk [tilespmem:s24+$0x1 ss:$0x0], $0xffff  }
0x155: {  	[tilespmem:s2+$0x0] =	vst.add.f32.msk $0xffff, v5;
	v5 =	vmul.f32 v15, v9  }
0x156: {  	s13 =	sor.u32 $0x50, s3;
	v15 =	vld [tilespmem:s23+$0x80]  }
0x157: {  	[tilespmem:s13+$0x0] =	vst.add.f32.msk $0xffff, v5  }
0x158: {  	s14 =	sor.u32 $0x50, s5;
	v13 =	vld [tilespmem:s0+$0xFFFFFFE0]  }
0x159: {  	[tilespmem:s14+$0x0] =	vst.add.f32.msk $0xffff, v6  }
0x15a: {  	v6 =	vld.msk [tilespmem:s24+$0x0 ss:$0x0], $0xffff;
	s15 =	spop (v2sf)  }
0x15b: {  	v14 =	vld [tilespmem:s0+$0x60];
	v15 =	vmul.f32 v8, v15;
	s2 =	sshll.u32 s15, $0x9  }
0x15c: {  	v5 =	vld.msk [tilespmem:s24+$0xFFFFFFFF ss:$0x0], $0xffff;
	s25 =	sshra.s32 s2, $0x2  }
0x15d: {  	v13 =	vmul.f32 v13, v9;
	[tilespmem:s25+$0x0] =	vst.add.f32.msk $0xffff, v15;
	s16 =	spop (v2sf)  }
0x15e: {  	s10 =	sor.u32 $0x60, s3;
	v12 =	vmul.f32 v12, v11;
	v15 =	vld [tilespmem:s23+$0x90];
	s17 =	spop (v2sf)  }
0x15f: {  	s18 =	sor.u32 $0x60, s1;
	[tilespmem:s10+$0x0] =	vst.add.f32.msk $0xffff, v13;
	v13 =	vmul.f32 v6, v56;
	s19 =	spop (v2sf);
	s20 =	sshll.u32 s17, $0x9  }
0x160: {  	v16 =	vmul.f32 v7, v54;
	[tilespmem:s18+$0x0] =	vst.add.f32.msk $0xffff, v12;
	s9 =	sshll.u32 s19, $0x9;
	s12 =	sshra.s32 s20, $0x2  }
0x161: {  	v12 =	vmul.f32 v5, v55;
	s4 =	sshll.u32 s16, $0x9;
	s2 =	sshra.s32 s9, $0x2;
	[tilespmem:s12+$0x0] =	vst.add.f32.msk $0xffff, v13  }
0x162: {  	s9 =	sshra.s32 s4, $0x2;
	[tilespmem:s2+$0x0] =	vst.add.f32.msk $0xffff, v16  }
0x163: {  	[tilespmem:s9+$0x0] =	vst.add.f32.msk $0xffff, v12  }
0x164: {  	v12 =	vmul.f32 v15, v8;
	v13 =	vld [tilespmem:s23+$0xFFFFFF10]  }
0x165: {  	s21 =	sor.u32 $0x10, s25;
	v15 =	vld [tilespmem:s23+$0xFFFFFF90]  }
0x166: {  	[tilespmem:s21+$0x0] =	vst.add.f32.msk $0xffff, v12  }
0x167: {  	v12 =	vld [tilespmem:s23+$0xA0]  }
0x168: {  	v14 =	vmul.f32 v14, v10  }
0x169: {  	s22 =	sor.u32 $0x60, s5;
	v57 =	vld [tilespmem:s23+$0x10];
	v13 =	vmul.f32 v13, v7  }
0x16a: {  	[tilespmem:s22+$0x0] =	vst.add.f32.msk $0xffff, v14;
	s26 =	sor.u32 $0x10, s2;
	v15 =	vmul.f32 v15, v5  }
0x16b: {  	s7 =	sor.u32 $0x10, s9;
	[tilespmem:s26+$0x0] =	vst.add.f32.msk $0xffff, v13  }
0x16c: {  	v12 =	vmul.f32 v12, v8;
	[tilespmem:s7+$0x0] =	vst.add.f32.msk $0xffff, v15  }
0x16d: {  	s6 =	sor.u32 $0x20, s25;
	v13 =	vld [tilespmem:s23+$0xFFFFFF20]  }
0x16e: {  	[tilespmem:s6+$0x0] =	vst.add.f32.msk $0xffff, v12;
	v12 =	vmul.f32 v57, v6  }
0x16f: {  	s8 =	sor.u32 $0x10, s12;
	v58 =	vld [tilespmem:s23+$0xB0]  }
0x170: {  	[tilespmem:s8+$0x0] =	vst.add.f32.msk $0xffff, v12  }
0x171: {  	v15 =	vld [tilespmem:s23+$0x20]  }
0x172: {  	v12 =	vmul.f32 v13, v7;
	v13 =	vld [tilespmem:s23+$0xFFFFFFA0]  }
0x173: {  	v14 =	vld [tilespmem:s0+$0xFFFFFF70];
	s10 =	sor.u32 $0x20, s2  }
0x174: {  	[tilespmem:s10+$0x0] =	vst.add.f32.msk $0xffff, v12;
	v12 =	vmul.f32 v58, v8  }
0x175: {  	s11 =	sor.u32 $0x30, s25;
	v59 =	vld [tilespmem:s23+$0xFFFFFF30]  }
0x176: {  	[tilespmem:s11+$0x0] =	vst.add.f32.msk $0xffff, v12  }
0x177: {  	v15 =	vmul.f32 v15, v6;
	v12 =	vmul.f32 v13, v5;
	v13 =	vld [tilespmem:s23+$0xC0]  }
0x178: {  	v62 =	vld [tilespmem:s0+$0x70];
	s14 =	sor.u32 $0x20, s12  }
0x179: {  	s13 =	sor.u32 $0x20, s9;
	[tilespmem:s14+$0x0] =	vst.add.f32.msk $0xffff, v15  }
0x17a: {  	[tilespmem:s13+$0x0] =	vst.add.f32.msk $0xffff, v12  }
0x17b: {  	v61 =	vld [tilespmem:s23+$0x30];
	v12 =	vmul.f32 v59, v7  }
0x17c: {  	s15 =	sor.u32 $0x30, s2;
	v15 =	vld [tilespmem:s23+$0xFFFFFFB0];
	v13 =	vmul.f32 v13, v8  }
0x17d: {  	s16 =	sor.u32 $0x40, s25;
	[tilespmem:s15+$0x0] =	vst.add.f32.msk $0xffff, v12  }
0x17e: {  	[tilespmem:s16+$0x0] =	vst.add.f32.msk $0xffff, v13  }
0x17f: {  	v12 =	vld [tilespmem:s23+$0xD0]  }
0x180: {  	v60 =	vld [tilespmem:s0+$0xFFFFFFF0];
	v16 =	vmul.f32 v61, v6  }
0x181: {  	s18 =	sor.u32 $0x30, s12;
	v13 =	vld [tilespmem:s23+$0xFFFFFF40];
	v15 =	vmul.f32 v15, v5  }
0x182: {  	s17 =	sor.u32 $0x30, s9;
	[tilespmem:s18+$0x0] =	vst.add.f32.msk $0xffff, v16  }
0x183: {  	p1 =	por !p1, p6;
	[tilespmem:s17+$0x0] =	vst.add.f32.msk $0xffff, v15  }
0x184: {  	p4 =	por @!p1 p2, p2;
	v16 =	vld [tilespmem:s23+$0x40];
	v12 =	vmul.f32 v12, v8  }
0x185: {  	p3 =	por @!p1 p2, p2;
	p1 =	por $0x0, $0x0;
	s19 =	sor.u32 $0x50, s25;
	v15 =	vld [tilespmem:s23+$0xFFFFFFC0]  }
0x186: {  	s31 =	simm.s32 $0x4;
	p2 =	por $0x0, $0x0;
	p1 =	por @!p6 p4, p4;
	v11 =	vmul.f32 v14, v11;
	[tilespmem:s19+$0x0] =	vst.add.f32.msk $0xffff, v12  }
0x187: {  	p2 =	por @!p6 p3, p3;
	s28 =	sor.u32 $0x70, s3;
	s20 =	sor.u32 $0x70, s1;
	v13 =	vmul.f32 v13, v7;
	v63 =	vld [tilespmem:s23+$0xE0]  }
0x188: {  	s29 =	sor.u32 $0x70, s5;
	s5 =	simm.s32 $0x1130A;
	[tilespmem:s20+$0x0] =	vst.add.f32.msk $0xffff, v11;
	s21 =	sor.u32 $0x40, s2  }
0x189: {  	s0 =	simm.s32 $0x17980;
	s30 =	sor.u32 $0x60, s12;
	s22 =	sor.u32 $0x40, s9;
	[tilespmem:s21+$0x0] =	vst.add.f32.msk $0xffff, v13;
	v14 =	vmul.f32 v16, v6  }
0x18a: {  	s3 =	sor.u32 $0x60, s2;
	s1 =	sor.u32 $0x60, s9;
	s26 =	sor.u32 $0x40, s12;
	v12 =	vld [tilespmem:s23+$0xFFFFFF50];
	v13 =	vmul.f32 v15, v5  }
0x18b: {  	v10 =	vmul.f32 v62, v10;
	s6 =	sor.u32 $0x50, s9;
	s10 =	sor.u32 $0x70, s2;
	s18 =	sor.u32 $0x50, s12;
	[tilespmem:s26+$0x0] =	vst.add.f32.msk $0xffff, v14  }
0x18c: {  	v11 =	vmul.f32 v60, v9;
	s17 =	sor.u32 $0x70, s9;
	s19 =	sor.u32 $0x50, s2;
	s2 =	sor.u32 $0x70, s12;
	[tilespmem:s22+$0x0] =	vst.add.f32.msk $0xffff, v13;
	v9 =	vmul.f32 v63, v8  }
.LBB2_11:
0x18d: {  	v13 =	vld [tilespmem:s5+$0x1]  }
0x18e: {  	v14 =	vld [tilespmem:s5+$0xFFFFFFFF]  }
0x18f: {  	v15 =	vld [tilespmem:s5+$0x0]  }
0x190: {  	s4 =	sor.u32 $0x60, s25;
	v16 =	vld [tilespmem:s5+$0xFFFFFFFE]  }
0x191: {  	[tilespmem:s4+$0x0] =	vst.add.f32.msk $0xffff, v9  }
0x192: {  	v9 =	vld [tilespmem:s23+$0xF0]  }
0x193: {  	v17 =	vld [tilespmem:s23+$0xFFFFFFD0]  }
0x194: {  	[tilespmem:s28+$0x0] =	vst.add.f32.msk $0xffff, v11  }
0x195: {  	v12 =	vmul.f32 v12, v7;
	(v2sf) =	vpush v13, $0x0;
	v13 =	vld [tilespmem:s23+$0x50]  }
0x196: {  	[tilespmem:s29+$0x0] =	vst.add.f32.msk $0xffff, v10  }
0x197: {  	s24 =	sadd.s32 $0x4, s24;
	[tilespmem:s19+$0x0] =	vst.add.f32.msk $0xffff, v12;
	v8 =	vmul.f32 v9, v8  }
0x198: {  	(v2sf) =	vpush v14, $0x0;
	s19 =	sor.u32 $0x70, s25;
	v14 =	vld.msk [tilespmem:s24+$0xFFFFFFFE ss:$0x0], $0xffff  }
0x199: {  	(v2sf) =	vpush v15, $0x0;
	v9 =	vmul.f32 v17, v5;
	[tilespmem:s19+$0x0] =	vst.add.f32.msk $0xffff, v8  }
0x19a: {  	v8 =	vld [tilespmem:s23+$0xFFFFFF60]  }
0x19b: {  	(v2sf) =	vpush v16, $0x0;
	[tilespmem:s6+$0x0] =	vst.add.f32.msk $0xffff, v9;
	v11 =	vmul.f32 v13, v6  }
0x19c: {  	v9 =	vld [tilespmem:s23+$0xFFFFFFE0]  }
0x19d: {  	[tilespmem:s18+$0x0] =	vst.add.f32.msk $0xffff, v11  }
0x19e: {  	v12 =	vld [tilespmem:s23+$0x60]  }
0x19f: {  	s23 =	sadd.s32 $0x200, s23;
	v11 =	vmul.f32 v8, v7;
	v8 =	vld.msk [tilespmem:s24+$0x1 ss:$0x0], $0xffff  }
0x1a0: {  	v13 =	vld [tilespmem:s23+$0x80]  }
0x1a1: {  	v10 =	vld.msk [tilespmem:s24+$0xFFFFFFFF ss:$0x0], $0xffff  }
0x1a2: {  	v60 =	vld [tilespmem:s23+$0xFFFFFF80]  }
0x1a3: {  	v18 =	vld [tilespmem:s23+$0x0]  }
0x1a4: {  	v15 =	vmul.f32 v9, v5;
	v9 =	vld.msk [tilespmem:s24+$0x0 ss:$0x0], $0xffff;
	s20 =	spop (v2sf)  }
0x1a5: {  	s29 =	smov.u32 s2;
	v59 =	vld [tilespmem:s23+$0xFFFFFF00];
	v13 =	vmul.f32 v8, v13;
	s2 =	sshll.u32 s20, $0x9  }
0x1a6: {  	[tilespmem:s3+$0x0] =	vst.add.f32.msk $0xffff, v11;
	s25 =	sshra.s32 s2, $0x2  }
0x1a7: {  	s21 =	spop (v2sf);
	[tilespmem:s25+$0x0] =	vst.add.f32.msk $0xffff, v13  }
0x1a8: {  	v11 =	vmul.f32 v10, v60;
	s4 =	sshll.u32 s21, $0x9;
	s22 =	spop (v2sf);
	v13 =	vld [tilespmem:s23+$0x90]  }
0x1a9: {  	[tilespmem:s1+$0x0] =	vst.add.f32.msk $0xffff, v15;
	v15 =	vmul.f32 v9, v18;
	s26 =	sshra.s32 s4, $0x2;
	s2 =	sshll.u32 s22, $0x9  }
0x1aa: {  	s21 =	spop (v2sf);
	s2 =	sshra.s32 s2, $0x2;
	[tilespmem:s26+$0x0] =	vst.add.f32.msk $0xffff, v11  }
0x1ab: {  	v16 =	vmul.f32 v14, v59;
	s22 =	sshll.u32 s21, $0x9;
	[tilespmem:s2+$0x0] =	vst.add.f32.msk $0xffff, v15  }
0x1ac: {  	s12 =	sshra.s32 s22, $0x2;
	v15 =	vld [tilespmem:s23+$0xFFFFFF90]  }
0x1ad: {  	[tilespmem:s12+$0x0] =	vst.add.f32.msk $0xffff, v16;
	v11 =	vmul.f32 v13, v8  }
0x1ae: {  	s8 =	sor.u32 $0x10, s25;
	v13 =	vld [tilespmem:s23+$0xFFFFFF10]  }
0x1af: {  	[tilespmem:s8+$0x0] =	vst.add.f32.msk $0xffff, v11  }
0x1b0: {  	v12 =	vmul.f32 v12, v6;
	v11 =	vld [tilespmem:s23+$0xA0]  }
0x1b1: {  	v61 =	vld [tilespmem:s23+$0x10]  }
0x1b2: {  	[dreg:$0x3] =	wrdreg s10;
	s28 =	smov.u32 s17;
	[tilespmem:s30+$0x0] =	vst.add.f32.msk $0xffff, v12;
	v15 =	vmul.f32 v15, v10  }
0x1b3: {  	s4 =	sor.u32 $0x10, s26;
	s10 =	sor.u32 $0x20, s26;
	s15 =	sor.u32 $0x30, s26;
	v12 =	vld [tilespmem:s0+$0xFFFFFF70];
	v13 =	vmul.f32 v13, v14  }
0x1b4: {  	s14 =	sor.u32 $0x40, s26;
	s6 =	sor.u32 $0x50, s26;
	s7 =	sor.u32 $0x10, s12;
	[tilespmem:s4+$0x0] =	vst.add.f32.msk $0xffff, v15  }
0x1b5: {  	s1 =	sor.u32 $0x60, s26;
	s17 =	sor.u32 $0x70, s26;
	s26 =	sor.u32 $0x60, s2;
	[tilespmem:s7+$0x0] =	vst.add.f32.msk $0xffff, v13;
	v11 =	vmul.f32 v11, v8  }
0x1b6: {  	s30 =	smov.u32 s26;
	s26 =	sor.u32 $0x20, s25;
	v13 =	vld [tilespmem:s23+$0xFFFFFF20]  }
0x1b7: {  	v16 =	vmul.f32 v61, v9;
	[tilespmem:s26+$0x0] =	vst.add.f32.msk $0xffff, v11  }
0x1b8: {  	s22 =	sor.u32 $0x10, s2;
	v11 =	vld [tilespmem:s23+$0xB0]  }
0x1b9: {  	[tilespmem:s22+$0x0] =	vst.add.f32.msk $0xffff, v16  }
0x1ba: {  	v15 =	vmul.f32 v12, v7;
	v7 =	vmov v14;
	v14 =	vld [tilespmem:s23+$0x20]  }
0x1bb: {  	v12 =	vmul.f32 v13, v7;
	v13 =	vld [tilespmem:s23+$0xFFFFFFA0]  }
0x1bc: {  	s16 =	sor.u32 $0x20, s12  }
0x1bd: {  	[tilespmem:s16+$0x0] =	vst.add.f32.msk $0xffff, v12;
	v11 =	vmul.f32 v11, v8  }
0x1be: {  	s8 =	sor.u32 $0x30, s25;
	v12 =	vld [tilespmem:s23+$0xFFFFFF30]  }
0x1bf: {  	[tilespmem:s8+$0x0] =	vst.add.f32.msk $0xffff, v11  }
0x1c0: {  	v14 =	vmul.f32 v14, v9;
	v11 =	vmul.f32 v13, v10;
	v13 =	vld [tilespmem:s23+$0xC0]  }
0x1c1: {  	s13 =	sor.u32 $0x20, s2;
	v62 =	vld [tilespmem:s0+$0xFFFFFFF0]  }
0x1c2: {  	[tilespmem:s13+$0x0] =	vst.add.f32.msk $0xffff, v14  }
0x1c3: {  	v14 =	vld [tilespmem:s23+$0x30]  }
0x1c4: {  	[tilespmem:s10+$0x0] =	vst.add.f32.msk $0xffff, v11;
	v11 =	vmul.f32 v12, v7  }
0x1c5: {  	s11 =	sor.u32 $0x30, s12;
	v12 =	vld [tilespmem:s23+$0xFFFFFFB0];
	v13 =	vmul.f32 v13, v8  }
0x1c6: {  	s16 =	sor.u32 $0x40, s25;
	[tilespmem:s11+$0x0] =	vst.add.f32.msk $0xffff, v11  }
0x1c7: {  	[tilespmem:s16+$0x0] =	vst.add.f32.msk $0xffff, v13  }
0x1c8: {  	v11 =	vmul.f32 v62, v5;
	v5 =	vmov v10;
	v10 =	vld [tilespmem:s23+$0xD0]  }
0x1c9: {  	v14 =	vmul.f32 v14, v9;
	v13 =	vld [tilespmem:s23+$0xFFFFFF40]  }
0x1ca: {  	s20 =	sor.u32 $0x30, s2;
	v63 =	vld [tilespmem:s0+$0x70];
	v12 =	vmul.f32 v12, v5  }
0x1cb: {  	[tilespmem:s20+$0x0] =	vst.add.f32.msk $0xffff, v14  }
0x1cc: {  	[tilespmem:s15+$0x0] =	vst.add.f32.msk $0xffff, v12  }
0x1cd: {  	v14 =	vld [tilespmem:s23+$0xFFFFFFC0];
	v10 =	vmul.f32 v10, v8  }
0x1ce: {  	s22 =	sor.u32 $0x50, s25;
	v12 =	vmul.f32 v13, v7;
	v13 =	vld [tilespmem:s23+$0x40]  }
0x1cf: {  	s31 =	sadd.s32 $0x4, s31;
	[tilespmem:s22+$0x0] =	vst.add.f32.msk $0xffff, v10  }
0x1d0: {  	p3 =	slt.u32 s31, $0xBC;
	s21 =	sor.u32 $0x40, s12;
	v10 =	vmul.f32 v63, v6;
	v6 =	vmov v9;
	v9 =	vld [tilespmem:s23+$0xE0]  }
.Ltmp6:
0x1d1: {  	[tilespmem:s21+$0x0] =	vst.add.f32.msk $0xffff, v12;
	(pc) =	sbr.rel @p3 .LBB2_11-.Ltmp6, $4  }
0x1d2: {  	s26 =	rddreg [dreg:$0x3];
	v12 =	vld [tilespmem:s23+$0xFFFFFF50];
	v14 =	vmul.f32 v14, v5  }
0x1d3: {  	s5 =	sadd.s32 $0x4, s5;
	s9 =	sor.u32 $0x40, s2;
	s18 =	sor.u32 $0x50, s2;
	[tilespmem:s26+$0x0] =	vst.add.f32.msk $0xffff, v15;
	v13 =	vmul.f32 v13, v6  }
0x1d4: {  	s19 =	sor.u32 $0x50, s12;
	s3 =	sor.u32 $0x60, s12;
	s12 =	sor.u32 $0x70, s12;
	[tilespmem:s14+$0x0] =	vst.add.f32.msk $0xffff, v14  }
0x1d5: {  	s2 =	sor.u32 $0x70, s2;
	s0 =	smov.u32 s23;
	s10 =	smov.u32 s12;
	[tilespmem:s9+$0x0] =	vst.add.f32.msk $0xffff, v13;
	v9 =	vmul.f32 v9, v8  }
0x1d6: {  	v13 =	vld [tilespmem:s23+$0xFFFFFFD0]  }
0x1d7: {  	v14 =	vld [tilespmem:s23+$0x50];
	_ =	sdelay $0x1  }
0x1d8: {  	v12 =	vmul.f32 v12, v7;
	_ =	sdelay $0x1  }
0x1d9: {  	[tilespmem:s19+$0x0] =	vst.add.f32.msk $0xffff, v12;
	v59 =	vmul.f32 v13, v5  }
0x1da: {  	v60 =	vld [tilespmem:s23+$0xFFFFFF60];
	v14 =	vmul.f32 v14, v6  }
0x1db: {  	[tilespmem:s6+$0x0] =	vst.add.f32.msk $0xffff, v59  }
0x1dc: {  	[tilespmem:s18+$0x0] =	vst.add.f32.msk $0xffff, v14  }
0x1dd: {  	v12 =	vld [tilespmem:s23+$0xFFFFFFE0]  }
0x1de: {  	v14 =	vld [tilespmem:s23+$0x60]  }
0x1df: {  	s4 =	sor.u32 $0x60, s25  }
0x1e0: {  	[tilespmem:s4+$0x0] =	vst.add.f32.msk $0xffff, v9;
	v61 =	vmul.f32 v60, v7  }
0x1e1: {  	v62 =	vld [tilespmem:s23+$0xF0]  }
0x1e2: {  	[tilespmem:s3+$0x0] =	vst.add.f32.msk $0xffff, v61;
	v12 =	vmul.f32 v12, v5  }
0x1e3: {  	v9 =	vld [tilespmem:s0+$0xFFFFFF70];
	v14 =	vmul.f32 v14, v6  }
0x1e4: {  	[tilespmem:s1+$0x0] =	vst.add.f32.msk $0xffff, v12  }
0x1e5: {  	[tilespmem:s30+$0x0] =	vst.add.f32.msk $0xffff, v14  }
0x1e6: {  	v12 =	vld [tilespmem:s0+$0xFFFFFFF0]  }
0x1e7: {  	v63 =	vld [tilespmem:s0+$0x70];
	_ =	sdelay $0x1  }
0x1e8: {  	[tilespmem:s28+$0x0] =	vst.add.f32.msk $0xffff, v11;
	v8 =	vmul.f32 v62, v8  }
0x1e9: {  	s31 =	sor.u32 $0x70, s25;
	[tilespmem:s29+$0x0] =	vst.add.f32.msk $0xffff, v10;
	v7 =	vmul.f32 v9, v7  }
0x1ea: {  	[tilespmem:s31+$0x0] =	vst.add.f32.msk $0xffff, v8;
	v5 =	vmul.f32 v12, v5  }
0x1eb: {  	[tilespmem:s10+$0x0] =	vst.add.f32.msk $0xffff, v7;
	v6 =	vmul.f32 v63, v6  }
0x1ec: {  	[tilespmem:s17+$0x0] =	vst.add.f32.msk $0xffff, v5  }
0x1ed: {  	[tilespmem:s2+$0x0] =	vst.add.f32.msk $0xffff, v6  }
0x1ee: {  	s14 =	rddreg [dreg:$0xd]  }
0x1ef: {  	p0 =	sgt.s32 s14, $0xC  }
.Ltmp7:
0x1f0: {  	_ = 	snop;
	(pc) =	sbr.rel @!p0 .LBB2_16-.Ltmp7, $4  }
0x1f1: {  	_ = 	snop  }
0x1f2: {  	s7 =	simm.s32 $0xA000;
	s9 =	simm.s32 $0x10  }
0x1f3: {  	s11 =	simm.s32 $0x11600;
	s12 =	simm.s32 $0x17680;
	s13 =	simm.s32 $0x4  }
0x1f4: {  	s0 =	simm.s32 $0xC;
	s10 =	simm.s32 $0xD000;
	s8 =	rddreg [dreg:$0x6]  }
.LBB2_13:
0x1f5: {  	s1 =	sshll.u32 s0, $0x4  }
0x1f6: {  	v5 =	vld [tilespmem:s1+$0x10000];
	_ =	sdelay $0x7  }
0x1f7: {  	v6 =	vld.idx.msk [tilespmem:v5+s7+$0x0], $0xffff  }
0x1f8: {  	v7 =	vadd.s32 $0x1000, v5;
	_ =	sdelay $0x3  }
0x1f9: {  	[tilespmem:$0x11600] =	vst v6  }
0x1fa: {  	v6 =	vld.idx.msk [tilespmem:v7+s7+$0x0], $0xffff;
	_ =	sdelay $0x2  }
0x1fb: {  	v5 =	vadd.s32 $0x2000, v5  }
0x1fc: {  	v7 =	vor.u32 s1, v3  }
0x1fd: {  	vm0 =	vlt.s32 v7, v4;
	v6 =	vsub.s32 v6, v0  }
0x1fe: {  	v6 =	vnsel vm0, $0x0, v6  }
0x1ff: {  	[tilespmem:$0x11300] =	vst v6  }
0x200: {  	v5 =	vld.idx.msk [tilespmem:v5+s7+$0x0], $0xffff;
	_ =	sdelay $0x4  }
0x201: {  	v5 =	vnsel vm0, $0x0, v5  }
0x202: {  	[tilespmem:$0x11500] =	vst v5  }
0x203: {  	[tilespmem:s12], [sflag:$0x4] =	stream.indirect.gather [hbm4b:s8+s9], $0x80, s11, s9, $0xb8;
	[tilespmem:$0x1D680] =	vst v63  }
0x204: {  	_ =	swait.ge [sflag:s13], $0x800  }
0x205: {  	[sflag:s13] =	ssyncset.done $0x0  }
0x206: {  	s2 =	simm.s32 $0x0;
	[sflag:s13] =	ssyncadd.s32 $0xFFFFF800  }
0x207: {  	v5 =	vld [tilespmem:s2+$0x11300];
	_ =	sdelay $0x4  }
0x208: {  	(v2sf) =	vpush v5, $0x0;
	_ =	sdelay $0x8  }
0x209: {  	s1 =	simm.s32 $0x176C0  }
0x20a: {  	v6 =	vld [tilespmem:s1+$0xFFFFFFC0]  }
0x20b: {  	v5 =	vld.msk [tilespmem:s2+$0x11500 ss:$0x0], $0xffff;
	_ =	sdelay $0x3  }
0x20c: {  	s25 =	spop (v2sf)  }
0x20d: {  	v6 =	vmul.f32 v5, v6;
	s2 =	sshll.u32 s25, $0x9  }
0x20e: {  	s3 =	sshra.s32 s2, $0x2  }
0x20f: {  	[tilespmem:s3+$0x0] =	vst.add.f32.msk $0xffff, v6  }
0x210: {  	v6 =	vld [tilespmem:s1+$0xFFFFFFD0];
	_ =	sdelay $0x4  }
0x211: {  	v6 =	vmul.f32 v6, v5  }
0x212: {  	s2 =	sor.u32 $0x10, s3  }
0x213: {  	[tilespmem:s2+$0x0] =	vst.add.f32.msk $0xffff, v6  }
0x214: {  	v6 =	vld [tilespmem:s1+$0xFFFFFFE0];
	_ =	sdelay $0x4  }
0x215: {  	v6 =	vmul.f32 v6, v5  }
0x216: {  	s26 =	sor.u32 $0x20, s3  }
0x217: {  	[tilespmem:s26+$0x0] =	vst.add.f32.msk $0xffff, v6  }
0x218: {  	v6 =	vld [tilespmem:s1+$0xFFFFFFF0];
	_ =	sdelay $0x4  }
0x219: {  	v6 =	vmul.f32 v6, v5  }
0x21a: {  	s28 =	sor.u32 $0x30, s3  }
0x21b: {  	[tilespmem:s28+$0x0] =	vst.add.f32.msk $0xffff, v6  }
0x21c: {  	v6 =	vld [tilespmem:s1+$0x0];
	_ =	sdelay $0x4  }
0x21d: {  	v6 =	vmul.f32 v6, v5  }
0x21e: {  	s29 =	sor.u32 $0x40, s3  }
0x21f: {  	[tilespmem:s29+$0x0] =	vst.add.f32.msk $0xffff, v6  }
0x220: {  	v6 =	vld [tilespmem:s1+$0x10];
	_ =	sdelay $0x4  }
0x221: {  	v6 =	vmul.f32 v6, v5  }
0x222: {  	s30 =	sor.u32 $0x50, s3  }
0x223: {  	[tilespmem:s30+$0x0] =	vst.add.f32.msk $0xffff, v6  }
0x224: {  	v6 =	vld [tilespmem:s1+$0x20];
	_ =	sdelay $0x4  }
0x225: {  	v6 =	vmul.f32 v6, v5  }
0x226: {  	s31 =	sor.u32 $0x60, s3  }
0x227: {  	[tilespmem:s31+$0x0] =	vst.add.f32.msk $0xffff, v6  }
0x228: {  	v6 =	vld [tilespmem:s1+$0x30];
	_ =	sdelay $0x4  }
0x229: {  	s4 =	simm.s32 $0x8;
	s5 =	sor.u32 $0x70, s3;
	s2 =	simm.s32 $0x4;
	v5 =	vmul.f32 v6, v5  }
.LBB2_14:
0x22a: {  	s6 =	sshra.s32 s2, $0x2  }
0x22b: {  	[tilespmem:s5+$0x0] =	vst.add.f32.msk $0xffff, v5;
	s1 =	sadd.s32 $0x80, s1;
	s2 =	smov.u32 s4;
	s3 =	sadd.s32 $0x4, s4  }
0x22c: {  	p3 =	sne.s32 s4, $0x3C;
	v5 =	vld [tilespmem:s6+$0x11300];
	_ =	sdelay $0x4  }
0x22d: {  	(v2sf) =	vpush v5, $0x0;
	_ =	sdelay $0x9  }
0x22e: {  	v5 =	vld.msk [tilespmem:s6+$0x11500 ss:$0x0], $0xffff  }
0x22f: {  	v6 =	vld [tilespmem:s1+$0xFFFFFFC0];
	_ =	sdelay $0x3  }
0x230: {  	s4 =	spop (v2sf)  }
0x231: {  	v6 =	vmul.f32 v5, v6;
	s4 =	sshll.u32 s4, $0x9  }
0x232: {  	s5 =	sshra.s32 s4, $0x2  }
0x233: {  	[tilespmem:s5+$0x0] =	vst.add.f32.msk $0xffff, v6  }
0x234: {  	v6 =	vld [tilespmem:s1+$0xFFFFFFD0];
	_ =	sdelay $0x4  }
0x235: {  	v6 =	vmul.f32 v6, v5  }
0x236: {  	s4 =	sor.u32 $0x10, s5  }
0x237: {  	[tilespmem:s4+$0x0] =	vst.add.f32.msk $0xffff, v6  }
0x238: {  	v6 =	vld [tilespmem:s1+$0xFFFFFFE0];
	_ =	sdelay $0x4  }
0x239: {  	v6 =	vmul.f32 v6, v5  }
0x23a: {  	s4 =	sor.u32 $0x20, s5  }
0x23b: {  	[tilespmem:s4+$0x0] =	vst.add.f32.msk $0xffff, v6  }
0x23c: {  	v6 =	vld [tilespmem:s1+$0xFFFFFFF0];
	_ =	sdelay $0x4  }
0x23d: {  	v6 =	vmul.f32 v6, v5  }
0x23e: {  	s4 =	sor.u32 $0x30, s5  }
0x23f: {  	[tilespmem:s4+$0x0] =	vst.add.f32.msk $0xffff, v6  }
0x240: {  	v6 =	vld [tilespmem:s1+$0x0];
	_ =	sdelay $0x4  }
0x241: {  	v6 =	vmul.f32 v6, v5  }
0x242: {  	s4 =	sor.u32 $0x40, s5  }
0x243: {  	[tilespmem:s4+$0x0] =	vst.add.f32.msk $0xffff, v6  }
0x244: {  	v6 =	vld [tilespmem:s1+$0x10];
	_ =	sdelay $0x4  }
0x245: {  	v6 =	vmul.f32 v6, v5  }
0x246: {  	s4 =	sor.u32 $0x50, s5  }
0x247: {  	[tilespmem:s4+$0x0] =	vst.add.f32.msk $0xffff, v6  }
0x248: {  	v6 =	vld [tilespmem:s1+$0x20];
	_ =	sdelay $0x4  }
0x249: {  	v6 =	vmul.f32 v6, v5  }
0x24a: {  	s4 =	sor.u32 $0x60, s5  }
0x24b: {  	[tilespmem:s4+$0x0] =	vst.add.f32.msk $0xffff, v6  }
0x24c: {  	v6 =	vld [tilespmem:s1+$0x30];
	_ =	sdelay $0x1  }
.Ltmp8:
0x24d: {  	(pc) =	sbr.rel @p3 .LBB2_14-.Ltmp8, $3  }
0x24e: {  	_ =	sdelay $0x1  }
0x24f: {  	v5 =	vmul.f32 v6, v5  }
0x250: {  	s5 =	sor.u32 $0x70, s5;
	s4 =	smov.u32 s3  }
0x251: {  	s2 =	sshra.s32 s2, $0x2;
	[tilespmem:s5+$0x0] =	vst.add.f32.msk $0xffff, v5  }
0x252: {  	v5 =	vld [tilespmem:s2+$0x11300];
	_ =	sdelay $0x4  }
0x253: {  	(v2sf) =	vpush v5, $0x0;
	_ =	sdelay $0x8  }
0x254: {  	s1 =	sadd.s32 $0x80, s1  }
0x255: {  	v6 =	vld [tilespmem:s1+$0xFFFFFFC0]  }
0x256: {  	v5 =	vld.msk [tilespmem:s2+$0x11500 ss:$0x0], $0xffff;
	_ =	sdelay $0x3  }
0x257: {  	s24 =	spop (v2sf)  }
0x258: {  	v6 =	vmul.f32 v5, v6;
	s2 =	sshll.u32 s24, $0x9  }
0x259: {  	s2 =	sshra.s32 s2, $0x2  }
0x25a: {  	[tilespmem:s2+$0x0] =	vst.add.f32.msk $0xffff, v6  }
0x25b: {  	v6 =	vld [tilespmem:s1+$0xFFFFFFD0];
	_ =	sdelay $0x4  }
0x25c: {  	v6 =	vmul.f32 v6, v5  }
0x25d: {  	s3 =	sor.u32 $0x10, s2  }
0x25e: {  	[tilespmem:s3+$0x0] =	vst.add.f32.msk $0xffff, v6  }
0x25f: {  	v6 =	vld [tilespmem:s1+$0xFFFFFFE0];
	_ =	sdelay $0x4  }
0x260: {  	v6 =	vmul.f32 v6, v5  }
0x261: {  	s25 =	sor.u32 $0x20, s2  }
0x262: {  	[tilespmem:s25+$0x0] =	vst.add.f32.msk $0xffff, v6  }
0x263: {  	v6 =	vld [tilespmem:s1+$0xFFFFFFF0];
	_ =	sdelay $0x4  }
0x264: {  	v6 =	vmul.f32 v6, v5  }
0x265: {  	s26 =	sor.u32 $0x30, s2  }
0x266: {  	[tilespmem:s26+$0x0] =	vst.add.f32.msk $0xffff, v6  }
0x267: {  	v6 =	vld [tilespmem:s1+$0x0];
	_ =	sdelay $0x4  }
0x268: {  	v6 =	vmul.f32 v6, v5  }
0x269: {  	s28 =	sor.u32 $0x40, s2  }
0x26a: {  	[tilespmem:s28+$0x0] =	vst.add.f32.msk $0xffff, v6  }
0x26b: {  	v6 =	vld [tilespmem:s1+$0x10];
	_ =	sdelay $0x4  }
0x26c: {  	v6 =	vmul.f32 v6, v5  }
0x26d: {  	s29 =	sor.u32 $0x50, s2  }
0x26e: {  	[tilespmem:s29+$0x0] =	vst.add.f32.msk $0xffff, v6  }
0x26f: {  	v6 =	vld [tilespmem:s1+$0x20];
	_ =	sdelay $0x4  }
0x270: {  	v6 =	vmul.f32 v6, v5  }
0x271: {  	s30 =	sor.u32 $0x60, s2  }
0x272: {  	[tilespmem:s30+$0x0] =	vst.add.f32.msk $0xffff, v6  }
0x273: {  	v6 =	vld [tilespmem:s1+$0x30]  }
0x274: {  	s0 =	sadd.s32 $0x1, s0  }
0x275: {  	p0 =	sne.s32 s0, s14  }
.Ltmp9:
0x276: {  	_ = 	snop;
	(pc) =	sbr.rel @p0 .LBB2_13-.Ltmp9, $4  }
0x277: {  	_ = 	snop  }
0x278: {  	v5 =	vmul.f32 v6, v5  }
0x279: {  	s31 =	sor.u32 $0x70, s2  }
0x27a: {  	[tilespmem:s31+$0x0] =	vst.add.f32.msk $0xffff, v5  }
.LBB2_16:
0x27b: {  	s0 =	rddreg [dreg:$0xa]  }
0x27c: {  	p0 =	seq.s32 s0, $0x27;
	s0 =	rddreg [dreg:$0xb]  }
0x27d: {  	s1 =	rddreg [dreg:$0x0];
	s0 =	sshrl.u32 @!p0 s0, $0x3  }
0x27e: {  	s22 =	simm.s32 $0x2;
	s0 =	sadd.s32 @!p0 s1, s0  }
0x27f: {  	s2 =	simm.s32 @!p0 $0xA000;
	s1 =	simm.s32 @!p0 $0x0;
	s0 =	sadd.s32 @!p0 $0xC00, s0  }
0x280: {  	[tilespmem:s2], [sflag:$0x1] =	stream.linear.gather @!p0 [hbm4b:s0+s1], $0x3000, $0x38;
	[tilespmem:$0x1D680] =	vst v63  }
0x281: {  	_ =	swait.ge [sflag:s22], $0x3000  }
0x282: {  	[sflag:s22] =	ssyncset.done $0x0  }
0x283: {  	s23 =	simm.s32 $0xE070;
	[sflag:s22] =	ssyncadd.s32 $0xFFFFD000  }
0x284: {  	v4 =	vld [tilespmem:s23+$0x0]  }
0x285: {  	v5 =	vld [tilespmem:s23+$0xFFFFFFF0]  }
0x286: {  	v6 =	vld [tilespmem:s23+$0xFFFFFFE0]  }
0x287: {  	v8 =	vld [tilespmem:s23+$0xFFFFFF90]  }
0x288: {  	v9 =	vld [tilespmem:s23+$0xFFFFFFA0]  }
0x289: {  	v7 =	vld [tilespmem:s23+$0xFFFFFFD0]  }
0x28a: {  	v10 =	vld [tilespmem:s23+$0xFFFFFFB0]  }
0x28b: {  	s25 =	simm.s32 $0x0;
	v11 =	vld [tilespmem:s23+$0xFFFFFFC0]  }
0x28c: {  	s24 =	simm.s32 $0xE0F0;
	v15 =	vor.u32 s25, v3;
	v4 =	vsub.s32 v4, v0;
	v8 =	vsub.s32 v8, v0  }
0x28d: {  	v16 =	vld [tilespmem:s24+$0xFFFFFFC0];
	v6 =	vsub.s32 v6, v0;
	vm11 =	vlt.u32 v8, $0x140;
	v8 =	vsub.s32 v9, v0  }
0x28e: {  	v5 =	vsub.s32 v5, v0;
	v9 =	vmpcnt.ones.xlane vm11;
	vm0 =	vlt.u32 v8, $0x140  }
0x28f: {  	v7 =	vsub.s32 v7, v0;
	v8 =	vsub.s32 v10, v0;
	v10 =	vmpcnt.ones.xlane vm0  }
0x290: {  	vm6 =	vlt.u32 v8, $0x140;
	v8 =	vsub.s32 v11, v0;
	(v2sf) =	vpush v9, $0x0  }
0x291: {  	v11 =	vmpcnt.ones.xlane vm6;
	vm5 =	vlt.u32 v8, $0x140;
	(v2sf) =	vpush v10, $0x0  }
0x292: {  	v12 =	vld [tilespmem:s24+$0xFFFFFFD0];
	v16 =	vsub.s32 v16, v0;
	vm1 =	vlt.u32 v7, $0x140;
	v8 =	vmpcnt.ones.xlane vm5  }
0x293: {  	v7 =	vld [tilespmem:s24+$0x0];
	vm2 =	vlt.u32 v6, $0x140;
	v9 =	vmpcnt.ones.xlane vm1;
	(v2sf) =	vpush v11, $0x0  }
0x294: {  	vm7 =	vlt.u32 v5, $0x140;
	v6 =	vmpcnt.ones.xlane vm2;
	v10 =	vld [tilespmem:s24+$0xFFFFFFE0];
	(v2sf) =	vpush v8, $0x0  }
0x295: {  	vm8 =	vlt.u32 v4, $0x140;
	v5 =	vmpcnt.ones.xlane vm7;
	v11 =	vld [tilespmem:s24+$0xFFFFFFF0];
	(v2sf) =	vpush v9, $0x0  }
0x296: {  	v4 =	vmpcnt.ones.xlane vm8;
	vm3 =	vmmov vm1;
	v9 =	vld [tilespmem:s24+$0xFFFFFF90];
	(v2sf) =	vpush v6, $0x0  }
0x297: {  	v13 =	vld [tilespmem:s24+$0xFFFFFFA0];
	vm2 =	vmmov vm2;
	vm4 =	vmmov vm0;
	(v2sf) =	vpush v5, $0x0  }
0x298: {  	v14 =	vld [tilespmem:s24+$0xFFFFFFB0];
	vm0 =	vmmov vm8;
	vm1 =	vmmov vm7;
	(v2sf) =	vpush v4, $0x0  }
0x299: {  	s26 =	simm.s32 $0x10;
	s28 =	simm.s32 $0x20;
	vm8 =	vmmov vm6;
	vm6 =	vlt.u32 v16, $0x140;
	vm9 =	vmmov vm5  }
0x29a: {  	v8 =	vor.u32 s26, v3;
	v6 =	vor.u32 s28, v3;
	v10 =	vsub.s32 v10, v0  }
0x29b: {  	v4 =	vsub.s32 v7, v0;
	v5 =	vsub.s32 v9, v0;
	v9 =	vsub.s32 v11, v0  }
0x29c: {  	v11 =	vsub.s32 v13, v0;
	v13 =	vsub.s32 v12, v0;
	vm5 =	vlt.u32 v5, $0x140  }
0x29d: {  	s29 =	simm.s32 $0x30;
	v12 =	vsub.s32 v14, v0;
	vm10 =	vlt.u32 v11, $0x140;
	v11 =	vmpcnt.ones.xlane vm5  }
0x29e: {  	s30 =	simm.s32 $0x40;
	s31 =	simm.s32 $0x0;
	s3 =	simm.s32 $0xE170;
	v7 =	vor.u32 s29, v3;
	vm7 =	vlt.u32 v12, $0x140;
	v14 =	vmpcnt.ones.xlane vm10  }
0x29f: {  	s0 =	simm.s32 $0x70;
	s2 =	simm.s32 $0x8;
	v5 =	vor.u32 s30, v3;
	v12 =	vmpcnt.ones.xlane vm7;
	(v2sf) =	vpush v11, $0x0;
	s4 =	spop (v2sf)  }
0x2a0: {  	s1 =	simm.s32 $0x70;
	[tilespmem:s31+$0x10000] =	vst.msk vm11, v15;
	vm11 =	vlt.u32 v13, $0x140;
	v11 =	vmpcnt.ones.xlane vm6;
	(v2sf) =	vpush v14, $0x0;
	s4 =	sadd.s32 $0x0, s4;
	s5 =	spop (v2sf)  }
.LBB2_17:
0x2a1: {  	v14 =	vmpcnt.ones.xlane vm11;
	vm12 =	vlt.u32 v10, $0x140;
	(v2sf) =	vpush v12, $0x0  }
0x2a2: {  	v13 =	vld [tilespmem:s3+$0x0];
	[tilespmem:s4+$0x10000] =	vst.msk vm4, v8;
	s4 =	sadd.s32 s4, s5;
	s0 =	sadd.s32 $0x80, s0;
	s5 =	spop (v2sf);
	vm4 =	vmmov vm10;
	vm13 =	vmmov vm3;
	vm3 =	vmmov vm11  }
0x2a3: {  	vm10 =	vlt.u32 v9, $0x140;
	v12 =	vld [tilespmem:s3+$0xFFFFFFF0];
	s6 =	sadd.s32 $0xFFFFFF90, s0;
	v8 =	vmpcnt.ones.xlane vm12;
	(v2sf) =	vpush v11, $0x0;
	[tilespmem:s4+$0x10000] =	vst.msk vm8, v6;
	s4 =	sadd.s32 s4, s5;
	s5 =	spop (v2sf)  }
0x2a4: {  	v6 =	vmpcnt.ones.xlane vm10;
	vm8 =	vlt.u32 v4, $0x140;
	v9 =	vld [tilespmem:s3+$0xFFFFFFE0];
	(v2sf) =	vpush v14, $0x0;
	[tilespmem:s4+$0x10000] =	vst.msk vm9, v7;
	s4 =	sadd.s32 s4, s5;
	s5 =	sadd.s32 $0xFFFFFFE0, s1;
	s7 =	spop (v2sf)  }
0x2a5: {  	v4 =	vmpcnt.ones.xlane vm8;
	v11 =	vld [tilespmem:s3+$0xFFFFFFD0];
	(v2sf) =	vpush v8, $0x0;
	[tilespmem:s4+$0x10000] =	vst.msk vm13, v5;
	s4 =	sadd.s32 s4, s7;
	v5 =	vor.u32 s5, v3;
	s5 =	sadd.s32 $0xFFFFFFF0, s1;
	s7 =	spop (v2sf)  }
0x2a6: {  	s2 =	sadd.s32 $0x8, s2;
	v10 =	vld [tilespmem:s3+$0xFFFFFF90];
	(v2sf) =	vpush v6, $0x0;
	[tilespmem:s4+$0x10000] =	vst.msk vm2, v5;
	s4 =	sadd.s32 s4, s7;
	v5 =	vor.u32 s5, v3;
	s5 =	spop (v2sf);
	vm2 =	vmmov vm12  }
0x2a7: {  	p3 =	slt.u32 s2, $0xF8;
	v14 =	vld [tilespmem:s3+$0xFFFFFFA0];
	(v2sf) =	vpush v4, $0x0;
	[tilespmem:s4+$0x10000] =	vst.msk vm1, v5;
	s4 =	sadd.s32 s4, s5;
	v4 =	vor.u32 s1, v3;
	s1 =	spop (v2sf);
	vm1 =	vmmov vm10  }
0x2a8: {  	v5 =	vor.u32 s6, v3;
	s5 =	sadd.s32 $0xFFFFFFA0, s0;
	s6 =	sadd.s32 $0xFFFFFFB0, s0;
	v15 =	vld [tilespmem:s3+$0xFFFFFFB0];
	[tilespmem:s4+$0x10000] =	vst.msk vm0, v4;
	s4 =	sadd.s32 s4, s1;
	vm0 =	vmmov vm8;
	vm8 =	vmmov vm7  }
0x2a9: {  	vm9 =	vmmov vm6;
	v8 =	vor.u32 s5, v3;
	v6 =	vor.u32 s6, v3;
	s5 =	sadd.s32 $0xFFFFFFC0, s0;
	s6 =	sadd.s32 $0xFFFFFFD0, s0;
	s1 =	smov.u32 s0;
	v16 =	vld [tilespmem:s3+$0xFFFFFFC0];
	[tilespmem:s4+$0x10000] =	vst.msk vm5, v5  }
0x2aa: {  	v4 =	vsub.s32 v13, v0;
	v7 =	vor.u32 s5, v3;
	v5 =	vor.u32 s6, v3  }
0x2ab: {  	v13 =	vsub.s32 v10, v0;
	v10 =	vsub.s32 v9, v0;
	v9 =	vsub.s32 v12, v0  }
.Ltmp10:
0x2ac: {  	vm5 =	vlt.u32 v13, $0x140;
	v12 =	vsub.s32 v14, v0;
	v13 =	vsub.s32 v11, v0;
	(pc) =	sbr.rel @p3 .LBB2_17-.Ltmp10, $4  }
0x2ad: {  	v11 =	vmpcnt.ones.xlane vm5;
	vm10 =	vlt.u32 v12, $0x140;
	v12 =	vsub.s32 v15, v0  }
0x2ae: {  	v14 =	vmpcnt.ones.xlane vm10;
	vm7 =	vlt.u32 v12, $0x140;
	v15 =	vsub.s32 v16, v0  }
0x2af: {  	v12 =	vmpcnt.ones.xlane vm7;
	vm6 =	vlt.u32 v15, $0x140;
	(v2sf) =	vpush v11, $0x0;
	s5 =	spop (v2sf)  }
0x2b0: {  	s3 =	sadd.s32 $0x80, s3;
	vm11 =	vlt.u32 v13, $0x140;
	v11 =	vmpcnt.ones.xlane vm6;
	(v2sf) =	vpush v14, $0x0;
	s4 =	sadd.s32 s4, s5;
	s5 =	spop (v2sf)  }
0x2b1: {  	v13 =	vmpcnt.ones.xlane vm11;
	vm13 =	vlt.u32 v10, $0x140;
	(v2sf) =	vpush v12, $0x0  }
0x2b2: {  	vm12 =	vlt.u32 v9, $0x140;
	v10 =	vmpcnt.ones.xlane vm13;
	(v2sf) =	vpush v11, $0x0  }
0x2b3: {  	v9 =	vmpcnt.ones.xlane vm12;
	(v2sf) =	vpush v13, $0x0  }
0x2b4: {  	(v2sf) =	vpush v10, $0x0  }
0x2b5: {  	(v2sf) =	vpush v9, $0x0;
	_ =	sdelay $0x2  }
0x2b6: {  	[tilespmem:s4+$0x10000] =	vst.msk vm4, v8;
	s2 =	spop (v2sf);
	s3 =	sadd.s32 s4, s5  }
0x2b7: {  	s24 =	spop (v2sf);
	[tilespmem:s3+$0x10000] =	vst.msk vm8, v6;
	s2 =	sadd.s32 s3, s2  }
0x2b8: {  	vm3 =	vmmov vm3;
	s26 =	sadd.s32 $0xFFFFFFE0, s1;
	s25 =	spop (v2sf);
	[tilespmem:s2+$0x10000] =	vst.msk vm9, v7;
	s2 =	sadd.s32 s2, s24  }
0x2b9: {  	s29 =	sadd.s32 $0xFFFFFFF0, s1;
	s28 =	spop (v2sf);
	[tilespmem:s2+$0x10000] =	vst.msk vm3, v5;
	s2 =	sadd.s32 s2, s25;
	v5 =	vor.u32 s26, v3  }
0x2ba: {  	s0 =	sadd.s32 $0x80, s0;
	[tilespmem:s2+$0x10000] =	vst.msk vm2, v5;
	s2 =	sadd.s32 s2, s28;
	v5 =	vor.u32 s29, v3;
	s30 =	spop (v2sf)  }
0x2bb: {  	s31 =	sadd.s32 $0xFFFFFF90, s0;
	[tilespmem:s2+$0x10000] =	vst.msk vm1, v5;
	s2 =	sadd.s32 s2, s30;
	v5 =	vor.u32 s1, v3;
	s5 =	spop (v2sf)  }
0x2bc: {  	s6 =	sadd.s32 $0xFFFFFFA0, s0;
	v6 =	vor.u32 s31, v3;
	[tilespmem:s2+$0x10000] =	vst.msk vm0, v5;
	s1 =	sadd.s32 s2, s5;
	s7 =	spop (v2sf)  }
0x2bd: {  	s9 =	sadd.s32 $0xFFFFFFB0, s0;
	vm0 =	vmmov vm10;
	v5 =	vor.u32 s6, v3;
	[tilespmem:s1+$0x10000] =	vst.msk vm5, v6;
	s1 =	sadd.s32 s1, s7;
	s11 =	spop (v2sf)  }
0x2be: {  	s12 =	sadd.s32 $0xFFFFFFC0, s0;
	vm1 =	vmmov vm7;
	v6 =	vor.u32 s9, v3;
	[tilespmem:s1+$0x10000] =	vst.msk vm0, v5;
	s1 =	sadd.s32 s1, s11;
	s13 =	spop (v2sf)  }
0x2bf: {  	s14 =	sadd.s32 $0xFFFFFFD0, s0;
	vm2 =	vmmov vm6;
	vm0 =	vmmov vm11;
	v5 =	vor.u32 s12, v3;
	[tilespmem:s1+$0x10000] =	vst.msk vm1, v6;
	s1 =	sadd.s32 s1, s13;
	s15 =	spop (v2sf)  }
0x2c0: {  	s16 =	sadd.s32 $0xFFFFFFE0, s0;
	v6 =	vor.u32 s14, v3;
	vm0 =	vmmov vm0;
	[tilespmem:s1+$0x10000] =	vst.msk vm2, v5;
	s1 =	sadd.s32 s1, s15;
	s17 =	spop (v2sf)  }
0x2c1: {  	s18 =	sadd.s32 $0xFFFFFFF0, s0;
	vm1 =	vmmov vm13;
	v5 =	vor.u32 s16, v3;
	[tilespmem:s1+$0x10000] =	vst.msk vm0, v6;
	s1 =	sadd.s32 s1, s17;
	s19 =	spop (v2sf)  }
0x2c2: {  	vm2 =	vmmov vm12;
	vm0 =	vlt.u32 v4, $0x140;
	v4 =	vor.u32 s18, v3;
	[tilespmem:s1+$0x10000] =	vst.msk vm1, v5;
	s1 =	sadd.s32 s1, s19;
	s20 =	spop (v2sf)  }
0x2c3: {  	vm1 =	vmmov vm0;
	[tilespmem:s1+$0x10000] =	vst.msk vm2, v4;
	s1 =	sadd.s32 s1, s20;
	v4 =	vor.u32 s0, v3  }
0x2c4: {  	s21 =	simm.s32 $0x10010;
	[tilespmem:s1+$0x10000] =	vst.msk vm1, v4;
	v4 =	vmpcnt.ones.xlane vm0  }
0x2c5: {  	v8 =	vld [tilespmem:s21+$0x0]  }
0x2c6: {  	(v2sf) =	vpush v4, $0x0  }
0x2c7: {  	v9 =	vld [tilespmem:s21+$0xFFFFFFF0]  }
0x2c8: {  	s22 =	simm.s32 $0x10030  }
0x2c9: {  	v10 =	vld [tilespmem:s22+$0x0]  }
0x2ca: {  	v7 =	vld [tilespmem:s22+$0xFFFFFFF0];
	_ =	sdelay $0x2  }
0x2cb: {  	v4 =	vld.idx.msk [tilespmem:v8+s10+$0x0], $0xffff  }
0x2cc: {  	v5 =	vadd.s32 $0x1000, v8  }
0x2cd: {  	s24 =	simm.s32 $0x10050;
	v11 =	vld.idx.msk [tilespmem:v9+s10+$0x0], $0xffff  }
0x2ce: {  	v6 =	vld [tilespmem:s24+$0x0];
	v12 =	vadd.s32 $0x1000, v9  }
0x2cf: {  	s23 =	simm.s32 $0x11110;
	v15 =	vld.idx.msk [tilespmem:v10+s10+$0x0], $0xffff  }
0x2d0: {  	v18 =	vld.idx.msk [tilespmem:v7+s10+$0x0], $0xffff;
	[tilespmem:s23+$0x0] =	vst v4  }
0x2d1: {  	v13 =	vld.idx.msk [tilespmem:v5+s10+$0x0], $0xffff  }
0x2d2: {  	v16 =	vadd.s32 $0x1000, v10;
	[tilespmem:s23+$0xFFFFFFF0] =	vst v11;
	v5 =	vld [tilespmem:s24+$0xFFFFFFF0]  }
0x2d3: {  	s26 =	simm.s32 $0x10070;
	v20 =	vadd.s32 $0x1000, v7;
	v12 =	vld.idx.msk [tilespmem:v12+s10+$0x0], $0xffff;
	s25 =	spop (v2sf)  }
0x2d4: {  	s28 =	simm.s32 $0x10;
	v14 =	vld [tilespmem:s26+$0x0];
	v19 =	vadd.s32 $0x2000, v8;
	s0 =	sadd.s32 s1, s25  }
0x2d5: {  	s29 =	simm.s32 $0x11130;
	v8 =	vld [tilespmem:s26+$0xFFFFFFF0];
	v11 =	vor.u32 s28, v3;
	v4 =	vmov s0  }
0x2d6: {  	s30 =	simm.s32 $0x0;
	v9 =	vadd.s32 $0x2000, v9;
	v17 =	vld.idx.msk [tilespmem:v6+s10+$0x0], $0xffff;
	[tilespmem:s29+$0x0] =	vst v15;
	vm0 =	vlt.s32 v11, v4;
	v13 =	vsub.s32 v13, v0  }
0x2d7: {  	s31 =	simm.s32 $0x11310;
	v15 =	vor.u32 s30, v3;
	[tilespmem:s29+$0xFFFFFFF0] =	vst v18;
	v11 =	vld.idx.msk [tilespmem:v16+s10+$0x0], $0xffff;
	v13 =	vnsel vm0, $0x0, v13  }
0x2d8: {  	vm2 =	vlt.s32 v15, v4;
	v12 =	vsub.s32 v12, v0;
	v15 =	vld.idx.msk [tilespmem:v20+s10+$0x0], $0xffff;
	[tilespmem:s31+$0x0] =	vst v13  }
0x2d9: {  	s4 =	simm.s32 $0x10090;
	v18 =	vadd.s32 $0x1000, v6;
	v12 =	vnsel vm2, $0x0, v12;
	v16 =	vld.idx.msk [tilespmem:v19+s10+$0x0], $0xffff  }
0x2da: {  	s3 =	simm.s32 $0x20;
	s6 =	simm.s32 $0x6;
	s5 =	simm.s32 $0x11150;
	[tilespmem:s31+$0xFFFFFFF0] =	vst v12;
	v13 =	vld.idx.msk [tilespmem:v5+s10+$0x0], $0xffff  }
0x2db: {  	s2 =	simm.s32 $0x11330;
	s9 =	simm.s32 $0x30;
	s1 =	simm.s32 $0x11510;
	vm1 =	vmmov vm0;
	vm0 =	vmmov vm2;
	v12 =	vadd.s32 $0x2000, v10;
	v10 =	vmovc v14;
	v9 =	vld.idx.msk [tilespmem:v9+s10+$0x0], $0xffff  }
.LBB2_19:
0x2dc: {  	v19 =	vld [tilespmem:s4+$0x0];
	s6 =	sadd.s32 $0x2, s6;
	v20 =	vor.u32 s9, v3;
	s7 =	smov.u32 s1;
	s1 =	sadd.s32 $0x20, s1  }
0x2dd: {  	v22 =	vadd.s32 $0x1000, v5;
	v21 =	vld [tilespmem:s4+$0xFFFFFFF0];
	p3 =	slt.u32 s6, $0xA;
	[tilespmem:s5+$0x0] =	vst v17;
	vm2 =	vlt.s32 v20, v4;
	v17 =	vsub.s32 v11, v0  }
0x2de: {  	v20 =	vadd.s32 $0x2000, v7;
	v23 =	vnsel vm1, $0x0, v16;
	v7 =	vmovc v5;
	v5 =	vmovc v8;
	v11 =	vld.idx.msk [tilespmem:v18+s10+$0x0], $0xffff;
	v18 =	vnsel vm2, $0x0, v17  }
.Ltmp11:
0x2df: {  	v24 =	vor.u32 s3, v3;
	s3 =	sadd.s32 $0x20, s3;
	vm1 =	vmmov vm2;
	v17 =	vld.idx.msk [tilespmem:v14+s10+$0x0], $0xffff;
	[tilespmem:s2+$0x0] =	vst v18;
	(pc) =	sbr.rel @p3 .LBB2_19-.Ltmp11, $4  }
0x2e0: {  	vm2 =	vlt.s32 v24, v4;
	v15 =	vsub.s32 v15, v0;
	v16 =	vld.idx.msk [tilespmem:v12+s10+$0x0], $0xffff;
	[tilespmem:s7+$0x0] =	vst v23  }
0x2e1: {  	v18 =	vadd.s32 $0x1000, v10;
	v12 =	vnsel vm2, $0x0, v15;
	v23 =	vnsel vm0, $0x0, v9;
	[tilespmem:s5+$0xFFFFFFF0] =	vst v13;
	v13 =	vld.idx.msk [tilespmem:v8+s10+$0x0], $0xffff;
	v14 =	vmovc v19  }
0x2e2: {  	vm0 =	vmmov vm2;
	s5 =	sadd.s32 $0x20, s5;
	v15 =	vld.idx.msk [tilespmem:v22+s10+$0x0], $0xffff;
	[tilespmem:s2+$0xFFFFFFF0] =	vst v12;
	v8 =	vmov v21  }
0x2e3: {  	s4 =	sadd.s32 $0x20, s4;
	s9 =	sadd.s32 $0x10, s3;
	v12 =	vadd.s32 $0x2000, v6;
	s2 =	sadd.s32 $0x20, s2;
	v6 =	vmov v10;
	v10 =	vmov v19;
	v9 =	vld.idx.msk [tilespmem:v20+s10+$0x0], $0xffff;
	[tilespmem:s7+$0xFFFFFFF0] =	vst v23  }
0x2e4: {  	_ =	sdelay $0x3  }
0x2e5: {  	v19 =	vadd.s32 $0x1000, v5;
	v14 =	vld.idx.msk [tilespmem:v14+s10+$0x0], $0xffff  }
0x2e6: {  	v51 =	vld.idx.msk [tilespmem:v8+s10+$0x0], $0xffff;
	v20 =	vadd.s32 $0x1000, v10;
	v21 =	vor.u32 s9, v3  }
0x2e7: {  	[tilespmem:s5+$0x0] =	vst v17;
	v22 =	vadd.s32 $0x1000, v8;
	v11 =	vsub.s32 v11, v0;
	vm2 =	vlt.s32 v21, v4  }
0x2e8: {  	v18 =	vld.idx.msk [tilespmem:v18+s10+$0x0], $0xffff;
	[tilespmem:s5+$0xFFFFFFF0] =	vst v13;
	v11 =	vnsel vm2, $0x0, v11  }
0x2e9: {  	v52 =	vor.u32 s3, v3;
	s4 =	sadd.s32 $0x20, s5;
	v7 =	vadd.s32 $0x2000, v7;
	[tilespmem:s2+$0x0] =	vst v11  }
0x2ea: {  	s21 =	sadd.s32 $0x20, s3;
	v6 =	vadd.s32 $0x2000, v6;
	v5 =	vadd.s32 $0x2000, v5;
	v10 =	vadd.s32 $0x2000, v10;
	v19 =	vld.idx.msk [tilespmem:v19+s10+$0x0], $0xffff;
	[tilespmem:s4+$0x0] =	vst v14  }
0x2eb: {  	v8 =	vadd.s32 $0x2000, v8;
	vm9 =	vlt.s32 v52, v4;
	s22 =	sadd.s32 $0x10, s21;
	v13 =	vnsel vm1, $0x0, v16;
	[tilespmem:s4+$0xFFFFFFF0] =	vst v51;
	v53 =	vld.idx.msk [tilespmem:v20+s10+$0x0], $0xffff  }
0x2ec: {  	s3 =	sadd.s32 $0x20, s21;
	[tilespmem:s1+$0x0] =	vst v13;
	v9 =	vnsel vm0, $0x0, v9;
	v14 =	vsub.s32 v15, v0;
	v15 =	vor.u32 s22, v3;
	v17 =	vld.idx.msk [tilespmem:v22+s10+$0x0], $0xffff  }
0x2ed: {  	s23 =	sadd.s32 $0x10, s3;
	[tilespmem:s1+$0xFFFFFFF0] =	vst v9;
	v14 =	vnsel vm9, $0x0, v14;
	vm3 =	vlt.s32 v15, v4;
	v15 =	vsub.s32 v18, v0  }
0x2ee: {  	s25 =	sadd.s32 $0x3F, s0;
	v11 =	vnsel vm3, $0x0, v15;
	v15 =	vor.u32 s21, v3;
	[tilespmem:s2+$0xFFFFFFF0] =	vst v14;
	v14 =	vor.u32 s23, v3  }
0x2ef: {  	s24 =	sadd.s32 $0x20, s2;
	s26 =	sadd.s32 $0x20, s1;
	s28 =	sand.u32 $0x3F, s25;
	vm4 =	vlt.s32 v15, v4;
	v7 =	vld.idx.msk [tilespmem:v7+s10+$0x0], $0xffff;
	vm5 =	vlt.s32 v14, v4;
	v13 =	vsub.s32 v19, v0  }
0x2f0: {  	p0 =	slt.s32 s25, $0x1;
	s5 =	sshra.s32 s25, $0x1F;
	p3 =	sne.s32 s28, $0x0;
	v12 =	vld.idx.msk [tilespmem:v12+s10+$0x0], $0xffff;
	[tilespmem:s24+$0x0] =	vst v11;
	v14 =	vor.u32 s3, v3;
	v13 =	vnsel vm4, $0x0, v13;
	v11 =	vsub.s32 v53, v0  }
0x2f1: {  	p0 =	por !p0, !p3;
	s1 =	sshrl.u32 s5, $0x1A;
	s2 =	sadd.s32 $0x20, s24;
	v6 =	vld.idx.msk [tilespmem:v6+s10+$0x0], $0xffff;
	vm6 =	vlt.s32 v14, v4;
	[tilespmem:s24+$0xFFFFFFF0] =	vst v13;
	v11 =	vnsel vm5, $0x0, v11;
	v13 =	vsub.s32 v17, v0  }
0x2f2: {  	p0 =	por !p0, !p0;
	s1 =	sadd.s32 s1, s25;
	s3 =	simm.s32 $0x1;
	v5 =	vld.idx.msk [tilespmem:v5+s10+$0x0], $0xffff;
	[tilespmem:s2+$0x0] =	vst v11;
	v11 =	vnsel vm6, $0x0, v13  }
0x2f3: {  	vm11 =	vmmov vm9;
	s1 =	sshra.s32 s1, $0x6;
	s3 =	simm.s32 @!p0 $0x0;
	v10 =	vld.idx.msk [tilespmem:v10+s10+$0x0], $0xffff;
	[tilespmem:s2+$0xFFFFFFF0] =	vst v11  }
0x2f4: {  	vm10 =	vmmov vm2;
	s1 =	ssub.s32 s1, s3;
	v7 =	vnsel vm11, $0x0, v7;
	v8 =	vld.idx.msk [tilespmem:v8+s10+$0x0], $0xffff  }
0x2f5: {  	vm12 =	vmmov vm3;
	p3 =	slt.s32 s1, $0x1;
	v11 =	vnsel vm10, $0x0, v12;
	[tilespmem:s26+$0xFFFFFFF0] =	vst v7  }
0x2f6: {  	s6 =	sadd.s32 $0x20, s26;
	vm13 =	vmmov vm4;
	p0 =	seq.s32 @!p3 s1, $0x1;
	v6 =	vnsel vm12, $0x0, v6;
	[tilespmem:s26+$0x0] =	vst v11  }
0x2f7: {  	vm14 =	vmmov vm5;
	p4 =	por p0, p3;
	[tilespmem:s6+$0x0] =	vst v6;
	v5 =	vnsel vm13, $0x0, v5  }
0x2f8: {  	s7 =	sadd.s32 $0x20, s6;
	vm15 =	vmmov vm6;
	p5 =	slt.u32 @!p4 s1, $0x3;
	[tilespmem:s6+$0xFFFFFFF0] =	vst v5;
	v5 =	vnsel vm14, $0x0, v10  }
0x2f9: {  	s3 =	simm.s32 @!p3 $0x11100;
	p0 =	por @!p3 p5, p0;
	[tilespmem:s7+$0x0] =	vst v5;
	v5 =	vnsel vm15, $0x0, v8  }
0x2fa: {  	s4 =	simm.s32 @!p3 $0x17680;
	s2 =	simm.s32 @!p3 $0x40;
	p5 =	por p0, p3;
	[tilespmem:s7+$0xFFFFFFF0] =	vst v5  }
0x2fb: {  	[tilespmem:s4], [sflag:$0x4] =	stream.indirect.gather @!p3 [hbm4b:s8+s2], $0x80, s3, s2, $0xb8;
	[tilespmem:$0x1D680] =	vst v63  }
0x2fc: {  	s2 =	simm.s32 @!p4 $0x40;
	s3 =	simm.s32 @!p4 $0x11140;
	s4 =	simm.s32 @!p4 $0x19680  }
0x2fd: {  	[tilespmem:s4], [sflag:$0x4] =	stream.indirect.gather @!p4 [hbm4b:s8+s2], $0x80, s3, s2, $0xb8;
	[tilespmem:$0x1D680] =	vst v63  }
0x2fe: {  	s2 =	simm.s32 @!p5 $0x40;
	s3 =	simm.s32 @!p5 $0x11180;
	s4 =	simm.s32 @!p5 $0x1B680  }
0x2ff: {  	[tilespmem:s4], [sflag:$0x4] =	stream.indirect.gather @!p5 [hbm4b:s8+s2], $0x80, s3, s2, $0xb8;
	[tilespmem:$0x1D680] =	vst v63  }
0x300: {  	s2 =	simm.s32 @!p6 $0x3  }
0x301: {  	s9 =	sadd.s32 $0xF, s0;
	_ =	swait.ge @!p6 [sflag:s2], $0x2000  }
0x302: {  	s11 =	sand.u32 $0xF, s9;
	s10 =	sshra.s32 s9, $0x1F;
	[sflag:s2] =	ssyncset.done @!p6 $0x0  }
0x303: {  	p0 =	slt.s32 s9, $0x1;
	[sflag:s2] =	ssyncadd.s32 @!p6 $0xFFFFE000;
	s2 =	simm.s32 @p2 $0x3  }
0x304: {  	s3 =	sshrl.u32 s10, $0x1C;
	p6 =	sne.s32 s11, $0x0;
	_ =	swait.ge @p2 [sflag:s2], $0x2000  }
0x305: {  	s3 =	sadd.s32 s3, s9;
	p0 =	por !p0, !p6;
	[sflag:s2] =	ssyncset.done @p2 $0x0  }
0x306: {  	p0 =	por !p0, !p0;
	[sflag:s2] =	ssyncadd.s32 @p2 $0xFFFFE000;
	s2 =	simm.s32 $0x1  }
0x307: {  	s0 =	simm.s32 @p1 $0x3;
	s3 =	sshra.s32 s3, $0x4;
	s2 =	simm.s32 @!p0 $0x0  }
0x308: {  	_ =	swait.ge @p1 [sflag:s0], $0x2000;
	p0 =	slt.s32 s1, $0x3;
	s2 =	ssub.s32 s3, s2  }
0x309: {  	[sflag:s0] =	ssyncset.done @p1 $0x0;
	s1 =	simm.s32 @!p0 $0x3;
	[dreg:$0xe] =	wrdreg s2  }
0x30a: {  	s13 =	simm.s32 $0x11202;
	[dreg:$0xc] =	wrdreg s1;
	[sflag:s0] =	ssyncadd.s32 @p1 $0xFFFFE000  }
0x30b: {  	v5 =	vld [tilespmem:s13+$0x1];
	_ =	sdelay $0x3  }
0x30c: {  	v6 =	vld [tilespmem:s13+$0xFFFFFFFF]  }
0x30d: {  	v7 =	vld [tilespmem:s13+$0x0];
	(v2sf) =	vpush v5, $0x0  }
0x30e: {  	v8 =	vld [tilespmem:s13+$0xFFFFFFFE];
	_ =	sdelay $0x2  }
0x30f: {  	(v2sf) =	vpush v6, $0x0  }
0x310: {  	(v2sf) =	vpush v7, $0x0  }
0x311: {  	(v2sf) =	vpush v8, $0x0;
	_ =	sdelay $0x2  }
0x312: {  	s12 =	simm.s32 $0x11402  }
0x313: {  	s0 =	simm.s32 $0x11780;
	v5 =	vld.msk [tilespmem:s12+$0x1 ss:$0x0], $0xffff  }
0x314: {  	v6 =	vld [tilespmem:s0+$0x80];
	_ =	sdelay $0x2  }
0x315: {  	v11 =	vld.msk [tilespmem:s12+$0xFFFFFFFE ss:$0x0], $0xffff  }
0x316: {  	v9 =	vld.msk [tilespmem:s12+$0xFFFFFFFF ss:$0x0], $0xffff;
	s14 =	spop (v2sf)  }
0x317: {  	v8 =	vld [tilespmem:s0+$0xFFFFFF80];
	v6 =	vmul.f32 v5, v6;
	s2 =	sshll.u32 s14, $0x9  }
0x318: {  	v7 =	vld [tilespmem:s0+$0xFFFFFF00];
	s2 =	sshra.s32 s2, $0x2  }
0x319: {  	[tilespmem:s2+$0x0] =	vst.add.f32.msk $0xffff, v6  }
0x31a: {  	s15 =	spop (v2sf);
	v6 =	vld [tilespmem:s0+$0x90]  }
0x31b: {  	v10 =	vld.msk [tilespmem:s12+$0x0 ss:$0x0], $0xffff;
	s16 =	spop (v2sf)  }
0x31c: {  	v12 =	vld [tilespmem:s0+$0x0];
	v8 =	vmul.f32 v9, v8;
	s3 =	sshll.u32 s15, $0x9;
	s17 =	spop (v2sf)  }
0x31d: {  	v7 =	vmul.f32 v11, v7;
	s3 =	sshra.s32 s3, $0x2;
	s1 =	sshll.u32 s17, $0x9  }
0x31e: {  	[tilespmem:s3+$0x0] =	vst.add.f32.msk $0xffff, v8;
	s1 =	sshra.s32 s1, $0x2  }
0x31f: {  	[tilespmem:s1+$0x0] =	vst.add.f32.msk $0xffff, v7;
	v6 =	vmul.f32 v6, v5  }
0x320: {  	s18 =	sor.u32 $0x10, s2;
	v7 =	vld [tilespmem:s0+$0xFFFFFF10]  }
0x321: {  	s4 =	sshll.u32 s16, $0x9;
	v8 =	vmul.f32 v10, v12;
	[tilespmem:s18+$0x0] =	vst.add.f32.msk $0xffff, v6  }
0x322: {  	s5 =	sshra.s32 s4, $0x2;
	v6 =	vld [tilespmem:s0+$0xA0]  }
0x323: {  	[tilespmem:s5+$0x0] =	vst.add.f32.msk $0xffff, v8  }
0x324: {  	v8 =	vld [tilespmem:s0+$0xFFFFFF90]  }
0x325: {  	v12 =	vld [tilespmem:s0+$0x10];
	v7 =	vmul.f32 v7, v11  }
0x326: {  	s19 =	sor.u32 $0x10, s1  }
0x327: {  	[tilespmem:s19+$0x0] =	vst.add.f32.msk $0xffff, v7;
	v6 =	vmul.f32 v6, v5  }
0x328: {  	s20 =	sor.u32 $0x20, s2;
	v7 =	vld [tilespmem:s0+$0xFFFFFF20]  }
0x329: {  	v8 =	vmul.f32 v8, v9;
	[tilespmem:s20+$0x0] =	vst.add.f32.msk $0xffff, v6  }
0x32a: {  	s21 =	sor.u32 $0x10, s3;
	v6 =	vmul.f32 v12, v10;
	v12 =	vld [tilespmem:s0+$0xB0]  }
0x32b: {  	s6 =	sor.u32 $0x10, s5;
	[tilespmem:s21+$0x0] =	vst.add.f32.msk $0xffff, v8  }
0x32c: {  	[tilespmem:s6+$0x0] =	vst.add.f32.msk $0xffff, v6  }
0x32d: {  	v6 =	vld [tilespmem:s0+$0xFFFFFFA0]  }
0x32e: {  	v7 =	vmul.f32 v7, v11;
	v8 =	vld [tilespmem:s0+$0x20]  }
0x32f: {  	s22 =	sor.u32 $0x20, s1;
	v12 =	vmul.f32 v12, v5  }
0x330: {  	s23 =	sor.u32 $0x30, s2;
	[tilespmem:s22+$0x0] =	vst.add.f32.msk $0xffff, v7  }
0x331: {  	[tilespmem:s23+$0x0] =	vst.add.f32.msk $0xffff, v12  }
0x332: {  	v6 =	vmul.f32 v6, v9;
	v12 =	vld [tilespmem:s0+$0xFFFFFF30]  }
0x333: {  	s24 =	sor.u32 $0x20, s3;
	v8 =	vmul.f32 v8, v10;
	v7 =	vld [tilespmem:s0+$0xC0]  }
0x334: {  	s25 =	sor.u32 $0x20, s5;
	[tilespmem:s24+$0x0] =	vst.add.f32.msk $0xffff, v6  }
0x335: {  	[tilespmem:s25+$0x0] =	vst.add.f32.msk $0xffff, v8  }
0x336: {  	v6 =	vld [tilespmem:s0+$0xFFFFFFB0]  }
0x337: {  	v8 =	vld [tilespmem:s0+$0x30];
	v12 =	vmul.f32 v12, v11  }
0x338: {  	s28 =	sor.u32 $0x30, s1;
	v7 =	vmul.f32 v7, v5  }
0x339: {  	s26 =	sor.u32 $0x40, s2;
	[tilespmem:s28+$0x0] =	vst.add.f32.msk $0xffff, v12  }
0x33a: {  	[tilespmem:s26+$0x0] =	vst.add.f32.msk $0xffff, v7  }
0x33b: {  	v6 =	vmul.f32 v6, v9;
	v12 =	vld [tilespmem:s0+$0xFFFFFF40]  }
0x33c: {  	s6 =	sor.u32 $0x30, s3;
	v8 =	vmul.f32 v8, v10;
	v7 =	vld [tilespmem:s0+$0xD0]  }
0x33d: {  	s7 =	sor.u32 $0x30, s5;
	[tilespmem:s6+$0x0] =	vst.add.f32.msk $0xffff, v6  }
0x33e: {  	[tilespmem:s7+$0x0] =	vst.add.f32.msk $0xffff, v8  }
0x33f: {  	v6 =	vld [tilespmem:s0+$0xFFFFFFC0]  }
0x340: {  	s12 =	simm.s32 $0x11206;
	v8 =	vld [tilespmem:s0+$0x40]  }
0x341: {  	v13 =	vld [tilespmem:s12+$0x0]  }
0x342: {  	v14 =	vld [tilespmem:s12+$0xFFFFFFFE];
	s23 =	simm.s32 $0x11980;
	v7 =	vmul.f32 v7, v5  }
0x343: {  	s8 =	sor.u32 $0x50, s2;
	v54 =	vld [tilespmem:s23+$0xFFFFFF00]  }
0x344: {  	v6 =	vmul.f32 v6, v9;
	[tilespmem:s8+$0x0] =	vst.add.f32.msk $0xffff, v7  }
0x345: {  	s10 =	sor.u32 $0x40, s3;
	v7 =	vmul.f32 v12, v11;
	v8 =	vmul.f32 v8, v10;
	v12 =	vld [tilespmem:s0+$0xE0]  }
0x346: {  	s11 =	sor.u32 $0x40, s5;
	[tilespmem:s10+$0x0] =	vst.add.f32.msk $0xffff, v6  }
0x347: {  	[tilespmem:s11+$0x0] =	vst.add.f32.msk $0xffff, v8  }
0x348: {  	s9 =	sor.u32 $0x40, s1;
	v8 =	vld [tilespmem:s12+$0x1]  }
0x349: {  	[tilespmem:s9+$0x0] =	vst.add.f32.msk $0xffff, v7  }
0x34a: {  	v7 =	vld [tilespmem:s0+$0xFFFFFF50]  }
0x34b: {  	v6 =	vmul.f32 v12, v5;
	v12 =	vld [tilespmem:s12+$0xFFFFFFFF]  }
0x34c: {  	v55 =	vld [tilespmem:s23+$0xFFFFFF80]  }
0x34d: {  	s13 =	sor.u32 $0x60, s2;
	v56 =	vld [tilespmem:s23+$0x0];
	(v2sf) =	vpush v8, $0x0  }
0x34e: {  	[tilespmem:s13+$0x0] =	vst.add.f32.msk $0xffff, v6  }
0x34f: {  	v6 =	vld [tilespmem:s0+$0xF0]  }
0x350: {  	v8 =	vld [tilespmem:s0+$0x50];
	v7 =	vmul.f32 v7, v11;
	(v2sf) =	vpush v12, $0x0  }
0x351: {  	s14 =	sor.u32 $0x50, s1;
	v15 =	vld [tilespmem:s0+$0xFFFFFFD0];
	(v2sf) =	vpush v13, $0x0  }
0x352: {  	s24 =	simm.s32 $0x11406;
	[tilespmem:s14+$0x0] =	vst.add.f32.msk $0xffff, v7;
	(v2sf) =	vpush v14, $0x0  }
0x353: {  	v7 =	vld.msk [tilespmem:s24+$0xFFFFFFFE ss:$0x0], $0xffff  }
0x354: {  	v12 =	vld [tilespmem:s0+$0xFFFFFF60];
	v5 =	vmul.f32 v6, v5  }
0x355: {  	s2 =	sor.u32 $0x70, s2;
	v6 =	vmul.f32 v8, v10;
	v8 =	vld.msk [tilespmem:s24+$0x1 ss:$0x0], $0xffff  }
0x356: {  	s16 =	sor.u32 $0x50, s5;
	[tilespmem:s2+$0x0] =	vst.add.f32.msk $0xffff, v5  }
0x357: {  	v5 =	vmul.f32 v15, v9;
	[tilespmem:s16+$0x0] =	vst.add.f32.msk $0xffff, v6  }
0x358: {  	s15 =	sor.u32 $0x50, s3;
	v15 =	vld [tilespmem:s23+$0x80]  }
0x359: {  	[tilespmem:s15+$0x0] =	vst.add.f32.msk $0xffff, v5  }
0x35a: {  	v13 =	vld [tilespmem:s0+$0xFFFFFFE0]  }
0x35b: {  	v5 =	vld.msk [tilespmem:s24+$0xFFFFFFFF ss:$0x0], $0xffff  }
0x35c: {  	v6 =	vld.msk [tilespmem:s24+$0x0 ss:$0x0], $0xffff;
	v12 =	vmul.f32 v12, v11;
	s17 =	spop (v2sf)  }
0x35d: {  	s20 =	sor.u32 $0x60, s1;
	v14 =	vld [tilespmem:s0+$0x60];
	v15 =	vmul.f32 v8, v15;
	s2 =	sshll.u32 s17, $0x9  }
0x35e: {  	[tilespmem:s20+$0x0] =	vst.add.f32.msk $0xffff, v12;
	s25 =	sshra.s32 s2, $0x2  }
0x35f: {  	v13 =	vmul.f32 v13, v9;
	[tilespmem:s25+$0x0] =	vst.add.f32.msk $0xffff, v15;
	s18 =	spop (v2sf)  }
0x360: {  	s21 =	sor.u32 $0x60, s3;
	v12 =	vmul.f32 v5, v55;
	v15 =	vld [tilespmem:s23+$0x90];
	s19 =	spop (v2sf);
	s4 =	sshll.u32 s18, $0x9  }
0x361: {  	[tilespmem:s21+$0x0] =	vst.add.f32.msk $0xffff, v13;
	v13 =	vmul.f32 v6, v56;
	s7 =	spop (v2sf);
	s9 =	sshra.s32 s4, $0x2;
	s22 =	sshll.u32 s19, $0x9  }
0x362: {  	v16 =	vmul.f32 v7, v54;
	s7 =	sshll.u32 s7, $0x9;
	s12 =	sshra.s32 s22, $0x2;
	[tilespmem:s9+$0x0] =	vst.add.f32.msk $0xffff, v12  }
0x363: {  	s2 =	sshra.s32 s7, $0x2;
	[tilespmem:s12+$0x0] =	vst.add.f32.msk $0xffff, v13  }
0x364: {  	[tilespmem:s2+$0x0] =	vst.add.f32.msk $0xffff, v16  }
0x365: {  	v12 =	vmul.f32 v15, v8;
	v15 =	vld [tilespmem:s23+$0xFFFFFF90]  }
0x366: {  	s26 =	sor.u32 $0x10, s25;
	v13 =	vld [tilespmem:s23+$0xFFFFFF10]  }
0x367: {  	[tilespmem:s26+$0x0] =	vst.add.f32.msk $0xffff, v12  }
0x368: {  	v12 =	vld [tilespmem:s23+$0xA0]  }
0x369: {  	v14 =	vmul.f32 v14, v10  }
0x36a: {  	s28 =	sor.u32 $0x60, s5;
	v57 =	vld [tilespmem:s23+$0x10];
	v15 =	vmul.f32 v15, v5  }
0x36b: {  	[tilespmem:s28+$0x0] =	vst.add.f32.msk $0xffff, v14;
	s8 =	sor.u32 $0x10, s9;
	v13 =	vmul.f32 v13, v7  }
0x36c: {  	s6 =	sor.u32 $0x10, s2;
	[tilespmem:s8+$0x0] =	vst.add.f32.msk $0xffff, v15  }
0x36d: {  	[tilespmem:s6+$0x0] =	vst.add.f32.msk $0xffff, v13;
	v12 =	vmul.f32 v12, v8  }
0x36e: {  	s7 =	sor.u32 $0x20, s25;
	v13 =	vld [tilespmem:s23+$0xFFFFFF20]  }
0x36f: {  	[tilespmem:s7+$0x0] =	vst.add.f32.msk $0xffff, v12;
	v12 =	vmul.f32 v57, v6  }
0x370: {  	s10 =	sor.u32 $0x10, s12;
	v58 =	vld [tilespmem:s23+$0xB0]  }
0x371: {  	[tilespmem:s10+$0x0] =	vst.add.f32.msk $0xffff, v12  }
0x372: {  	v15 =	vld [tilespmem:s23+$0x20]  }
0x373: {  	v12 =	vmul.f32 v13, v7;
	v13 =	vld [tilespmem:s23+$0xFFFFFFA0]  }
0x374: {  	v14 =	vld [tilespmem:s0+$0xFFFFFF70];
	s11 =	sor.u32 $0x20, s2  }
0x375: {  	[tilespmem:s11+$0x0] =	vst.add.f32.msk $0xffff, v12;
	v12 =	vmul.f32 v58, v8  }
0x376: {  	s13 =	sor.u32 $0x30, s25;
	v59 =	vld [tilespmem:s23+$0xFFFFFF30]  }
0x377: {  	[tilespmem:s13+$0x0] =	vst.add.f32.msk $0xffff, v12  }
0x378: {  	v15 =	vmul.f32 v15, v6;
	v12 =	vmul.f32 v13, v5;
	v13 =	vld [tilespmem:s23+$0xC0]  }
0x379: {  	v62 =	vld [tilespmem:s0+$0x70];
	s15 =	sor.u32 $0x20, s12  }
0x37a: {  	s14 =	sor.u32 $0x20, s9;
	[tilespmem:s15+$0x0] =	vst.add.f32.msk $0xffff, v15  }
0x37b: {  	[tilespmem:s14+$0x0] =	vst.add.f32.msk $0xffff, v12  }
0x37c: {  	v61 =	vld [tilespmem:s23+$0x30];
	v12 =	vmul.f32 v59, v7  }
0x37d: {  	s16 =	sor.u32 $0x30, s2;
	v15 =	vld [tilespmem:s23+$0xFFFFFFB0];
	v13 =	vmul.f32 v13, v8  }
0x37e: {  	s17 =	sor.u32 $0x40, s25;
	[tilespmem:s16+$0x0] =	vst.add.f32.msk $0xffff, v12  }
0x37f: {  	[tilespmem:s17+$0x0] =	vst.add.f32.msk $0xffff, v13  }
0x380: {  	v12 =	vld [tilespmem:s23+$0xD0]  }
0x381: {  	v60 =	vld [tilespmem:s0+$0xFFFFFFF0];
	v16 =	vmul.f32 v61, v6  }
0x382: {  	s19 =	sor.u32 $0x30, s12;
	v13 =	vld [tilespmem:s23+$0xFFFFFF40];
	v15 =	vmul.f32 v15, v5  }
0x383: {  	s18 =	sor.u32 $0x30, s9;
	[tilespmem:s19+$0x0] =	vst.add.f32.msk $0xffff, v16  }
0x384: {  	[tilespmem:s18+$0x0] =	vst.add.f32.msk $0xffff, v15  }
0x385: {  	v16 =	vld [tilespmem:s23+$0x40];
	v12 =	vmul.f32 v12, v8  }
0x386: {  	s20 =	sor.u32 $0x50, s25;
	v15 =	vld [tilespmem:s23+$0xFFFFFFC0]  }
0x387: {  	v11 =	vmul.f32 v14, v11;
	[tilespmem:s20+$0x0] =	vst.add.f32.msk $0xffff, v12  }
0x388: {  	s31 =	simm.s32 $0x4;
	s29 =	sor.u32 $0x70, s3;
	s21 =	sor.u32 $0x70, s1;
	v13 =	vmul.f32 v13, v7;
	v63 =	vld [tilespmem:s23+$0xE0]  }
0x389: {  	s0 =	simm.s32 $0x11980;
	s1 =	sor.u32 $0x60, s9;
	s22 =	sor.u32 $0x40, s2;
	[tilespmem:s21+$0x0] =	vst.add.f32.msk $0xffff, v11  }
0x38a: {  	s28 =	sor.u32 $0x40, s12;
	s30 =	sor.u32 $0x60, s12;
	s3 =	sor.u32 $0x60, s2;
	[tilespmem:s22+$0x0] =	vst.add.f32.msk $0xffff, v13;
	v14 =	vmul.f32 v16, v6  }
0x38b: {  	s26 =	sor.u32 $0x40, s9;
	s8 =	sor.u32 $0x70, s5;
	s5 =	simm.s32 $0x1120A;
	v12 =	vld [tilespmem:s23+$0xFFFFFF50];
	v13 =	vmul.f32 v15, v5  }
0x38c: {  	v10 =	vmul.f32 v62, v10;
	s6 =	sor.u32 $0x50, s9;
	s10 =	sor.u32 $0x70, s2;
	s17 =	sor.u32 $0x70, s9;
	[tilespmem:s28+$0x0] =	vst.add.f32.msk $0xffff, v14  }
0x38d: {  	v11 =	vmul.f32 v60, v9;
	s19 =	sor.u32 $0x50, s2;
	s2 =	sor.u32 $0x70, s12;
	s18 =	sor.u32 $0x50, s12;
	[tilespmem:s26+$0x0] =	vst.add.f32.msk $0xffff, v13;
	v9 =	vmul.f32 v63, v8  }
.LBB2_21:
0x38e: {  	v13 =	vld [tilespmem:s5+$0x1]  }
0x38f: {  	v14 =	vld [tilespmem:s5+$0xFFFFFFFF]  }
0x390: {  	v15 =	vld [tilespmem:s5+$0x0]  }
0x391: {  	s4 =	sor.u32 $0x60, s25;
	v16 =	vld [tilespmem:s5+$0xFFFFFFFE]  }
0x392: {  	[tilespmem:s4+$0x0] =	vst.add.f32.msk $0xffff, v9  }
0x393: {  	v9 =	vld [tilespmem:s23+$0xF0]  }
0x394: {  	v17 =	vld [tilespmem:s23+$0xFFFFFFD0]  }
0x395: {  	[tilespmem:s29+$0x0] =	vst.add.f32.msk $0xffff, v11  }
0x396: {  	v12 =	vmul.f32 v12, v7;
	(v2sf) =	vpush v13, $0x0;
	v13 =	vld [tilespmem:s23+$0x50]  }
0x397: {  	[tilespmem:s8+$0x0] =	vst.add.f32.msk $0xffff, v10  }
0x398: {  	s24 =	sadd.s32 $0x4, s24;
	[tilespmem:s19+$0x0] =	vst.add.f32.msk $0xffff, v12;
	v8 =	vmul.f32 v9, v8  }
0x399: {  	[dreg:$0x4] =	wrdreg s10;
	s10 =	sor.u32 $0x70, s25;
	(v2sf) =	vpush v14, $0x0;
	v14 =	vld.msk [tilespmem:s24+$0xFFFFFFFE ss:$0x0], $0xffff  }
0x39a: {  	(v2sf) =	vpush v15, $0x0;
	v9 =	vmul.f32 v17, v5;
	[tilespmem:s10+$0x0] =	vst.add.f32.msk $0xffff, v8  }
0x39b: {  	v8 =	vld [tilespmem:s23+$0xFFFFFF60]  }
0x39c: {  	(v2sf) =	vpush v16, $0x0;
	[tilespmem:s6+$0x0] =	vst.add.f32.msk $0xffff, v9;
	v11 =	vmul.f32 v13, v6  }
0x39d: {  	v9 =	vld [tilespmem:s23+$0xFFFFFFE0]  }
0x39e: {  	[tilespmem:s18+$0x0] =	vst.add.f32.msk $0xffff, v11  }
0x39f: {  	v12 =	vld [tilespmem:s23+$0x60]  }
0x3a0: {  	s23 =	sadd.s32 $0x200, s23;
	v11 =	vmul.f32 v8, v7;
	v8 =	vld.msk [tilespmem:s24+$0x1 ss:$0x0], $0xffff  }
0x3a1: {  	v13 =	vld [tilespmem:s23+$0x80]  }
0x3a2: {  	v10 =	vld.msk [tilespmem:s24+$0xFFFFFFFF ss:$0x0], $0xffff  }
0x3a3: {  	v60 =	vld [tilespmem:s23+$0xFFFFFF80]  }
0x3a4: {  	v18 =	vld [tilespmem:s23+$0x0]  }
0x3a5: {  	v15 =	vmul.f32 v9, v5;
	v9 =	vld.msk [tilespmem:s24+$0x0 ss:$0x0], $0xffff;
	s11 =	spop (v2sf)  }
0x3a6: {  	s29 =	smov.u32 s17;
	s17 =	smov.u32 s2;
	v59 =	vld [tilespmem:s23+$0xFFFFFF00];
	v13 =	vmul.f32 v8, v13;
	s2 =	sshll.u32 s11, $0x9  }
0x3a7: {  	[tilespmem:s3+$0x0] =	vst.add.f32.msk $0xffff, v11;
	s25 =	sshra.s32 s2, $0x2  }
0x3a8: {  	s12 =	spop (v2sf);
	[tilespmem:s25+$0x0] =	vst.add.f32.msk $0xffff, v13  }
0x3a9: {  	v11 =	vmul.f32 v10, v60;
	s4 =	sshll.u32 s12, $0x9;
	s13 =	spop (v2sf);
	v13 =	vld [tilespmem:s23+$0x90]  }
0x3aa: {  	[tilespmem:s1+$0x0] =	vst.add.f32.msk $0xffff, v15;
	v15 =	vmul.f32 v9, v18;
	s7 =	sshra.s32 s4, $0x2;
	s2 =	sshll.u32 s13, $0x9  }
0x3ab: {  	s14 =	spop (v2sf);
	s2 =	sshra.s32 s2, $0x2;
	[tilespmem:s7+$0x0] =	vst.add.f32.msk $0xffff, v11  }
0x3ac: {  	v16 =	vmul.f32 v14, v59;
	s4 =	sshll.u32 s14, $0x9;
	[tilespmem:s2+$0x0] =	vst.add.f32.msk $0xffff, v15  }
0x3ad: {  	s15 =	sshra.s32 s4, $0x2;
	v15 =	vld [tilespmem:s23+$0xFFFFFF90]  }
0x3ae: {  	[tilespmem:s15+$0x0] =	vst.add.f32.msk $0xffff, v16;
	v11 =	vmul.f32 v13, v8  }
0x3af: {  	s28 =	sor.u32 $0x10, s25;
	v13 =	vld [tilespmem:s23+$0xFFFFFF10]  }
0x3b0: {  	[tilespmem:s28+$0x0] =	vst.add.f32.msk $0xffff, v11  }
0x3b1: {  	v12 =	vmul.f32 v12, v6;
	v11 =	vld [tilespmem:s23+$0xA0]  }
0x3b2: {  	v61 =	vld [tilespmem:s23+$0x10]  }
0x3b3: {  	[tilespmem:s30+$0x0] =	vst.add.f32.msk $0xffff, v12;
	v15 =	vmul.f32 v15, v10  }
0x3b4: {  	s16 =	sor.u32 $0x10, s7;
	v12 =	vld [tilespmem:s0+$0xFFFFFF70];
	v13 =	vmul.f32 v13, v14  }
0x3b5: {  	s26 =	sor.u32 $0x10, s15;
	[tilespmem:s16+$0x0] =	vst.add.f32.msk $0xffff, v15  }
0x3b6: {  	[tilespmem:s26+$0x0] =	vst.add.f32.msk $0xffff, v13;
	v11 =	vmul.f32 v11, v8  }
0x3b7: {  	s28 =	sor.u32 $0x20, s25;
	v13 =	vld [tilespmem:s23+$0xFFFFFF20]  }
0x3b8: {  	v16 =	vmul.f32 v61, v9;
	[tilespmem:s28+$0x0] =	vst.add.f32.msk $0xffff, v11  }
0x3b9: {  	s21 =	sor.u32 $0x10, s2;
	v11 =	vld [tilespmem:s23+$0xB0]  }
0x3ba: {  	[tilespmem:s21+$0x0] =	vst.add.f32.msk $0xffff, v16  }
0x3bb: {  	v15 =	vmul.f32 v12, v7;
	v7 =	vmov v14;
	v14 =	vld [tilespmem:s23+$0x20]  }
0x3bc: {  	v12 =	vmul.f32 v13, v7;
	v13 =	vld [tilespmem:s23+$0xFFFFFFA0]  }
0x3bd: {  	s4 =	sor.u32 $0x20, s15  }
0x3be: {  	[tilespmem:s4+$0x0] =	vst.add.f32.msk $0xffff, v12;
	v11 =	vmul.f32 v11, v8  }
0x3bf: {  	s16 =	sor.u32 $0x30, s25;
	v12 =	vld [tilespmem:s23+$0xFFFFFF30]  }
0x3c0: {  	[tilespmem:s16+$0x0] =	vst.add.f32.msk $0xffff, v11  }
0x3c1: {  	v14 =	vmul.f32 v14, v9;
	v11 =	vmul.f32 v13, v10;
	v13 =	vld [tilespmem:s23+$0xC0]  }
0x3c2: {  	s13 =	sor.u32 $0x20, s2;
	v62 =	vld [tilespmem:s0+$0xFFFFFFF0]  }
0x3c3: {  	[tilespmem:s13+$0x0] =	vst.add.f32.msk $0xffff, v14  }
0x3c4: {  	s10 =	sor.u32 $0x20, s7;
	v14 =	vld [tilespmem:s23+$0x30]  }
0x3c5: {  	[tilespmem:s10+$0x0] =	vst.add.f32.msk $0xffff, v11;
	v11 =	vmul.f32 v12, v7  }
0x3c6: {  	s11 =	sor.u32 $0x30, s15;
	v12 =	vld [tilespmem:s23+$0xFFFFFFB0];
	v13 =	vmul.f32 v13, v8  }
0x3c7: {  	s21 =	sor.u32 $0x40, s25;
	[tilespmem:s11+$0x0] =	vst.add.f32.msk $0xffff, v11  }
0x3c8: {  	[tilespmem:s21+$0x0] =	vst.add.f32.msk $0xffff, v13  }
0x3c9: {  	v11 =	vmul.f32 v62, v5;
	v5 =	vmov v10;
	v10 =	vld [tilespmem:s23+$0xD0]  }
0x3ca: {  	v14 =	vmul.f32 v14, v9;
	v13 =	vld [tilespmem:s23+$0xFFFFFF40]  }
0x3cb: {  	s22 =	sor.u32 $0x30, s2;
	v63 =	vld [tilespmem:s0+$0x70];
	v12 =	vmul.f32 v12, v5  }
0x3cc: {  	s20 =	sor.u32 $0x30, s7;
	[tilespmem:s22+$0x0] =	vst.add.f32.msk $0xffff, v14  }
0x3cd: {  	[tilespmem:s20+$0x0] =	vst.add.f32.msk $0xffff, v12  }
0x3ce: {  	v14 =	vld [tilespmem:s23+$0xFFFFFFC0];
	v10 =	vmul.f32 v10, v8  }
0x3cf: {  	s31 =	sadd.s32 $0x4, s31;
	s26 =	sor.u32 $0x50, s25;
	v12 =	vmul.f32 v13, v7;
	v13 =	vld [tilespmem:s23+$0x40]  }
0x3d0: {  	s5 =	sadd.s32 $0x4, s5;
	p0 =	slt.u32 s31, $0xBC;
	[tilespmem:s26+$0x0] =	vst.add.f32.msk $0xffff, v10  }
0x3d1: {  	s8 =	smov.u32 s17;
	s14 =	sor.u32 $0x40, s7;
	s12 =	sor.u32 $0x40, s15;
	v10 =	vmul.f32 v63, v6;
	v6 =	vmov v9;
	v9 =	vld [tilespmem:s23+$0xE0]  }
.Ltmp12:
0x3d2: {  	s6 =	sor.u32 $0x50, s7;
	s1 =	sor.u32 $0x60, s7;
	[tilespmem:s12+$0x0] =	vst.add.f32.msk $0xffff, v12;
	(pc) =	sbr.rel @p0 .LBB2_21-.Ltmp12, $4  }
0x3d3: {  	s17 =	sor.u32 $0x70, s7;
	s9 =	sor.u32 $0x40, s2;
	s28 =	rddreg [dreg:$0x4];
	v12 =	vld [tilespmem:s23+$0xFFFFFF50];
	v14 =	vmul.f32 v14, v5  }
0x3d4: {  	s18 =	sor.u32 $0x50, s2;
	s7 =	sor.u32 $0x60, s2;
	s2 =	sor.u32 $0x70, s2;
	[tilespmem:s28+$0x0] =	vst.add.f32.msk $0xffff, v15;
	v13 =	vmul.f32 v13, v6  }
0x3d5: {  	s19 =	sor.u32 $0x50, s15;
	s3 =	sor.u32 $0x60, s15;
	s15 =	sor.u32 $0x70, s15;
	[tilespmem:s14+$0x0] =	vst.add.f32.msk $0xffff, v14  }
0x3d6: {  	s30 =	smov.u32 s7;
	s0 =	smov.u32 s23;
	s10 =	smov.u32 s15;
	[tilespmem:s9+$0x0] =	vst.add.f32.msk $0xffff, v13;
	v9 =	vmul.f32 v9, v8  }
0x3d7: {  	v13 =	vld [tilespmem:s23+$0xFFFFFFD0]  }
0x3d8: {  	v14 =	vld [tilespmem:s23+$0x50];
	_ =	sdelay $0x1  }
0x3d9: {  	v12 =	vmul.f32 v12, v7;
	_ =	sdelay $0x1  }
0x3da: {  	[tilespmem:s19+$0x0] =	vst.add.f32.msk $0xffff, v12;
	v59 =	vmul.f32 v13, v5  }
0x3db: {  	v60 =	vld [tilespmem:s23+$0xFFFFFF60];
	v14 =	vmul.f32 v14, v6  }
0x3dc: {  	[tilespmem:s6+$0x0] =	vst.add.f32.msk $0xffff, v59  }
0x3dd: {  	[tilespmem:s18+$0x0] =	vst.add.f32.msk $0xffff, v14  }
0x3de: {  	v12 =	vld [tilespmem:s23+$0xFFFFFFE0]  }
0x3df: {  	v14 =	vld [tilespmem:s23+$0x60]  }
0x3e0: {  	s4 =	sor.u32 $0x60, s25  }
0x3e1: {  	[tilespmem:s4+$0x0] =	vst.add.f32.msk $0xffff, v9;
	v61 =	vmul.f32 v60, v7  }
0x3e2: {  	v62 =	vld [tilespmem:s23+$0xF0]  }
0x3e3: {  	[tilespmem:s3+$0x0] =	vst.add.f32.msk $0xffff, v61;
	v12 =	vmul.f32 v12, v5  }
0x3e4: {  	v9 =	vld [tilespmem:s0+$0xFFFFFF70];
	v14 =	vmul.f32 v14, v6  }
0x3e5: {  	[tilespmem:s1+$0x0] =	vst.add.f32.msk $0xffff, v12  }
0x3e6: {  	[tilespmem:s30+$0x0] =	vst.add.f32.msk $0xffff, v14  }
0x3e7: {  	v12 =	vld [tilespmem:s0+$0xFFFFFFF0]  }
0x3e8: {  	v63 =	vld [tilespmem:s0+$0x70];
	_ =	sdelay $0x1  }
0x3e9: {  	[tilespmem:s29+$0x0] =	vst.add.f32.msk $0xffff, v11;
	v8 =	vmul.f32 v62, v8  }
0x3ea: {  	s31 =	sor.u32 $0x70, s25;
	[tilespmem:s8+$0x0] =	vst.add.f32.msk $0xffff, v10;
	v7 =	vmul.f32 v9, v7  }
0x3eb: {  	[tilespmem:s31+$0x0] =	vst.add.f32.msk $0xffff, v8;
	v5 =	vmul.f32 v12, v5  }
0x3ec: {  	[tilespmem:s10+$0x0] =	vst.add.f32.msk $0xffff, v7;
	v6 =	vmul.f32 v63, v6  }
0x3ed: {  	[tilespmem:s17+$0x0] =	vst.add.f32.msk $0xffff, v5  }
0x3ee: {  	[tilespmem:s2+$0x0] =	vst.add.f32.msk $0xffff, v6  }
0x3ef: {  	s14 =	rddreg [dreg:$0xe]  }
0x3f0: {  	p0 =	sgt.s32 s14, $0xC  }
.Ltmp13:
0x3f1: {  	_ = 	snop;
	(pc) =	sbr.rel @!p0 .LBB2_26-.Ltmp13, $4  }
0x3f2: {  	_ = 	snop  }
0x3f3: {  	s8 =	simm.s32 $0xA000;
	s9 =	simm.s32 $0xD000  }
0x3f4: {  	s11 =	simm.s32 $0x11600;
	s12 =	simm.s32 $0x11680;
	s13 =	simm.s32 $0x3  }
0x3f5: {  	s0 =	simm.s32 $0xC;
	s10 =	simm.s32 $0x10;
	s7 =	rddreg [dreg:$0x6]  }
.LBB2_23:
0x3f6: {  	s1 =	sshll.u32 s0, $0x4  }
0x3f7: {  	v5 =	vld [tilespmem:s1+$0x10000];
	_ =	sdelay $0x7  }
0x3f8: {  	v6 =	vld.idx.msk [tilespmem:v5+s9+$0x0], $0xffff  }
0x3f9: {  	v7 =	vadd.s32 $0x1000, v5;
	_ =	sdelay $0x3  }
0x3fa: {  	[tilespmem:$0x11600] =	vst v6  }
0x3fb: {  	v6 =	vld.idx.msk [tilespmem:v7+s9+$0x0], $0xffff;
	_ =	sdelay $0x2  }
0x3fc: {  	v5 =	vadd.s32 $0x2000, v5  }
0x3fd: {  	v7 =	vor.u32 s1, v3  }
0x3fe: {  	vm0 =	vlt.s32 v7, v4;
	v6 =	vsub.s32 v6, v0  }
0x3ff: {  	v6 =	vnsel vm0, $0x0, v6  }
0x400: {  	[tilespmem:$0x11200] =	vst v6  }
0x401: {  	v5 =	vld.idx.msk [tilespmem:v5+s9+$0x0], $0xffff;
	_ =	sdelay $0x4  }
0x402: {  	v5 =	vnsel vm0, $0x0, v5  }
0x403: {  	[tilespmem:$0x11400] =	vst v5  }
0x404: {  	[tilespmem:s12], [sflag:$0x3] =	stream.indirect.gather [hbm4b:s7+s10], $0x80, s11, s10, $0xb8;
	[tilespmem:$0x1D680] =	vst v63  }
0x405: {  	_ =	swait.ge [sflag:s13], $0x800  }
0x406: {  	[sflag:s13] =	ssyncset.done $0x0  }
0x407: {  	s2 =	simm.s32 $0x0;
	[sflag:s13] =	ssyncadd.s32 $0xFFFFF800  }
0x408: {  	v5 =	vld [tilespmem:s2+$0x11200];
	_ =	sdelay $0x4  }
0x409: {  	(v2sf) =	vpush v5, $0x0;
	_ =	sdelay $0x8  }
0x40a: {  	s1 =	simm.s32 $0x116C0  }
0x40b: {  	v6 =	vld [tilespmem:s1+$0xFFFFFFC0]  }
0x40c: {  	v5 =	vld.msk [tilespmem:s2+$0x11400 ss:$0x0], $0xffff;
	_ =	sdelay $0x3  }
0x40d: {  	s25 =	spop (v2sf)  }
0x40e: {  	v6 =	vmul.f32 v5, v6;
	s2 =	sshll.u32 s25, $0x9  }
0x40f: {  	s3 =	sshra.s32 s2, $0x2  }
0x410: {  	[tilespmem:s3+$0x0] =	vst.add.f32.msk $0xffff, v6  }
0x411: {  	v6 =	vld [tilespmem:s1+$0xFFFFFFD0];
	_ =	sdelay $0x4  }
0x412: {  	v6 =	vmul.f32 v6, v5  }
0x413: {  	s2 =	sor.u32 $0x10, s3  }
0x414: {  	[tilespmem:s2+$0x0] =	vst.add.f32.msk $0xffff, v6  }
0x415: {  	v6 =	vld [tilespmem:s1+$0xFFFFFFE0];
	_ =	sdelay $0x4  }
0x416: {  	v6 =	vmul.f32 v6, v5  }
0x417: {  	s26 =	sor.u32 $0x20, s3  }
0x418: {  	[tilespmem:s26+$0x0] =	vst.add.f32.msk $0xffff, v6  }
0x419: {  	v6 =	vld [tilespmem:s1+$0xFFFFFFF0];
	_ =	sdelay $0x4  }
0x41a: {  	v6 =	vmul.f32 v6, v5  }
0x41b: {  	s28 =	sor.u32 $0x30, s3  }
0x41c: {  	[tilespmem:s28+$0x0] =	vst.add.f32.msk $0xffff, v6  }
0x41d: {  	v6 =	vld [tilespmem:s1+$0x0];
	_ =	sdelay $0x4  }
0x41e: {  	v6 =	vmul.f32 v6, v5  }
0x41f: {  	s29 =	sor.u32 $0x40, s3  }
0x420: {  	[tilespmem:s29+$0x0] =	vst.add.f32.msk $0xffff, v6  }
0x421: {  	v6 =	vld [tilespmem:s1+$0x10];
	_ =	sdelay $0x4  }
0x422: {  	v6 =	vmul.f32 v6, v5  }
0x423: {  	s30 =	sor.u32 $0x50, s3  }
0x424: {  	[tilespmem:s30+$0x0] =	vst.add.f32.msk $0xffff, v6  }
0x425: {  	v6 =	vld [tilespmem:s1+$0x20];
	_ =	sdelay $0x4  }
0x426: {  	v6 =	vmul.f32 v6, v5  }
0x427: {  	s31 =	sor.u32 $0x60, s3  }
0x428: {  	[tilespmem:s31+$0x0] =	vst.add.f32.msk $0xffff, v6  }
0x429: {  	v6 =	vld [tilespmem:s1+$0x30];
	_ =	sdelay $0x4  }
0x42a: {  	s4 =	simm.s32 $0x8;
	s5 =	sor.u32 $0x70, s3;
	s2 =	simm.s32 $0x4;
	v5 =	vmul.f32 v6, v5  }
.LBB2_24:
0x42b: {  	s6 =	sshra.s32 s2, $0x2  }
0x42c: {  	[tilespmem:s5+$0x0] =	vst.add.f32.msk $0xffff, v5;
	s1 =	sadd.s32 $0x80, s1;
	s2 =	smov.u32 s4;
	s3 =	sadd.s32 $0x4, s4  }
0x42d: {  	p0 =	sne.s32 s4, $0x3C;
	v5 =	vld [tilespmem:s6+$0x11200];
	_ =	sdelay $0x4  }
0x42e: {  	(v2sf) =	vpush v5, $0x0;
	_ =	sdelay $0x9  }
0x42f: {  	v5 =	vld.msk [tilespmem:s6+$0x11400 ss:$0x0], $0xffff  }
0x430: {  	v6 =	vld [tilespmem:s1+$0xFFFFFFC0];
	_ =	sdelay $0x3  }
0x431: {  	s4 =	spop (v2sf)  }
0x432: {  	v6 =	vmul.f32 v5, v6;
	s4 =	sshll.u32 s4, $0x9  }
0x433: {  	s5 =	sshra.s32 s4, $0x2  }
0x434: {  	[tilespmem:s5+$0x0] =	vst.add.f32.msk $0xffff, v6  }
0x435: {  	v6 =	vld [tilespmem:s1+$0xFFFFFFD0];
	_ =	sdelay $0x4  }
0x436: {  	v6 =	vmul.f32 v6, v5  }
0x437: {  	s4 =	sor.u32 $0x10, s5  }
0x438: {  	[tilespmem:s4+$0x0] =	vst.add.f32.msk $0xffff, v6  }
0x439: {  	v6 =	vld [tilespmem:s1+$0xFFFFFFE0];
	_ =	sdelay $0x4  }
0x43a: {  	v6 =	vmul.f32 v6, v5  }
0x43b: {  	s4 =	sor.u32 $0x20, s5  }
0x43c: {  	[tilespmem:s4+$0x0] =	vst.add.f32.msk $0xffff, v6  }
0x43d: {  	v6 =	vld [tilespmem:s1+$0xFFFFFFF0];
	_ =	sdelay $0x4  }
0x43e: {  	v6 =	vmul.f32 v6, v5  }
0x43f: {  	s4 =	sor.u32 $0x30, s5  }
0x440: {  	[tilespmem:s4+$0x0] =	vst.add.f32.msk $0xffff, v6  }
0x441: {  	v6 =	vld [tilespmem:s1+$0x0];
	_ =	sdelay $0x4  }
0x442: {  	v6 =	vmul.f32 v6, v5  }
0x443: {  	s4 =	sor.u32 $0x40, s5  }
0x444: {  	[tilespmem:s4+$0x0] =	vst.add.f32.msk $0xffff, v6  }
0x445: {  	v6 =	vld [tilespmem:s1+$0x10];
	_ =	sdelay $0x4  }
0x446: {  	v6 =	vmul.f32 v6, v5  }
0x447: {  	s4 =	sor.u32 $0x50, s5  }
0x448: {  	[tilespmem:s4+$0x0] =	vst.add.f32.msk $0xffff, v6  }
0x449: {  	v6 =	vld [tilespmem:s1+$0x20];
	_ =	sdelay $0x4  }
0x44a: {  	v6 =	vmul.f32 v6, v5  }
0x44b: {  	s4 =	sor.u32 $0x60, s5  }
0x44c: {  	[tilespmem:s4+$0x0] =	vst.add.f32.msk $0xffff, v6  }
0x44d: {  	v6 =	vld [tilespmem:s1+$0x30];
	_ =	sdelay $0x1  }
.Ltmp14:
0x44e: {  	(pc) =	sbr.rel @p0 .LBB2_24-.Ltmp14, $3  }
0x44f: {  	_ =	sdelay $0x1  }
0x450: {  	v5 =	vmul.f32 v6, v5  }
0x451: {  	s5 =	sor.u32 $0x70, s5;
	s4 =	smov.u32 s3  }
0x452: {  	s2 =	sshra.s32 s2, $0x2;
	[tilespmem:s5+$0x0] =	vst.add.f32.msk $0xffff, v5  }
0x453: {  	v5 =	vld [tilespmem:s2+$0x11200];
	_ =	sdelay $0x4  }
0x454: {  	(v2sf) =	vpush v5, $0x0;
	_ =	sdelay $0x8  }
0x455: {  	s1 =	sadd.s32 $0x80, s1  }
0x456: {  	v6 =	vld [tilespmem:s1+$0xFFFFFFC0]  }
0x457: {  	v5 =	vld.msk [tilespmem:s2+$0x11400 ss:$0x0], $0xffff;
	_ =	sdelay $0x3  }
0x458: {  	s24 =	spop (v2sf)  }
0x459: {  	v6 =	vmul.f32 v5, v6;
	s2 =	sshll.u32 s24, $0x9  }
0x45a: {  	s2 =	sshra.s32 s2, $0x2  }
0x45b: {  	[tilespmem:s2+$0x0] =	vst.add.f32.msk $0xffff, v6  }
0x45c: {  	v6 =	vld [tilespmem:s1+$0xFFFFFFD0];
	_ =	sdelay $0x4  }
0x45d: {  	v6 =	vmul.f32 v6, v5  }
0x45e: {  	s3 =	sor.u32 $0x10, s2  }
0x45f: {  	[tilespmem:s3+$0x0] =	vst.add.f32.msk $0xffff, v6  }
0x460: {  	v6 =	vld [tilespmem:s1+$0xFFFFFFE0];
	_ =	sdelay $0x4  }
0x461: {  	v6 =	vmul.f32 v6, v5  }
0x462: {  	s25 =	sor.u32 $0x20, s2  }
0x463: {  	[tilespmem:s25+$0x0] =	vst.add.f32.msk $0xffff, v6  }
0x464: {  	v6 =	vld [tilespmem:s1+$0xFFFFFFF0];
	_ =	sdelay $0x4  }
0x465: {  	v6 =	vmul.f32 v6, v5  }
0x466: {  	s26 =	sor.u32 $0x30, s2  }
0x467: {  	[tilespmem:s26+$0x0] =	vst.add.f32.msk $0xffff, v6  }
0x468: {  	v6 =	vld [tilespmem:s1+$0x0];
	_ =	sdelay $0x4  }
0x469: {  	v6 =	vmul.f32 v6, v5  }
0x46a: {  	s28 =	sor.u32 $0x40, s2  }
0x46b: {  	[tilespmem:s28+$0x0] =	vst.add.f32.msk $0xffff, v6  }
0x46c: {  	v6 =	vld [tilespmem:s1+$0x10];
	_ =	sdelay $0x4  }
0x46d: {  	v6 =	vmul.f32 v6, v5  }
0x46e: {  	s29 =	sor.u32 $0x50, s2  }
0x46f: {  	[tilespmem:s29+$0x0] =	vst.add.f32.msk $0xffff, v6  }
0x470: {  	v6 =	vld [tilespmem:s1+$0x20];
	_ =	sdelay $0x4  }
0x471: {  	v6 =	vmul.f32 v6, v5  }
0x472: {  	s30 =	sor.u32 $0x60, s2  }
0x473: {  	[tilespmem:s30+$0x0] =	vst.add.f32.msk $0xffff, v6  }
0x474: {  	v6 =	vld [tilespmem:s1+$0x30]  }
0x475: {  	s0 =	sadd.s32 $0x1, s0  }
0x476: {  	p0 =	sne.s32 s0, s14  }
.Ltmp15:
0x477: {  	_ = 	snop;
	(pc) =	sbr.rel @p0 .LBB2_23-.Ltmp15, $4  }
.Ltmp16:
0x478: {  	_ = 	snop;
	(pc) =	sbr.rel @!p0 .LBB2_26-.Ltmp16, $4  }
0x479: {  	v5 =	vmul.f32 v6, v5  }
0x47a: {  	s31 =	sor.u32 $0x70, s2  }
0x47b: {  	[tilespmem:s31+$0x0] =	vst.add.f32.msk $0xffff, v5  }
0x47c: {  	_ = 	snop  }
.LBB2_27:
0x47d: {  	s0 =	simm.s32 @!p3 $0x4  }
0x47e: {  	_ =	swait.ge @!p3 [sflag:s0], $0x2000  }
0x47f: {  	[sflag:s0] =	ssyncset.done @!p3 $0x0  }
0x480: {  	[sflag:s0] =	ssyncadd.s32 @!p3 $0xFFFFE000;
	s0 =	simm.s32 @!p4 $0x4  }
0x481: {  	_ =	swait.ge @!p4 [sflag:s0], $0x2000  }
0x482: {  	[sflag:s0] =	ssyncset.done @!p4 $0x0  }
0x483: {  	[sflag:s0] =	ssyncadd.s32 @!p4 $0xFFFFE000;
	s0 =	simm.s32 @!p5 $0x4  }
0x484: {  	_ =	swait.ge @!p5 [sflag:s0], $0x2000  }
0x485: {  	[sflag:s0] =	ssyncset.done @!p5 $0x0  }
0x486: {  	s25 =	simm.s32 $0x11302;
	[sflag:s0] =	ssyncadd.s32 @!p5 $0xFFFFE000  }
0x487: {  	v4 =	vld [tilespmem:s25+$0x1];
	_ =	sdelay $0x3  }
0x488: {  	v5 =	vld [tilespmem:s25+$0xFFFFFFFF]  }
0x489: {  	v6 =	vld [tilespmem:s25+$0x0];
	(v2sf) =	vpush v4, $0x0  }
0x48a: {  	v7 =	vld [tilespmem:s25+$0xFFFFFFFE];
	_ =	sdelay $0x2  }
0x48b: {  	(v2sf) =	vpush v5, $0x0  }
0x48c: {  	(v2sf) =	vpush v6, $0x0  }
0x48d: {  	(v2sf) =	vpush v7, $0x0;
	_ =	sdelay $0x2  }
0x48e: {  	s1 =	simm.s32 $0x11502  }
0x48f: {  	s0 =	simm.s32 $0x17780;
	v4 =	vld.msk [tilespmem:s1+$0x1 ss:$0x0], $0xffff  }
0x490: {  	v5 =	vld [tilespmem:s0+$0x80];
	_ =	sdelay $0x2  }
0x491: {  	v10 =	vld.msk [tilespmem:s1+$0xFFFFFFFE ss:$0x0], $0xffff  }
0x492: {  	v8 =	vld.msk [tilespmem:s1+$0xFFFFFFFF ss:$0x0], $0xffff;
	s2 =	spop (v2sf)  }
0x493: {  	v7 =	vld [tilespmem:s0+$0xFFFFFF80];
	v5 =	vmul.f32 v4, v5;
	s2 =	sshll.u32 s2, $0x9  }
0x494: {  	v6 =	vld [tilespmem:s0+$0xFFFFFF00];
	s2 =	sshra.s32 s2, $0x2  }
0x495: {  	[tilespmem:s2+$0x0] =	vst.add.f32.msk $0xffff, v5  }
0x496: {  	s3 =	spop (v2sf);
	v5 =	vld [tilespmem:s0+$0x90]  }
0x497: {  	v9 =	vld.msk [tilespmem:s1+$0x0 ss:$0x0], $0xffff;
	s4 =	spop (v2sf)  }
0x498: {  	v11 =	vld [tilespmem:s0+$0x0];
	v7 =	vmul.f32 v8, v7;
	s3 =	sshll.u32 s3, $0x9;
	s26 =	spop (v2sf)  }
0x499: {  	v6 =	vmul.f32 v10, v6;
	s3 =	sshra.s32 s3, $0x2;
	s1 =	sshll.u32 s26, $0x9  }
0x49a: {  	[tilespmem:s3+$0x0] =	vst.add.f32.msk $0xffff, v7;
	s1 =	sshra.s32 s1, $0x2  }
0x49b: {  	[tilespmem:s1+$0x0] =	vst.add.f32.msk $0xffff, v6;
	v5 =	vmul.f32 v5, v4  }
0x49c: {  	s5 =	sor.u32 $0x10, s2;
	v6 =	vld [tilespmem:s0+$0xFFFFFF10]  }
0x49d: {  	s4 =	sshll.u32 s4, $0x9;
	v7 =	vmul.f32 v9, v11;
	[tilespmem:s5+$0x0] =	vst.add.f32.msk $0xffff, v5  }
0x49e: {  	s5 =	sshra.s32 s4, $0x2;
	v5 =	vld [tilespmem:s0+$0xA0]  }
0x49f: {  	[tilespmem:s5+$0x0] =	vst.add.f32.msk $0xffff, v7  }
0x4a0: {  	v7 =	vld [tilespmem:s0+$0xFFFFFF90]  }
0x4a1: {  	v6 =	vmul.f32 v6, v10;
	v11 =	vld [tilespmem:s0+$0x10]  }
0x4a2: {  	s29 =	sor.u32 $0x10, s1  }
0x4a3: {  	[tilespmem:s29+$0x0] =	vst.add.f32.msk $0xffff, v6;
	v5 =	vmul.f32 v5, v4  }
0x4a4: {  	s30 =	sor.u32 $0x20, s2;
	v6 =	vld [tilespmem:s0+$0xFFFFFF20]  }
0x4a5: {  	v7 =	vmul.f32 v7, v8;
	[tilespmem:s30+$0x0] =	vst.add.f32.msk $0xffff, v5  }
0x4a6: {  	s31 =	sor.u32 $0x10, s3;
	v5 =	vmul.f32 v11, v9;
	v11 =	vld [tilespmem:s0+$0xB0]  }
0x4a7: {  	s6 =	sor.u32 $0x10, s5;
	[tilespmem:s31+$0x0] =	vst.add.f32.msk $0xffff, v7  }
0x4a8: {  	[tilespmem:s6+$0x0] =	vst.add.f32.msk $0xffff, v5  }
0x4a9: {  	v5 =	vld [tilespmem:s0+$0xFFFFFFA0]  }
0x4aa: {  	v6 =	vmul.f32 v6, v10;
	v7 =	vld [tilespmem:s0+$0x20]  }
0x4ab: {  	s7 =	sor.u32 $0x20, s1;
	v11 =	vmul.f32 v11, v4  }
0x4ac: {  	s8 =	sor.u32 $0x30, s2;
	[tilespmem:s7+$0x0] =	vst.add.f32.msk $0xffff, v6  }
0x4ad: {  	[tilespmem:s8+$0x0] =	vst.add.f32.msk $0xffff, v11  }
0x4ae: {  	v5 =	vmul.f32 v5, v8;
	v11 =	vld [tilespmem:s0+$0xFFFFFF30]  }
0x4af: {  	s9 =	sor.u32 $0x20, s3;
	v7 =	vmul.f32 v7, v9;
	v6 =	vld [tilespmem:s0+$0xC0]  }
0x4b0: {  	s10 =	sor.u32 $0x20, s5;
	[tilespmem:s9+$0x0] =	vst.add.f32.msk $0xffff, v5  }
0x4b1: {  	[tilespmem:s10+$0x0] =	vst.add.f32.msk $0xffff, v7  }
0x4b2: {  	v5 =	vld [tilespmem:s0+$0xFFFFFFB0]  }
0x4b3: {  	v7 =	vld [tilespmem:s0+$0x30];
	v11 =	vmul.f32 v11, v10  }
0x4b4: {  	s12 =	sor.u32 $0x30, s1;
	v6 =	vmul.f32 v6, v4  }
0x4b5: {  	s11 =	sor.u32 $0x40, s2;
	[tilespmem:s12+$0x0] =	vst.add.f32.msk $0xffff, v11  }
0x4b6: {  	[tilespmem:s11+$0x0] =	vst.add.f32.msk $0xffff, v6  }
0x4b7: {  	v5 =	vmul.f32 v5, v8;
	v11 =	vld [tilespmem:s0+$0xFFFFFF40]  }
0x4b8: {  	s13 =	sor.u32 $0x30, s3;
	v7 =	vmul.f32 v7, v9;
	v6 =	vld [tilespmem:s0+$0xD0]  }
0x4b9: {  	s14 =	sor.u32 $0x30, s5;
	[tilespmem:s13+$0x0] =	vst.add.f32.msk $0xffff, v5  }
0x4ba: {  	[tilespmem:s14+$0x0] =	vst.add.f32.msk $0xffff, v7  }
0x4bb: {  	v5 =	vld [tilespmem:s0+$0xFFFFFFC0]  }
0x4bc: {  	v7 =	vld [tilespmem:s0+$0x40]  }
0x4bd: {  	s19 =	simm.s32 $0x11306  }
0x4be: {  	v12 =	vld [tilespmem:s19+$0x0];
	v6 =	vmul.f32 v6, v4  }
0x4bf: {  	v13 =	vld [tilespmem:s19+$0xFFFFFFFE];
	s15 =	sor.u32 $0x50, s2  }
0x4c0: {  	v5 =	vmul.f32 v5, v8;
	[tilespmem:s15+$0x0] =	vst.add.f32.msk $0xffff, v6  }
0x4c1: {  	s17 =	sor.u32 $0x40, s3;
	v6 =	vmul.f32 v11, v10;
	v7 =	vmul.f32 v7, v9;
	v11 =	vld [tilespmem:s0+$0xE0]  }
0x4c2: {  	s18 =	sor.u32 $0x40, s5;
	[tilespmem:s17+$0x0] =	vst.add.f32.msk $0xffff, v5  }
0x4c3: {  	[tilespmem:s18+$0x0] =	vst.add.f32.msk $0xffff, v7  }
0x4c4: {  	s16 =	sor.u32 $0x40, s1;
	v7 =	vld [tilespmem:s19+$0x1]  }
0x4c5: {  	[tilespmem:s16+$0x0] =	vst.add.f32.msk $0xffff, v6  }
0x4c6: {  	v14 =	vld [tilespmem:s0+$0xFFFFFFD0]  }
0x4c7: {  	v6 =	vld [tilespmem:s0+$0xFFFFFF50]  }
0x4c8: {  	v5 =	vmul.f32 v11, v4;
	v11 =	vld [tilespmem:s19+$0xFFFFFFFF]  }
0x4c9: {  	s19 =	simm.s32 $0x17980;
	(v2sf) =	vpush v7, $0x0;
	v7 =	vld [tilespmem:s0+$0x50]  }
0x4ca: {  	v46 =	vld [tilespmem:s19+$0x80]  }
0x4cb: {  	s20 =	sor.u32 $0x60, s2;
	v15 =	vld [tilespmem:s19+$0xFFFFFF00]  }
0x4cc: {  	[tilespmem:s20+$0x0] =	vst.add.f32.msk $0xffff, v5  }
0x4cd: {  	v5 =	vld [tilespmem:s0+$0xF0];
	(v2sf) =	vpush v11, $0x0  }
0x4ce: {  	v16 =	vld [tilespmem:s19+$0xFFFFFF80];
	v6 =	vmul.f32 v6, v10;
	(v2sf) =	vpush v12, $0x0  }
0x4cf: {  	s21 =	sor.u32 $0x50, s1;
	v17 =	vld [tilespmem:s19+$0x0];
	(v2sf) =	vpush v13, $0x0  }
0x4d0: {  	s20 =	simm.s32 $0x11506;
	[tilespmem:s21+$0x0] =	vst.add.f32.msk $0xffff, v6  }
0x4d1: {  	v6 =	vld.msk [tilespmem:s20+$0xFFFFFFFE ss:$0x0], $0xffff  }
0x4d2: {  	v11 =	vld [tilespmem:s0+$0xFFFFFF60];
	v4 =	vmul.f32 v5, v4  }
0x4d3: {  	s2 =	sor.u32 $0x70, s2;
	v5 =	vmul.f32 v7, v9;
	v7 =	vld.msk [tilespmem:s20+$0x1 ss:$0x0], $0xffff  }
0x4d4: {  	s23 =	sor.u32 $0x50, s5;
	[tilespmem:s2+$0x0] =	vst.add.f32.msk $0xffff, v4  }
0x4d5: {  	[tilespmem:s23+$0x0] =	vst.add.f32.msk $0xffff, v5  }
0x4d6: {  	v4 =	vmul.f32 v14, v8;
	v5 =	vld.msk [tilespmem:s20+$0x0 ss:$0x0], $0xffff  }
0x4d7: {  	s22 =	sor.u32 $0x50, s3;
	v45 =	vld [tilespmem:s0+$0x60]  }
0x4d8: {  	v11 =	vmul.f32 v11, v10;
	[tilespmem:s22+$0x0] =	vst.add.f32.msk $0xffff, v4;
	s24 =	spop (v2sf)  }
0x4d9: {  	s29 =	sor.u32 $0x60, s1;
	v4 =	vld.msk [tilespmem:s20+$0xFFFFFFFF ss:$0x0], $0xffff;
	v14 =	vmul.f32 v7, v46;
	s2 =	sshll.u32 s24, $0x9  }
0x4da: {  	[tilespmem:s29+$0x0] =	vst.add.f32.msk $0xffff, v11;
	s21 =	sshra.s32 s2, $0x2  }
0x4db: {  	[tilespmem:s21+$0x0] =	vst.add.f32.msk $0xffff, v14  }
0x4dc: {  	s25 =	spop (v2sf);
	v14 =	vld [tilespmem:s19+$0x90]  }
0x4dd: {  	v44 =	vld [tilespmem:s0+$0xFFFFFFE0];
	v13 =	vmul.f32 v45, v9;
	s26 =	spop (v2sf)  }
0x4de: {  	s6 =	sor.u32 $0x60, s5;
	v51 =	vld [tilespmem:s0+$0xFFFFFF70];
	v11 =	vmul.f32 v4, v16;
	s4 =	sshll.u32 s25, $0x9;
	s7 =	spop (v2sf)  }
0x4df: {  	v15 =	vmul.f32 v6, v15;
	[tilespmem:s6+$0x0] =	vst.add.f32.msk $0xffff, v13;
	s9 =	sshra.s32 s4, $0x2;
	s7 =	sshll.u32 s7, $0x9  }
0x4e0: {  	[tilespmem:s9+$0x0] =	vst.add.f32.msk $0xffff, v11;
	s2 =	sshra.s32 s7, $0x2  }
0x4e1: {  	[tilespmem:s2+$0x0] =	vst.add.f32.msk $0xffff, v15;
	v11 =	vmul.f32 v14, v7  }
0x4e2: {  	s31 =	sor.u32 $0x10, s21;
	v48 =	vld [tilespmem:s19+$0xFFFFFF10]  }
0x4e3: {  	v12 =	vmul.f32 v44, v8;
	[tilespmem:s31+$0x0] =	vst.add.f32.msk $0xffff, v11  }
0x4e4: {  	s8 =	sor.u32 $0x60, s3;
	v11 =	vld [tilespmem:s19+$0xA0]  }
0x4e5: {  	v47 =	vmul.f32 v5, v17;
	[tilespmem:s8+$0x0] =	vst.add.f32.msk $0xffff, v12;
	s30 =	sshll.u32 s26, $0x9  }
0x4e6: {  	s12 =	sshra.s32 s30, $0x2;
	v49 =	vld [tilespmem:s19+$0xFFFFFF90]  }
0x4e7: {  	[tilespmem:s12+$0x0] =	vst.add.f32.msk $0xffff, v47;
	v12 =	vmul.f32 v48, v6  }
0x4e8: {  	v50 =	vld [tilespmem:s19+$0x10];
	s7 =	sor.u32 $0x10, s2  }
0x4e9: {  	[tilespmem:s7+$0x0] =	vst.add.f32.msk $0xffff, v12;
	v11 =	vmul.f32 v11, v7  }
0x4ea: {  	s8 =	sor.u32 $0x20, s21;
	v12 =	vld [tilespmem:s19+$0xFFFFFF20]  }
0x4eb: {  	v14 =	vmul.f32 v49, v4;
	[tilespmem:s8+$0x0] =	vst.add.f32.msk $0xffff, v11  }
0x4ec: {  	s10 =	sor.u32 $0x10, s9;
	v52 =	vld [tilespmem:s19+$0xB0]  }
0x4ed: {  	[tilespmem:s10+$0x0] =	vst.add.f32.msk $0xffff, v14;
	v11 =	vmul.f32 v50, v5  }
0x4ee: {  	s11 =	sor.u32 $0x10, s12;
	v53 =	vld [tilespmem:s19+$0xFFFFFFA0]  }
0x4ef: {  	[tilespmem:s11+$0x0] =	vst.add.f32.msk $0xffff, v11;
	v11 =	vmul.f32 v12, v6  }
0x4f0: {  	s13 =	sor.u32 $0x20, s2;
	v54 =	vld [tilespmem:s19+$0x20]  }
0x4f1: {  	[tilespmem:s13+$0x0] =	vst.add.f32.msk $0xffff, v11;
	v11 =	vmul.f32 v52, v7  }
0x4f2: {  	s14 =	sor.u32 $0x30, s21;
	v55 =	vld [tilespmem:s19+$0xFFFFFF30]  }
0x4f3: {  	[tilespmem:s14+$0x0] =	vst.add.f32.msk $0xffff, v11  }
0x4f4: {  	v11 =	vmul.f32 v53, v4;
	v56 =	vld [tilespmem:s19+$0xC0]  }
0x4f5: {  	v61 =	vld [tilespmem:s0+$0x70];
	s15 =	sor.u32 $0x20, s9;
	v14 =	vmul.f32 v54, v5  }
0x4f6: {  	s16 =	sor.u32 $0x20, s12;
	[tilespmem:s15+$0x0] =	vst.add.f32.msk $0xffff, v11  }
0x4f7: {  	[tilespmem:s16+$0x0] =	vst.add.f32.msk $0xffff, v14  }
0x4f8: {  	v58 =	vld [tilespmem:s19+$0xFFFFFFB0];
	v11 =	vmul.f32 v55, v6  }
0x4f9: {  	s17 =	sor.u32 $0x30, s2;
	v59 =	vld [tilespmem:s19+$0x30];
	v12 =	vmul.f32 v56, v7  }
0x4fa: {  	s18 =	sor.u32 $0x40, s21;
	[tilespmem:s17+$0x0] =	vst.add.f32.msk $0xffff, v11  }
0x4fb: {  	[tilespmem:s18+$0x0] =	vst.add.f32.msk $0xffff, v12  }
0x4fc: {  	v11 =	vld [tilespmem:s19+$0xD0]  }
0x4fd: {  	v57 =	vld [tilespmem:s0+$0xFFFFFFF0];
	v14 =	vmul.f32 v58, v4  }
0x4fe: {  	s22 =	sor.u32 $0x30, s9;
	v60 =	vld [tilespmem:s19+$0xFFFFFF40];
	v15 =	vmul.f32 v59, v5  }
0x4ff: {  	s23 =	sor.u32 $0x30, s12;
	[tilespmem:s22+$0x0] =	vst.add.f32.msk $0xffff, v14  }
0x500: {  	[tilespmem:s23+$0x0] =	vst.add.f32.msk $0xffff, v15  }
0x501: {  	v14 =	vld [tilespmem:s19+$0xFFFFFFC0];
	v11 =	vmul.f32 v11, v7  }
0x502: {  	s24 =	sor.u32 $0x50, s21;
	v15 =	vld [tilespmem:s19+$0x40]  }
0x503: {  	v10 =	vmul.f32 v51, v10;
	[tilespmem:s24+$0x0] =	vst.add.f32.msk $0xffff, v11  }
0x504: {  	s25 =	sor.u32 $0x70, s1;
	s0 =	simm.s32 $0x17980;
	s26 =	simm.s32 $0x4;
	v12 =	vmul.f32 v60, v6;
	v18 =	vld [tilespmem:s19+$0xE0]  }
0x505: {  	[tilespmem:s25+$0x0] =	vst.add.f32.msk $0xffff, v10;
	s30 =	sor.u32 $0x40, s9;
	s6 =	sor.u32 $0x50, s9;
	s29 =	sor.u32 $0x40, s2  }
0x506: {  	s1 =	sor.u32 $0x60, s9;
	s25 =	sor.u32 $0x60, s12;
	s28 =	sor.u32 $0x50, s2;
	[tilespmem:s29+$0x0] =	vst.add.f32.msk $0xffff, v12;
	v62 =	vmul.f32 v14, v4  }
0x507: {  	s31 =	sor.u32 $0x40, s12;
	s10 =	sor.u32 $0x70, s2;
	s8 =	sor.u32 $0x70, s5;
	v11 =	vld [tilespmem:s19+$0xFFFFFF50];
	v63 =	vmul.f32 v15, v5  }
0x508: {  	v9 =	vmul.f32 v61, v9;
	s5 =	simm.s32 $0x1130A;
	s17 =	sor.u32 $0x70, s9;
	s18 =	sor.u32 $0x50, s12;
	[tilespmem:s30+$0x0] =	vst.add.f32.msk $0xffff, v62  }
0x509: {  	v10 =	vmul.f32 v57, v8;
	s24 =	sor.u32 $0x70, s3;
	s3 =	sor.u32 $0x60, s2;
	s2 =	sor.u32 $0x70, s12;
	[tilespmem:s31+$0x0] =	vst.add.f32.msk $0xffff, v63;
	v8 =	vmul.f32 v18, v7  }
.LBB2_28:
0x50a: {  	v12 =	vld [tilespmem:s5+$0x1]  }
0x50b: {  	v13 =	vld [tilespmem:s5+$0xFFFFFFFF]  }
0x50c: {  	v14 =	vld [tilespmem:s5+$0x0]  }
0x50d: {  	s4 =	sor.u32 $0x60, s21;
	v45 =	vld [tilespmem:s19+$0x50]  }
0x50e: {  	[tilespmem:s4+$0x0] =	vst.add.f32.msk $0xffff, v8  }
0x50f: {  	v8 =	vld [tilespmem:s19+$0xF0]  }
0x510: {  	v15 =	vld [tilespmem:s5+$0xFFFFFFFE]  }
0x511: {  	v16 =	vld [tilespmem:s19+$0xFFFFFFD0];
	(v2sf) =	vpush v12, $0x0  }
0x512: {  	[tilespmem:s24+$0x0] =	vst.add.f32.msk $0xffff, v10;
	v11 =	vmul.f32 v11, v6  }
0x513: {  	[tilespmem:s8+$0x0] =	vst.add.f32.msk $0xffff, v9;
	v10 =	vmul.f32 v45, v5  }
0x514: {  	[tilespmem:s28+$0x0] =	vst.add.f32.msk $0xffff, v11;
	v7 =	vmul.f32 v8, v7  }
0x515: {  	[dreg:$0x5] =	wrdreg s10;
	s10 =	sor.u32 $0x70, s21;
	(v2sf) =	vpush v13, $0x0;
	[tilespmem:s18+$0x0] =	vst.add.f32.msk $0xffff, v10  }
0x516: {  	(v2sf) =	vpush v14, $0x0;
	[tilespmem:s10+$0x0] =	vst.add.f32.msk $0xffff, v7  }
0x517: {  	v8 =	vmul.f32 v16, v4;
	(v2sf) =	vpush v15, $0x0;
	v7 =	vld [tilespmem:s19+$0xFFFFFF60]  }
0x518: {  	v11 =	vld [tilespmem:s19+$0x60]  }
0x519: {  	[tilespmem:s6+$0x0] =	vst.add.f32.msk $0xffff, v8  }
0x51a: {  	v8 =	vld [tilespmem:s19+$0xFFFFFFE0];
	s19 =	sadd.s32 $0x200, s19  }
0x51b: {  	s20 =	sadd.s32 $0x4, s20;
	v46 =	vld [tilespmem:s19+$0x80]  }
0x51c: {  	v10 =	vmul.f32 v7, v6;
	v7 =	vld.msk [tilespmem:s20+$0x1 ss:$0x0], $0xffff  }
0x51d: {  	v47 =	vld.msk [tilespmem:s20+$0xFFFFFFFE ss:$0x0], $0xffff  }
0x51e: {  	v9 =	vld.msk [tilespmem:s20+$0xFFFFFFFF ss:$0x0], $0xffff  }
0x51f: {  	v50 =	vld [tilespmem:s19+$0xFFFFFF80]  }
0x520: {  	v17 =	vld [tilespmem:s19+$0x0];
	s11 =	spop (v2sf)  }
0x521: {  	s24 =	smov.u32 s17;
	s17 =	smov.u32 s2;
	v48 =	vmul.f32 v8, v4;
	v8 =	vld.msk [tilespmem:s20+$0x0 ss:$0x0], $0xffff;
	v12 =	vmul.f32 v7, v46;
	s2 =	sshll.u32 s11, $0x9  }
0x522: {  	v49 =	vld [tilespmem:s19+$0xFFFFFF00];
	s21 =	sshra.s32 s2, $0x2  }
0x523: {  	[tilespmem:s21+$0x0] =	vst.add.f32.msk $0xffff, v12  }
0x524: {  	s12 =	spop (v2sf);
	v12 =	vld [tilespmem:s19+$0x90]  }
0x525: {  	[tilespmem:s3+$0x0] =	vst.add.f32.msk $0xffff, v10;
	v10 =	vmul.f32 v9, v50;
	s4 =	sshll.u32 s12, $0x9;
	s13 =	spop (v2sf)  }
0x526: {  	[tilespmem:s1+$0x0] =	vst.add.f32.msk $0xffff, v48;
	v51 =	vmul.f32 v8, v17;
	s7 =	sshra.s32 s4, $0x2;
	s2 =	sshll.u32 s13, $0x9;
	s14 =	spop (v2sf)  }
0x527: {  	v15 =	vmul.f32 v47, v49;
	s4 =	sshll.u32 s14, $0x9;
	s2 =	sshra.s32 s2, $0x2;
	[tilespmem:s7+$0x0] =	vst.add.f32.msk $0xffff, v10  }
0x528: {  	s15 =	sshra.s32 s4, $0x2;
	[tilespmem:s2+$0x0] =	vst.add.f32.msk $0xffff, v51  }
0x529: {  	[tilespmem:s15+$0x0] =	vst.add.f32.msk $0xffff, v15;
	v10 =	vmul.f32 v12, v7  }
0x52a: {  	s23 =	sor.u32 $0x10, s21;
	v52 =	vld [tilespmem:s19+$0xFFFFFF10]  }
0x52b: {  	[tilespmem:s23+$0x0] =	vst.add.f32.msk $0xffff, v10  }
0x52c: {  	v10 =	vld [tilespmem:s19+$0xA0]  }
0x52d: {  	v11 =	vmul.f32 v11, v5;
	v53 =	vld [tilespmem:s19+$0xFFFFFF90]  }
0x52e: {  	v54 =	vld [tilespmem:s19+$0x10]  }
0x52f: {  	[tilespmem:s25+$0x0] =	vst.add.f32.msk $0xffff, v11;
	v12 =	vmul.f32 v52, v47  }
0x530: {  	s22 =	sor.u32 $0x10, s15;
	v11 =	vld [tilespmem:s0+$0xFFFFFF70]  }
0x531: {  	[tilespmem:s22+$0x0] =	vst.add.f32.msk $0xffff, v12;
	v10 =	vmul.f32 v10, v7  }
0x532: {  	s23 =	sor.u32 $0x20, s21;
	v12 =	vld [tilespmem:s19+$0xFFFFFF20]  }
0x533: {  	v14 =	vmul.f32 v53, v9;
	[tilespmem:s23+$0x0] =	vst.add.f32.msk $0xffff, v10  }
0x534: {  	s16 =	sor.u32 $0x10, s7;
	v15 =	vmul.f32 v54, v8;
	v10 =	vld [tilespmem:s19+$0xB0]  }
0x535: {  	s31 =	sor.u32 $0x10, s2;
	[tilespmem:s16+$0x0] =	vst.add.f32.msk $0xffff, v14  }
0x536: {  	v55 =	vmul.f32 v11, v6;
	v6 =	vmov v47;
	[tilespmem:s31+$0x0] =	vst.add.f32.msk $0xffff, v15  }
0x537: {  	v57 =	vld [tilespmem:s19+$0x20];
	v11 =	vmul.f32 v12, v6  }
0x538: {  	s4 =	sor.u32 $0x20, s15;
	v56 =	vld [tilespmem:s19+$0xFFFFFFA0]  }
0x539: {  	[tilespmem:s4+$0x0] =	vst.add.f32.msk $0xffff, v11;
	v10 =	vmul.f32 v10, v7  }
0x53a: {  	s22 =	sor.u32 $0x30, s21;
	v11 =	vld [tilespmem:s19+$0xFFFFFF30]  }
0x53b: {  	[tilespmem:s22+$0x0] =	vst.add.f32.msk $0xffff, v10  }
0x53c: {  	v13 =	vmul.f32 v57, v8;
	v58 =	vld [tilespmem:s19+$0xC0]  }
0x53d: {  	s13 =	sor.u32 $0x20, s2;
	v59 =	vld [tilespmem:s0+$0xFFFFFFF0]  }
0x53e: {  	[tilespmem:s13+$0x0] =	vst.add.f32.msk $0xffff, v13;
	v10 =	vmul.f32 v56, v9  }
0x53f: {  	s10 =	sor.u32 $0x20, s7;
	v13 =	vld [tilespmem:s19+$0x30]  }
0x540: {  	[tilespmem:s10+$0x0] =	vst.add.f32.msk $0xffff, v10;
	v10 =	vmul.f32 v11, v6  }
0x541: {  	s11 =	sor.u32 $0x30, s15;
	v11 =	vld [tilespmem:s19+$0xFFFFFFB0];
	v12 =	vmul.f32 v58, v7  }
0x542: {  	s23 =	sor.u32 $0x40, s21;
	[tilespmem:s11+$0x0] =	vst.add.f32.msk $0xffff, v10  }
0x543: {  	[tilespmem:s23+$0x0] =	vst.add.f32.msk $0xffff, v12  }
0x544: {  	v10 =	vmul.f32 v59, v4;
	v4 =	vmov v9;
	v9 =	vld [tilespmem:s19+$0xD0]  }
0x545: {  	v61 =	vld [tilespmem:s0+$0x70];
	v13 =	vmul.f32 v13, v8  }
0x546: {  	s30 =	sor.u32 $0x30, s2;
	v60 =	vld [tilespmem:s19+$0xFFFFFF40];
	v11 =	vmul.f32 v11, v4  }
0x547: {  	s29 =	sor.u32 $0x30, s7;
	[tilespmem:s30+$0x0] =	vst.add.f32.msk $0xffff, v13  }
0x548: {  	[tilespmem:s29+$0x0] =	vst.add.f32.msk $0xffff, v11  }
0x549: {  	v62 =	vld [tilespmem:s19+$0xFFFFFFC0];
	v9 =	vmul.f32 v9, v7  }
0x54a: {  	s26 =	sadd.s32 $0x4, s26;
	s30 =	sor.u32 $0x50, s21;
	v63 =	vld [tilespmem:s19+$0x40]  }
0x54b: {  	s5 =	sadd.s32 $0x4, s5;
	p0 =	slt.u32 s26, $0xBC;
	v11 =	vmul.f32 v60, v6;
	[tilespmem:s30+$0x0] =	vst.add.f32.msk $0xffff, v9  }
0x54c: {  	s8 =	smov.u32 s17;
	s14 =	sor.u32 $0x40, s7;
	s12 =	sor.u32 $0x40, s15;
	v9 =	vmul.f32 v61, v5;
	v5 =	vmov v8;
	v8 =	vld [tilespmem:s19+$0xE0]  }
.Ltmp17:
0x54d: {  	s6 =	sor.u32 $0x50, s7;
	s1 =	sor.u32 $0x60, s7;
	[tilespmem:s12+$0x0] =	vst.add.f32.msk $0xffff, v11;
	(pc) =	sbr.rel @p0 .LBB2_28-.Ltmp17, $4  }
0x54e: {  	s17 =	sor.u32 $0x70, s7;
	s9 =	sor.u32 $0x40, s2;
	s31 =	rddreg [dreg:$0x5];
	v11 =	vld [tilespmem:s19+$0xFFFFFF50];
	v13 =	vmul.f32 v62, v4  }
0x54f: {  	s18 =	sor.u32 $0x50, s2;
	s7 =	sor.u32 $0x60, s2;
	s2 =	sor.u32 $0x70, s2;
	[tilespmem:s31+$0x0] =	vst.add.f32.msk $0xffff, v55;
	v12 =	vmul.f32 v63, v5  }
0x550: {  	s28 =	sor.u32 $0x50, s15;
	s3 =	sor.u32 $0x60, s15;
	s15 =	sor.u32 $0x70, s15;
	[tilespmem:s14+$0x0] =	vst.add.f32.msk $0xffff, v13  }
0x551: {  	s25 =	smov.u32 s7;
	s0 =	smov.u32 s19;
	s10 =	smov.u32 s15;
	[tilespmem:s9+$0x0] =	vst.add.f32.msk $0xffff, v12;
	v8 =	vmul.f32 v8, v7  }
0x552: {  	v12 =	vld [tilespmem:s19+$0xFFFFFFD0]  }
0x553: {  	v13 =	vld [tilespmem:s19+$0x50];
	_ =	sdelay $0x1  }
0x554: {  	v11 =	vmul.f32 v11, v6;
	_ =	sdelay $0x1  }
0x555: {  	[tilespmem:s28+$0x0] =	vst.add.f32.msk $0xffff, v11;
	v58 =	vmul.f32 v12, v4  }
0x556: {  	v59 =	vld [tilespmem:s19+$0xFFFFFF60];
	v13 =	vmul.f32 v13, v5  }
0x557: {  	[tilespmem:s6+$0x0] =	vst.add.f32.msk $0xffff, v58  }
0x558: {  	[tilespmem:s18+$0x0] =	vst.add.f32.msk $0xffff, v13  }
0x559: {  	v11 =	vld [tilespmem:s19+$0xFFFFFFE0]  }
0x55a: {  	v13 =	vld [tilespmem:s19+$0x60]  }
0x55b: {  	s4 =	sor.u32 $0x60, s21  }
0x55c: {  	[tilespmem:s4+$0x0] =	vst.add.f32.msk $0xffff, v8;
	v60 =	vmul.f32 v59, v6  }
0x55d: {  	v61 =	vld [tilespmem:s19+$0xF0]  }
0x55e: {  	[tilespmem:s3+$0x0] =	vst.add.f32.msk $0xffff, v60;
	v11 =	vmul.f32 v11, v4  }
0x55f: {  	v8 =	vld [tilespmem:s0+$0xFFFFFF70];
	v13 =	vmul.f32 v13, v5  }
0x560: {  	[tilespmem:s1+$0x0] =	vst.add.f32.msk $0xffff, v11  }
0x561: {  	[tilespmem:s25+$0x0] =	vst.add.f32.msk $0xffff, v13  }
0x562: {  	v11 =	vld [tilespmem:s0+$0xFFFFFFF0]  }
0x563: {  	v62 =	vld [tilespmem:s0+$0x70];
	_ =	sdelay $0x1  }
0x564: {  	[tilespmem:s24+$0x0] =	vst.add.f32.msk $0xffff, v10;
	v7 =	vmul.f32 v61, v7  }
0x565: {  	s26 =	sor.u32 $0x70, s21;
	[tilespmem:s8+$0x0] =	vst.add.f32.msk $0xffff, v9;
	v63 =	vmul.f32 v8, v6  }
0x566: {  	[tilespmem:s26+$0x0] =	vst.add.f32.msk $0xffff, v7;
	v4 =	vmul.f32 v11, v4  }
0x567: {  	[tilespmem:s10+$0x0] =	vst.add.f32.msk $0xffff, v63;
	v5 =	vmul.f32 v62, v5  }
0x568: {  	[tilespmem:s17+$0x0] =	vst.add.f32.msk $0xffff, v4  }
0x569: {  	[tilespmem:s2+$0x0] =	vst.add.f32.msk $0xffff, v5  }
0x56a: {  	s29 =	simm.s32 $0x5;
	s28 =	simm.s32 $0x0;
	s1 =	rddreg [dreg:$0x7]  }
0x56b: {  	[hbm4b:s1+s28] =	stream.linear.scatter [tilespmem:s28], [sflag:$0x5], $0xA000, $0x38;
	[tilespmem:$0x1D680] =	vst v63  }
0x56c: {  	_ =	swait.ge [sflag:s29], $0xA000  }
0x56d: {  	s30 =	rddreg [dreg:$0x9]  }
0x56e: {  	s31 =	rddreg [dreg:$0x8];
	s2 =	sadd.s32 $0x1, s30  }
0x56f: {  	p0 =	sne.s32 s2, s31  }
.Ltmp18:
0x570: {  	_ = 	snop;
	(pc) =	sbr.rel @p0 .LBB2_1-.Ltmp18, $3  }
0x571: {  	_ =	sdelay $0x1  }
0x572: {  	s8 =	simm.s32 $0xA000;
	[sflag:s29] =	ssyncset.done $0x0  }
0x573: {  	s9 =	simm.s32 $0xD000;
	s7 =	rddreg [dreg:$0x6];
	[sflag:s29] =	ssyncadd.s32 $0xFFFF6000  }
0x574: {  	_ =	sfence.sel $0x180000  }
0x575: {  	[bflag:$0x0] =	sbarrier.arrive $0xFFFF  }
0x576: {  	_ =	strace $0x9000004A  }
0x577: {  	s0 =	stileid.u32;
	[bflag:$0x2] =	sbarrier.arrive $0xFFFF  }
0x578: {  	p0 =	sne.s32 s0, $0x0;
	s0 =	rddreg [dreg:$0x2]  }
0x579: {  	s0 =	sadd.s32 @!p0 $0x100000, s0  }
0x57a: {  	[sflag:s0] =	ssyncadd.tile.s32 @!p0 $0x1;
	_ =	shalt  }
.Lfunc_end2:
_tile_overlayer_lowered:
.L_overlay_start_2:
0x57b: {  	(tag) =	ssettag $0x2  }
0x57c: {  	s0 =	rddreg [dreg:$0x0];
	s2 =	stileid.u32  }
0x57d: {  	s1 =	rddreg [dreg:$0x1];
	p0 =	sne.s32 s2, $0x0  }
0x57e: {  	s3 =	rddreg [dreg:$0x2];
	[bflag:$0x3] =	sbarrier.arrive $0xFFFF;
	s2 =	simm.s32 @!p0 $0x1C05  }
0x57f: {  	[timem:s3], [sflag:s2] =	dma.local @!p0 [hbm:s0], s1  }
0x580: {  	s0 =	simm.s32 @!p0 $0x5  }
0x581: {  	_ =	swait.ge @!p0 [sflag:s0], s1  }
0x582: {  	s1 =	ssub.s32 @!p0 $0x0, s1;
	[sflag:s0] =	ssyncset.done @!p0 $0x0  }
0x583: {  	[sflag:s0] =	ssyncadd.s32 @!p0 s1  }
0x584: {  	[bflag:$0x3] =	sbarrier.arrive $0xFFFF  }
0x585: {  	_ =	shalt  }

// kernel: kernel.7.cloned.1.call-start
scs
__scs_entry_jumppad:
0x0: {  	(pc) =	sbr.rel $0x88, $3  }
0x1: {  	(tag) =	ssettag $0x0;
	lr =	simm.s32 $0x1  }
0x2: {  	[smem:$0x3F9C] =	sst lr;
	_ =	strace $0xD0000000  }
0x3: {  	_ = 	snop  }
0x4: {  	_ = 	snop  }
0x5: {  	_ = 	snop  }
0x6: {  	_ = 	snop  }
0x7: {  	_ = 	snop  }
__scs_overlays_trampoline_lowered:
0x8: {  	[smem:$0x3FAB] =	sst s0  }
0x9: {  	[smem:$0x3FAC] =	sst s1  }
0xa: {  	[smem:$0x3FAD] =	sst s2  }
0xb: {  	[smem:$0x3FAE] =	sst s3  }
0xc: {  	[smem:$0x3FAF] =	sst s4  }
0xd: {  	[smem:$0x3FB0] =	sst s5  }
0xe: {  	[smem:$0x3FB1] =	sst s6  }
0xf: {  	[smem:$0x3FB2] =	sst s7  }
0x10: {  	[smem:$0x3FB3] =	sst s8  }
0x11: {  	[smem:$0x3FB4] =	sst s9;
	s0 =	simm.s32 @!p0 $0x0  }
0x12: {  	s1 =	sld [smem:$0x3F9A];
	s0 =	simm.s32 @p0 $0x1  }
0x13: {  	[smem:$0x3FB5] =	sst s0;
	s0 =	simm.s32 @!p1 $0x0  }
0x14: {  	s2 =	sld [smem:$0x3F99];
	s0 =	simm.s32 @p1 $0x1  }
0x15: {  	[smem:$0x3FB6] =	sst s0;
	s0 =	simm.s32 @!p2 $0x0  }
0x16: {  	s3 =	sld [smem:$0x3FDB];
	s0 =	simm.s32 @p2 $0x1  }
0x17: {  	s4 =	simm.s32 $0x1BF5;
	[smem:$0x3FB8] =	sst s0  }
0x18: {  	s0 =	sld [smem:$0x3F9B];
	_ =	swait.ge [sflag:s4], $0x0  }
0x19: {  	s7 =	sld [smem:$0x3F9C]  }
0x1a: {  	s8 =	sadd.s32 $0xFFFFE003, lr  }
0x1b: {  	s9 =	sadd.s32 $0xFFFFFEF7, lr;
	s5 =	simm.s32 $0xFFFFFFFF;
	p2 =	slt.u32 s8, $0xFFFFF086  }
0x1c: {  	p1 =	slt.u32 s9, $0xF7A;
	s5 =	simm.s32 @!p2 $0x0  }
0x1d: {  	s5 =	simm.s32 @p1 $0x1;
	p0 =	seq.s32 s7, s2  }
0x1e: {  	s7 =	smul.u32 @!p0 $0xF7A, s2;
	p2 =	seq.s32 @!p0 s5, $0x0  }
0x1f: {  	s9 =	smul.u32 $0xF7A, s1;
	s8 =	simm.s32 @!p0 $0x1BF5;
	p2 =	por !p2, p0  }
0x20: {  	[sflag:s8] =	ssyncset.s32 @!p0 $0xFFFFF086;
	s6 =	sadd.s32 @!p0 s3, s7;
	s7 =	simm.s32 @!p0 $0x108  }
0x21: {  	s3 =	sadd.s32 s3, s9;
	s6 =	sadd.s32 @!p0 $0x88, s6;
	s7 =	simm.s32 @p2 $0x1082  }
0x22: {  	[simem:s7], [sflag:s8] =	dma.local @!p0 [hbm:s6], $0xF7A  }
0x23: {  	s9 =	sor.u32 $0xD0000000, s2;
	s6 =	simm.s32 $0x108;
	_ =	swait.ge @!p0 [sflag:s8], $0x0  }
0x24: {  	s3 =	sadd.s32 $0x88, s3;
	s6 =	simm.s32 @!p1 $0x1082;
	[sflag:s4] =	ssyncset.s32 $0xFFFFF086  }
0x25: {  	[simem:s6], [sflag:s4] =	dma.local [hbm:s3], $0xF7A  }
0x26: {  	[smem:$0x3F9C] =	sst s1;
	(tag) =	ssettag s2;
	_ =	strace s9  }
0x27: {  	s1 =	sld [smem:$0x3FAC]  }
0x28: {  	s2 =	sld [smem:$0x3FAD]  }
0x29: {  	s4 =	sld [smem:$0x3FAF]  }
0x2a: {  	p0 =	seq.s32 s5, $0x0;
	s5 =	sld [smem:$0x3FB0]  }
0x2b: {  	s6 =	sld [smem:$0x3FB1]  }
0x2c: {  	s7 =	sld [smem:$0x3FB2]  }
0x2d: {  	s3 =	simm.s32 $0x108;
	s8 =	sld [smem:$0x3FB3]  }
0x2e: {  	s3 =	simm.s32 @!p0 $0x1082;
	s9 =	sld [smem:$0x3FB4]  }
0x2f: {  	lr =	sadd.s32 s0, s3;
	s0 =	sld [smem:$0x3FAB]  }
0x30: {  	s3 =	sld [smem:$0x3FAE]  }
0x31: {  	[smem:$0x3FB7] =	sst s10  }
0x32: {  	s10 =	sld [smem:$0x3FB5];
	_ =	sdelay $0x3  }
0x33: {  	p0 =	seq.s32 s10, $0x1;
	s10 =	sld [smem:$0x3FB7];
	_ =	sdelay $0x3  }
0x34: {  	[smem:$0x3FB7] =	sst s10  }
0x35: {  	s10 =	sld [smem:$0x3FB6];
	_ =	sdelay $0x3  }
0x36: {  	p1 =	seq.s32 s10, $0x1;
	s10 =	sld [smem:$0x3FB7];
	_ =	sdelay $0x3  }
0x37: {  	[smem:$0x3FB7] =	sst s10  }
0x38: {  	s10 =	sld [smem:$0x3FB8]  }
0x39: {  	_ = 	snop;
	(pc) =	sbr.ind lr, $3  }
0x3a: {  	_ = 	snop  }
0x3b: {  	_ = 	snop  }
0x3c: {  	p2 =	seq.s32 s10, $0x1;
	s10 =	sld [smem:$0x3FB7]  }
0x3d: {  	_ =	shalt  }
0x3e: {  	_ =	shalt  }
0x3f: {  	_ =	shalt  }
0x40: {  	_ =	shalt  }
0x41: {  	_ =	shalt  }
0x42: {  	_ =	shalt  }
0x43: {  	_ =	shalt  }
0x44: {  	_ =	shalt  }
0x45: {  	_ =	shalt  }
0x46: {  	_ =	shalt  }
0x47: {  	_ =	shalt  }
0x48: {  	_ =	shalt  }
0x49: {  	_ =	shalt  }
0x4a: {  	_ =	shalt  }
0x4b: {  	_ =	shalt  }
0x4c: {  	_ =	shalt  }
0x4d: {  	_ =	shalt  }
0x4e: {  	_ =	shalt  }
0x4f: {  	_ =	shalt  }
0x50: {  	_ =	shalt  }
0x51: {  	_ =	shalt  }
0x52: {  	_ =	shalt  }
0x53: {  	_ =	shalt  }
0x54: {  	_ =	shalt  }
0x55: {  	_ =	shalt  }
0x56: {  	_ =	shalt  }
0x57: {  	_ =	shalt  }
0x58: {  	_ =	shalt  }
0x59: {  	_ =	shalt  }
0x5a: {  	_ =	shalt  }
0x5b: {  	_ =	shalt  }
0x5c: {  	_ =	shalt  }
0x5d: {  	_ =	shalt  }
0x5e: {  	_ =	shalt  }
0x5f: {  	_ =	shalt  }
0x60: {  	_ =	shalt  }
0x61: {  	_ =	shalt  }
0x62: {  	_ =	shalt  }
0x63: {  	_ =	shalt  }
0x64: {  	_ =	shalt  }
0x65: {  	_ =	shalt  }
0x66: {  	_ =	shalt  }
0x67: {  	_ =	shalt  }
0x68: {  	_ =	shalt  }
0x69: {  	_ =	shalt  }
0x6a: {  	_ =	shalt  }
0x6b: {  	_ =	shalt  }
0x6c: {  	_ =	shalt  }
0x6d: {  	_ =	shalt  }
0x6e: {  	_ =	shalt  }
0x6f: {  	_ =	shalt  }
0x70: {  	_ =	shalt  }
0x71: {  	_ =	shalt  }
0x72: {  	_ =	shalt  }
0x73: {  	_ =	shalt  }
0x74: {  	_ =	shalt  }
0x75: {  	_ =	shalt  }
0x76: {  	_ =	shalt  }
0x77: {  	_ =	shalt  }
0x78: {  	_ =	shalt  }
0x79: {  	_ =	shalt  }
0x7a: {  	_ =	shalt  }
0x7b: {  	_ =	shalt  }
0x7c: {  	_ =	shalt  }
0x7d: {  	_ =	shalt  }
0x7e: {  	_ =	shalt  }
0x7f: {  	_ =	shalt  }
0x80: {  	_ =	shalt  }
0x81: {  	_ =	shalt  }
0x82: {  	_ =	shalt  }
0x83: {  	_ =	shalt  }
0x84: {  	_ =	shalt  }
0x85: {  	_ =	shalt  }
0x86: {  	_ =	shalt  }
0x87: {  	_ =	shalt  }
.Lfunc_end0:
.L_simem_size_0:
called_computation_lowered:
.L_overlay_start_0:
0x88: {  	s2 =	sld [smem:$0x3FD9]  }
0x89: {  	s3 =	sld [smem:$0x3FFE];
	_ =	sdelay $0x1  }
0x8a: {  	s1 =	srdreg.scid  }
0x8b: {  	s0 =	sand.u32 $0x1, s1  }
0x8c: {  	s17 =	sshll.u32 s0, $0xA;
	s2 =	sadd.s32 s3, s2  }
0x8d: {  	s2 =	sadd.s32 s2, s17  }
0x8e: {  	[smem:$0x3FC3] =	sst s2  }
0x8f: {  	_ = 	snop  }
0x90: {  	s2 =	sld [smem:$0x3FD0];
	(tm) =	ssettm $0x1  }
0x91: {  	s18 =	sld [smem:$0x3FFB];
	_ =	sdelay $0x3  }
0x92: {  	_ =	strace s18  }
0x93: {  	s3 =	sld [smem:$0x3FFC];
	_ =	sdelay $0x3  }
0x94: {  	_ =	strace s3  }
0x95: {  	s3 =	sld [smem:$0x3FFD];
	_ =	sdelay $0x3  }
0x96: {  	_ =	strace s3  }
0x97: {  	_ =	strace $0x8FFFFFFF  }
0x98: {  	s19 =	sld [smem:$0x3FDB];
	_ =	sdelay $0x1  }
0x99: {  	s4 =	simm.s32 $_scs_section_size  }
0x9a: {  	s5 =	simm.s32 $_size__tile_overlayer_lowered;
	s6 =	simm.s32 $_tile_overlayer_lowered  }
0x9b: {  	s22 =	simm.s32 $0x1BFF;
	s21 =	sshll.u32 s6, $0x1;
	s3 =	sadd.s32 s4, s19  }
0x9c: {  	s7 =	simm.s32 $0x0;
	s20 =	sshll.u32 s5, $0x1;
	s5 =	sadd.s32 s21, s3  }
0x9d: {  	[timem:s7], [sflag:s22] =	dma.local [hbm:s5], s20  }
0x9e: {  	_ =	swait.ge [sflag:s22], s20  }
0x9f: {  	s4 =	ssub.s32 $0x0, s20;
	[sflag:s22] =	ssyncset.done $0x0  }
0xa0: {  	[sflag:s22] =	ssyncadd.s32 s4;
	_ =	sdelay $0x1  }
0xa1: {  	s23 =	simm.s32 $0x1B8B  }
0xa2: {  	_ =	swait.ge [sflag:s23], $0x1  }
0xa3: {  	[sflag:s23] =	ssyncset.done $0x0  }
0xa4: {  	s25 =	simm.s32 $0x1B8E;
	s24 =	sld [smem:$0x3FFE];
	[sflag:s23] =	ssyncadd.s32 $0xFFFFFFFF  }
0xa5: {  	s26 =	simm.s32 $execute0_lowered;
	[smem:$0x3FD2] =	sst s25  }
0xa6: {  	s5 =	sshll.u32 s26, $0x1;
	_ =	strace $0x80000046;
	[dreg:$0x1] =	wrdreg $0xFFFFFFFF  }
0xa7: {  	s28 =	simm.s32 $_size_execute0_lowered;
	s3 =	sadd.s32 s3, s5;
	[dreg:$0x0] =	wrdreg $0x0  }
0xa8: {  	s5 =	sshll.u32 s28, $0x1;
	[dreg:$0x2] =	wrdreg s3  }
0xa9: {  	[dreg:$0x3] =	wrdreg s5  }
0xaa: {  	[dreg:$0x4] =	wrdreg $0xC0  }
0xab: {  	_ =	task [dreg:s7], $0x5FFFF  }
0xac: {  	[dreg:$0x1] =	wrdreg $0xFFFFFFFF  }
0xad: {  	[dreg:$0x0] =	wrdreg $0x60  }
0xae: {  	[dreg:$0x2] =	wrdreg s2  }
0xaf: {  	[dreg:$0x3] =	wrdreg s24  }
0xb0: {  	[dreg:$0x4] =	wrdreg $0x9  }
0xb1: {  	_ =	task.clear_ibuf [dreg:s7], $0x5FFFF;
	_ =	strace $0x90000046  }
0xb2: {  	s29 =	simm.s32 $0x9;
	_ =	strace $0x80000048  }
0xb3: {  	_ =	swait.ge [sflag:s29], $0x1  }
0xb4: {  	[sflag:s29] =	ssyncadd.s32 $0xFFFFFFFF  }
0xb5: {  	_ =	strace $0x90000048  }
0xb6: {  	_ =	sfence  }
0xb7: {  	s30 =	sld [smem:$0x0];
	_ =	sdelay $0x2  }
0xb8: {  	s31 =	sshll.u32 s1, $0xD;
	s1 =	sshrl.u32 s1, $0x2  }
0xb9: {  	s3 =	sand.u32 $0x4000, s31;
	s1 =	sadd.s32 s1, s30  }
0xba: {  	s0 =	sor.u32 s3, s0;
	s1 =	sshll.u32 s1, $0x11  }
0xbb: {  	s0 =	sor.u32 s1, s0  }
0xbc: {  	s0 =	sadd.s32 $0x8F2B, s0  }
0xbd: {  	[sflag:s0] =	ssyncadd.remote.s32 $0x1  }
0xbe: {  	_ =	sfence.sel $0xFFFF  }
0xbf: {  	[dreg:$0x0] =	wrdreg $0xFFFFFFFF;
	(pc) =	sbr.abs _section_cstart, $3  }
0xc0: {  	[dreg:$0x1] =	wrdreg $0xFFFFFFFF  }
0xc1: {  	_ =	task.clear_ibuf [dreg:s7], $0x2FFFF;
	_ =	strace $0x9FFFFFFF  }
0xc2: {  	(tm) =	ssettm $0x7FFFFFFF  }
0xc3: {  	_ =	shalt  }
tec
execute0_lowered:
.L_overlay_start_1:
0x0: {  	(tag) =	ssettag $0x1  }
0x1: {  	s0 =	srdreg.scid;
	s3 =	rddreg [dreg:$0x0]  }
0x2: {  	s5 =	rddreg [dreg:$0x1];
	s2 =	simm.s32 $0x0;
	s11 =	simm.s32 $0x0  }
0x3: {  	s9 =	sand.u32 $0x1, s0;
	s0 =	stileid.u32;
	[smem:$0x7FF] =	sst s2  }
0x4: {  	s1 =	sshll.u32 s9, $0x4;
	s7 =	sshll.u32 s0, $0x7;
	s31 =	ssub.s32 $0x2, s9  }
0x5: {  	p0 =	sne.s32 s9, $0x0;
	s9 =	simm.s32 $0x80;
	s4 =	sor.u32 s0, s1  }
0x6: {  	s1 =	rddreg [dreg:$0x2];
	s6 =	sshrl.u32 s4, $0x3;
	s4 =	smul.u32 $0x3000, s4  }
0x7: {  	_ =	strace $0x80000047;
	s7 =	sand.u32 $0x380, s7;
	s6 =	smul.u32 $0x14000, s6  }
.Ltmp0:
0x8: {  	s8 =	sshrl.u32 s31, $0x1;
	s4 =	sshrl.u32 s4, $0x3;
	(pc) =	sbr.rel .LBB2_1-.Ltmp0, $4  }
0x9: {  	s6 =	sor.u32 s7, s6;
	s10 =	sadd.s32 s3, s4;
	s7 =	ssub.s32 s31, s8  }
0xa: {  	s8 =	simm.s32 $0x1;
	s6 =	sshrl.u32 s6, $0x3;
	s3 =	sadd.s32 $0x200, s10  }
0xb: {  	s4 =	sadd.s32 $0xC200, s10;
	s7 =	smax.u32 s7, $0x1;
	s6 =	sadd.s32 s6, s5  }
0xc: {  	v0 =	vimm.f32 $0.0e+00;
	s5 =	sadd.s32 $0x18200, s10;
	s10 =	simm.s32 $0x400;
	s6 =	sadd.s32 $0x1600, s6  }
.LBB2_10:
0xd: {  	s11 =	sadd.s32 $0x1, s11  }
0xe: {  	p1 =	sne.s32 s11, s7  }
.Ltmp1:
0xf: {  	_ = 	snop;
	(pc) =	sbr.rel @!p1 .LBB2_11-.Ltmp1, $4  }
0x10: {  	[hbm4b:s6+s9] =	stream.strided.scatter [tilespmem:s2], [sflag:$0x1], $0x2800, s10, s9, $0x38;
	[tilespmem:$0x4800] =	vst v63  }
0x11: {  	_ =	swait.ge [sflag:s8], $0x2800  }
0x12: {  	[sflag:s8] =	ssyncset.done $0x0  }
0x13: {  	[sflag:s8] =	ssyncadd.s32 $0xFFFFD800  }
.LBB2_1:
0x14: {  	s12 =	simm.s32 $0x40;
	s13 =	simm.s32 $0x0  }
.LBB2_2:
0x15: {  	p1 =	sne.s32 s12, $0x9FC0;
	[tilespmem:s13+$0x0] =	vst v0;
	s13 =	smov.u32 s12;
	s12 =	sadd.s32 $0x40, s12  }
.Ltmp2:
0x16: {  	(pc) =	sbr.rel @p1 .LBB2_2-.Ltmp2, $2  }
0x17: {  	_ =	sdelay $0x2  }
0x18: {  	s13 =	sshra.s32 s13, $0x2  }
0x19: {  	[tilespmem:s13+$0x0] =	vst v0;
	s12 =	simm.s32 $0x0;
	s13 =	simm.s32 $0x2800  }
0x1a: {  	[tilespmem:s13], [sflag:$0x1] =	stream.linear.gather [hbm4b:s3+s12], $0x2000, $0x38;
	[tilespmem:$0x4800] =	vst v63  }
0x1b: {  	_ =	swait.ge [sflag:s8], $0x2000  }
0x1c: {  	[sflag:s8] =	ssyncset.done $0x0  }
0x1d: {  	s14 =	simm.s32 $0xFFFFFFFC;
	[sflag:s8] =	ssyncadd.s32 $0xFFFFE000  }
.LBB2_4:
0x1e: {  	v1 =	vld [tilespmem:s13+$0x0];
	_ =	sdelay $0x1  }
0x1f: {  	s15 =	sand.u32 $0xFC0, s12  }
0x20: {  	v2 =	vld [tilespmem:s15+$0x3800];
	_ =	sdelay $0x4  }
0x21: {  	[tilespmem:v1+s2+$0x0] =	vst.idx.add.f32.msk $0xffff, v2  }
0x22: {  	v1 =	vld [tilespmem:s13+$0x10];
	_ =	sdelay $0x2  }
0x23: {  	v2 =	vld [tilespmem:s13+$0x1010];
	_ =	sdelay $0x4  }
0x24: {  	[tilespmem:v1+s2+$0x0] =	vst.idx.add.f32.msk $0xffff, v2  }
0x25: {  	v1 =	vld [tilespmem:s13+$0x20];
	_ =	sdelay $0x2  }
0x26: {  	v2 =	vld [tilespmem:s13+$0x1020];
	_ =	sdelay $0x4  }
0x27: {  	[tilespmem:v1+s2+$0x0] =	vst.idx.add.f32.msk $0xffff, v2  }
0x28: {  	v1 =	vld [tilespmem:s13+$0x30];
	_ =	sdelay $0x1  }
0x29: {  	s14 =	sadd.s32 $0x4, s14  }
0x2a: {  	p1 =	slt.u32 s14, $0xFC;
	v2 =	vld [tilespmem:s13+$0x1030]  }
.Ltmp3:
0x2b: {  	_ = 	snop;
	(pc) =	sbr.rel @p1 .LBB2_4-.Ltmp3, $2  }
0x2c: {  	_ =	sdelay $0x2  }
0x2d: {  	s12 =	sadd.s32 $0x40, s12;
	s13 =	sadd.s32 $0x40, s13;
	[tilespmem:v1+s2+$0x0] =	vst.idx.add.f32.msk $0xffff, v2  }
0x2e: {  	s12 =	simm.s32 $0x0;
	s13 =	simm.s32 $0x2800  }
0x2f: {  	[tilespmem:s13], [sflag:$0x1] =	stream.linear.gather [hbm4b:s4+s12], $0x2000, $0x38;
	[tilespmem:$0x4800] =	vst v63  }
0x30: {  	_ =	swait.ge [sflag:s8], $0x2000  }
0x31: {  	[sflag:s8] =	ssyncset.done $0x0  }
0x32: {  	s14 =	simm.s32 $0xFFFFFFFC;
	[sflag:s8] =	ssyncadd.s32 $0xFFFFE000  }
.LBB2_6:
0x33: {  	v1 =	vld [tilespmem:s13+$0x0];
	_ =	sdelay $0x1  }
0x34: {  	s15 =	sand.u32 $0xFC0, s12  }
0x35: {  	v2 =	vld [tilespmem:s15+$0x3800];
	_ =	sdelay $0x4  }
0x36: {  	[tilespmem:v1+s2+$0x0] =	vst.idx.add.f32.msk $0xffff, v2  }
0x37: {  	v1 =	vld [tilespmem:s13+$0x10];
	_ =	sdelay $0x2  }
0x38: {  	v2 =	vld [tilespmem:s13+$0x1010];
	_ =	sdelay $0x4  }
0x39: {  	[tilespmem:v1+s2+$0x0] =	vst.idx.add.f32.msk $0xffff, v2  }
0x3a: {  	v1 =	vld [tilespmem:s13+$0x20];
	_ =	sdelay $0x2  }
0x3b: {  	v2 =	vld [tilespmem:s13+$0x1020];
	_ =	sdelay $0x4  }
0x3c: {  	[tilespmem:v1+s2+$0x0] =	vst.idx.add.f32.msk $0xffff, v2  }
0x3d: {  	v1 =	vld [tilespmem:s13+$0x30];
	_ =	sdelay $0x1  }
0x3e: {  	s14 =	sadd.s32 $0x4, s14  }
0x3f: {  	p1 =	slt.u32 s14, $0xFC;
	v2 =	vld [tilespmem:s13+$0x1030]  }
.Ltmp4:
0x40: {  	_ = 	snop;
	(pc) =	sbr.rel @p1 .LBB2_6-.Ltmp4, $2  }
0x41: {  	_ =	sdelay $0x2  }
0x42: {  	s12 =	sadd.s32 $0x40, s12;
	s13 =	sadd.s32 $0x40, s13;
	[tilespmem:v1+s2+$0x0] =	vst.idx.add.f32.msk $0xffff, v2  }
.Ltmp5:
0x43: {  	(pc) =	sbr.rel @p0 .LBB2_10-.Ltmp5, $1  }
0x44: {  	_ =	sdelay $0x3  }
0x45: {  	s12 =	simm.s32 $0x0;
	s13 =	simm.s32 $0x2800  }
0x46: {  	[tilespmem:s13], [sflag:$0x1] =	stream.linear.gather [hbm4b:s5+s12], $0x2000, $0x38;
	[tilespmem:$0x4800] =	vst v63  }
0x47: {  	_ =	swait.ge [sflag:s8], $0x2000  }
0x48: {  	[sflag:s8] =	ssyncset.done $0x0  }
0x49: {  	s14 =	simm.s32 $0xFFFFFFFC;
	[sflag:s8] =	ssyncadd.s32 $0xFFFFE000  }
.LBB2_9:
0x4a: {  	v1 =	vld [tilespmem:s13+$0x0];
	_ =	sdelay $0x1  }
0x4b: {  	s15 =	sand.u32 $0xFC0, s12  }
0x4c: {  	v2 =	vld [tilespmem:s15+$0x3800];
	_ =	sdelay $0x4  }
0x4d: {  	[tilespmem:v1+s2+$0x0] =	vst.idx.add.f32.msk $0xffff, v2  }
0x4e: {  	v1 =	vld [tilespmem:s13+$0x10];
	_ =	sdelay $0x2  }
0x4f: {  	v2 =	vld [tilespmem:s13+$0x1010];
	_ =	sdelay $0x4  }
0x50: {  	[tilespmem:v1+s2+$0x0] =	vst.idx.add.f32.msk $0xffff, v2  }
0x51: {  	v1 =	vld [tilespmem:s13+$0x20];
	_ =	sdelay $0x2  }
0x52: {  	v2 =	vld [tilespmem:s13+$0x1020];
	_ =	sdelay $0x4  }
0x53: {  	[tilespmem:v1+s2+$0x0] =	vst.idx.add.f32.msk $0xffff, v2  }
0x54: {  	v1 =	vld [tilespmem:s13+$0x30];
	_ =	sdelay $0x1  }
0x55: {  	s14 =	sadd.s32 $0x4, s14  }
0x56: {  	p1 =	slt.u32 s14, $0xFC;
	v2 =	vld [tilespmem:s13+$0x1030]  }
.Ltmp6:
0x57: {  	_ = 	snop;
	(pc) =	sbr.rel @p1 .LBB2_9-.Ltmp6, $2  }
0x58: {  	_ =	sdelay $0x2  }
0x59: {  	s12 =	sadd.s32 $0x40, s12;
	s13 =	sadd.s32 $0x40, s13;
	[tilespmem:v1+s2+$0x0] =	vst.idx.add.f32.msk $0xffff, v2  }
.Ltmp7:
0x5a: {  	_ = 	snop;
	(pc) =	sbr.rel .LBB2_10-.Ltmp7, $1  }
0x5b: {  	_ =	sdelay $0x3  }
.LBB2_11:
0x5c: {  	_ =	sfence.sel $0x180000  }
0x5d: {  	[bflag:$0x0] =	sbarrier.arrive $0xFFFF  }
0x5e: {  	p0 =	sne.s32 s0, $0x0;
	_ =	strace $0x90000047  }
0x5f: {  	s0 =	sadd.s32 @!p0 $0x100000, s1;
	[bflag:$0x2] =	sbarrier.arrive $0xFFFF  }
0x60: {  	[sflag:s0] =	ssyncadd.tile.s32 @!p0 $0x1;
	_ =	shalt  }
.Lfunc_end2:
_tile_overlayer_lowered:
.L_overlay_start_2:
0x61: {  	(tag) =	ssettag $0x2  }
0x62: {  	s0 =	rddreg [dreg:$0x0];
	s2 =	stileid.u32  }
0x63: {  	s1 =	rddreg [dreg:$0x1];
	p0 =	sne.s32 s2, $0x0  }
0x64: {  	s3 =	rddreg [dreg:$0x2];
	[bflag:$0x3] =	sbarrier.arrive $0xFFFF;
	s2 =	simm.s32 @!p0 $0x1C01  }
0x65: {  	[timem:s3], [sflag:s2] =	dma.local @!p0 [hbm:s0], s1  }
0x66: {  	s0 =	simm.s32 @!p0 $0x1  }
0x67: {  	_ =	swait.ge @!p0 [sflag:s0], s1  }
0x68: {  	s1 =	ssub.s32 @!p0 $0x0, s1;
	[sflag:s0] =	ssyncset.done @!p0 $0x0  }
0x69: {  	[sflag:s0] =	ssyncadd.s32 @!p0 s1  }
0x6a: {  	[bflag:$0x3] =	sbarrier.arrive $0xFFFF  }
0x6b: {  	_ =	shalt  }

</sc_bundles>
